<compile_context>
chip_gen: v7x
topology: tpu7x:2x2x1
jax: 0.10.2.dev20260603
libtpu: 0.0.44.dev20260713+nightly
codegen_flags: <defaults>
</compile_context>

<pallas_src>
import functools

import jax
import jax.numpy as jnp
from jax import lax
from jax.experimental import pallas as pl
from jax.experimental.pallas import tpu as pltpu
from jax.experimental.pallas import tpu_sc as plsc

_NUM_IDS = 16384 * 20
_D = 32
_NW = 32
_BPW = _NUM_IDS // _NW
_G = 128
_K = 8
_C = _G * _K
_NSTEP = _BPW // _C


def _sc_gather(idx, weights):
    mesh = plsc.VectorSubcoreMesh(core_axis_name="c", subcore_axis_name="s")

    @functools.partial(
        pl.kernel,
        mesh=mesh,
        compiler_params=pltpu.CompilerParams(use_tc_tiling_on_sc=False),
        out_type=jax.ShapeDtypeStruct((_NUM_IDS, _D), jnp.float32),
        scratch_types=[
            pltpu.VMEM((_BPW // _G, _G), jnp.int32),
            pltpu.VMEM((_C, _D), jnp.float32),
            pltpu.VMEM((_C, _D), jnp.float32),
            pltpu.SemaphoreType.DMA,
            pltpu.SemaphoreType.DMA,
            pltpu.SemaphoreType.DMA,
            pltpu.SemaphoreType.DMA,
        ],
    )
    def k(table_hbm, idx_hbm, out_hbm, idx_v, rows0, rows1,
          gsem0, gsem1, psem0, psem1):
        rows = (rows0, rows1)
        gsem = (gsem0, gsem1)
        psem = (psem0, psem1)
        wid = lax.axis_index("s") * 2 + lax.axis_index("c")
        base = wid * _BPW
        pltpu.sync_copy(idx_hbm.at[wid], idx_v)

        pending_put = [None, None]
        gathers = [None, None]

        def launch_put(j):
            b = j % 2
            for c in gathers[b]:
                c.wait()
            pending_put[b] = pltpu.async_copy(
                rows[b], out_hbm.at[pl.ds(base + j * _C, _C)], psem[b])

        for j in range(_NSTEP):
            b = j % 2
            if pending_put[b] is not None:
                pending_put[b].wait()
                pending_put[b] = None
            gathers[b] = [
                pltpu.async_copy(
                    table_hbm.at[idx_v.at[j * _K + s]],
                    rows[b].at[pl.ds(s * _G, _G)],
                    gsem[b],
                )
                for s in range(_K)
            ]
            if j > 0:
                launch_put(j - 1)
        launch_put(_NSTEP - 1)
        for b in range(2):
            if pending_put[b] is not None:
                pending_put[b].wait()

    return k(weights, idx)


def kernel(input, weights):
    idx = input.reshape(_NW, _BPW // _G, _G).astype(jnp.int32)
    out = _sc_gather(idx, weights)
    return out.reshape(input.shape + (_D,))

# --- scband reference (transcript-rebuilt; emitter-appended) ---
"""Pipeline reference for scband-embedding-tile-layout-module-69544110457062 (READ-ONLY COPY).

The authoritative reference and input builder live on the scoring server;
editing this copy changes nothing except your own understanding.
"""

import jax, jax.numpy as jnp
import numpy as np

def setup_inputs(seed: int = 0) -> dict:
    key = jax.random.key(seed)
    k1, k2 = jax.random.split(key)
    input_ids = jax.random.randint(k1, (16384, 20), 0, 1000000, dtype=jnp.int64)
    weights = jax.random.normal(k2, (1000000, 32), dtype=jnp.float32)
    return {"input": input_ids, "weights": weights}

def reference(input, weights):
    # torch.nn.functional.embedding(input, weights) == weights[input]
    return jnp.take(weights, input, axis=0)

if __name__ == "__main__":
    import jax
    _d = setup_inputs()
    print(jax.jit(kernel)(*tuple(_d.values())))

</pallas_src>

<mosaic_0001>
#map = affine_map<(d0, d1) -> (0, 0)>
#map1 = affine_map<(d0, d1) -> (0, 0, 0)>
module attributes {stable_mosaic.version = 14 : i64} {
  func.func @k(%arg0: i32, %arg1: i32, %arg2: memref<1000000x32xf32, #tpu.memory_space<hbm>>, %arg3: memref<32x80x128xi32, #tpu.memory_space<hbm>>, %arg4: memref<327680x32xf32, #tpu.memory_space<hbm>>, %arg5: memref<80x128xi32, #tpu.memory_space<vmem>>, %arg6: memref<1024x32xf32, #tpu.memory_space<vmem>>, %arg7: memref<1024x32xf32, #tpu.memory_space<vmem>>, %arg8: memref<!tpu.dma_semaphore, #tpu.memory_space<semaphore_mem>>, %arg9: memref<!tpu.dma_semaphore, #tpu.memory_space<semaphore_mem>>, %arg10: memref<!tpu.dma_semaphore, #tpu.memory_space<semaphore_mem>>, %arg11: memref<!tpu.dma_semaphore, #tpu.memory_space<semaphore_mem>>) attributes {dimension_semantics = [#tpu.dimension_semantics<core_parallel>, #tpu.dimension_semantics<subcore_parallel>], iteration_bounds = array<i64: 2, 16>, scalar_prefetch = 0 : i64, scratch_operands = 7 : i64, tpu.core_type = #tpu.core_type<sc_vector_subcore>, window_params = [{transform_indices = #map}, {transform_indices = #map1}, {transform_indices = #map}]} {
    %mul3A = arith.constant 2 : i32
    %mul3A_0 = arith.muli %arg1, %mul3A : i32
    %add3A = arith.addi %mul3A_0, %arg0 : i32
    %mul3A_1 = arith.constant 10240 : i32
    %mul3A_2 = arith.muli %add3A, %mul3A_1 : i32
    "tpu.region"() ({
      %run_scoped3A = tpu.sem_alloc : memref<!tpu.dma_semaphore, #tpu.memory_space<semaphore_mem>>
      %dma_start3A_1701 = arith.constant 0 : i32
      %dma_start3A_1702 = arith.constant 0 : i32
      %dma_start3A_1703 = tpu.memref_slice %arg3[%add3A, %dma_start3A_1701, %dma_start3A_1702] : memref<32x80x128xi32, #tpu.memory_space<hbm>> -> memref<1x80x128xi32, #tpu.memory_space<hbm>>
      %dma_start3A_1704 = tpu.memref_squeeze %dma_start3A_1703 : memref<1x80x128xi32, #tpu.memory_space<hbm>> -> memref<80x128xi32, #tpu.memory_space<hbm>>
      %dma_start3A_1705 = arith.constant 0 : i32
      %dma_start3A_1706 = arith.constant 0 : i32
      %dma_start3A_1707 = tpu.memref_slice %arg3[%add3A, %dma_start3A_1705, %dma_start3A_1706] : memref<32x80x128xi32, #tpu.memory_space<hbm>> -> memref<1x80x128xi32, #tpu.memory_space<hbm>>
      %dma_start3A_1708 = tpu.memref_squeeze %dma_start3A_1707 : memref<1x80x128xi32, #tpu.memory_space<hbm>> -> memref<80x128xi32, #tpu.memory_space<hbm>>
      tpu.enqueue_dma source(%dma_start3A_1708 : memref<80x128xi32, #tpu.memory_space<hbm>>) target(%arg5 : memref<80x128xi32, #tpu.memory_space<vmem>>) target_semaphore(%run_scoped3A : memref<!tpu.dma_semaphore, #tpu.memory_space<semaphore_mem>>)
      %dma_wait3A_1709 = arith.constant 0 : i32
      %dma_wait3A_1710 = arith.constant 0 : i32
      %dma_wait3A_1711 = tpu.memref_slice %arg3[%add3A, %dma_wait3A_1709, %dma_wait3A_1710] : memref<32x80x128xi32, #tpu.memory_space<hbm>> -> memref<1x80x128xi32, #tpu.memory_space<hbm>>
      %dma_wait3A_1712 = tpu.memref_squeeze %dma_wait3A_1711 : memref<1x80x128xi32, #tpu.memory_space<hbm>> -> memref<80x128xi32, #tpu.memory_space<hbm>>
      %dma_wait3A_1713 = arith.constant 0 : i32
      %dma_wait3A_1714 = arith.constant 0 : i32
      %dma_wait3A_1715 = tpu.memref_slice %arg3[%add3A, %dma_wait3A_1713, %dma_wait3A_1714] : memref<32x80x128xi32, #tpu.memory_space<hbm>> -> memref<1x80x128xi32, #tpu.memory_space<hbm>>
      %dma_wait3A_1716 = tpu.memref_squeeze %dma_wait3A_1715 : memref<1x80x128xi32, #tpu.memory_space<hbm>> -> memref<80x128xi32, #tpu.memory_space<hbm>>
      tpu.wait_dma2 semaphore(%run_scoped3A : memref<!tpu.dma_semaphore, #tpu.memory_space<semaphore_mem>>) src(%dma_wait3A_1716 : memref<80x128xi32, #tpu.memory_space<hbm>>) dst(%arg5 : memref<80x128xi32, #tpu.memory_space<vmem>>)
      tpu.yield
    }) : () -> ()
    %dma_start3A = arith.constant 0 : i32
    %dma_start3A_3 = arith.constant 0 : i32
    %dma_start3A_4 = arith.constant 0 : i32
    %dma_start3A_5 = tpu.memref_slice %arg6[%dma_start3A_3, %dma_start3A_4] : memref<1024x32xf32, #tpu.memory_space<vmem>> -> memref<128x32xf32, #tpu.memory_space<vmem>>
    %dma_start3A_6 = arith.constant 0 : i32
    %dma_start3A_7 = tpu.memref_slice %arg5[%dma_start3A, %dma_start3A_6] : memref<80x128xi32, #tpu.memory_space<vmem>> -> memref<1x128xi32, #tpu.memory_space<vmem>>
    %dma_start3A_8 = tpu.memref_squeeze %dma_start3A_7 : memref<1x128xi32, #tpu.memory_space<vmem>> -> memref<128xi32, #tpu.memory_space<vmem>>
    %dma_start3A_9 = arith.constant 0 : i32
    %dma_start3A_10 = arith.constant 0 : i32
    %dma_start3A_11 = tpu.memref_slice %arg2[%dma_start3A_9, %dma_start3A_10] : memref<1000000x32xf32, #tpu.memory_space<hbm>> -> memref<1000000x32xf32, #tpu.memory_space<hbm>>
    tpu.enqueue_indirect_dma source(%dma_start3A_11 : memref<1000000x32xf32, #tpu.memory_space<hbm>>) target(%dma_start3A_5 : memref<128x32xf32, #tpu.memory_space<vmem>>) offsets(%dma_start3A_8 : memref<128xi32, #tpu.memory_space<vmem>>) semaphore(%arg8 : memref<!tpu.dma_semaphore, #tpu.memory_space<semaphore_mem>>)
    %dma_start3A_12 = arith.constant 1 : i32
    %dma_start3A_13 = arith.constant 128 : i32
    %dma_start3A_14 = arith.constant 0 : i32
    %dma_start3A_15 = tpu.memref_slice %arg6[%dma_start3A_13, %dma_start3A_14] : memref<1024x32xf32, #tpu.memory_space<vmem>> -> memref<128x32xf32, #tpu.memory_space<vmem>>
    %dma_start3A_16 = arith.constant 0 : i32
    %dma_start3A_17 = tpu.memref_slice %arg5[%dma_start3A_12, %dma_start3A_16] : memref<80x128xi32, #tpu.memory_space<vmem>> -> memref<1x128xi32, #tpu.memory_space<vmem>>
    %dma_start3A_18 = tpu.memref_squeeze %dma_start3A_17 : memref<1x128xi32, #tpu.memory_space<vmem>> -> memref<128xi32, #tpu.memory_space<vmem>>
    %dma_start3A_19 = arith.constant 0 : i32
    %dma_start3A_20 = arith.constant 0 : i32
    %dma_start3A_21 = tpu.memref_slice %arg2[%dma_start3A_19, %dma_start3A_20] : memref<1000000x32xf32, #tpu.memory_space<hbm>> -> memref<1000000x32xf32, #tpu.memory_space<hbm>>
    tpu.enqueue_indirect_dma source(%dma_start3A_21 : memref<1000000x32xf32, #tpu.memory_space<hbm>>) target(%dma_start3A_15 : memref<128x32xf32, #tpu.memory_space<vmem>>) offsets(%dma_start3A_18 : memref<128xi32, #tpu.memory_space<vmem>>) semaphore(%arg8 : memref<!tpu.dma_semaphore, #tpu.memory_space<semaphore_mem>>)
    %dma_start3A_22 = arith.constant 2 : i32
    %dma_start3A_23 = arith.constant 256 : i32
    %dma_start3A_24 = arith.constant 0 : i32
    %dma_start3A_25 = tpu.memref_slice %arg6[%dma_start3A_23, %dma_start3A_24] : memref<1024x32xf32, #tpu.memory_space<vmem>> -> memref<128x32xf32, #tpu.memory_space<vmem>>
    %dma_start3A_26 = arith.constant 0 : i32
    %dma_start3A_27 = tpu.memref_slice %arg5[%dma_start3A_22, %dma_start3A_26] : memref<80x128xi32, #tpu.memory_space<vmem>> -> memref<1x128xi32, #tpu.memory_space<vmem>>
    %dma_start3A_28 = tpu.memref_squeeze %dma_start3A_27 : memref<1x128xi32, #tpu.memory_space<vmem>> -> memref<128xi32, #tpu.memory_space<vmem>>
    %dma_start3A_29 = arith.constant 0 : i32
    %dma_start3A_30 = arith.constant 0 : i32
    %dma_start3A_31 = tpu.memref_slice %arg2[%dma_start3A_29, %dma_start3A_30] : memref<1000000x32xf32, #tpu.memory_space<hbm>> -> memref<1000000x32xf32, #tpu.memory_space<hbm>>
    tpu.enqueue_indirect_dma source(%dma_start3A_31 : memref<1000000x32xf32, #tpu.memory_space<hbm>>) target(%dma_start3A_25 : memref<128x32xf32, #tpu.memory_space<vmem>>) offsets(%dma_start3A_28 : memref<128xi32, #tpu.memory_space<vmem>>) semaphore(%arg8 : memref<!tpu.dma_semaphore, #tpu.memory_space<semaphore_mem>>)
    %dma_start3A_32 = arith.constant 3 : i32
    %dma_start3A_33 = arith.constant 384 : i32
    %dma_start3A_34 = arith.constant 0 : i32
    %dma_start3A_35 = tpu.memref_slice %arg6[%dma_start3A_33, %dma_start3A_34] : memref<1024x32xf32, #tpu.memory_space<vmem>> -> memref<128x32xf32, #tpu.memory_space<vmem>>
    %dma_start3A_36 = arith.constant 0 : i32
    %dma_start3A_37 = tpu.memref_slice %arg5[%dma_start3A_32, %dma_start3A_36] : memref<80x128xi32, #tpu.memory_space<vmem>> -> memref<1x128xi32, #tpu.memory_space<vmem>>
    %dma_start3A_38 = tpu.memref_squeeze %dma_start3A_37 : memref<1x128xi32, #tpu.memory_space<vmem>> -> memref<128xi32, #tpu.memory_space<vmem>>
    %dma_start3A_39 = arith.constant 0 : i32
    %dma_start3A_40 = arith.constant 0 : i32
    %dma_start3A_41 = tpu.memref_slice %arg2[%dma_start3A_39, %dma_start3A_40] : memref<1000000x32xf32, #tpu.memory_space<hbm>> -> memref<1000000x32xf32, #tpu.memory_space<hbm>>
    tpu.enqueue_indirect_dma source(%dma_start3A_41 : memref<1000000x32xf32, #tpu.memory_space<hbm>>) target(%dma_start3A_35 : memref<128x32xf32, #tpu.memory_space<vmem>>) offsets(%dma_start3A_38 : memref<128xi32, #tpu.memory_space<vmem>>) semaphore(%arg8 : memref<!tpu.dma_semaphore, #tpu.memory_space<semaphore_mem>>)
    %dma_start3A_42 = arith.constant 4 : i32
    %dma_start3A_43 = arith.constant 512 : i32
    %dma_start3A_44 = arith.constant 0 : i32
    %dma_start3A_45 = tpu.memref_slice %arg6[%dma_start3A_43, %dma_start3A_44] : memref<1024x32xf32, #tpu.memory_space<vmem>> -> memref<128x32xf32, #tpu.memory_space<vmem>>
    %dma_start3A_46 = arith.constant 0 : i32
    %dma_start3A_47 = tpu.memref_slice %arg5[%dma_start3A_42, %dma_start3A_46] : memref<80x128xi32, #tpu.memory_space<vmem>> -> memref<1x128xi32, #tpu.memory_space<vmem>>
    %dma_start3A_48 = tpu.memref_squeeze %dma_start3A_47 : memref<1x128xi32, #tpu.memory_space<vmem>> -> memref<128xi32, #tpu.memory_space<vmem>>
    %dma_start3A_49 = arith.constant 0 : i32
    %dma_start3A_50 = arith.constant 0 : i32
    %dma_start3A_51 = tpu.memref_slice %arg2[%dma_start3A_49, %dma_start3A_50] : memref<1000000x32xf32, #tpu.memory_space<hbm>> -> memref<1000000x32xf32, #tpu.memory_space<hbm>>
    tpu.enqueue_indirect_dma source(%dma_start3A_51 : memref<1000000x32xf32, #tpu.memory_space<hbm>>) target(%dma_start3A_45 : memref<128x32xf32, #tpu.memory_space<vmem>>) offsets(%dma_start3A_48 : memref<128xi32, #tpu.memory_space<vmem>>) semaphore(%arg8 : memref<!tpu.dma_semaphore, #tpu.memory_space<semaphore_mem>>)
    %dma_start3A_52 = arith.constant 5 : i32
    %dma_start3A_53 = arith.constant 640 : i32
    %dma_start3A_54 = arith.constant 0 : i32
    %dma_start3A_55 = tpu.memref_slice %arg6[%dma_start3A_53, %dma_start3A_54] : memref<1024x32xf32, #tpu.memory_space<vmem>> -> memref<128x32xf32, #tpu.memory_space<vmem>>
    %dma_start3A_56 = arith.constant 0 : i32
    %dma_start3A_57 = tpu.memref_slice %arg5[%dma_start3A_52, %dma_start3A_56] : memref<80x128xi32, #tpu.memory_space<vmem>> -> memref<1x128xi32, #tpu.memory_space<vmem>>
    %dma_start3A_58 = tpu.memref_squeeze %dma_start3A_57 : memref<1x128xi32, #tpu.memory_space<vmem>> -> memref<128xi32, #tpu.memory_space<vmem>>
    %dma_start3A_59 = arith.constant 0 : i32
    %dma_start3A_60 = arith.constant 0 : i32
    %dma_start3A_61 = tpu.memref_slice %arg2[%dma_start3A_59, %dma_start3A_60] : memref<1000000x32xf32, #tpu.memory_space<hbm>> -> memref<1000000x32xf32, #tpu.memory_space<hbm>>
    tpu.enqueue_indirect_dma source(%dma_start3A_61 : memref<1000000x32xf32, #tpu.memory_space<hbm>>) target(%dma_start3A_55 : memref<128x32xf32, #tpu.memory_space<vmem>>) offsets(%dma_start3A_58 : memref<128xi32, #tpu.memory_space<vmem>>) semaphore(%arg8 : memref<!tpu.dma_semaphore, #tpu.memory_space<semaphore_mem>>)
    %dma_start3A_62 = arith.constant 6 : i32
    %dma_start3A_63 = arith.constant 768 : i32
    %dma_start3A_64 = arith.constant 0 : i32
    %dma_start3A_65 = tpu.memref_slice %arg6[%dma_start3A_63, %dma_start3A_64] : memref<1024x32xf32, #tpu.memory_space<vmem>> -> memref<128x32xf32, #tpu.memory_space<vmem>>
    %dma_start3A_66 = arith.constant 0 : i32
    %dma_start3A_67 = tpu.memref_slice %arg5[%dma_start3A_62, %dma_start3A_66] : memref<80x128xi32, #tpu.memory_space<vmem>> -> memref<1x128xi32, #tpu.memory_space<vmem>>
    %dma_start3A_68 = tpu.memref_squeeze %dma_start3A_67 : memref<1x128xi32, #tpu.memory_space<vmem>> -> memref<128xi32, #tpu.memory_space<vmem>>
    %dma_start3A_69 = arith.constant 0 : i32
    %dma_start3A_70 = arith.constant 0 : i32
    %dma_start3A_71 = tpu.memref_slice %arg2[%dma_start3A_69, %dma_start3A_70] : memref<1000000x32xf32, #tpu.memory_space<hbm>> -> memref<1000000x32xf32, #tpu.memory_space<hbm>>
    tpu.enqueue_indirect_dma source(%dma_start3A_71 : memref<1000000x32xf32, #tpu.memory_space<hbm>>) target(%dma_start3A_65 : memref<128x32xf32, #tpu.memory_space<vmem>>) offsets(%dma_start3A_68 : memref<128xi32, #tpu.memory_space<vmem>>) semaphore(%arg8 : memref<!tpu.dma_semaphore, #tpu.memory_space<semaphore_mem>>)
    %dma_start3A_72 = arith.constant 7 : i32
    %dma_start3A_73 = arith.constant 896 : i32
    %dma_start3A_74 = arith.constant 0 : i32
    %dma_start3A_75 = tpu.memref_slice %arg6[%dma_start3A_73, %dma_start3A_74] : memref<1024x32xf32, #tpu.memory_space<vmem>> -> memref<128x32xf32, #tpu.memory_space<vmem>>
    %dma_start3A_76 = arith.constant 0 : i32
    %dma_start3A_77 = tpu.memref_slice %arg5[%dma_start3A_72, %dma_start3A_76] : memref<80x128xi32, #tpu.memory_space<vmem>> -> memref<1x128xi32, #tpu.memory_space<vmem>>
    %dma_start3A_78 = tpu.memref_squeeze %dma_start3A_77 : memref<1x128xi32, #tpu.memory_space<vmem>> -> memref<128xi32, #tpu.memory_space<vmem>>
    %dma_start3A_79 = arith.constant 0 : i32
    %dma_start3A_80 = arith.constant 0 : i32
    %dma_start3A_81 = tpu.memref_slice %arg2[%dma_start3A_79, %dma_start3A_80] : memref<1000000x32xf32, #tpu.memory_space<hbm>> -> memref<1000000x32xf32, #tpu.memory_space<hbm>>
    tpu.enqueue_indirect_dma source(%dma_start3A_81 : memref<1000000x32xf32, #tpu.memory_space<hbm>>) target(%dma_start3A_75 : memref<128x32xf32, #tpu.memory_space<vmem>>) offsets(%dma_start3A_78 : memref<128xi32, #tpu.memory_space<vmem>>) semaphore(%arg8 : memref<!tpu.dma_semaphore, #tpu.memory_space<semaphore_mem>>)
    %dma_start3A_82 = arith.constant 8 : i32
    %dma_start3A_83 = arith.constant 0 : i32
    %dma_start3A_84 = arith.constant 0 : i32
    %dma_start3A_85 = tpu.memref_slice %arg7[%dma_start3A_83, %dma_start3A_84] : memref<1024x32xf32, #tpu.memory_space<vmem>> -> memref<128x32xf32, #tpu.memory_space<vmem>>
    %dma_start3A_86 = arith.constant 0 : i32
    %dma_start3A_87 = tpu.memref_slice %arg5[%dma_start3A_82, %dma_start3A_86] : memref<80x128xi32, #tpu.memory_space<vmem>> -> memref<1x128xi32, #tpu.memory_space<vmem>>
    %dma_start3A_88 = tpu.memref_squeeze %dma_start3A_87 : memref<1x128xi32, #tpu.memory_space<vmem>> -> memref<128xi32, #tpu.memory_space<vmem>>
    %dma_start3A_89 = arith.constant 0 : i32
    %dma_start3A_90 = arith.constant 0 : i32
    %dma_start3A_91 = tpu.memref_slice %arg2[%dma_start3A_89, %dma_start3A_90] : memref<1000000x32xf32, #tpu.memory_space<hbm>> -> memref<1000000x32xf32, #tpu.memory_space<hbm>>
    tpu.enqueue_indirect_dma source(%dma_start3A_91 : memref<1000000x32xf32, #tpu.memory_space<hbm>>) target(%dma_start3A_85 : memref<128x32xf32, #tpu.memory_space<vmem>>) offsets(%dma_start3A_88 : memref<128xi32, #tpu.memory_space<vmem>>) semaphore(%arg9 : memref<!tpu.dma_semaphore, #tpu.memory_space<semaphore_mem>>)
    %dma_start3A_92 = arith.constant 9 : i32
    %dma_start3A_93 = arith.constant 128 : i32
    %dma_start3A_94 = arith.constant 0 : i32
    %dma_start3A_95 = tpu.memref_slice %arg7[%dma_start3A_93, %dma_start3A_94] : memref<1024x32xf32, #tpu.memory_space<vmem>> -> memref<128x32xf32, #tpu.memory_space<vmem>>
    %dma_start3A_96 = arith.constant 0 : i32
    %dma_start3A_97 = tpu.memref_slice %arg5[%dma_start3A_92, %dma_start3A_96] : memref<80x128xi32, #tpu.memory_space<vmem>> -> memref<1x128xi32, #tpu.memory_space<vmem>>
    %dma_start3A_98 = tpu.memref_squeeze %dma_start3A_97 : memref<1x128xi32, #tpu.memory_space<vmem>> -> memref<128xi32, #tpu.memory_space<vmem>>
    %dma_start3A_99 = arith.constant 0 : i32
    %dma_start3A_100 = arith.constant 0 : i32
    %dma_start3A_101 = tpu.memref_slice %arg2[%dma_start3A_99, %dma_start3A_100] : memref<1000000x32xf32, #tpu.memory_space<hbm>> -> memref<1000000x32xf32, #tpu.memory_space<hbm>>
    tpu.enqueue_indirect_dma source(%dma_start3A_101 : memref<1000000x32xf32, #tpu.memory_space<hbm>>) target(%dma_start3A_95 : memref<128x32xf32, #tpu.memory_space<vmem>>) offsets(%dma_start3A_98 : memref<128xi32, #tpu.memory_space<vmem>>) semaphore(%arg9 : memref<!tpu.dma_semaphore, #tpu.memory_space<semaphore_mem>>)
    %dma_start3A_102 = arith.constant 10 : i32
    %dma_start3A_103 = arith.constant 256 : i32
    %dma_start3A_104 = arith.constant 0 : i32
    %dma_start3A_105 = tpu.memref_slice %arg7[%dma_start3A_103, %dma_start3A_104] : memref<1024x32xf32, #tpu.memory_space<vmem>> -> memref<128x32xf32, #tpu.memory_space<vmem>>
    %dma_start3A_106 = arith.constant 0 : i32
    %dma_start3A_107 = tpu.memref_slice %arg5[%dma_start3A_102, %dma_start3A_106] : memref<80x128xi32, #tpu.memory_space<vmem>> -> memref<1x128xi32, #tpu.memory_space<vmem>>
    %dma_start3A_108 = tpu.memref_squeeze %dma_start3A_107 : memref<1x128xi32, #tpu.memory_space<vmem>> -> memref<128xi32, #tpu.memory_space<vmem>>
    %dma_start3A_109 = arith.constant 0 : i32
    %dma_start3A_110 = arith.constant 0 : i32
    %dma_start3A_111 = tpu.memref_slice %arg2[%dma_start3A_109, %dma_start3A_110] : memref<1000000x32xf32, #tpu.memory_space<hbm>> -> memref<1000000x32xf32, #tpu.memory_space<hbm>>
    tpu.enqueue_indirect_dma source(%dma_start3A_111 : memref<1000000x32xf32, #tpu.memory_space<hbm>>) target(%dma_start3A_105 : memref<128x32xf32, #tpu.memory_space<vmem>>) offsets(%dma_start3A_108 : memref<128xi32, #tpu.memory_space<vmem>>) semaphore(%arg9 : memref<!tpu.dma_semaphore, #tpu.memory_space<semaphore_mem>>)
    %dma_start3A_112 = arith.constant 11 : i32
    %dma_start3A_113 = arith.constant 384 : i32
    %dma_start3A_114 = arith.constant 0 : i32
    %dma_start3A_115 = tpu.memref_slice %arg7[%dma_start3A_113, %dma_start3A_114] : memref<1024x32xf32, #tpu.memory_space<vmem>> -> memref<128x32xf32, #tpu.memory_space<vmem>>
    %dma_start3A_116 = arith.constant 0 : i32
    %dma_start3A_117 = tpu.memref_slice %arg5[%dma_start3A_112, %dma_start3A_116] : memref<80x128xi32, #tpu.memory_space<vmem>> -> memref<1x128xi32, #tpu.memory_space<vmem>>
    %dma_start3A_118 = tpu.memref_squeeze %dma_start3A_117 : memref<1x128xi32, #tpu.memory_space<vmem>> -> memref<128xi32, #tpu.memory_space<vmem>>
    %dma_start3A_119 = arith.constant 0 : i32
    %dma_start3A_120 = arith.constant 0 : i32
    %dma_start3A_121 = tpu.memref_slice %arg2[%dma_start3A_119, %dma_start3A_120] : memref<1000000x32xf32, #tpu.memory_space<hbm>> -> memref<1000000x32xf32, #tpu.memory_space<hbm>>
    tpu.enqueue_indirect_dma source(%dma_start3A_121 : memref<1000000x32xf32, #tpu.memory_space<hbm>>) target(%dma_start3A_115 : memref<128x32xf32, #tpu.memory_space<vmem>>) offsets(%dma_start3A_118 : memref<128xi32, #tpu.memory_space<vmem>>) semaphore(%arg9 : memref<!tpu.dma_semaphore, #tpu.memory_space<semaphore_mem>>)
    %dma_start3A_122 = arith.constant 12 : i32
    %dma_start3A_123 = arith.constant 512 : i32
    %dma_start3A_124 = arith.constant 0 : i32
    %dma_start3A_125 = tpu.memref_slice %arg7[%dma_start3A_123, %dma_start3A_124] : memref<1024x32xf32, #tpu.memory_space<vmem>> -> memref<128x32xf32, #tpu.memory_space<vmem>>
    %dma_start3A_126 = arith.constant 0 : i32
    %dma_start3A_127 = tpu.memref_slice %arg5[%dma_start3A_122, %dma_start3A_126] : memref<80x128xi32, #tpu.memory_space<vmem>> -> memref<1x128xi32, #tpu.memory_space<vmem>>
    %dma_start3A_128 = tpu.memref_squeeze %dma_start3A_127 : memref<1x128xi32, #tpu.memory_space<vmem>> -> memref<128xi32, #tpu.memory_space<vmem>>
    %dma_start3A_129 = arith.constant 0 : i32
    %dma_start3A_130 = arith.constant 0 : i32
    %dma_start3A_131 = tpu.memref_slice %arg2[%dma_start3A_129, %dma_start3A_130] : memref<1000000x32xf32, #tpu.memory_space<hbm>> -> memref<1000000x32xf32, #tpu.memory_space<hbm>>
    tpu.enqueue_indirect_dma source(%dma_start3A_131 : memref<1000000x32xf32, #tpu.memory_space<hbm>>) target(%dma_start3A_125 : memref<128x32xf32, #tpu.memory_space<vmem>>) offsets(%dma_start3A_128 : memref<128xi32, #tpu.memory_space<vmem>>) semaphore(%arg9 : memref<!tpu.dma_semaphore, #tpu.memory_space<semaphore_mem>>)
    %dma_start3A_132 = arith.constant 13 : i32
    %dma_start3A_133 = arith.constant 640 : i32
    %dma_start3A_134 = arith.constant 0 : i32
    %dma_start3A_135 = tpu.memref_slice %arg7[%dma_start3A_133, %dma_start3A_134] : memref<1024x32xf32, #tpu.memory_space<vmem>> -> memref<128x32xf32, #tpu.memory_space<vmem>>
    %dma_start3A_136 = arith.constant 0 : i32
    %dma_start3A_137 = tpu.memref_slice %arg5[%dma_start3A_132, %dma_start3A_136] : memref<80x128xi32, #tpu.memory_space<vmem>> -> memref<1x128xi32, #tpu.memory_space<vmem>>
    %dma_start3A_138 = tpu.memref_squeeze %dma_start3A_137 : memref<1x128xi32, #tpu.memory_space<vmem>> -> memref<128xi32, #tpu.memory_space<vmem>>
    %dma_start3A_139 = arith.constant 0 : i32
    %dma_start3A_140 = arith.constant 0 : i32
    %dma_start3A_141 = tpu.memref_slice %arg2[%dma_start3A_139, %dma_start3A_140] : memref<1000000x32xf32, #tpu.memory_space<hbm>> -> memref<1000000x32xf32, #tpu.memory_space<hbm>>
    tpu.enqueue_indirect_dma source(%dma_start3A_141 : memref<1000000x32xf32, #tpu.memory_space<hbm>>) target(%dma_start3A_135 : memref<128x32xf32, #tpu.memory_space<vmem>>) offsets(%dma_start3A_138 : memref<128xi32, #tpu.memory_space<vmem>>) semaphore(%arg9 : memref<!tpu.dma_semaphore, #tpu.memory_space<semaphore_mem>>)
    %dma_start3A_142 = arith.constant 14 : i32
    %dma_start3A_143 = arith.constant 768 : i32
    %dma_start3A_144 = arith.constant 0 : i32
    %dma_start3A_145 = tpu.memref_slice %arg7[%dma_start3A_143, %dma_start3A_144] : memref<1024x32xf32, #tpu.memory_space<vmem>> -> memref<128x32xf32, #tpu.memory_space<vmem>>
    %dma_start3A_146 = arith.constant 0 : i32
    %dma_start3A_147 = tpu.memref_slice %arg5[%dma_start3A_142, %dma_start3A_146] : memref<80x128xi32, #tpu.memory_space<vmem>> -> memref<1x128xi32, #tpu.memory_space<vmem>>
    %dma_start3A_148 = tpu.memref_squeeze %dma_start3A_147 : memref<1x128xi32, #tpu.memory_space<vmem>> -> memref<128xi32, #tpu.memory_space<vmem>>
    %dma_start3A_149 = arith.constant 0 : i32
    %dma_start3A_150 = arith.constant 0 : i32
    %dma_start3A_151 = tpu.memref_slice %arg2[%dma_start3A_149, %dma_start3A_150] : memref<1000000x32xf32, #tpu.memory_space<hbm>> -> memref<1000000x32xf32, #tpu.memory_space<hbm>>
    tpu.enqueue_indirect_dma source(%dma_start3A_151 : memref<1000000x32xf32, #tpu.memory_space<hbm>>) target(%dma_start3A_145 : memref<128x32xf32, #tpu.memory_space<vmem>>) offsets(%dma_start3A_148 : memref<128xi32, #tpu.memory_space<vmem>>) semaphore(%arg9 : memref<!tpu.dma_semaphore, #tpu.memory_space<semaphore_mem>>)
    %dma_start3A_152 = arith.constant 15 : i32
    %dma_start3A_153 = arith.constant 896 : i32
    %dma_start3A_154 = arith.constant 0 : i32
    %dma_start3A_155 = tpu.memref_slice %arg7[%dma_start3A_153, %dma_start3A_154] : memref<1024x32xf32, #tpu.memory_space<vmem>> -> memref<128x32xf32, #tpu.memory_space<vmem>>
    %dma_start3A_156 = arith.constant 0 : i32
    %dma_start3A_157 = tpu.memref_slice %arg5[%dma_start3A_152, %dma_start3A_156] : memref<80x128xi32, #tpu.memory_space<vmem>> -> memref<1x128xi32, #tpu.memory_space<vmem>>
    %dma_start3A_158 = tpu.memref_squeeze %dma_start3A_157 : memref<1x128xi32, #tpu.memory_space<vmem>> -> memref<128xi32, #tpu.memory_space<vmem>>
    %dma_start3A_159 = arith.constant 0 : i32
    %dma_start3A_160 = arith.constant 0 : i32
    %dma_start3A_161 = tpu.memref_slice %arg2[%dma_start3A_159, %dma_start3A_160] : memref<1000000x32xf32, #tpu.memory_space<hbm>> -> memref<1000000x32xf32, #tpu.memory_space<hbm>>
    tpu.enqueue_indirect_dma source(%dma_start3A_161 : memref<1000000x32xf32, #tpu.memory_space<hbm>>) target(%dma_start3A_155 : memref<128x32xf32, #tpu.memory_space<vmem>>) offsets(%dma_start3A_158 : memref<128xi32, #tpu.memory_space<vmem>>) semaphore(%arg9 : memref<!tpu.dma_semaphore, #tpu.memory_space<semaphore_mem>>)
    %dma_wait3A = arith.constant 0 : i32
    %dma_wait3A_162 = arith.constant 0 : i32
    %dma_wait3A_163 = arith.constant 0 : i32
    %dma_wait3A_164 = tpu.memref_slice %arg6[%dma_wait3A_162, %dma_wait3A_163] : memref<1024x32xf32, #tpu.memory_space<vmem>> -> memref<128x32xf32, #tpu.memory_space<vmem>>
    %dma_wait3A_165 = arith.constant 0 : i32
    %dma_wait3A_166 = tpu.memref_slice %arg5[%dma_wait3A, %dma_wait3A_165] : memref<80x128xi32, #tpu.memory_space<vmem>> -> memref<1x128xi32, #tpu.memory_space<vmem>>
    %dma_wait3A_167 = tpu.memref_squeeze %dma_wait3A_166 : memref<1x128xi32, #tpu.memory_space<vmem>> -> memref<128xi32, #tpu.memory_space<vmem>>
    %dma_wait3A_168 = arith.constant 0 : i32
    %dma_wait3A_169 = arith.constant 0 : i32
    %dma_wait3A_170 = tpu.memref_slice %arg2[%dma_wait3A_168, %dma_wait3A_169] : memref<1000000x32xf32, #tpu.memory_space<hbm>> -> memref<1000000x32xf32, #tpu.memory_space<hbm>>
    tpu.wait_indirect_dma semaphore(%arg8 : memref<!tpu.dma_semaphore, #tpu.memory_space<semaphore_mem>>) src(%dma_wait3A_170 : memref<1000000x32xf32, #tpu.memory_space<hbm>>) dst(%dma_wait3A_164 : memref<128x32xf32, #tpu.memory_space<vmem>>)
    %dma_wait3A_171 = arith.constant 1 : i32
    %dma_wait3A_172 = arith.constant 128 : i32
    %dma_wait3A_173 = arith.constant 0 : i32
    %dma_wait3A_174 = tpu.memref_slice %arg6[%dma_wait3A_172, %dma_wait3A_173] : memref<1024x32xf32, #tpu.memory_space<vmem>> -> memref<128x32xf32, #tpu.memory_space<vmem>>
    %dma_wait3A_175 = arith.constant 0 : i32
    %dma_wait3A_176 = tpu.memref_slice %arg5[%dma_wait3A_171, %dma_wait3A_175] : memref<80x128xi32, #tpu.memory_space<vmem>> -> memref<1x128xi32, #tpu.memory_space<vmem>>
    %dma_wait3A_177 = tpu.memref_squeeze %dma_wait3A_176 : memref<1x128xi32, #tpu.memory_space<vmem>> -> memref<128xi32, #tpu.memory_space<vmem>>
    %dma_wait3A_178 = arith.constant 0 : i32
    %dma_wait3A_179 = arith.constant 0 : i32
    %dma_wait3A_180 = tpu.memref_slice %arg2[%dma_wait3A_178, %dma_wait3A_179] : memref<1000000x32xf32, #tpu.memory_space<hbm>> -> memref<1000000x32xf32, #tpu.memory_space<hbm>>
    tpu.wait_indirect_dma semaphore(%arg8 : memref<!tpu.dma_semaphore, #tpu.memory_space<semaphore_mem>>) src(%dma_wait3A_180 : memref<1000000x32xf32, #tpu.memory_space<hbm>>) dst(%dma_wait3A_174 : memref<128x32xf32, #tpu.memory_space<vmem>>)
    %dma_wait3A_181 = arith.constant 2 : i32
    %dma_wait3A_182 = arith.constant 256 : i32
    %dma_wait3A_183 = arith.constant 0 : i32
    %dma_wait3A_184 = tpu.memref_slice %arg6[%dma_wait3A_182, %dma_wait3A_183] : memref<1024x32xf32, #tpu.memory_space<vmem>> -> memref<128x32xf32, #tpu.memory_space<vmem>>
    %dma_wait3A_185 = arith.constant 0 : i32
    %dma_wait3A_186 = tpu.memref_slice %arg5[%dma_wait3A_181, %dma_wait3A_185] : memref<80x128xi32, #tpu.memory_space<vmem>> -> memref<1x128xi32, #tpu.memory_space<vmem>>
    %dma_wait3A_187 = tpu.memref_squeeze %dma_wait3A_186 : memref<1x128xi32, #tpu.memory_space<vmem>> -> memref<128xi32, #tpu.memory_space<vmem>>
    %dma_wait3A_188 = arith.constant 0 : i32
    %dma_wait3A_189 = arith.constant 0 : i32
    %dma_wait3A_190 = tpu.memref_slice %arg2[%dma_wait3A_188, %dma_wait3A_189] : memref<1000000x32xf32, #tpu.memory_space<hbm>> -> memref<1000000x32xf32, #tpu.memory_space<hbm>>
    tpu.wait_indirect_dma semaphore(%arg8 : memref<!tpu.dma_semaphore, #tpu.memory_space<semaphore_mem>>) src(%dma_wait3A_190 : memref<1000000x32xf32, #tpu.memory_space<hbm>>) dst(%dma_wait3A_184 : memref<128x32xf32, #tpu.memory_space<vmem>>)
    %dma_wait3A_191 = arith.constant 3 : i32
    %dma_wait3A_192 = arith.constant 384 : i32
    %dma_wait3A_193 = arith.constant 0 : i32
    %dma_wait3A_194 = tpu.memref_slice %arg6[%dma_wait3A_192, %dma_wait3A_193] : memref<1024x32xf32, #tpu.memory_space<vmem>> -> memref<128x32xf32, #tpu.memory_space<vmem>>
    %dma_wait3A_195 = arith.constant 0 : i32
    %dma_wait3A_196 = tpu.memref_slice %arg5[%dma_wait3A_191, %dma_wait3A_195] : memref<80x128xi32, #tpu.memory_space<vmem>> -> memref<1x128xi32, #tpu.memory_space<vmem>>
    %dma_wait3A_197 = tpu.memref_squeeze %dma_wait3A_196 : memref<1x128xi32, #tpu.memory_space<vmem>> -> memref<128xi32, #tpu.memory_space<vmem>>
    %dma_wait3A_198 = arith.constant 0 : i32
    %dma_wait3A_199 = arith.constant 0 : i32
    %dma_wait3A_200 = tpu.memref_slice %arg2[%dma_wait3A_198, %dma_wait3A_199] : memref<1000000x32xf32, #tpu.memory_space<hbm>> -> memref<1000000x32xf32, #tpu.memory_space<hbm>>
    tpu.wait_indirect_dma semaphore(%arg8 : memref<!tpu.dma_semaphore, #tpu.memory_space<semaphore_mem>>) src(%dma_wait3A_200 : memref<1000000x32xf32, #tpu.memory_space<hbm>>) dst(%dma_wait3A_194 : memref<128x32xf32, #tpu.memory_space<vmem>>)
    %dma_wait3A_201 = arith.constant 4 : i32
    %dma_wait3A_202 = arith.constant 512 : i32
    %dma_wait3A_203 = arith.constant 0 : i32
    %dma_wait3A_204 = tpu.memref_slice %arg6[%dma_wait3A_202, %dma_wait3A_203] : memref<1024x32xf32, #tpu.memory_space<vmem>> -> memref<128x32xf32, #tpu.memory_space<vmem>>
    %dma_wait3A_205 = arith.constant 0 : i32
    %dma_wait3A_206 = tpu.memref_slice %arg5[%dma_wait3A_201, %dma_wait3A_205] : memref<80x128xi32, #tpu.memory_space<vmem>> -> memref<1x128xi32, #tpu.memory_space<vmem>>
    %dma_wait3A_207 = tpu.memref_squeeze %dma_wait3A_206 : memref<1x128xi32, #tpu.memory_space<vmem>> -> memref<128xi32, #tpu.memory_space<vmem>>
    %dma_wait3A_208 = arith.constant 0 : i32
    %dma_wait3A_209 = arith.constant 0 : i32
    %dma_wait3A_210 = tpu.memref_slice %arg2[%dma_wait3A_208, %dma_wait3A_209] : memref<1000000x32xf32, #tpu.memory_space<hbm>> -> memref<1000000x32xf32, #tpu.memory_space<hbm>>
    tpu.wait_indirect_dma semaphore(%arg8 : memref<!tpu.dma_semaphore, #tpu.memory_space<semaphore_mem>>) src(%dma_wait3A_210 : memref<1000000x32xf32, #tpu.memory_space<hbm>>) dst(%dma_wait3A_204 : memref<128x32xf32, #tpu.memory_space<vmem>>)
    %dma_wait3A_211 = arith.constant 5 : i32
    %dma_wait3A_212 = arith.constant 640 : i32
    %dma_wait3A_213 = arith.constant 0 : i32
    %dma_wait3A_214 = tpu.memref_slice %arg6[%dma_wait3A_212, %dma_wait3A_213] : memref<1024x32xf32, #tpu.memory_space<vmem>> -> memref<128x32xf32, #tpu.memory_space<vmem>>
    %dma_wait3A_215 = arith.constant 0 : i32
    %dma_wait3A_216 = tpu.memref_slice %arg5[%dma_wait3A_211, %dma_wait3A_215] : memref<80x128xi32, #tpu.memory_space<vmem>> -> memref<1x128xi32, #tpu.memory_space<vmem>>
    %dma_wait3A_217 = tpu.memref_squeeze %dma_wait3A_216 : memref<1x128xi32, #tpu.memory_space<vmem>> -> memref<128xi32, #tpu.memory_space<vmem>>
    %dma_wait3A_218 = arith.constant 0 : i32
    %dma_wait3A_219 = arith.constant 0 : i32
    %dma_wait3A_220 = tpu.memref_slice %arg2[%dma_wait3A_218, %dma_wait3A_219] : memref<1000000x32xf32, #tpu.memory_space<hbm>> -> memref<1000000x32xf32, #tpu.memory_space<hbm>>
    tpu.wait_indirect_dma semaphore(%arg8 : memref<!tpu.dma_semaphore, #tpu.memory_space<semaphore_mem>>) src(%dma_wait3A_220 : memref<1000000x32xf32, #tpu.memory_space<hbm>>) dst(%dma_wait3A_214 : memref<128x32xf32, #tpu.memory_space<vmem>>)
    %dma_wait3A_221 = arith.constant 6 : i32
    %dma_wait3A_222 = arith.constant 768 : i32
    %dma_wait3A_223 = arith.constant 0 : i32
    %dma_wait3A_224 = tpu.memref_slice %arg6[%dma_wait3A_222, %dma_wait3A_223] : memref<1024x32xf32, #tpu.memory_space<vmem>> -> memref<128x32xf32, #tpu.memory_space<vmem>>
    %dma_wait3A_225 = arith.constant 0 : i32
    %dma_wait3A_226 = tpu.memref_slice %arg5[%dma_wait3A_221, %dma_wait3A_225] : memref<80x128xi32, #tpu.memory_space<vmem>> -> memref<1x128xi32, #tpu.memory_space<vmem>>
    %dma_wait3A_227 = tpu.memref_squeeze %dma_wait3A_226 : memref<1x128xi32, #tpu.memory_space<vmem>> -> memref<128xi32, #tpu.memory_space<vmem>>
    %dma_wait3A_228 = arith.constant 0 : i32
    %dma_wait3A_229 = arith.constant 0 : i32
    %dma_wait3A_230 = tpu.memref_slice %arg2[%dma_wait3A_228, %dma_wait3A_229] : memref<1000000x32xf32, #tpu.memory_space<hbm>> -> memref<1000000x32xf32, #tpu.memory_space<hbm>>
    tpu.wait_indirect_dma semaphore(%arg8 : memref<!tpu.dma_semaphore, #tpu.memory_space<semaphore_mem>>) src(%dma_wait3A_230 : memref<1000000x32xf32, #tpu.memory_space<hbm>>) dst(%dma_wait3A_224 : memref<128x32xf32, #tpu.memory_space<vmem>>)
    %dma_wait3A_231 = arith.constant 7 : i32
    %dma_wait3A_232 = arith.constant 896 : i32
    %dma_wait3A_233 = arith.constant 0 : i32
    %dma_wait3A_234 = tpu.memref_slice %arg6[%dma_wait3A_232, %dma_wait3A_233] : memref<1024x32xf32, #tpu.memory_space<vmem>> -> memref<128x32xf32, #tpu.memory_space<vmem>>
    %dma_wait3A_235 = arith.constant 0 : i32
    %dma_wait3A_236 = tpu.memref_slice %arg5[%dma_wait3A_231, %dma_wait3A_235] : memref<80x128xi32, #tpu.memory_space<vmem>> -> memref<1x128xi32, #tpu.memory_space<vmem>>
    %dma_wait3A_237 = tpu.memref_squeeze %dma_wait3A_236 : memref<1x128xi32, #tpu.memory_space<vmem>> -> memref<128xi32, #tpu.memory_space<vmem>>
    %dma_wait3A_238 = arith.constant 0 : i32
    %dma_wait3A_239 = arith.constant 0 : i32
    %dma_wait3A_240 = tpu.memref_slice %arg2[%dma_wait3A_238, %dma_wait3A_239] : memref<1000000x32xf32, #tpu.memory_space<hbm>> -> memref<1000000x32xf32, #tpu.memory_space<hbm>>
    tpu.wait_indirect_dma semaphore(%arg8 : memref<!tpu.dma_semaphore, #tpu.memory_space<semaphore_mem>>) src(%dma_wait3A_240 : memref<1000000x32xf32, #tpu.memory_space<hbm>>) dst(%dma_wait3A_234 : memref<128x32xf32, #tpu.memory_space<vmem>>)
    %add3A_241 = arith.constant 0 : i32
    %add3A_242 = arith.addi %mul3A_2, %add3A_241 : i32
    %dma_start3A_243 = arith.constant 0 : i32
    %dma_start3A_244 = tpu.memref_slice %arg4[%add3A_242, %dma_start3A_243] : memref<327680x32xf32, #tpu.memory_space<hbm>> -> memref<1024x32xf32, #tpu.memory_space<hbm>>
    %dma_start3A_245 = arith.constant 0 : i32
    %dma_start3A_246 = tpu.memref_slice %arg4[%add3A_242, %dma_start3A_245] : memref<327680x32xf32, #tpu.memory_space<hbm>> -> memref<1024x32xf32, #tpu.memory_space<hbm>>
    tpu.enqueue_dma source(%arg6 : memref<1024x32xf32, #tpu.memory_space<vmem>>) target(%dma_start3A_246 : memref<1024x32xf32, #tpu.memory_space<hbm>>) target_semaphore(%arg10 : memref<!tpu.dma_semaphore, #tpu.memory_space<semaphore_mem>>)
    %dma_wait3A_247 = arith.constant 0 : i32
    %dma_wait3A_248 = tpu.memref_slice %arg4[%add3A_242, %dma_wait3A_247] : memref<327680x32xf32, #tpu.memory_space<hbm>> -> memref<1024x32xf32, #tpu.memory_space<hbm>>
    %dma_wait3A_249 = arith.constant 0 : i32
    %dma_wait3A_250 = tpu.memref_slice %arg4[%add3A_242, %dma_wait3A_249] : memref<327680x32xf32, #tpu.memory_space<hbm>> -> memref<1024x32xf32, #tpu.memory_space<hbm>>
    tpu.wait_dma2 semaphore(%arg10 : memref<!tpu.dma_semaphore, #tpu.memory_space<semaphore_mem>>) src(%arg6 : memref<1024x32xf32, #tpu.memory_space<vmem>>) dst(%dma_wait3A_250 : memref<1024x32xf32, #tpu.memory_space<hbm>>)
    %dma_start3A_251 = arith.constant 16 : i32
    %dma_start3A_252 = arith.constant 0 : i32
    %dma_start3A_253 = arith.constant 0 : i32
    %dma_start3A_254 = tpu.memref_slice %arg6[%dma_start3A_252, %dma_start3A_253] : memref<1024x32xf32, #tpu.memory_space<vmem>> -> memref<128x32xf32, #tpu.memory_space<vmem>>
    %dma_start3A_255 = arith.constant 0 : i32
    %dma_start3A_256 = tpu.memref_slice %arg5[%dma_start3A_251, %dma_start3A_255] : memref<80x128xi32, #tpu.memory_space<vmem>> -> memref<1x128xi32, #tpu.memory_space<vmem>>
    %dma_start3A_257 = tpu.memref_squeeze %dma_start3A_256 : memref<1x128xi32, #tpu.memory_space<vmem>> -> memref<128xi32, #tpu.memory_space<vmem>>
    %dma_start3A_258 = arith.constant 0 : i32
    %dma_start3A_259 = arith.constant 0 : i32
    %dma_start3A_260 = tpu.memref_slice %arg2[%dma_start3A_258, %dma_start3A_259] : memref<1000000x32xf32, #tpu.memory_space<hbm>> -> memref<1000000x32xf32, #tpu.memory_space<hbm>>
    tpu.enqueue_indirect_dma source(%dma_start3A_260 : memref<1000000x32xf32, #tpu.memory_space<hbm>>) target(%dma_start3A_254 : memref<128x32xf32, #tpu.memory_space<vmem>>) offsets(%dma_start3A_257 : memref<128xi32, #tpu.memory_space<vmem>>) semaphore(%arg8 : memref<!tpu.dma_semaphore, #tpu.memory_space<semaphore_mem>>)
    %dma_start3A_261 = arith.constant 17 : i32
    %dma_start3A_262 = arith.constant 128 : i32
    %dma_start3A_263 = arith.constant 0 : i32
    %dma_start3A_264 = tpu.memref_slice %arg6[%dma_start3A_262, %dma_start3A_263] : memref<1024x32xf32, #tpu.memory_space<vmem>> -> memref<128x32xf32, #tpu.memory_space<vmem>>
    %dma_start3A_265 = arith.constant 0 : i32
    %dma_start3A_266 = tpu.memref_slice %arg5[%dma_start3A_261, %dma_start3A_265] : memref<80x128xi32, #tpu.memory_space<vmem>> -> memref<1x128xi32, #tpu.memory_space<vmem>>
    %dma_start3A_267 = tpu.memref_squeeze %dma_start3A_266 : memref<1x128xi32, #tpu.memory_space<vmem>> -> memref<128xi32, #tpu.memory_space<vmem>>
    %dma_start3A_268 = arith.constant 0 : i32
    %dma_start3A_269 = arith.constant 0 : i32
    %dma_start3A_270 = tpu.memref_slice %arg2[%dma_start3A_268, %dma_start3A_269] : memref<1000000x32xf32, #tpu.memory_space<hbm>> -> memref<1000000x32xf32, #tpu.memory_space<hbm>>
    tpu.enqueue_indirect_dma source(%dma_start3A_270 : memref<1000000x32xf32, #tpu.memory_space<hbm>>) target(%dma_start3A_264 : memref<128x32xf32, #tpu.memory_space<vmem>>) offsets(%dma_start3A_267 : memref<128xi32, #tpu.memory_space<vmem>>) semaphore(%arg8 : memref<!tpu.dma_semaphore, #tpu.memory_space<semaphore_mem>>)
    %dma_start3A_271 = arith.constant 18 : i32
    %dma_start3A_272 = arith.constant 256 : i32
    %dma_start3A_273 = arith.constant 0 : i32
    %dma_start3A_274 = tpu.memref_slice %arg6[%dma_start3A_272, %dma_start3A_273] : memref<1024x32xf32, #tpu.memory_space<vmem>> -> memref<128x32xf32, #tpu.memory_space<vmem>>
    %dma_start3A_275 = arith.constant 0 : i32
    %dma_start3A_276 = tpu.memref_slice %arg5[%dma_start3A_271, %dma_start3A_275] : memref<80x128xi32, #tpu.memory_space<vmem>> -> memref<1x128xi32, #tpu.memory_space<vmem>>
    %dma_start3A_277 = tpu.memref_squeeze %dma_start3A_276 : memref<1x128xi32, #tpu.memory_space<vmem>> -> memref<128xi32, #tpu.memory_space<vmem>>
    %dma_start3A_278 = arith.constant 0 : i32
    %dma_start3A_279 = arith.constant 0 : i32
    %dma_start3A_280 = tpu.memref_slice %arg2[%dma_start3A_278, %dma_start3A_279] : memref<1000000x32xf32, #tpu.memory_space<hbm>> -> memref<1000000x32xf32, #tpu.memory_space<hbm>>
    tpu.enqueue_indirect_dma source(%dma_start3A_280 : memref<1000000x32xf32, #tpu.memory_space<hbm>>) target(%dma_start3A_274 : memref<128x32xf32, #tpu.memory_space<vmem>>) offsets(%dma_start3A_277 : memref<128xi32, #tpu.memory_space<vmem>>) semaphore(%arg8 : memref<!tpu.dma_semaphore, #tpu.memory_space<semaphore_mem>>)
    %dma_start3A_281 = arith.constant 19 : i32
    %dma_start3A_282 = arith.constant 384 : i32
    %dma_start3A_283 = arith.constant 0 : i32
    %dma_start3A_284 = tpu.memref_slice %arg6[%dma_start3A_282, %dma_start3A_283] : memref<1024x32xf32, #tpu.memory_space<vmem>> -> memref<128x32xf32, #tpu.memory_space<vmem>>
    %dma_start3A_285 = arith.constant 0 : i32
    %dma_start3A_286 = tpu.memref_slice %arg5[%dma_start3A_281, %dma_start3A_285] : memref<80x128xi32, #tpu.memory_space<vmem>> -> memref<1x128xi32, #tpu.memory_space<vmem>>
    %dma_start3A_287 = tpu.memref_squeeze %dma_start3A_286 : memref<1x128xi32, #tpu.memory_space<vmem>> -> memref<128xi32, #tpu.memory_space<vmem>>
    %dma_start3A_288 = arith.constant 0 : i32
    %dma_start3A_289 = arith.constant 0 : i32
    %dma_start3A_290 = tpu.memref_slice %arg2[%dma_start3A_288, %dma_start3A_289] : memref<1000000x32xf32, #tpu.memory_space<hbm>> -> memref<1000000x32xf32, #tpu.memory_space<hbm>>
    tpu.enqueue_indirect_dma source(%dma_start3A_290 : memref<1000000x32xf32, #tpu.memory_space<hbm>>) target(%dma_start3A_284 : memref<128x32xf32, #tpu.memory_space<vmem>>) offsets(%dma_start3A_287 : memref<128xi32, #tpu.memory_space<vmem>>) semaphore(%arg8 : memref<!tpu.dma_semaphore, #tpu.memory_space<semaphore_mem>>)
    %dma_start3A_291 = arith.constant 20 : i32
    %dma_start3A_292 = arith.constant 512 : i32
    %dma_start3A_293 = arith.constant 0 : i32
    %dma_start3A_294 = tpu.memref_slice %arg6[%dma_start3A_292, %dma_start3A_293] : memref<1024x32xf32, #tpu.memory_space<vmem>> -> memref<128x32xf32, #tpu.memory_space<vmem>>
    %dma_start3A_295 = arith.constant 0 : i32
    %dma_start3A_296 = tpu.memref_slice %arg5[%dma_start3A_291, %dma_start3A_295] : memref<80x128xi32, #tpu.memory_space<vmem>> -> memref<1x128xi32, #tpu.memory_space<vmem>>
    %dma_start3A_297 = tpu.memref_squeeze %dma_start3A_296 : memref<1x128xi32, #tpu.memory_space<vmem>> -> memref<128xi32, #tpu.memory_space<vmem>>
    %dma_start3A_298 = arith.constant 0 : i32
    %dma_start3A_299 = arith.constant 0 : i32
    %dma_start3A_300 = tpu.memref_slice %arg2[%dma_start3A_298, %dma_start3A_299] : memref<1000000x32xf32, #tpu.memory_space<hbm>> -> memref<1000000x32xf32, #tpu.memory_space<hbm>>
    tpu.enqueue_indirect_dma source(%dma_start3A_300 : memref<1000000x32xf32, #tpu.memory_space<hbm>>) target(%dma_start3A_294 : memref<128x32xf32, #tpu.memory_space<vmem>>) offsets(%dma_start3A_297 : memref<128xi32, #tpu.memory_space<vmem>>) semaphore(%arg8 : memref<!tpu.dma_semaphore, #tpu.memory_space<semaphore_mem>>)
    %dma_start3A_301 = arith.constant 21 : i32
    %dma_start3A_302 = arith.constant 640 : i32
    %dma_start3A_303 = arith.constant 0 : i32
    %dma_start3A_304 = tpu.memref_slice %arg6[%dma_start3A_302, %dma_start3A_303] : memref<1024x32xf32, #tpu.memory_space<vmem>> -> memref<128x32xf32, #tpu.memory_space<vmem>>
    %dma_start3A_305 = arith.constant 0 : i32
    %dma_start3A_306 = tpu.memref_slice %arg5[%dma_start3A_301, %dma_start3A_305] : memref<80x128xi32, #tpu.memory_space<vmem>> -> memref<1x128xi32, #tpu.memory_space<vmem>>
    %dma_start3A_307 = tpu.memref_squeeze %dma_start3A_306 : memref<1x128xi32, #tpu.memory_space<vmem>> -> memref<128xi32, #tpu.memory_space<vmem>>
    %dma_start3A_308 = arith.constant 0 : i32
    %dma_start3A_309 = arith.constant 0 : i32
    %dma_start3A_310 = tpu.memref_slice %arg2[%dma_start3A_308, %dma_start3A_309] : memref<1000000x32xf32, #tpu.memory_space<hbm>> -> memref<1000000x32xf32, #tpu.memory_space<hbm>>
    tpu.enqueue_indirect_dma source(%dma_start3A_310 : memref<1000000x32xf32, #tpu.memory_space<hbm>>) target(%dma_start3A_304 : memref<128x32xf32, #tpu.memory_space<vmem>>) offsets(%dma_start3A_307 : memref<128xi32, #tpu.memory_space<vmem>>) semaphore(%arg8 : memref<!tpu.dma_semaphore, #tpu.memory_space<semaphore_mem>>)
    %dma_start3A_311 = arith.constant 22 : i32
    %dma_start3A_312 = arith.constant 768 : i32
    %dma_start3A_313 = arith.constant 0 : i32
    %dma_start3A_314 = tpu.memref_slice %arg6[%dma_start3A_312, %dma_start3A_313] : memref<1024x32xf32, #tpu.memory_space<vmem>> -> memref<128x32xf32, #tpu.memory_space<vmem>>
    %dma_start3A_315 = arith.constant 0 : i32
    %dma_start3A_316 = tpu.memref_slice %arg5[%dma_start3A_311, %dma_start3A_315] : memref<80x128xi32, #tpu.memory_space<vmem>> -> memref<1x128xi32, #tpu.memory_space<vmem>>
    %dma_start3A_317 = tpu.memref_squeeze %dma_start3A_316 : memref<1x128xi32, #tpu.memory_space<vmem>> -> memref<128xi32, #tpu.memory_space<vmem>>
    %dma_start3A_318 = arith.constant 0 : i32
    %dma_start3A_319 = arith.constant 0 : i32
    %dma_start3A_320 = tpu.memref_slice %arg2[%dma_start3A_318, %dma_start3A_319] : memref<1000000x32xf32, #tpu.memory_space<hbm>> -> memref<1000000x32xf32, #tpu.memory_space<hbm>>
    tpu.enqueue_indirect_dma source(%dma_start3A_320 : memref<1000000x32xf32, #tpu.memory_space<hbm>>) target(%dma_start3A_314 : memref<128x32xf32, #tpu.memory_space<vmem>>) offsets(%dma_start3A_317 : memref<128xi32, #tpu.memory_space<vmem>>) semaphore(%arg8 : memref<!tpu.dma_semaphore, #tpu.memory_space<semaphore_mem>>)
    %dma_start3A_321 = arith.constant 23 : i32
    %dma_start3A_322 = arith.constant 896 : i32
    %dma_start3A_323 = arith.constant 0 : i32
    %dma_start3A_324 = tpu.memref_slice %arg6[%dma_start3A_322, %dma_start3A_323] : memref<1024x32xf32, #tpu.memory_space<vmem>> -> memref<128x32xf32, #tpu.memory_space<vmem>>
    %dma_start3A_325 = arith.constant 0 : i32
    %dma_start3A_326 = tpu.memref_slice %arg5[%dma_start3A_321, %dma_start3A_325] : memref<80x128xi32, #tpu.memory_space<vmem>> -> memref<1x128xi32, #tpu.memory_space<vmem>>
    %dma_start3A_327 = tpu.memref_squeeze %dma_start3A_326 : memref<1x128xi32, #tpu.memory_space<vmem>> -> memref<128xi32, #tpu.memory_space<vmem>>
    %dma_start3A_328 = arith.constant 0 : i32
    %dma_start3A_329 = arith.constant 0 : i32
    %dma_start3A_330 = tpu.memref_slice %arg2[%dma_start3A_328, %dma_start3A_329] : memref<1000000x32xf32, #tpu.memory_space<hbm>> -> memref<1000000x32xf32, #tpu.memory_space<hbm>>
    tpu.enqueue_indirect_dma source(%dma_start3A_330 : memref<1000000x32xf32, #tpu.memory_space<hbm>>) target(%dma_start3A_324 : memref<128x32xf32, #tpu.memory_space<vmem>>) offsets(%dma_start3A_327 : memref<128xi32, #tpu.memory_space<vmem>>) semaphore(%arg8 : memref<!tpu.dma_semaphore, #tpu.memory_space<semaphore_mem>>)
    %dma_wait3A_331 = arith.constant 8 : i32
    %dma_wait3A_332 = arith.constant 0 : i32
    %dma_wait3A_333 = arith.constant 0 : i32
    %dma_wait3A_334 = tpu.memref_slice %arg7[%dma_wait3A_332, %dma_wait3A_333] : memref<1024x32xf32, #tpu.memory_space<vmem>> -> memref<128x32xf32, #tpu.memory_space<vmem>>
    %dma_wait3A_335 = arith.constant 0 : i32
    %dma_wait3A_336 = tpu.memref_slice %arg5[%dma_wait3A_331, %dma_wait3A_335] : memref<80x128xi32, #tpu.memory_space<vmem>> -> memref<1x128xi32, #tpu.memory_space<vmem>>
    %dma_wait3A_337 = tpu.memref_squeeze %dma_wait3A_336 : memref<1x128xi32, #tpu.memory_space<vmem>> -> memref<128xi32, #tpu.memory_space<vmem>>
    %dma_wait3A_338 = arith.constant 0 : i32
    %dma_wait3A_339 = arith.constant 0 : i32
    %dma_wait3A_340 = tpu.memref_slice %arg2[%dma_wait3A_338, %dma_wait3A_339] : memref<1000000x32xf32, #tpu.memory_space<hbm>> -> memref<1000000x32xf32, #tpu.memory_space<hbm>>
    tpu.wait_indirect_dma semaphore(%arg9 : memref<!tpu.dma_semaphore, #tpu.memory_space<semaphore_mem>>) src(%dma_wait3A_340 : memref<1000000x32xf32, #tpu.memory_space<hbm>>) dst(%dma_wait3A_334 : memref<128x32xf32, #tpu.memory_space<vmem>>)
    %dma_wait3A_341 = arith.constant 9 : i32
    %dma_wait3A_342 = arith.constant 128 : i32
    %dma_wait3A_343 = arith.constant 0 : i32
    %dma_wait3A_344 = tpu.memref_slice %arg7[%dma_wait3A_342, %dma_wait3A_343] : memref<1024x32xf32, #tpu.memory_space<vmem>> -> memref<128x32xf32, #tpu.memory_space<vmem>>
    %dma_wait3A_345 = arith.constant 0 : i32
    %dma_wait3A_346 = tpu.memref_slice %arg5[%dma_wait3A_341, %dma_wait3A_345] : memref<80x128xi32, #tpu.memory_space<vmem>> -> memref<1x128xi32, #tpu.memory_space<vmem>>
    %dma_wait3A_347 = tpu.memref_squeeze %dma_wait3A_346 : memref<1x128xi32, #tpu.memory_space<vmem>> -> memref<128xi32, #tpu.memory_space<vmem>>
    %dma_wait3A_348 = arith.constant 0 : i32
    %dma_wait3A_349 = arith.constant 0 : i32
    %dma_wait3A_350 = tpu.memref_slice %arg2[%dma_wait3A_348, %dma_wait3A_349] : memref<1000000x32xf32, #tpu.memory_space<hbm>> -> memref<1000000x32xf32, #tpu.memory_space<hbm>>
    tpu.wait_indirect_dma semaphore(%arg9 : memref<!tpu.dma_semaphore, #tpu.memory_space<semaphore_mem>>) src(%dma_wait3A_350 : memref<1000000x32xf32, #tpu.memory_space<hbm>>) dst(%dma_wait3A_344 : memref<128x32xf32, #tpu.memory_space<vmem>>)
    %dma_wait3A_351 = arith.constant 10 : i32
    %dma_wait3A_352 = arith.constant 256 : i32
    %dma_wait3A_353 = arith.constant 0 : i32
    %dma_wait3A_354 = tpu.memref_slice %arg7[%dma_wait3A_352, %dma_wait3A_353] : memref<1024x32xf32, #tpu.memory_space<vmem>> -> memref<128x32xf32, #tpu.memory_space<vmem>>
    %dma_wait3A_355 = arith.constant 0 : i32
    %dma_wait3A_356 = tpu.memref_slice %arg5[%dma_wait3A_351, %dma_wait3A_355] : memref<80x128xi32, #tpu.memory_space<vmem>> -> memref<1x128xi32, #tpu.memory_space<vmem>>
    %dma_wait3A_357 = tpu.memref_squeeze %dma_wait3A_356 : memref<1x128xi32, #tpu.memory_space<vmem>> -> memref<128xi32, #tpu.memory_space<vmem>>
    %dma_wait3A_358 = arith.constant 0 : i32
    %dma_wait3A_359 = arith.constant 0 : i32
    %dma_wait3A_360 = tpu.memref_slice %arg2[%dma_wait3A_358, %dma_wait3A_359] : memref<1000000x32xf32, #tpu.memory_space<hbm>> -> memref<1000000x32xf32, #tpu.memory_space<hbm>>
    tpu.wait_indirect_dma semaphore(%arg9 : memref<!tpu.dma_semaphore, #tpu.memory_space<semaphore_mem>>) src(%dma_wait3A_360 : memref<1000000x32xf32, #tpu.memory_space<hbm>>) dst(%dma_wait3A_354 : memref<128x32xf32, #tpu.memory_space<vmem>>)
    %dma_wait3A_361 = arith.constant 11 : i32
    %dma_wait3A_362 = arith.constant 384 : i32
    %dma_wait3A_363 = arith.constant 0 : i32
    %dma_wait3A_364 = tpu.memref_slice %arg7[%dma_wait3A_362, %dma_wait3A_363] : memref<1024x32xf32, #tpu.memory_space<vmem>> -> memref<128x32xf32, #tpu.memory_space<vmem>>
    %dma_wait3A_365 = arith.constant 0 : i32
    %dma_wait3A_366 = tpu.memref_slice %arg5[%dma_wait3A_361, %dma_wait3A_365] : memref<80x128xi32, #tpu.memory_space<vmem>> -> memref<1x128xi32, #tpu.memory_space<vmem>>
    %dma_wait3A_367 = tpu.memref_squeeze %dma_wait3A_366 : memref<1x128xi32, #tpu.memory_space<vmem>> -> memref<128xi32, #tpu.memory_space<vmem>>
    %dma_wait3A_368 = arith.constant 0 : i32
    %dma_wait3A_369 = arith.constant 0 : i32
    %dma_wait3A_370 = tpu.memref_slice %arg2[%dma_wait3A_368, %dma_wait3A_369] : memref<1000000x32xf32, #tpu.memory_space<hbm>> -> memref<1000000x32xf32, #tpu.memory_space<hbm>>
    tpu.wait_indirect_dma semaphore(%arg9 : memref<!tpu.dma_semaphore, #tpu.memory_space<semaphore_mem>>) src(%dma_wait3A_370 : memref<1000000x32xf32, #tpu.memory_space<hbm>>) dst(%dma_wait3A_364 : memref<128x32xf32, #tpu.memory_space<vmem>>)
    %dma_wait3A_371 = arith.constant 12 : i32
    %dma_wait3A_372 = arith.constant 512 : i32
    %dma_wait3A_373 = arith.constant 0 : i32
    %dma_wait3A_374 = tpu.memref_slice %arg7[%dma_wait3A_372, %dma_wait3A_373] : memref<1024x32xf32, #tpu.memory_space<vmem>> -> memref<128x32xf32, #tpu.memory_space<vmem>>
    %dma_wait3A_375 = arith.constant 0 : i32
    %dma_wait3A_376 = tpu.memref_slice %arg5[%dma_wait3A_371, %dma_wait3A_375] : memref<80x128xi32, #tpu.memory_space<vmem>> -> memref<1x128xi32, #tpu.memory_space<vmem>>
    %dma_wait3A_377 = tpu.memref_squeeze %dma_wait3A_376 : memref<1x128xi32, #tpu.memory_space<vmem>> -> memref<128xi32, #tpu.memory_space<vmem>>
    %dma_wait3A_378 = arith.constant 0 : i32
    %dma_wait3A_379 = arith.constant 0 : i32
    %dma_wait3A_380 = tpu.memref_slice %arg2[%dma_wait3A_378, %dma_wait3A_379] : memref<1000000x32xf32, #tpu.memory_space<hbm>> -> memref<1000000x32xf32, #tpu.memory_space<hbm>>
    tpu.wait_indirect_dma semaphore(%arg9 : memref<!tpu.dma_semaphore, #tpu.memory_space<semaphore_mem>>) src(%dma_wait3A_380 : memref<1000000x32xf32, #tpu.memory_space<hbm>>) dst(%dma_wait3A_374 : memref<128x32xf32, #tpu.memory_space<vmem>>)
    %dma_wait3A_381 = arith.constant 13 : i32
    %dma_wait3A_382 = arith.constant 640 : i32
    %dma_wait3A_383 = arith.constant 0 : i32
    %dma_wait3A_384 = tpu.memref_slice %arg7[%dma_wait3A_382, %dma_wait3A_383] : memref<1024x32xf32, #tpu.memory_space<vmem>> -> memref<128x32xf32, #tpu.memory_space<vmem>>
    %dma_wait3A_385 = arith.constant 0 : i32
    %dma_wait3A_386 = tpu.memref_slice %arg5[%dma_wait3A_381, %dma_wait3A_385] : memref<80x128xi32, #tpu.memory_space<vmem>> -> memref<1x128xi32, #tpu.memory_space<vmem>>
    %dma_wait3A_387 = tpu.memref_squeeze %dma_wait3A_386 : memref<1x128xi32, #tpu.memory_space<vmem>> -> memref<128xi32, #tpu.memory_space<vmem>>
    %dma_wait3A_388 = arith.constant 0 : i32
    %dma_wait3A_389 = arith.constant 0 : i32
    %dma_wait3A_390 = tpu.memref_slice %arg2[%dma_wait3A_388, %dma_wait3A_389] : memref<1000000x32xf32, #tpu.memory_space<hbm>> -> memref<1000000x32xf32, #tpu.memory_space<hbm>>
    tpu.wait_indirect_dma semaphore(%arg9 : memref<!tpu.dma_semaphore, #tpu.memory_space<semaphore_mem>>) src(%dma_wait3A_390 : memref<1000000x32xf32, #tpu.memory_space<hbm>>) dst(%dma_wait3A_384 : memref<128x32xf32, #tpu.memory_space<vmem>>)
    %dma_wait3A_391 = arith.constant 14 : i32
    %dma_wait3A_392 = arith.constant 768 : i32
    %dma_wait3A_393 = arith.constant 0 : i32
    %dma_wait3A_394 = tpu.memref_slice %arg7[%dma_wait3A_392, %dma_wait3A_393] : memref<1024x32xf32, #tpu.memory_space<vmem>> -> memref<128x32xf32, #tpu.memory_space<vmem>>
    %dma_wait3A_395 = arith.constant 0 : i32
    %dma_wait3A_396 = tpu.memref_slice %arg5[%dma_wait3A_391, %dma_wait3A_395] : memref<80x128xi32, #tpu.memory_space<vmem>> -> memref<1x128xi32, #tpu.memory_space<vmem>>
    %dma_wait3A_397 = tpu.memref_squeeze %dma_wait3A_396 : memref<1x128xi32, #tpu.memory_space<vmem>> -> memref<128xi32, #tpu.memory_space<vmem>>
    %dma_wait3A_398 = arith.constant 0 : i32
    %dma_wait3A_399 = arith.constant 0 : i32
    %dma_wait3A_400 = tpu.memref_slice %arg2[%dma_wait3A_398, %dma_wait3A_399] : memref<1000000x32xf32, #tpu.memory_space<hbm>> -> memref<1000000x32xf32, #tpu.memory_space<hbm>>
    tpu.wait_indirect_dma semaphore(%arg9 : memref<!tpu.dma_semaphore, #tpu.memory_space<semaphore_mem>>) src(%dma_wait3A_400 : memref<1000000x32xf32, #tpu.memory_space<hbm>>) dst(%dma_wait3A_394 : memref<128x32xf32, #tpu.memory_space<vmem>>)
    %dma_wait3A_401 = arith.constant 15 : i32
    %dma_wait3A_402 = arith.constant 896 : i32
    %dma_wait3A_403 = arith.constant 0 : i32
    %dma_wait3A_404 = tpu.memref_slice %arg7[%dma_wait3A_402, %dma_wait3A_403] : memref<1024x32xf32, #tpu.memory_space<vmem>> -> memref<128x32xf32, #tpu.memory_space<vmem>>
    %dma_wait3A_405 = arith.constant 0 : i32
    %dma_wait3A_406 = tpu.memref_slice %arg5[%dma_wait3A_401, %dma_wait3A_405] : memref<80x128xi32, #tpu.memory_space<vmem>> -> memref<1x128xi32, #tpu.memory_space<vmem>>
    %dma_wait3A_407 = tpu.memref_squeeze %dma_wait3A_406 : memref<1x128xi32, #tpu.memory_space<vmem>> -> memref<128xi32, #tpu.memory_space<vmem>>
    %dma_wait3A_408 = arith.constant 0 : i32
    %dma_wait3A_409 = arith.constant 0 : i32
    %dma_wait3A_410 = tpu.memref_slice %arg2[%dma_wait3A_408, %dma_wait3A_409] : memref<1000000x32xf32, #tpu.memory_space<hbm>> -> memref<1000000x32xf32, #tpu.memory_space<hbm>>
    tpu.wait_indirect_dma semaphore(%arg9 : memref<!tpu.dma_semaphore, #tpu.memory_space<semaphore_mem>>) src(%dma_wait3A_410 : memref<1000000x32xf32, #tpu.memory_space<hbm>>) dst(%dma_wait3A_404 : memref<128x32xf32, #tpu.memory_space<vmem>>)
    %add3A_411 = arith.constant 1024 : i32
    %add3A_412 = arith.addi %mul3A_2, %add3A_411 : i32
    %dma_start3A_413 = arith.constant 0 : i32
    %dma_start3A_414 = tpu.memref_slice %arg4[%add3A_412, %dma_start3A_413] : memref<327680x32xf32, #tpu.memory_space<hbm>> -> memref<1024x32xf32, #tpu.memory_space<hbm>>
    %dma_start3A_415 = arith.constant 0 : i32
    %dma_start3A_416 = tpu.memref_slice %arg4[%add3A_412, %dma_start3A_415] : memref<327680x32xf32, #tpu.memory_space<hbm>> -> memref<1024x32xf32, #tpu.memory_space<hbm>>
    tpu.enqueue_dma source(%arg7 : memref<1024x32xf32, #tpu.memory_space<vmem>>) target(%dma_start3A_416 : memref<1024x32xf32, #tpu.memory_space<hbm>>) target_semaphore(%arg11 : memref<!tpu.dma_semaphore, #tpu.memory_space<semaphore_mem>>)
    %dma_wait3A_417 = arith.constant 0 : i32
    %dma_wait3A_418 = tpu.memref_slice %arg4[%add3A_412, %dma_wait3A_417] : memref<327680x32xf32, #tpu.memory_space<hbm>> -> memref<1024x32xf32, #tpu.memory_space<hbm>>
    %dma_wait3A_419 = arith.constant 0 : i32
    %dma_wait3A_420 = tpu.memref_slice %arg4[%add3A_412, %dma_wait3A_419] : memref<327680x32xf32, #tpu.memory_space<hbm>> -> memref<1024x32xf32, #tpu.memory_space<hbm>>
    tpu.wait_dma2 semaphore(%arg11 : memref<!tpu.dma_semaphore, #tpu.memory_space<semaphore_mem>>) src(%arg7 : memref<1024x32xf32, #tpu.memory_space<vmem>>) dst(%dma_wait3A_420 : memref<1024x32xf32, #tpu.memory_space<hbm>>)
    %dma_start3A_421 = arith.constant 24 : i32
    %dma_start3A_422 = arith.constant 0 : i32
    %dma_start3A_423 = arith.constant 0 : i32
    %dma_start3A_424 = tpu.memref_slice %arg7[%dma_start3A_422, %dma_start3A_423] : memref<1024x32xf32, #tpu.memory_space<vmem>> -> memref<128x32xf32, #tpu.memory_space<vmem>>
    %dma_start3A_425 = arith.constant 0 : i32
    %dma_start3A_426 = tpu.memref_slice %arg5[%dma_start3A_421, %dma_start3A_425] : memref<80x128xi32, #tpu.memory_space<vmem>> -> memref<1x128xi32, #tpu.memory_space<vmem>>
    %dma_start3A_427 = tpu.memref_squeeze %dma_start3A_426 : memref<1x128xi32, #tpu.memory_space<vmem>> -> memref<128xi32, #tpu.memory_space<vmem>>
    %dma_start3A_428 = arith.constant 0 : i32
    %dma_start3A_429 = arith.constant 0 : i32
    %dma_start3A_430 = tpu.memref_slice %arg2[%dma_start3A_428, %dma_start3A_429] : memref<1000000x32xf32, #tpu.memory_space<hbm>> -> memref<1000000x32xf32, #tpu.memory_space<hbm>>
    tpu.enqueue_indirect_dma source(%dma_start3A_430 : memref<1000000x32xf32, #tpu.memory_space<hbm>>) target(%dma_start3A_424 : memref<128x32xf32, #tpu.memory_space<vmem>>) offsets(%dma_start3A_427 : memref<128xi32, #tpu.memory_space<vmem>>) semaphore(%arg9 : memref<!tpu.dma_semaphore, #tpu.memory_space<semaphore_mem>>)
    %dma_start3A_431 = arith.constant 25 : i32
    %dma_start3A_432 = arith.constant 128 : i32
    %dma_start3A_433 = arith.constant 0 : i32
    %dma_start3A_434 = tpu.memref_slice %arg7[%dma_start3A_432, %dma_start3A_433] : memref<1024x32xf32, #tpu.memory_space<vmem>> -> memref<128x32xf32, #tpu.memory_space<vmem>>
    %dma_start3A_435 = arith.constant 0 : i32
    %dma_start3A_436 = tpu.memref_slice %arg5[%dma_start3A_431, %dma_start3A_435] : memref<80x128xi32, #tpu.memory_space<vmem>> -> memref<1x128xi32, #tpu.memory_space<vmem>>
    %dma_start3A_437 = tpu.memref_squeeze %dma_start3A_436 : memref<1x128xi32, #tpu.memory_space<vmem>> -> memref<128xi32, #tpu.memory_space<vmem>>
    %dma_start3A_438 = arith.constant 0 : i32
    %dma_start3A_439 = arith.constant 0 : i32
    %dma_start3A_440 = tpu.memref_slice %arg2[%dma_start3A_438, %dma_start3A_439] : memref<1000000x32xf32, #tpu.memory_space<hbm>> -> memref<1000000x32xf32, #tpu.memory_space<hbm>>
    tpu.enqueue_indirect_dma source(%dma_start3A_440 : memref<1000000x32xf32, #tpu.memory_space<hbm>>) target(%dma_start3A_434 : memref<128x32xf32, #tpu.memory_space<vmem>>) offsets(%dma_start3A_437 : memref<128xi32, #tpu.memory_space<vmem>>) semaphore(%arg9 : memref<!tpu.dma_semaphore, #tpu.memory_space<semaphore_mem>>)
    %dma_start3A_441 = arith.constant 26 : i32
    %dma_start3A_442 = arith.constant 256 : i32
    %dma_start3A_443 = arith.constant 0 : i32
    %dma_start3A_444 = tpu.memref_slice %arg7[%dma_start3A_442, %dma_start3A_443] : memref<1024x32xf32, #tpu.memory_space<vmem>> -> memref<128x32xf32, #tpu.memory_space<vmem>>
    %dma_start3A_445 = arith.constant 0 : i32
    %dma_start3A_446 = tpu.memref_slice %arg5[%dma_start3A_441, %dma_start3A_445] : memref<80x128xi32, #tpu.memory_space<vmem>> -> memref<1x128xi32, #tpu.memory_space<vmem>>
    %dma_start3A_447 = tpu.memref_squeeze %dma_start3A_446 : memref<1x128xi32, #tpu.memory_space<vmem>> -> memref<128xi32, #tpu.memory_space<vmem>>
    %dma_start3A_448 = arith.constant 0 : i32
    %dma_start3A_449 = arith.constant 0 : i32
    %dma_start3A_450 = tpu.memref_slice %arg2[%dma_start3A_448, %dma_start3A_449] : memref<1000000x32xf32, #tpu.memory_space<hbm>> -> memref<1000000x32xf32, #tpu.memory_space<hbm>>
    tpu.enqueue_indirect_dma source(%dma_start3A_450 : memref<1000000x32xf32, #tpu.memory_space<hbm>>) target(%dma_start3A_444 : memref<128x32xf32, #tpu.memory_space<vmem>>) offsets(%dma_start3A_447 : memref<128xi32, #tpu.memory_space<vmem>>) semaphore(%arg9 : memref<!tpu.dma_semaphore, #tpu.memory_space<semaphore_mem>>)
    %dma_start3A_451 = arith.constant 27 : i32
    %dma_start3A_452 = arith.constant 384 : i32
    %dma_start3A_453 = arith.constant 0 : i32
    %dma_start3A_454 = tpu.memref_slice %arg7[%dma_start3A_452, %dma_start3A_453] : memref<1024x32xf32, #tpu.memory_space<vmem>> -> memref<128x32xf32, #tpu.memory_space<vmem>>
    %dma_start3A_455 = arith.constant 0 : i32
    %dma_start3A_456 = tpu.memref_slice %arg5[%dma_start3A_451, %dma_start3A_455] : memref<80x128xi32, #tpu.memory_space<vmem>> -> memref<1x128xi32, #tpu.memory_space<vmem>>
    %dma_start3A_457 = tpu.memref_squeeze %dma_start3A_456 : memref<1x128xi32, #tpu.memory_space<vmem>> -> memref<128xi32, #tpu.memory_space<vmem>>
    %dma_start3A_458 = arith.constant 0 : i32
    %dma_start3A_459 = arith.constant 0 : i32
    %dma_start3A_460 = tpu.memref_slice %arg2[%dma_start3A_458, %dma_start3A_459] : memref<1000000x32xf32, #tpu.memory_space<hbm>> -> memref<1000000x32xf32, #tpu.memory_space<hbm>>
    tpu.enqueue_indirect_dma source(%dma_start3A_460 : memref<1000000x32xf32, #tpu.memory_space<hbm>>) target(%dma_start3A_454 : memref<128x32xf32, #tpu.memory_space<vmem>>) offsets(%dma_start3A_457 : memref<128xi32, #tpu.memory_space<vmem>>) semaphore(%arg9 : memref<!tpu.dma_semaphore, #tpu.memory_space<semaphore_mem>>)
    %dma_start3A_461 = arith.constant 28 : i32
    %dma_start3A_462 = arith.constant 512 : i32
    %dma_start3A_463 = arith.constant 0 : i32
    %dma_start3A_464 = tpu.memref_slice %arg7[%dma_start3A_462, %dma_start3A_463] : memref<1024x32xf32, #tpu.memory_space<vmem>> -> memref<128x32xf32, #tpu.memory_space<vmem>>
    %dma_start3A_465 = arith.constant 0 : i32
    %dma_start3A_466 = tpu.memref_slice %arg5[%dma_start3A_461, %dma_start3A_465] : memref<80x128xi32, #tpu.memory_space<vmem>> -> memref<1x128xi32, #tpu.memory_space<vmem>>
    %dma_start3A_467 = tpu.memref_squeeze %dma_start3A_466 : memref<1x128xi32, #tpu.memory_space<vmem>> -> memref<128xi32, #tpu.memory_space<vmem>>
    %dma_start3A_468 = arith.constant 0 : i32
    %dma_start3A_469 = arith.constant 0 : i32
    %dma_start3A_470 = tpu.memref_slice %arg2[%dma_start3A_468, %dma_start3A_469] : memref<1000000x32xf32, #tpu.memory_space<hbm>> -> memref<1000000x32xf32, #tpu.memory_space<hbm>>
    tpu.enqueue_indirect_dma source(%dma_start3A_470 : memref<1000000x32xf32, #tpu.memory_space<hbm>>) target(%dma_start3A_464 : memref<128x32xf32, #tpu.memory_space<vmem>>) offsets(%dma_start3A_467 : memref<128xi32, #tpu.memory_space<vmem>>) semaphore(%arg9 : memref<!tpu.dma_semaphore, #tpu.memory_space<semaphore_mem>>)
    %dma_start3A_471 = arith.constant 29 : i32
    %dma_start3A_472 = arith.constant 640 : i32
    %dma_start3A_473 = arith.constant 0 : i32
    %dma_start3A_474 = tpu.memref_slice %arg7[%dma_start3A_472, %dma_start3A_473] : memref<1024x32xf32, #tpu.memory_space<vmem>> -> memref<128x32xf32, #tpu.memory_space<vmem>>
    %dma_start3A_475 = arith.constant 0 : i32
    %dma_start3A_476 = tpu.memref_slice %arg5[%dma_start3A_471, %dma_start3A_475] : memref<80x128xi32, #tpu.memory_space<vmem>> -> memref<1x128xi32, #tpu.memory_space<vmem>>
    %dma_start3A_477 = tpu.memref_squeeze %dma_start3A_476 : memref<1x128xi32, #tpu.memory_space<vmem>> -> memref<128xi32, #tpu.memory_space<vmem>>
    %dma_start3A_478 = arith.constant 0 : i32
    %dma_start3A_479 = arith.constant 0 : i32
    %dma_start3A_480 = tpu.memref_slice %arg2[%dma_start3A_478, %dma_start3A_479] : memref<1000000x32xf32, #tpu.memory_space<hbm>> -> memref<1000000x32xf32, #tpu.memory_space<hbm>>
    tpu.enqueue_indirect_dma source(%dma_start3A_480 : memref<1000000x32xf32, #tpu.memory_space<hbm>>) target(%dma_start3A_474 : memref<128x32xf32, #tpu.memory_space<vmem>>) offsets(%dma_start3A_477 : memref<128xi32, #tpu.memory_space<vmem>>) semaphore(%arg9 : memref<!tpu.dma_semaphore, #tpu.memory_space<semaphore_mem>>)
    %dma_start3A_481 = arith.constant 30 : i32
    %dma_start3A_482 = arith.constant 768 : i32
    %dma_start3A_483 = arith.constant 0 : i32
    %dma_start3A_484 = tpu.memref_slice %arg7[%dma_start3A_482, %dma_start3A_483] : memref<1024x32xf32, #tpu.memory_space<vmem>> -> memref<128x32xf32, #tpu.memory_space<vmem>>
    %dma_start3A_485 = arith.constant 0 : i32
    %dma_start3A_486 = tpu.memref_slice %arg5[%dma_start3A_481, %dma_start3A_485] : memref<80x128xi32, #tpu.memory_space<vmem>> -> memref<1x128xi32, #tpu.memory_space<vmem>>
    %dma_start3A_487 = tpu.memref_squeeze %dma_start3A_486 : memref<1x128xi32, #tpu.memory_space<vmem>> -> memref<128xi32, #tpu.memory_space<vmem>>
    %dma_start3A_488 = arith.constant 0 : i32
    %dma_start3A_489 = arith.constant 0 : i32
    %dma_start3A_490 = tpu.memref_slice %arg2[%dma_start3A_488, %dma_start3A_489] : memref<1000000x32xf32, #tpu.memory_space<hbm>> -> memref<1000000x32xf32, #tpu.memory_space<hbm>>
    tpu.enqueue_indirect_dma source(%dma_start3A_490 : memref<1000000x32xf32, #tpu.memory_space<hbm>>) target(%dma_start3A_484 : memref<128x32xf32, #tpu.memory_space<vmem>>) offsets(%dma_start3A_487 : memref<128xi32, #tpu.memory_space<vmem>>) semaphore(%arg9 : memref<!tpu.dma_semaphore, #tpu.memory_space<semaphore_mem>>)
    %dma_start3A_491 = arith.constant 31 : i32
    %dma_start3A_492 = arith.constant 896 : i32
    %dma_start3A_493 = arith.constant 0 : i32
    %dma_start3A_494 = tpu.memref_slice %arg7[%dma_start3A_492, %dma_start3A_493] : memref<1024x32xf32, #tpu.memory_space<vmem>> -> memref<128x32xf32, #tpu.memory_space<vmem>>
    %dma_start3A_495 = arith.constant 0 : i32
    %dma_start3A_496 = tpu.memref_slice %arg5[%dma_start3A_491, %dma_start3A_495] : memref<80x128xi32, #tpu.memory_space<vmem>> -> memref<1x128xi32, #tpu.memory_space<vmem>>
    %dma_start3A_497 = tpu.memref_squeeze %dma_start3A_496 : memref<1x128xi32, #tpu.memory_space<vmem>> -> memref<128xi32, #tpu.memory_space<vmem>>
    %dma_start3A_498 = arith.constant 0 : i32
    %dma_start3A_499 = arith.constant 0 : i32
    %dma_start3A_500 = tpu.memref_slice %arg2[%dma_start3A_498, %dma_start3A_499] : memref<1000000x32xf32, #tpu.memory_space<hbm>> -> memref<1000000x32xf32, #tpu.memory_space<hbm>>
    tpu.enqueue_indirect_dma source(%dma_start3A_500 : memref<1000000x32xf32, #tpu.memory_space<hbm>>) target(%dma_start3A_494 : memref<128x32xf32, #tpu.memory_space<vmem>>) offsets(%dma_start3A_497 : memref<128xi32, #tpu.memory_space<vmem>>) semaphore(%arg9 : memref<!tpu.dma_semaphore, #tpu.memory_space<semaphore_mem>>)
    %dma_wait3A_501 = arith.constant 16 : i32
    %dma_wait3A_502 = arith.constant 0 : i32
    %dma_wait3A_503 = arith.constant 0 : i32
    %dma_wait3A_504 = tpu.memref_slice %arg6[%dma_wait3A_502, %dma_wait3A_503] : memref<1024x32xf32, #tpu.memory_space<vmem>> -> memref<128x32xf32, #tpu.memory_space<vmem>>
    %dma_wait3A_505 = arith.constant 0 : i32
    %dma_wait3A_506 = tpu.memref_slice %arg5[%dma_wait3A_501, %dma_wait3A_505] : memref<80x128xi32, #tpu.memory_space<vmem>> -> memref<1x128xi32, #tpu.memory_space<vmem>>
    %dma_wait3A_507 = tpu.memref_squeeze %dma_wait3A_506 : memref<1x128xi32, #tpu.memory_space<vmem>> -> memref<128xi32, #tpu.memory_space<vmem>>
    %dma_wait3A_508 = arith.constant 0 : i32
    %dma_wait3A_509 = arith.constant 0 : i32
    %dma_wait3A_510 = tpu.memref_slice %arg2[%dma_wait3A_508, %dma_wait3A_509] : memref<1000000x32xf32, #tpu.memory_space<hbm>> -> memref<1000000x32xf32, #tpu.memory_space<hbm>>
    tpu.wait_indirect_dma semaphore(%arg8 : memref<!tpu.dma_semaphore, #tpu.memory_space<semaphore_mem>>) src(%dma_wait3A_510 : memref<1000000x32xf32, #tpu.memory_space<hbm>>) dst(%dma_wait3A_504 : memref<128x32xf32, #tpu.memory_space<vmem>>)
    %dma_wait3A_511 = arith.constant 17 : i32
    %dma_wait3A_512 = arith.constant 128 : i32
    %dma_wait3A_513 = arith.constant 0 : i32
    %dma_wait3A_514 = tpu.memref_slice %arg6[%dma_wait3A_512, %dma_wait3A_513] : memref<1024x32xf32, #tpu.memory_space<vmem>> -> memref<128x32xf32, #tpu.memory_space<vmem>>
    %dma_wait3A_515 = arith.constant 0 : i32
    %dma_wait3A_516 = tpu.memref_slice %arg5[%dma_wait3A_511, %dma_wait3A_515] : memref<80x128xi32, #tpu.memory_space<vmem>> -> memref<1x128xi32, #tpu.memory_space<vmem>>
    %dma_wait3A_517 = tpu.memref_squeeze %dma_wait3A_516 : memref<1x128xi32, #tpu.memory_space<vmem>> -> memref<128xi32, #tpu.memory_space<vmem>>
    %dma_wait3A_518 = arith.constant 0 : i32
    %dma_wait3A_519 = arith.constant 0 : i32
    %dma_wait3A_520 = tpu.memref_slice %arg2[%dma_wait3A_518, %dma_wait3A_519] : memref<1000000x32xf32, #tpu.memory_space<hbm>> -> memref<1000000x32xf32, #tpu.memory_space<hbm>>
    tpu.wait_indirect_dma semaphore(%arg8 : memref<!tpu.dma_semaphore, #tpu.memory_space<semaphore_mem>>) src(%dma_wait3A_520 : memref<1000000x32xf32, #tpu.memory_space<hbm>>) dst(%dma_wait3A_514 : memref<128x32xf32, #tpu.memory_space<vmem>>)
    %dma_wait3A_521 = arith.constant 18 : i32
    %dma_wait3A_522 = arith.constant 256 : i32
    %dma_wait3A_523 = arith.constant 0 : i32
    %dma_wait3A_524 = tpu.memref_slice %arg6[%dma_wait3A_522, %dma_wait3A_523] : memref<1024x32xf32, #tpu.memory_space<vmem>> -> memref<128x32xf32, #tpu.memory_space<vmem>>
    %dma_wait3A_525 = arith.constant 0 : i32
    %dma_wait3A_526 = tpu.memref_slice %arg5[%dma_wait3A_521, %dma_wait3A_525] : memref<80x128xi32, #tpu.memory_space<vmem>> -> memref<1x128xi32, #tpu.memory_space<vmem>>
    %dma_wait3A_527 = tpu.memref_squeeze %dma_wait3A_526 : memref<1x128xi32, #tpu.memory_space<vmem>> -> memref<128xi32, #tpu.memory_space<vmem>>
    %dma_wait3A_528 = arith.constant 0 : i32
    %dma_wait3A_529 = arith.constant 0 : i32
    %dma_wait3A_530 = tpu.memref_slice %arg2[%dma_wait3A_528, %dma_wait3A_529] : memref<1000000x32xf32, #tpu.memory_space<hbm>> -> memref<1000000x32xf32, #tpu.memory_space<hbm>>
    tpu.wait_indirect_dma semaphore(%arg8 : memref<!tpu.dma_semaphore, #tpu.memory_space<semaphore_mem>>) src(%dma_wait3A_530 : memref<1000000x32xf32, #tpu.memory_space<hbm>>) dst(%dma_wait3A_524 : memref<128x32xf32, #tpu.memory_space<vmem>>)
    %dma_wait3A_531 = arith.constant 19 : i32
    %dma_wait3A_532 = arith.constant 384 : i32
    %dma_wait3A_533 = arith.constant 0 : i32
    %dma_wait3A_534 = tpu.memref_slice %arg6[%dma_wait3A_532, %dma_wait3A_533] : memref<1024x32xf32, #tpu.memory_space<vmem>> -> memref<128x32xf32, #tpu.memory_space<vmem>>
    %dma_wait3A_535 = arith.constant 0 : i32
    %dma_wait3A_536 = tpu.memref_slice %arg5[%dma_wait3A_531, %dma_wait3A_535] : memref<80x128xi32, #tpu.memory_space<vmem>> -> memref<1x128xi32, #tpu.memory_space<vmem>>
    %dma_wait3A_537 = tpu.memref_squeeze %dma_wait3A_536 : memref<1x128xi32, #tpu.memory_space<vmem>> -> memref<128xi32, #tpu.memory_space<vmem>>
    %dma_wait3A_538 = arith.constant 0 : i32
    %dma_wait3A_539 = arith.constant 0 : i32
    %dma_wait3A_540 = tpu.memref_slice %arg2[%dma_wait3A_538, %dma_wait3A_539] : memref<1000000x32xf32, #tpu.memory_space<hbm>> -> memref<1000000x32xf32, #tpu.memory_space<hbm>>
    tpu.wait_indirect_dma semaphore(%arg8 : memref<!tpu.dma_semaphore, #tpu.memory_space<semaphore_mem>>) src(%dma_wait3A_540 : memref<1000000x32xf32, #tpu.memory_space<hbm>>) dst(%dma_wait3A_534 : memref<128x32xf32, #tpu.memory_space<vmem>>)
    %dma_wait3A_541 = arith.constant 20 : i32
    %dma_wait3A_542 = arith.constant 512 : i32
    %dma_wait3A_543 = arith.constant 0 : i32
    %dma_wait3A_544 = tpu.memref_slice %arg6[%dma_wait3A_542, %dma_wait3A_543] : memref<1024x32xf32, #tpu.memory_space<vmem>> -> memref<128x32xf32, #tpu.memory_space<vmem>>
    %dma_wait3A_545 = arith.constant 0 : i32
    %dma_wait3A_546 = tpu.memref_slice %arg5[%dma_wait3A_541, %dma_wait3A_545] : memref<80x128xi32, #tpu.memory_space<vmem>> -> memref<1x128xi32, #tpu.memory_space<vmem>>
    %dma_wait3A_547 = tpu.memref_squeeze %dma_wait3A_546 : memref<1x128xi32, #tpu.memory_space<vmem>> -> memref<128xi32, #tpu.memory_space<vmem>>
    %dma_wait3A_548 = arith.constant 0 : i32
    %dma_wait3A_549 = arith.constant 0 : i32
    %dma_wait3A_550 = tpu.memref_slice %arg2[%dma_wait3A_548, %dma_wait3A_549] : memref<1000000x32xf32, #tpu.memory_space<hbm>> -> memref<1000000x32xf32, #tpu.memory_space<hbm>>
    tpu.wait_indirect_dma semaphore(%arg8 : memref<!tpu.dma_semaphore, #tpu.memory_space<semaphore_mem>>) src(%dma_wait3A_550 : memref<1000000x32xf32, #tpu.memory_space<hbm>>) dst(%dma_wait3A_544 : memref<128x32xf32, #tpu.memory_space<vmem>>)
    %dma_wait3A_551 = arith.constant 21 : i32
    %dma_wait3A_552 = arith.constant 640 : i32
    %dma_wait3A_553 = arith.constant 0 : i32
    %dma_wait3A_554 = tpu.memref_slice %arg6[%dma_wait3A_552, %dma_wait3A_553] : memref<1024x32xf32, #tpu.memory_space<vmem>> -> memref<128x32xf32, #tpu.memory_space<vmem>>
    %dma_wait3A_555 = arith.constant 0 : i32
    %dma_wait3A_556 = tpu.memref_slice %arg5[%dma_wait3A_551, %dma_wait3A_555] : memref<80x128xi32, #tpu.memory_space<vmem>> -> memref<1x128xi32, #tpu.memory_space<vmem>>
    %dma_wait3A_557 = tpu.memref_squeeze %dma_wait3A_556 : memref<1x128xi32, #tpu.memory_space<vmem>> -> memref<128xi32, #tpu.memory_space<vmem>>
    %dma_wait3A_558 = arith.constant 0 : i32
    %dma_wait3A_559 = arith.constant 0 : i32
    %dma_wait3A_560 = tpu.memref_slice %arg2[%dma_wait3A_558, %dma_wait3A_559] : memref<1000000x32xf32, #tpu.memory_space<hbm>> -> memref<1000000x32xf32, #tpu.memory_space<hbm>>
    tpu.wait_indirect_dma semaphore(%arg8 : memref<!tpu.dma_semaphore, #tpu.memory_space<semaphore_mem>>) src(%dma_wait3A_560 : memref<1000000x32xf32, #tpu.memory_space<hbm>>) dst(%dma_wait3A_554 : memref<128x32xf32, #tpu.memory_space<vmem>>)
    %dma_wait3A_561 = arith.constant 22 : i32
    %dma_wait3A_562 = arith.constant 768 : i32
    %dma_wait3A_563 = arith.constant 0 : i32
    %dma_wait3A_564 = tpu.memref_slice %arg6[%dma_wait3A_562, %dma_wait3A_563] : memref<1024x32xf32, #tpu.memory_space<vmem>> -> memref<128x32xf32, #tpu.memory_space<vmem>>
    %dma_wait3A_565 = arith.constant 0 : i32
    %dma_wait3A_566 = tpu.memref_slice %arg5[%dma_wait3A_561, %dma_wait3A_565] : memref<80x128xi32, #tpu.memory_space<vmem>> -> memref<1x128xi32, #tpu.memory_space<vmem>>
    %dma_wait3A_567 = tpu.memref_squeeze %dma_wait3A_566 : memref<1x128xi32, #tpu.memory_space<vmem>> -> memref<128xi32, #tpu.memory_space<vmem>>
    %dma_wait3A_568 = arith.constant 0 : i32
    %dma_wait3A_569 = arith.constant 0 : i32
    %dma_wait3A_570 = tpu.memref_slice %arg2[%dma_wait3A_568, %dma_wait3A_569] : memref<1000000x32xf32, #tpu.memory_space<hbm>> -> memref<1000000x32xf32, #tpu.memory_space<hbm>>
    tpu.wait_indirect_dma semaphore(%arg8 : memref<!tpu.dma_semaphore, #tpu.memory_space<semaphore_mem>>) src(%dma_wait3A_570 : memref<1000000x32xf32, #tpu.memory_space<hbm>>) dst(%dma_wait3A_564 : memref<128x32xf32, #tpu.memory_space<vmem>>)
    %dma_wait3A_571 = arith.constant 23 : i32
    %dma_wait3A_572 = arith.constant 896 : i32
    %dma_wait3A_573 = arith.constant 0 : i32
    %dma_wait3A_574 = tpu.memref_slice %arg6[%dma_wait3A_572, %dma_wait3A_573] : memref<1024x32xf32, #tpu.memory_space<vmem>> -> memref<128x32xf32, #tpu.memory_space<vmem>>
    %dma_wait3A_575 = arith.constant 0 : i32
    %dma_wait3A_576 = tpu.memref_slice %arg5[%dma_wait3A_571, %dma_wait3A_575] : memref<80x128xi32, #tpu.memory_space<vmem>> -> memref<1x128xi32, #tpu.memory_space<vmem>>
    %dma_wait3A_577 = tpu.memref_squeeze %dma_wait3A_576 : memref<1x128xi32, #tpu.memory_space<vmem>> -> memref<128xi32, #tpu.memory_space<vmem>>
    %dma_wait3A_578 = arith.constant 0 : i32
    %dma_wait3A_579 = arith.constant 0 : i32
    %dma_wait3A_580 = tpu.memref_slice %arg2[%dma_wait3A_578, %dma_wait3A_579] : memref<1000000x32xf32, #tpu.memory_space<hbm>> -> memref<1000000x32xf32, #tpu.memory_space<hbm>>
    tpu.wait_indirect_dma semaphore(%arg8 : memref<!tpu.dma_semaphore, #tpu.memory_space<semaphore_mem>>) src(%dma_wait3A_580 : memref<1000000x32xf32, #tpu.memory_space<hbm>>) dst(%dma_wait3A_574 : memref<128x32xf32, #tpu.memory_space<vmem>>)
    %add3A_581 = arith.constant 2048 : i32
    %add3A_582 = arith.addi %mul3A_2, %add3A_581 : i32
    %dma_start3A_583 = arith.constant 0 : i32
    %dma_start3A_584 = tpu.memref_slice %arg4[%add3A_582, %dma_start3A_583] : memref<327680x32xf32, #tpu.memory_space<hbm>> -> memref<1024x32xf32, #tpu.memory_space<hbm>>
    %dma_start3A_585 = arith.constant 0 : i32
    %dma_start3A_586 = tpu.memref_slice %arg4[%add3A_582, %dma_start3A_585] : memref<327680x32xf32, #tpu.memory_space<hbm>> -> memref<1024x32xf32, #tpu.memory_space<hbm>>
    tpu.enqueue_dma source(%arg6 : memref<1024x32xf32, #tpu.memory_space<vmem>>) target(%dma_start3A_586 : memref<1024x32xf32, #tpu.memory_space<hbm>>) target_semaphore(%arg10 : memref<!tpu.dma_semaphore, #tpu.memory_space<semaphore_mem>>)
    %dma_wait3A_587 = arith.constant 0 : i32
    %dma_wait3A_588 = tpu.memref_slice %arg4[%add3A_582, %dma_wait3A_587] : memref<327680x32xf32, #tpu.memory_space<hbm>> -> memref<1024x32xf32, #tpu.memory_space<hbm>>
    %dma_wait3A_589 = arith.constant 0 : i32
    %dma_wait3A_590 = tpu.memref_slice %arg4[%add3A_582, %dma_wait3A_589] : memref<327680x32xf32, #tpu.memory_space<hbm>> -> memref<1024x32xf32, #tpu.memory_space<hbm>>
    tpu.wait_dma2 semaphore(%arg10 : memref<!tpu.dma_semaphore, #tpu.memory_space<semaphore_mem>>) src(%arg6 : memref<1024x32xf32, #tpu.memory_space<vmem>>) dst(%dma_wait3A_590 : memref<1024x32xf32, #tpu.memory_space<hbm>>)
    %dma_start3A_591 = arith.constant 32 : i32
    %dma_start3A_592 = arith.constant 0 : i32
    %dma_start3A_593 = arith.constant 0 : i32
    %dma_start3A_594 = tpu.memref_slice %arg6[%dma_start3A_592, %dma_start3A_593] : memref<1024x32xf32, #tpu.memory_space<vmem>> -> memref<128x32xf32, #tpu.memory_space<vmem>>
    %dma_start3A_595 = arith.constant 0 : i32
    %dma_start3A_596 = tpu.memref_slice %arg5[%dma_start3A_591, %dma_start3A_595] : memref<80x128xi32, #tpu.memory_space<vmem>> -> memref<1x128xi32, #tpu.memory_space<vmem>>
    %dma_start3A_597 = tpu.memref_squeeze %dma_start3A_596 : memref<1x128xi32, #tpu.memory_space<vmem>> -> memref<128xi32, #tpu.memory_space<vmem>>
    %dma_start3A_598 = arith.constant 0 : i32
    %dma_start3A_599 = arith.constant 0 : i32
    %dma_start3A_600 = tpu.memref_slice %arg2[%dma_start3A_598, %dma_start3A_599] : memref<1000000x32xf32, #tpu.memory_space<hbm>> -> memref<1000000x32xf32, #tpu.memory_space<hbm>>
    tpu.enqueue_indirect_dma source(%dma_start3A_600 : memref<1000000x32xf32, #tpu.memory_space<hbm>>) target(%dma_start3A_594 : memref<128x32xf32, #tpu.memory_space<vmem>>) offsets(%dma_start3A_597 : memref<128xi32, #tpu.memory_space<vmem>>) semaphore(%arg8 : memref<!tpu.dma_semaphore, #tpu.memory_space<semaphore_mem>>)
    %dma_start3A_601 = arith.constant 33 : i32
    %dma_start3A_602 = arith.constant 128 : i32
    %dma_start3A_603 = arith.constant 0 : i32
    %dma_start3A_604 = tpu.memref_slice %arg6[%dma_start3A_602, %dma_start3A_603] : memref<1024x32xf32, #tpu.memory_space<vmem>> -> memref<128x32xf32, #tpu.memory_space<vmem>>
    %dma_start3A_605 = arith.constant 0 : i32
    %dma_start3A_606 = tpu.memref_slice %arg5[%dma_start3A_601, %dma_start3A_605] : memref<80x128xi32, #tpu.memory_space<vmem>> -> memref<1x128xi32, #tpu.memory_space<vmem>>
    %dma_start3A_607 = tpu.memref_squeeze %dma_start3A_606 : memref<1x128xi32, #tpu.memory_space<vmem>> -> memref<128xi32, #tpu.memory_space<vmem>>
    %dma_start3A_608 = arith.constant 0 : i32
    %dma_start3A_609 = arith.constant 0 : i32
    %dma_start3A_610 = tpu.memref_slice %arg2[%dma_start3A_608, %dma_start3A_609] : memref<1000000x32xf32, #tpu.memory_space<hbm>> -> memref<1000000x32xf32, #tpu.memory_space<hbm>>
    tpu.enqueue_indirect_dma source(%dma_start3A_610 : memref<1000000x32xf32, #tpu.memory_space<hbm>>) target(%dma_start3A_604 : memref<128x32xf32, #tpu.memory_space<vmem>>) offsets(%dma_start3A_607 : memref<128xi32, #tpu.memory_space<vmem>>) semaphore(%arg8 : memref<!tpu.dma_semaphore, #tpu.memory_space<semaphore_mem>>)
    %dma_start3A_611 = arith.constant 34 : i32
    %dma_start3A_612 = arith.constant 256 : i32
    %dma_start3A_613 = arith.constant 0 : i32
    %dma_start3A_614 = tpu.memref_slice %arg6[%dma_start3A_612, %dma_start3A_613] : memref<1024x32xf32, #tpu.memory_space<vmem>> -> memref<128x32xf32, #tpu.memory_space<vmem>>
    %dma_start3A_615 = arith.constant 0 : i32
    %dma_start3A_616 = tpu.memref_slice %arg5[%dma_start3A_611, %dma_start3A_615] : memref<80x128xi32, #tpu.memory_space<vmem>> -> memref<1x128xi32, #tpu.memory_space<vmem>>
    %dma_start3A_617 = tpu.memref_squeeze %dma_start3A_616 : memref<1x128xi32, #tpu.memory_space<vmem>> -> memref<128xi32, #tpu.memory_space<vmem>>
    %dma_start3A_618 = arith.constant 0 : i32
    %dma_start3A_619 = arith.constant 0 : i32
    %dma_start3A_620 = tpu.memref_slice %arg2[%dma_start3A_618, %dma_start3A_619] : memref<1000000x32xf32, #tpu.memory_space<hbm>> -> memref<1000000x32xf32, #tpu.memory_space<hbm>>
    tpu.enqueue_indirect_dma source(%dma_start3A_620 : memref<1000000x32xf32, #tpu.memory_space<hbm>>) target(%dma_start3A_614 : memref<128x32xf32, #tpu.memory_space<vmem>>) offsets(%dma_start3A_617 : memref<128xi32, #tpu.memory_space<vmem>>) semaphore(%arg8 : memref<!tpu.dma_semaphore, #tpu.memory_space<semaphore_mem>>)
    %dma_start3A_621 = arith.constant 35 : i32
    %dma_start3A_622 = arith.constant 384 : i32
    %dma_start3A_623 = arith.constant 0 : i32
    %dma_start3A_624 = tpu.memref_slice %arg6[%dma_start3A_622, %dma_start3A_623] : memref<1024x32xf32, #tpu.memory_space<vmem>> -> memref<128x32xf32, #tpu.memory_space<vmem>>
    %dma_start3A_625 = arith.constant 0 : i32
    %dma_start3A_626 = tpu.memref_slice %arg5[%dma_start3A_621, %dma_start3A_625] : memref<80x128xi32, #tpu.memory_space<vmem>> -> memref<1x128xi32, #tpu.memory_space<vmem>>
    %dma_start3A_627 = tpu.memref_squeeze %dma_start3A_626 : memref<1x128xi32, #tpu.memory_space<vmem>> -> memref<128xi32, #tpu.memory_space<vmem>>
    %dma_start3A_628 = arith.constant 0 : i32
    %dma_start3A_629 = arith.constant 0 : i32
    %dma_start3A_630 = tpu.memref_slice %arg2[%dma_start3A_628, %dma_start3A_629] : memref<1000000x32xf32, #tpu.memory_space<hbm>> -> memref<1000000x32xf32, #tpu.memory_space<hbm>>
    tpu.enqueue_indirect_dma source(%dma_start3A_630 : memref<1000000x32xf32, #tpu.memory_space<hbm>>) target(%dma_start3A_624 : memref<128x32xf32, #tpu.memory_space<vmem>>) offsets(%dma_start3A_627 : memref<128xi32, #tpu.memory_space<vmem>>) semaphore(%arg8 : memref<!tpu.dma_semaphore, #tpu.memory_space<semaphore_mem>>)
    %dma_start3A_631 = arith.constant 36 : i32
    %dma_start3A_632 = arith.constant 512 : i32
    %dma_start3A_633 = arith.constant 0 : i32
    %dma_start3A_634 = tpu.memref_slice %arg6[%dma_start3A_632, %dma_start3A_633] : memref<1024x32xf32, #tpu.memory_space<vmem>> -> memref<128x32xf32, #tpu.memory_space<vmem>>
    %dma_start3A_635 = arith.constant 0 : i32
    %dma_start3A_636 = tpu.memref_slice %arg5[%dma_start3A_631, %dma_start3A_635] : memref<80x128xi32, #tpu.memory_space<vmem>> -> memref<1x128xi32, #tpu.memory_space<vmem>>
    %dma_start3A_637 = tpu.memref_squeeze %dma_start3A_636 : memref<1x128xi32, #tpu.memory_space<vmem>> -> memref<128xi32, #tpu.memory_space<vmem>>
    %dma_start3A_638 = arith.constant 0 : i32
    %dma_start3A_639 = arith.constant 0 : i32
    %dma_start3A_640 = tpu.memref_slice %arg2[%dma_start3A_638, %dma_start3A_639] : memref<1000000x32xf32, #tpu.memory_space<hbm>> -> memref<1000000x32xf32, #tpu.memory_space<hbm>>
    tpu.enqueue_indirect_dma source(%dma_start3A_640 : memref<1000000x32xf32, #tpu.memory_space<hbm>>) target(%dma_start3A_634 : memref<128x32xf32, #tpu.memory_space<vmem>>) offsets(%dma_start3A_637 : memref<128xi32, #tpu.memory_space<vmem>>) semaphore(%arg8 : memref<!tpu.dma_semaphore, #tpu.memory_space<semaphore_mem>>)
    %dma_start3A_641 = arith.constant 37 : i32
    %dma_start3A_642 = arith.constant 640 : i32
    %dma_start3A_643 = arith.constant 0 : i32
    %dma_start3A_644 = tpu.memref_slice %arg6[%dma_start3A_642, %dma_start3A_643] : memref<1024x32xf32, #tpu.memory_space<vmem>> -> memref<128x32xf32, #tpu.memory_space<vmem>>
    %dma_start3A_645 = arith.constant 0 : i32
    %dma_start3A_646 = tpu.memref_slice %arg5[%dma_start3A_641, %dma_start3A_645] : memref<80x128xi32, #tpu.memory_space<vmem>> -> memref<1x128xi32, #tpu.memory_space<vmem>>
    %dma_start3A_647 = tpu.memref_squeeze %dma_start3A_646 : memref<1x128xi32, #tpu.memory_space<vmem>> -> memref<128xi32, #tpu.memory_space<vmem>>
    %dma_start3A_648 = arith.constant 0 : i32
    %dma_start3A_649 = arith.constant 0 : i32
    %dma_start3A_650 = tpu.memref_slice %arg2[%dma_start3A_648, %dma_start3A_649] : memref<1000000x32xf32, #tpu.memory_space<hbm>> -> memref<1000000x32xf32, #tpu.memory_space<hbm>>
    tpu.enqueue_indirect_dma source(%dma_start3A_650 : memref<1000000x32xf32, #tpu.memory_space<hbm>>) target(%dma_start3A_644 : memref<128x32xf32, #tpu.memory_space<vmem>>) offsets(%dma_start3A_647 : memref<128xi32, #tpu.memory_space<vmem>>) semaphore(%arg8 : memref<!tpu.dma_semaphore, #tpu.memory_space<semaphore_mem>>)
    %dma_start3A_651 = arith.constant 38 : i32
    %dma_start3A_652 = arith.constant 768 : i32
    %dma_start3A_653 = arith.constant 0 : i32
    %dma_start3A_654 = tpu.memref_slice %arg6[%dma_start3A_652, %dma_start3A_653] : memref<1024x32xf32, #tpu.memory_space<vmem>> -> memref<128x32xf32, #tpu.memory_space<vmem>>
    %dma_start3A_655 = arith.constant 0 : i32
    %dma_start3A_656 = tpu.memref_slice %arg5[%dma_start3A_651, %dma_start3A_655] : memref<80x128xi32, #tpu.memory_space<vmem>> -> memref<1x128xi32, #tpu.memory_space<vmem>>
    %dma_start3A_657 = tpu.memref_squeeze %dma_start3A_656 : memref<1x128xi32, #tpu.memory_space<vmem>> -> memref<128xi32, #tpu.memory_space<vmem>>
    %dma_start3A_658 = arith.constant 0 : i32
    %dma_start3A_659 = arith.constant 0 : i32
    %dma_start3A_660 = tpu.memref_slice %arg2[%dma_start3A_658, %dma_start3A_659] : memref<1000000x32xf32, #tpu.memory_space<hbm>> -> memref<1000000x32xf32, #tpu.memory_space<hbm>>
    tpu.enqueue_indirect_dma source(%dma_start3A_660 : memref<1000000x32xf32, #tpu.memory_space<hbm>>) target(%dma_start3A_654 : memref<128x32xf32, #tpu.memory_space<vmem>>) offsets(%dma_start3A_657 : memref<128xi32, #tpu.memory_space<vmem>>) semaphore(%arg8 : memref<!tpu.dma_semaphore, #tpu.memory_space<semaphore_mem>>)
    %dma_start3A_661 = arith.constant 39 : i32
    %dma_start3A_662 = arith.constant 896 : i32
    %dma_start3A_663 = arith.constant 0 : i32
    %dma_start3A_664 = tpu.memref_slice %arg6[%dma_start3A_662, %dma_start3A_663] : memref<1024x32xf32, #tpu.memory_space<vmem>> -> memref<128x32xf32, #tpu.memory_space<vmem>>
    %dma_start3A_665 = arith.constant 0 : i32
    %dma_start3A_666 = tpu.memref_slice %arg5[%dma_start3A_661, %dma_start3A_665] : memref<80x128xi32, #tpu.memory_space<vmem>> -> memref<1x128xi32, #tpu.memory_space<vmem>>
    %dma_start3A_667 = tpu.memref_squeeze %dma_start3A_666 : memref<1x128xi32, #tpu.memory_space<vmem>> -> memref<128xi32, #tpu.memory_space<vmem>>
    %dma_start3A_668 = arith.constant 0 : i32
    %dma_start3A_669 = arith.constant 0 : i32
    %dma_start3A_670 = tpu.memref_slice %arg2[%dma_start3A_668, %dma_start3A_669] : memref<1000000x32xf32, #tpu.memory_space<hbm>> -> memref<1000000x32xf32, #tpu.memory_space<hbm>>
    tpu.enqueue_indirect_dma source(%dma_start3A_670 : memref<1000000x32xf32, #tpu.memory_space<hbm>>) target(%dma_start3A_664 : memref<128x32xf32, #tpu.memory_space<vmem>>) offsets(%dma_start3A_667 : memref<128xi32, #tpu.memory_space<vmem>>) semaphore(%arg8 : memref<!tpu.dma_semaphore, #tpu.memory_space<semaphore_mem>>)
    %dma_wait3A_671 = arith.constant 24 : i32
    %dma_wait3A_672 = arith.constant 0 : i32
    %dma_wait3A_673 = arith.constant 0 : i32
    %dma_wait3A_674 = tpu.memref_slice %arg7[%dma_wait3A_672, %dma_wait3A_673] : memref<1024x32xf32, #tpu.memory_space<vmem>> -> memref<128x32xf32, #tpu.memory_space<vmem>>
    %dma_wait3A_675 = arith.constant 0 : i32
    %dma_wait3A_676 = tpu.memref_slice %arg5[%dma_wait3A_671, %dma_wait3A_675] : memref<80x128xi32, #tpu.memory_space<vmem>> -> memref<1x128xi32, #tpu.memory_space<vmem>>
    %dma_wait3A_677 = tpu.memref_squeeze %dma_wait3A_676 : memref<1x128xi32, #tpu.memory_space<vmem>> -> memref<128xi32, #tpu.memory_space<vmem>>
    %dma_wait3A_678 = arith.constant 0 : i32
    %dma_wait3A_679 = arith.constant 0 : i32
    %dma_wait3A_680 = tpu.memref_slice %arg2[%dma_wait3A_678, %dma_wait3A_679] : memref<1000000x32xf32, #tpu.memory_space<hbm>> -> memref<1000000x32xf32, #tpu.memory_space<hbm>>
    tpu.wait_indirect_dma semaphore(%arg9 : memref<!tpu.dma_semaphore, #tpu.memory_space<semaphore_mem>>) src(%dma_wait3A_680 : memref<1000000x32xf32, #tpu.memory_space<hbm>>) dst(%dma_wait3A_674 : memref<128x32xf32, #tpu.memory_space<vmem>>)
    %dma_wait3A_681 = arith.constant 25 : i32
    %dma_wait3A_682 = arith.constant 128 : i32
    %dma_wait3A_683 = arith.constant 0 : i32
    %dma_wait3A_684 = tpu.memref_slice %arg7[%dma_wait3A_682, %dma_wait3A_683] : memref<1024x32xf32, #tpu.memory_space<vmem>> -> memref<128x32xf32, #tpu.memory_space<vmem>>
    %dma_wait3A_685 = arith.constant 0 : i32
    %dma_wait3A_686 = tpu.memref_slice %arg5[%dma_wait3A_681, %dma_wait3A_685] : memref<80x128xi32, #tpu.memory_space<vmem>> -> memref<1x128xi32, #tpu.memory_space<vmem>>
    %dma_wait3A_687 = tpu.memref_squeeze %dma_wait3A_686 : memref<1x128xi32, #tpu.memory_space<vmem>> -> memref<128xi32, #tpu.memory_space<vmem>>
    %dma_wait3A_688 = arith.constant 0 : i32
    %dma_wait3A_689 = arith.constant 0 : i32
    %dma_wait3A_690 = tpu.memref_slice %arg2[%dma_wait3A_688, %dma_wait3A_689] : memref<1000000x32xf32, #tpu.memory_space<hbm>> -> memref<1000000x32xf32, #tpu.memory_space<hbm>>
    tpu.wait_indirect_dma semaphore(%arg9 : memref<!tpu.dma_semaphore, #tpu.memory_space<semaphore_mem>>) src(%dma_wait3A_690 : memref<1000000x32xf32, #tpu.memory_space<hbm>>) dst(%dma_wait3A_684 : memref<128x32xf32, #tpu.memory_space<vmem>>)
    %dma_wait3A_691 = arith.constant 26 : i32
    %dma_wait3A_692 = arith.constant 256 : i32
    %dma_wait3A_693 = arith.constant 0 : i32
    %dma_wait3A_694 = tpu.memref_slice %arg7[%dma_wait3A_692, %dma_wait3A_693] : memref<1024x32xf32, #tpu.memory_space<vmem>> -> memref<128x32xf32, #tpu.memory_space<vmem>>
    %dma_wait3A_695 = arith.constant 0 : i32
    %dma_wait3A_696 = tpu.memref_slice %arg5[%dma_wait3A_691, %dma_wait3A_695] : memref<80x128xi32, #tpu.memory_space<vmem>> -> memref<1x128xi32, #tpu.memory_space<vmem>>
    %dma_wait3A_697 = tpu.memref_squeeze %dma_wait3A_696 : memref<1x128xi32, #tpu.memory_space<vmem>> -> memref<128xi32, #tpu.memory_space<vmem>>
    %dma_wait3A_698 = arith.constant 0 : i32
    %dma_wait3A_699 = arith.constant 0 : i32
    %dma_wait3A_700 = tpu.memref_slice %arg2[%dma_wait3A_698, %dma_wait3A_699] : memref<1000000x32xf32, #tpu.memory_space<hbm>> -> memref<1000000x32xf32, #tpu.memory_space<hbm>>
    tpu.wait_indirect_dma semaphore(%arg9 : memref<!tpu.dma_semaphore, #tpu.memory_space<semaphore_mem>>) src(%dma_wait3A_700 : memref<1000000x32xf32, #tpu.memory_space<hbm>>) dst(%dma_wait3A_694 : memref<128x32xf32, #tpu.memory_space<vmem>>)
    %dma_wait3A_701 = arith.constant 27 : i32
    %dma_wait3A_702 = arith.constant 384 : i32
    %dma_wait3A_703 = arith.constant 0 : i32
    %dma_wait3A_704 = tpu.memref_slice %arg7[%dma_wait3A_702, %dma_wait3A_703] : memref<1024x32xf32, #tpu.memory_space<vmem>> -> memref<128x32xf32, #tpu.memory_space<vmem>>
    %dma_wait3A_705 = arith.constant 0 : i32
    %dma_wait3A_706 = tpu.memref_slice %arg5[%dma_wait3A_701, %dma_wait3A_705] : memref<80x128xi32, #tpu.memory_space<vmem>> -> memref<1x128xi32, #tpu.memory_space<vmem>>
    %dma_wait3A_707 = tpu.memref_squeeze %dma_wait3A_706 : memref<1x128xi32, #tpu.memory_space<vmem>> -> memref<128xi32, #tpu.memory_space<vmem>>
    %dma_wait3A_708 = arith.constant 0 : i32
    %dma_wait3A_709 = arith.constant 0 : i32
    %dma_wait3A_710 = tpu.memref_slice %arg2[%dma_wait3A_708, %dma_wait3A_709] : memref<1000000x32xf32, #tpu.memory_space<hbm>> -> memref<1000000x32xf32, #tpu.memory_space<hbm>>
    tpu.wait_indirect_dma semaphore(%arg9 : memref<!tpu.dma_semaphore, #tpu.memory_space<semaphore_mem>>) src(%dma_wait3A_710 : memref<1000000x32xf32, #tpu.memory_space<hbm>>) dst(%dma_wait3A_704 : memref<128x32xf32, #tpu.memory_space<vmem>>)
    %dma_wait3A_711 = arith.constant 28 : i32
    %dma_wait3A_712 = arith.constant 512 : i32
    %dma_wait3A_713 = arith.constant 0 : i32
    %dma_wait3A_714 = tpu.memref_slice %arg7[%dma_wait3A_712, %dma_wait3A_713] : memref<1024x32xf32, #tpu.memory_space<vmem>> -> memref<128x32xf32, #tpu.memory_space<vmem>>
    %dma_wait3A_715 = arith.constant 0 : i32
    %dma_wait3A_716 = tpu.memref_slice %arg5[%dma_wait3A_711, %dma_wait3A_715] : memref<80x128xi32, #tpu.memory_space<vmem>> -> memref<1x128xi32, #tpu.memory_space<vmem>>
    %dma_wait3A_717 = tpu.memref_squeeze %dma_wait3A_716 : memref<1x128xi32, #tpu.memory_space<vmem>> -> memref<128xi32, #tpu.memory_space<vmem>>
    %dma_wait3A_718 = arith.constant 0 : i32
    %dma_wait3A_719 = arith.constant 0 : i32
    %dma_wait3A_720 = tpu.memref_slice %arg2[%dma_wait3A_718, %dma_wait3A_719] : memref<1000000x32xf32, #tpu.memory_space<hbm>> -> memref<1000000x32xf32, #tpu.memory_space<hbm>>
    tpu.wait_indirect_dma semaphore(%arg9 : memref<!tpu.dma_semaphore, #tpu.memory_space<semaphore_mem>>) src(%dma_wait3A_720 : memref<1000000x32xf32, #tpu.memory_space<hbm>>) dst(%dma_wait3A_714 : memref<128x32xf32, #tpu.memory_space<vmem>>)
    %dma_wait3A_721 = arith.constant 29 : i32
    %dma_wait3A_722 = arith.constant 640 : i32
    %dma_wait3A_723 = arith.constant 0 : i32
    %dma_wait3A_724 = tpu.memref_slice %arg7[%dma_wait3A_722, %dma_wait3A_723] : memref<1024x32xf32, #tpu.memory_space<vmem>> -> memref<128x32xf32, #tpu.memory_space<vmem>>
    %dma_wait3A_725 = arith.constant 0 : i32
    %dma_wait3A_726 = tpu.memref_slice %arg5[%dma_wait3A_721, %dma_wait3A_725] : memref<80x128xi32, #tpu.memory_space<vmem>> -> memref<1x128xi32, #tpu.memory_space<vmem>>
    %dma_wait3A_727 = tpu.memref_squeeze %dma_wait3A_726 : memref<1x128xi32, #tpu.memory_space<vmem>> -> memref<128xi32, #tpu.memory_space<vmem>>
    %dma_wait3A_728 = arith.constant 0 : i32
    %dma_wait3A_729 = arith.constant 0 : i32
    %dma_wait3A_730 = tpu.memref_slice %arg2[%dma_wait3A_728, %dma_wait3A_729] : memref<1000000x32xf32, #tpu.memory_space<hbm>> -> memref<1000000x32xf32, #tpu.memory_space<hbm>>
    tpu.wait_indirect_dma semaphore(%arg9 : memref<!tpu.dma_semaphore, #tpu.memory_space<semaphore_mem>>) src(%dma_wait3A_730 : memref<1000000x32xf32, #tpu.memory_space<hbm>>) dst(%dma_wait3A_724 : memref<128x32xf32, #tpu.memory_space<vmem>>)
    %dma_wait3A_731 = arith.constant 30 : i32
    %dma_wait3A_732 = arith.constant 768 : i32
    %dma_wait3A_733 = arith.constant 0 : i32
    %dma_wait3A_734 = tpu.memref_slice %arg7[%dma_wait3A_732, %dma_wait3A_733] : memref<1024x32xf32, #tpu.memory_space<vmem>> -> memref<128x32xf32, #tpu.memory_space<vmem>>
    %dma_wait3A_735 = arith.constant 0 : i32
    %dma_wait3A_736 = tpu.memref_slice %arg5[%dma_wait3A_731, %dma_wait3A_735] : memref<80x128xi32, #tpu.memory_space<vmem>> -> memref<1x128xi32, #tpu.memory_space<vmem>>
    %dma_wait3A_737 = tpu.memref_squeeze %dma_wait3A_736 : memref<1x128xi32, #tpu.memory_space<vmem>> -> memref<128xi32, #tpu.memory_space<vmem>>
    %dma_wait3A_738 = arith.constant 0 : i32
    %dma_wait3A_739 = arith.constant 0 : i32
    %dma_wait3A_740 = tpu.memref_slice %arg2[%dma_wait3A_738, %dma_wait3A_739] : memref<1000000x32xf32, #tpu.memory_space<hbm>> -> memref<1000000x32xf32, #tpu.memory_space<hbm>>
    tpu.wait_indirect_dma semaphore(%arg9 : memref<!tpu.dma_semaphore, #tpu.memory_space<semaphore_mem>>) src(%dma_wait3A_740 : memref<1000000x32xf32, #tpu.memory_space<hbm>>) dst(%dma_wait3A_734 : memref<128x32xf32, #tpu.memory_space<vmem>>)
    %dma_wait3A_741 = arith.constant 31 : i32
    %dma_wait3A_742 = arith.constant 896 : i32
    %dma_wait3A_743 = arith.constant 0 : i32
    %dma_wait3A_744 = tpu.memref_slice %arg7[%dma_wait3A_742, %dma_wait3A_743] : memref<1024x32xf32, #tpu.memory_space<vmem>> -> memref<128x32xf32, #tpu.memory_space<vmem>>
    %dma_wait3A_745 = arith.constant 0 : i32
    %dma_wait3A_746 = tpu.memref_slice %arg5[%dma_wait3A_741, %dma_wait3A_745] : memref<80x128xi32, #tpu.memory_space<vmem>> -> memref<1x128xi32, #tpu.memory_space<vmem>>
    %dma_wait3A_747 = tpu.memref_squeeze %dma_wait3A_746 : memref<1x128xi32, #tpu.memory_space<vmem>> -> memref<128xi32, #tpu.memory_space<vmem>>
    %dma_wait3A_748 = arith.constant 0 : i32
    %dma_wait3A_749 = arith.constant 0 : i32
    %dma_wait3A_750 = tpu.memref_slice %arg2[%dma_wait3A_748, %dma_wait3A_749] : memref<1000000x32xf32, #tpu.memory_space<hbm>> -> memref<1000000x32xf32, #tpu.memory_space<hbm>>
    tpu.wait_indirect_dma semaphore(%arg9 : memref<!tpu.dma_semaphore, #tpu.memory_space<semaphore_mem>>) src(%dma_wait3A_750 : memref<1000000x32xf32, #tpu.memory_space<hbm>>) dst(%dma_wait3A_744 : memref<128x32xf32, #tpu.memory_space<vmem>>)
    %add3A_751 = arith.constant 3072 : i32
    %add3A_752 = arith.addi %mul3A_2, %add3A_751 : i32
    %dma_start3A_753 = arith.constant 0 : i32
    %dma_start3A_754 = tpu.memref_slice %arg4[%add3A_752, %dma_start3A_753] : memref<327680x32xf32, #tpu.memory_space<hbm>> -> memref<1024x32xf32, #tpu.memory_space<hbm>>
    %dma_start3A_755 = arith.constant 0 : i32
    %dma_start3A_756 = tpu.memref_slice %arg4[%add3A_752, %dma_start3A_755] : memref<327680x32xf32, #tpu.memory_space<hbm>> -> memref<1024x32xf32, #tpu.memory_space<hbm>>
    tpu.enqueue_dma source(%arg7 : memref<1024x32xf32, #tpu.memory_space<vmem>>) target(%dma_start3A_756 : memref<1024x32xf32, #tpu.memory_space<hbm>>) target_semaphore(%arg11 : memref<!tpu.dma_semaphore, #tpu.memory_space<semaphore_mem>>)
    %dma_wait3A_757 = arith.constant 0 : i32
    %dma_wait3A_758 = tpu.memref_slice %arg4[%add3A_752, %dma_wait3A_757] : memref<327680x32xf32, #tpu.memory_space<hbm>> -> memref<1024x32xf32, #tpu.memory_space<hbm>>
    %dma_wait3A_759 = arith.constant 0 : i32
    %dma_wait3A_760 = tpu.memref_slice %arg4[%add3A_752, %dma_wait3A_759] : memref<327680x32xf32, #tpu.memory_space<hbm>> -> memref<1024x32xf32, #tpu.memory_space<hbm>>
    tpu.wait_dma2 semaphore(%arg11 : memref<!tpu.dma_semaphore, #tpu.memory_space<semaphore_mem>>) src(%arg7 : memref<1024x32xf32, #tpu.memory_space<vmem>>) dst(%dma_wait3A_760 : memref<1024x32xf32, #tpu.memory_space<hbm>>)
    %dma_start3A_761 = arith.constant 40 : i32
    %dma_start3A_762 = arith.constant 0 : i32
    %dma_start3A_763 = arith.constant 0 : i32
    %dma_start3A_764 = tpu.memref_slice %arg7[%dma_start3A_762, %dma_start3A_763] : memref<1024x32xf32, #tpu.memory_space<vmem>> -> memref<128x32xf32, #tpu.memory_space<vmem>>
    %dma_start3A_765 = arith.constant 0 : i32
    %dma_start3A_766 = tpu.memref_slice %arg5[%dma_start3A_761, %dma_start3A_765] : memref<80x128xi32, #tpu.memory_space<vmem>> -> memref<1x128xi32, #tpu.memory_space<vmem>>
    %dma_start3A_767 = tpu.memref_squeeze %dma_start3A_766 : memref<1x128xi32, #tpu.memory_space<vmem>> -> memref<128xi32, #tpu.memory_space<vmem>>
    %dma_start3A_768 = arith.constant 0 : i32
    %dma_start3A_769 = arith.constant 0 : i32
    %dma_start3A_770 = tpu.memref_slice %arg2[%dma_start3A_768, %dma_start3A_769] : memref<1000000x32xf32, #tpu.memory_space<hbm>> -> memref<1000000x32xf32, #tpu.memory_space<hbm>>
    tpu.enqueue_indirect_dma source(%dma_start3A_770 : memref<1000000x32xf32, #tpu.memory_space<hbm>>) target(%dma_start3A_764 : memref<128x32xf32, #tpu.memory_space<vmem>>) offsets(%dma_start3A_767 : memref<128xi32, #tpu.memory_space<vmem>>) semaphore(%arg9 : memref<!tpu.dma_semaphore, #tpu.memory_space<semaphore_mem>>)
    %dma_start3A_771 = arith.constant 41 : i32
    %dma_start3A_772 = arith.constant 128 : i32
    %dma_start3A_773 = arith.constant 0 : i32
    %dma_start3A_774 = tpu.memref_slice %arg7[%dma_start3A_772, %dma_start3A_773] : memref<1024x32xf32, #tpu.memory_space<vmem>> -> memref<128x32xf32, #tpu.memory_space<vmem>>
    %dma_start3A_775 = arith.constant 0 : i32
    %dma_start3A_776 = tpu.memref_slice %arg5[%dma_start3A_771, %dma_start3A_775] : memref<80x128xi32, #tpu.memory_space<vmem>> -> memref<1x128xi32, #tpu.memory_space<vmem>>
    %dma_start3A_777 = tpu.memref_squeeze %dma_start3A_776 : memref<1x128xi32, #tpu.memory_space<vmem>> -> memref<128xi32, #tpu.memory_space<vmem>>
    %dma_start3A_778 = arith.constant 0 : i32
    %dma_start3A_779 = arith.constant 0 : i32
    %dma_start3A_780 = tpu.memref_slice %arg2[%dma_start3A_778, %dma_start3A_779] : memref<1000000x32xf32, #tpu.memory_space<hbm>> -> memref<1000000x32xf32, #tpu.memory_space<hbm>>
    tpu.enqueue_indirect_dma source(%dma_start3A_780 : memref<1000000x32xf32, #tpu.memory_space<hbm>>) target(%dma_start3A_774 : memref<128x32xf32, #tpu.memory_space<vmem>>) offsets(%dma_start3A_777 : memref<128xi32, #tpu.memory_space<vmem>>) semaphore(%arg9 : memref<!tpu.dma_semaphore, #tpu.memory_space<semaphore_mem>>)
    %dma_start3A_781 = arith.constant 42 : i32
    %dma_start3A_782 = arith.constant 256 : i32
    %dma_start3A_783 = arith.constant 0 : i32
    %dma_start3A_784 = tpu.memref_slice %arg7[%dma_start3A_782, %dma_start3A_783] : memref<1024x32xf32, #tpu.memory_space<vmem>> -> memref<128x32xf32, #tpu.memory_space<vmem>>
    %dma_start3A_785 = arith.constant 0 : i32
    %dma_start3A_786 = tpu.memref_slice %arg5[%dma_start3A_781, %dma_start3A_785] : memref<80x128xi32, #tpu.memory_space<vmem>> -> memref<1x128xi32, #tpu.memory_space<vmem>>
    %dma_start3A_787 = tpu.memref_squeeze %dma_start3A_786 : memref<1x128xi32, #tpu.memory_space<vmem>> -> memref<128xi32, #tpu.memory_space<vmem>>
    %dma_start3A_788 = arith.constant 0 : i32
    %dma_start3A_789 = arith.constant 0 : i32
    %dma_start3A_790 = tpu.memref_slice %arg2[%dma_start3A_788, %dma_start3A_789] : memref<1000000x32xf32, #tpu.memory_space<hbm>> -> memref<1000000x32xf32, #tpu.memory_space<hbm>>
    tpu.enqueue_indirect_dma source(%dma_start3A_790 : memref<1000000x32xf32, #tpu.memory_space<hbm>>) target(%dma_start3A_784 : memref<128x32xf32, #tpu.memory_space<vmem>>) offsets(%dma_start3A_787 : memref<128xi32, #tpu.memory_space<vmem>>) semaphore(%arg9 : memref<!tpu.dma_semaphore, #tpu.memory_space<semaphore_mem>>)
    %dma_start3A_791 = arith.constant 43 : i32
    %dma_start3A_792 = arith.constant 384 : i32
    %dma_start3A_793 = arith.constant 0 : i32
    %dma_start3A_794 = tpu.memref_slice %arg7[%dma_start3A_792, %dma_start3A_793] : memref<1024x32xf32, #tpu.memory_space<vmem>> -> memref<128x32xf32, #tpu.memory_space<vmem>>
    %dma_start3A_795 = arith.constant 0 : i32
    %dma_start3A_796 = tpu.memref_slice %arg5[%dma_start3A_791, %dma_start3A_795] : memref<80x128xi32, #tpu.memory_space<vmem>> -> memref<1x128xi32, #tpu.memory_space<vmem>>
    %dma_start3A_797 = tpu.memref_squeeze %dma_start3A_796 : memref<1x128xi32, #tpu.memory_space<vmem>> -> memref<128xi32, #tpu.memory_space<vmem>>
    %dma_start3A_798 = arith.constant 0 : i32
    %dma_start3A_799 = arith.constant 0 : i32
    %dma_start3A_800 = tpu.memref_slice %arg2[%dma_start3A_798, %dma_start3A_799] : memref<1000000x32xf32, #tpu.memory_space<hbm>> -> memref<1000000x32xf32, #tpu.memory_space<hbm>>
    tpu.enqueue_indirect_dma source(%dma_start3A_800 : memref<1000000x32xf32, #tpu.memory_space<hbm>>) target(%dma_start3A_794 : memref<128x32xf32, #tpu.memory_space<vmem>>) offsets(%dma_start3A_797 : memref<128xi32, #tpu.memory_space<vmem>>) semaphore(%arg9 : memref<!tpu.dma_semaphore, #tpu.memory_space<semaphore_mem>>)
    %dma_start3A_801 = arith.constant 44 : i32
    %dma_start3A_802 = arith.constant 512 : i32
    %dma_start3A_803 = arith.constant 0 : i32
    %dma_start3A_804 = tpu.memref_slice %arg7[%dma_start3A_802, %dma_start3A_803] : memref<1024x32xf32, #tpu.memory_space<vmem>> -> memref<128x32xf32, #tpu.memory_space<vmem>>
    %dma_start3A_805 = arith.constant 0 : i32
    %dma_start3A_806 = tpu.memref_slice %arg5[%dma_start3A_801, %dma_start3A_805] : memref<80x128xi32, #tpu.memory_space<vmem>> -> memref<1x128xi32, #tpu.memory_space<vmem>>
    %dma_start3A_807 = tpu.memref_squeeze %dma_start3A_806 : memref<1x128xi32, #tpu.memory_space<vmem>> -> memref<128xi32, #tpu.memory_space<vmem>>
    %dma_start3A_808 = arith.constant 0 : i32
    %dma_start3A_809 = arith.constant 0 : i32
    %dma_start3A_810 = tpu.memref_slice %arg2[%dma_start3A_808, %dma_start3A_809] : memref<1000000x32xf32, #tpu.memory_space<hbm>> -> memref<1000000x32xf32, #tpu.memory_space<hbm>>
    tpu.enqueue_indirect_dma source(%dma_start3A_810 : memref<1000000x32xf32, #tpu.memory_space<hbm>>) target(%dma_start3A_804 : memref<128x32xf32, #tpu.memory_space<vmem>>) offsets(%dma_start3A_807 : memref<128xi32, #tpu.memory_space<vmem>>) semaphore(%arg9 : memref<!tpu.dma_semaphore, #tpu.memory_space<semaphore_mem>>)
    %dma_start3A_811 = arith.constant 45 : i32
    %dma_start3A_812 = arith.constant 640 : i32
    %dma_start3A_813 = arith.constant 0 : i32
    %dma_start3A_814 = tpu.memref_slice %arg7[%dma_start3A_812, %dma_start3A_813] : memref<1024x32xf32, #tpu.memory_space<vmem>> -> memref<128x32xf32, #tpu.memory_space<vmem>>
    %dma_start3A_815 = arith.constant 0 : i32
    %dma_start3A_816 = tpu.memref_slice %arg5[%dma_start3A_811, %dma_start3A_815] : memref<80x128xi32, #tpu.memory_space<vmem>> -> memref<1x128xi32, #tpu.memory_space<vmem>>
    %dma_start3A_817 = tpu.memref_squeeze %dma_start3A_816 : memref<1x128xi32, #tpu.memory_space<vmem>> -> memref<128xi32, #tpu.memory_space<vmem>>
    %dma_start3A_818 = arith.constant 0 : i32
    %dma_start3A_819 = arith.constant 0 : i32
    %dma_start3A_820 = tpu.memref_slice %arg2[%dma_start3A_818, %dma_start3A_819] : memref<1000000x32xf32, #tpu.memory_space<hbm>> -> memref<1000000x32xf32, #tpu.memory_space<hbm>>
    tpu.enqueue_indirect_dma source(%dma_start3A_820 : memref<1000000x32xf32, #tpu.memory_space<hbm>>) target(%dma_start3A_814 : memref<128x32xf32, #tpu.memory_space<vmem>>) offsets(%dma_start3A_817 : memref<128xi32, #tpu.memory_space<vmem>>) semaphore(%arg9 : memref<!tpu.dma_semaphore, #tpu.memory_space<semaphore_mem>>)
    %dma_start3A_821 = arith.constant 46 : i32
    %dma_start3A_822 = arith.constant 768 : i32
    %dma_start3A_823 = arith.constant 0 : i32
    %dma_start3A_824 = tpu.memref_slice %arg7[%dma_start3A_822, %dma_start3A_823] : memref<1024x32xf32, #tpu.memory_space<vmem>> -> memref<128x32xf32, #tpu.memory_space<vmem>>
    %dma_start3A_825 = arith.constant 0 : i32
    %dma_start3A_826 = tpu.memref_slice %arg5[%dma_start3A_821, %dma_start3A_825] : memref<80x128xi32, #tpu.memory_space<vmem>> -> memref<1x128xi32, #tpu.memory_space<vmem>>
    %dma_start3A_827 = tpu.memref_squeeze %dma_start3A_826 : memref<1x128xi32, #tpu.memory_space<vmem>> -> memref<128xi32, #tpu.memory_space<vmem>>
    %dma_start3A_828 = arith.constant 0 : i32
    %dma_start3A_829 = arith.constant 0 : i32
    %dma_start3A_830 = tpu.memref_slice %arg2[%dma_start3A_828, %dma_start3A_829] : memref<1000000x32xf32, #tpu.memory_space<hbm>> -> memref<1000000x32xf32, #tpu.memory_space<hbm>>
    tpu.enqueue_indirect_dma source(%dma_start3A_830 : memref<1000000x32xf32, #tpu.memory_space<hbm>>) target(%dma_start3A_824 : memref<128x32xf32, #tpu.memory_space<vmem>>) offsets(%dma_start3A_827 : memref<128xi32, #tpu.memory_space<vmem>>) semaphore(%arg9 : memref<!tpu.dma_semaphore, #tpu.memory_space<semaphore_mem>>)
    %dma_start3A_831 = arith.constant 47 : i32
    %dma_start3A_832 = arith.constant 896 : i32
    %dma_start3A_833 = arith.constant 0 : i32
    %dma_start3A_834 = tpu.memref_slice %arg7[%dma_start3A_832, %dma_start3A_833] : memref<1024x32xf32, #tpu.memory_space<vmem>> -> memref<128x32xf32, #tpu.memory_space<vmem>>
    %dma_start3A_835 = arith.constant 0 : i32
    %dma_start3A_836 = tpu.memref_slice %arg5[%dma_start3A_831, %dma_start3A_835] : memref<80x128xi32, #tpu.memory_space<vmem>> -> memref<1x128xi32, #tpu.memory_space<vmem>>
    %dma_start3A_837 = tpu.memref_squeeze %dma_start3A_836 : memref<1x128xi32, #tpu.memory_space<vmem>> -> memref<128xi32, #tpu.memory_space<vmem>>
    %dma_start3A_838 = arith.constant 0 : i32
    %dma_start3A_839 = arith.constant 0 : i32
    %dma_start3A_840 = tpu.memref_slice %arg2[%dma_start3A_838, %dma_start3A_839] : memref<1000000x32xf32, #tpu.memory_space<hbm>> -> memref<1000000x32xf32, #tpu.memory_space<hbm>>
    tpu.enqueue_indirect_dma source(%dma_start3A_840 : memref<1000000x32xf32, #tpu.memory_space<hbm>>) target(%dma_start3A_834 : memref<128x32xf32, #tpu.memory_space<vmem>>) offsets(%dma_start3A_837 : memref<128xi32, #tpu.memory_space<vmem>>) semaphore(%arg9 : memref<!tpu.dma_semaphore, #tpu.memory_space<semaphore_mem>>)
    %dma_wait3A_841 = arith.constant 32 : i32
    %dma_wait3A_842 = arith.constant 0 : i32
    %dma_wait3A_843 = arith.constant 0 : i32
    %dma_wait3A_844 = tpu.memref_slice %arg6[%dma_wait3A_842, %dma_wait3A_843] : memref<1024x32xf32, #tpu.memory_space<vmem>> -> memref<128x32xf32, #tpu.memory_space<vmem>>
    %dma_wait3A_845 = arith.constant 0 : i32
    %dma_wait3A_846 = tpu.memref_slice %arg5[%dma_wait3A_841, %dma_wait3A_845] : memref<80x128xi32, #tpu.memory_space<vmem>> -> memref<1x128xi32, #tpu.memory_space<vmem>>
    %dma_wait3A_847 = tpu.memref_squeeze %dma_wait3A_846 : memref<1x128xi32, #tpu.memory_space<vmem>> -> memref<128xi32, #tpu.memory_space<vmem>>
    %dma_wait3A_848 = arith.constant 0 : i32
    %dma_wait3A_849 = arith.constant 0 : i32
    %dma_wait3A_850 = tpu.memref_slice %arg2[%dma_wait3A_848, %dma_wait3A_849] : memref<1000000x32xf32, #tpu.memory_space<hbm>> -> memref<1000000x32xf32, #tpu.memory_space<hbm>>
    tpu.wait_indirect_dma semaphore(%arg8 : memref<!tpu.dma_semaphore, #tpu.memory_space<semaphore_mem>>) src(%dma_wait3A_850 : memref<1000000x32xf32, #tpu.memory_space<hbm>>) dst(%dma_wait3A_844 : memref<128x32xf32, #tpu.memory_space<vmem>>)
    %dma_wait3A_851 = arith.constant 33 : i32
    %dma_wait3A_852 = arith.constant 128 : i32
    %dma_wait3A_853 = arith.constant 0 : i32
    %dma_wait3A_854 = tpu.memref_slice %arg6[%dma_wait3A_852, %dma_wait3A_853] : memref<1024x32xf32, #tpu.memory_space<vmem>> -> memref<128x32xf32, #tpu.memory_space<vmem>>
    %dma_wait3A_855 = arith.constant 0 : i32
    %dma_wait3A_856 = tpu.memref_slice %arg5[%dma_wait3A_851, %dma_wait3A_855] : memref<80x128xi32, #tpu.memory_space<vmem>> -> memref<1x128xi32, #tpu.memory_space<vmem>>
    %dma_wait3A_857 = tpu.memref_squeeze %dma_wait3A_856 : memref<1x128xi32, #tpu.memory_space<vmem>> -> memref<128xi32, #tpu.memory_space<vmem>>
    %dma_wait3A_858 = arith.constant 0 : i32
    %dma_wait3A_859 = arith.constant 0 : i32
    %dma_wait3A_860 = tpu.memref_slice %arg2[%dma_wait3A_858, %dma_wait3A_859] : memref<1000000x32xf32, #tpu.memory_space<hbm>> -> memref<1000000x32xf32, #tpu.memory_space<hbm>>
    tpu.wait_indirect_dma semaphore(%arg8 : memref<!tpu.dma_semaphore, #tpu.memory_space<semaphore_mem>>) src(%dma_wait3A_860 : memref<1000000x32xf32, #tpu.memory_space<hbm>>) dst(%dma_wait3A_854 : memref<128x32xf32, #tpu.memory_space<vmem>>)
    %dma_wait3A_861 = arith.constant 34 : i32
    %dma_wait3A_862 = arith.constant 256 : i32
    %dma_wait3A_863 = arith.constant 0 : i32
    %dma_wait3A_864 = tpu.memref_slice %arg6[%dma_wait3A_862, %dma_wait3A_863] : memref<1024x32xf32, #tpu.memory_space<vmem>> -> memref<128x32xf32, #tpu.memory_space<vmem>>
    %dma_wait3A_865 = arith.constant 0 : i32
    %dma_wait3A_866 = tpu.memref_slice %arg5[%dma_wait3A_861, %dma_wait3A_865] : memref<80x128xi32, #tpu.memory_space<vmem>> -> memref<1x128xi32, #tpu.memory_space<vmem>>
    %dma_wait3A_867 = tpu.memref_squeeze %dma_wait3A_866 : memref<1x128xi32, #tpu.memory_space<vmem>> -> memref<128xi32, #tpu.memory_space<vmem>>
    %dma_wait3A_868 = arith.constant 0 : i32
    %dma_wait3A_869 = arith.constant 0 : i32
    %dma_wait3A_870 = tpu.memref_slice %arg2[%dma_wait3A_868, %dma_wait3A_869] : memref<1000000x32xf32, #tpu.memory_space<hbm>> -> memref<1000000x32xf32, #tpu.memory_space<hbm>>
    tpu.wait_indirect_dma semaphore(%arg8 : memref<!tpu.dma_semaphore, #tpu.memory_space<semaphore_mem>>) src(%dma_wait3A_870 : memref<1000000x32xf32, #tpu.memory_space<hbm>>) dst(%dma_wait3A_864 : memref<128x32xf32, #tpu.memory_space<vmem>>)
    %dma_wait3A_871 = arith.constant 35 : i32
    %dma_wait3A_872 = arith.constant 384 : i32
    %dma_wait3A_873 = arith.constant 0 : i32
    %dma_wait3A_874 = tpu.memref_slice %arg6[%dma_wait3A_872, %dma_wait3A_873] : memref<1024x32xf32, #tpu.memory_space<vmem>> -> memref<128x32xf32, #tpu.memory_space<vmem>>
    %dma_wait3A_875 = arith.constant 0 : i32
    %dma_wait3A_876 = tpu.memref_slice %arg5[%dma_wait3A_871, %dma_wait3A_875] : memref<80x128xi32, #tpu.memory_space<vmem>> -> memref<1x128xi32, #tpu.memory_space<vmem>>
    %dma_wait3A_877 = tpu.memref_squeeze %dma_wait3A_876 : memref<1x128xi32, #tpu.memory_space<vmem>> -> memref<128xi32, #tpu.memory_space<vmem>>
    %dma_wait3A_878 = arith.constant 0 : i32
    %dma_wait3A_879 = arith.constant 0 : i32
    %dma_wait3A_880 = tpu.memref_slice %arg2[%dma_wait3A_878, %dma_wait3A_879] : memref<1000000x32xf32, #tpu.memory_space<hbm>> -> memref<1000000x32xf32, #tpu.memory_space<hbm>>
    tpu.wait_indirect_dma semaphore(%arg8 : memref<!tpu.dma_semaphore, #tpu.memory_space<semaphore_mem>>) src(%dma_wait3A_880 : memref<1000000x32xf32, #tpu.memory_space<hbm>>) dst(%dma_wait3A_874 : memref<128x32xf32, #tpu.memory_space<vmem>>)
    %dma_wait3A_881 = arith.constant 36 : i32
    %dma_wait3A_882 = arith.constant 512 : i32
    %dma_wait3A_883 = arith.constant 0 : i32
    %dma_wait3A_884 = tpu.memref_slice %arg6[%dma_wait3A_882, %dma_wait3A_883] : memref<1024x32xf32, #tpu.memory_space<vmem>> -> memref<128x32xf32, #tpu.memory_space<vmem>>
    %dma_wait3A_885 = arith.constant 0 : i32
    %dma_wait3A_886 = tpu.memref_slice %arg5[%dma_wait3A_881, %dma_wait3A_885] : memref<80x128xi32, #tpu.memory_space<vmem>> -> memref<1x128xi32, #tpu.memory_space<vmem>>
    %dma_wait3A_887 = tpu.memref_squeeze %dma_wait3A_886 : memref<1x128xi32, #tpu.memory_space<vmem>> -> memref<128xi32, #tpu.memory_space<vmem>>
    %dma_wait3A_888 = arith.constant 0 : i32
    %dma_wait3A_889 = arith.constant 0 : i32
    %dma_wait3A_890 = tpu.memref_slice %arg2[%dma_wait3A_888, %dma_wait3A_889] : memref<1000000x32xf32, #tpu.memory_space<hbm>> -> memref<1000000x32xf32, #tpu.memory_space<hbm>>
    tpu.wait_indirect_dma semaphore(%arg8 : memref<!tpu.dma_semaphore, #tpu.memory_space<semaphore_mem>>) src(%dma_wait3A_890 : memref<1000000x32xf32, #tpu.memory_space<hbm>>) dst(%dma_wait3A_884 : memref<128x32xf32, #tpu.memory_space<vmem>>)
    %dma_wait3A_891 = arith.constant 37 : i32
    %dma_wait3A_892 = arith.constant 640 : i32
    %dma_wait3A_893 = arith.constant 0 : i32
    %dma_wait3A_894 = tpu.memref_slice %arg6[%dma_wait3A_892, %dma_wait3A_893] : memref<1024x32xf32, #tpu.memory_space<vmem>> -> memref<128x32xf32, #tpu.memory_space<vmem>>
    %dma_wait3A_895 = arith.constant 0 : i32
    %dma_wait3A_896 = tpu.memref_slice %arg5[%dma_wait3A_891, %dma_wait3A_895] : memref<80x128xi32, #tpu.memory_space<vmem>> -> memref<1x128xi32, #tpu.memory_space<vmem>>
    %dma_wait3A_897 = tpu.memref_squeeze %dma_wait3A_896 : memref<1x128xi32, #tpu.memory_space<vmem>> -> memref<128xi32, #tpu.memory_space<vmem>>
    %dma_wait3A_898 = arith.constant 0 : i32
    %dma_wait3A_899 = arith.constant 0 : i32
    %dma_wait3A_900 = tpu.memref_slice %arg2[%dma_wait3A_898, %dma_wait3A_899] : memref<1000000x32xf32, #tpu.memory_space<hbm>> -> memref<1000000x32xf32, #tpu.memory_space<hbm>>
    tpu.wait_indirect_dma semaphore(%arg8 : memref<!tpu.dma_semaphore, #tpu.memory_space<semaphore_mem>>) src(%dma_wait3A_900 : memref<1000000x32xf32, #tpu.memory_space<hbm>>) dst(%dma_wait3A_894 : memref<128x32xf32, #tpu.memory_space<vmem>>)
    %dma_wait3A_901 = arith.constant 38 : i32
    %dma_wait3A_902 = arith.constant 768 : i32
    %dma_wait3A_903 = arith.constant 0 : i32
    %dma_wait3A_904 = tpu.memref_slice %arg6[%dma_wait3A_902, %dma_wait3A_903] : memref<1024x32xf32, #tpu.memory_space<vmem>> -> memref<128x32xf32, #tpu.memory_space<vmem>>
    %dma_wait3A_905 = arith.constant 0 : i32
    %dma_wait3A_906 = tpu.memref_slice %arg5[%dma_wait3A_901, %dma_wait3A_905] : memref<80x128xi32, #tpu.memory_space<vmem>> -> memref<1x128xi32, #tpu.memory_space<vmem>>
    %dma_wait3A_907 = tpu.memref_squeeze %dma_wait3A_906 : memref<1x128xi32, #tpu.memory_space<vmem>> -> memref<128xi32, #tpu.memory_space<vmem>>
    %dma_wait3A_908 = arith.constant 0 : i32
    %dma_wait3A_909 = arith.constant 0 : i32
    %dma_wait3A_910 = tpu.memref_slice %arg2[%dma_wait3A_908, %dma_wait3A_909] : memref<1000000x32xf32, #tpu.memory_space<hbm>> -> memref<1000000x32xf32, #tpu.memory_space<hbm>>
    tpu.wait_indirect_dma semaphore(%arg8 : memref<!tpu.dma_semaphore, #tpu.memory_space<semaphore_mem>>) src(%dma_wait3A_910 : memref<1000000x32xf32, #tpu.memory_space<hbm>>) dst(%dma_wait3A_904 : memref<128x32xf32, #tpu.memory_space<vmem>>)
    %dma_wait3A_911 = arith.constant 39 : i32
    %dma_wait3A_912 = arith.constant 896 : i32
    %dma_wait3A_913 = arith.constant 0 : i32
    %dma_wait3A_914 = tpu.memref_slice %arg6[%dma_wait3A_912, %dma_wait3A_913] : memref<1024x32xf32, #tpu.memory_space<vmem>> -> memref<128x32xf32, #tpu.memory_space<vmem>>
    %dma_wait3A_915 = arith.constant 0 : i32
    %dma_wait3A_916 = tpu.memref_slice %arg5[%dma_wait3A_911, %dma_wait3A_915] : memref<80x128xi32, #tpu.memory_space<vmem>> -> memref<1x128xi32, #tpu.memory_space<vmem>>
    %dma_wait3A_917 = tpu.memref_squeeze %dma_wait3A_916 : memref<1x128xi32, #tpu.memory_space<vmem>> -> memref<128xi32, #tpu.memory_space<vmem>>
    %dma_wait3A_918 = arith.constant 0 : i32
    %dma_wait3A_919 = arith.constant 0 : i32
    %dma_wait3A_920 = tpu.memref_slice %arg2[%dma_wait3A_918, %dma_wait3A_919] : memref<1000000x32xf32, #tpu.memory_space<hbm>> -> memref<1000000x32xf32, #tpu.memory_space<hbm>>
    tpu.wait_indirect_dma semaphore(%arg8 : memref<!tpu.dma_semaphore, #tpu.memory_space<semaphore_mem>>) src(%dma_wait3A_920 : memref<1000000x32xf32, #tpu.memory_space<hbm>>) dst(%dma_wait3A_914 : memref<128x32xf32, #tpu.memory_space<vmem>>)
    %add3A_921 = arith.constant 4096 : i32
    %add3A_922 = arith.addi %mul3A_2, %add3A_921 : i32
    %dma_start3A_923 = arith.constant 0 : i32
    %dma_start3A_924 = tpu.memref_slice %arg4[%add3A_922, %dma_start3A_923] : memref<327680x32xf32, #tpu.memory_space<hbm>> -> memref<1024x32xf32, #tpu.memory_space<hbm>>
    %dma_start3A_925 = arith.constant 0 : i32
    %dma_start3A_926 = tpu.memref_slice %arg4[%add3A_922, %dma_start3A_925] : memref<327680x32xf32, #tpu.memory_space<hbm>> -> memref<1024x32xf32, #tpu.memory_space<hbm>>
    tpu.enqueue_dma source(%arg6 : memref<1024x32xf32, #tpu.memory_space<vmem>>) target(%dma_start3A_926 : memref<1024x32xf32, #tpu.memory_space<hbm>>) target_semaphore(%arg10 : memref<!tpu.dma_semaphore, #tpu.memory_space<semaphore_mem>>)
    %dma_wait3A_927 = arith.constant 0 : i32
    %dma_wait3A_928 = tpu.memref_slice %arg4[%add3A_922, %dma_wait3A_927] : memref<327680x32xf32, #tpu.memory_space<hbm>> -> memref<1024x32xf32, #tpu.memory_space<hbm>>
    %dma_wait3A_929 = arith.constant 0 : i32
    %dma_wait3A_930 = tpu.memref_slice %arg4[%add3A_922, %dma_wait3A_929] : memref<327680x32xf32, #tpu.memory_space<hbm>> -> memref<1024x32xf32, #tpu.memory_space<hbm>>
    tpu.wait_dma2 semaphore(%arg10 : memref<!tpu.dma_semaphore, #tpu.memory_space<semaphore_mem>>) src(%arg6 : memref<1024x32xf32, #tpu.memory_space<vmem>>) dst(%dma_wait3A_930 : memref<1024x32xf32, #tpu.memory_space<hbm>>)
    %dma_start3A_931 = arith.constant 48 : i32
    %dma_start3A_932 = arith.constant 0 : i32
    %dma_start3A_933 = arith.constant 0 : i32
    %dma_start3A_934 = tpu.memref_slice %arg6[%dma_start3A_932, %dma_start3A_933] : memref<1024x32xf32, #tpu.memory_space<vmem>> -> memref<128x32xf32, #tpu.memory_space<vmem>>
    %dma_start3A_935 = arith.constant 0 : i32
    %dma_start3A_936 = tpu.memref_slice %arg5[%dma_start3A_931, %dma_start3A_935] : memref<80x128xi32, #tpu.memory_space<vmem>> -> memref<1x128xi32, #tpu.memory_space<vmem>>
    %dma_start3A_937 = tpu.memref_squeeze %dma_start3A_936 : memref<1x128xi32, #tpu.memory_space<vmem>> -> memref<128xi32, #tpu.memory_space<vmem>>
    %dma_start3A_938 = arith.constant 0 : i32
    %dma_start3A_939 = arith.constant 0 : i32
    %dma_start3A_940 = tpu.memref_slice %arg2[%dma_start3A_938, %dma_start3A_939] : memref<1000000x32xf32, #tpu.memory_space<hbm>> -> memref<1000000x32xf32, #tpu.memory_space<hbm>>
    tpu.enqueue_indirect_dma source(%dma_start3A_940 : memref<1000000x32xf32, #tpu.memory_space<hbm>>) target(%dma_start3A_934 : memref<128x32xf32, #tpu.memory_space<vmem>>) offsets(%dma_start3A_937 : memref<128xi32, #tpu.memory_space<vmem>>) semaphore(%arg8 : memref<!tpu.dma_semaphore, #tpu.memory_space<semaphore_mem>>)
    %dma_start3A_941 = arith.constant 49 : i32
    %dma_start3A_942 = arith.constant 128 : i32
    %dma_start3A_943 = arith.constant 0 : i32
    %dma_start3A_944 = tpu.memref_slice %arg6[%dma_start3A_942, %dma_start3A_943] : memref<1024x32xf32, #tpu.memory_space<vmem>> -> memref<128x32xf32, #tpu.memory_space<vmem>>
    %dma_start3A_945 = arith.constant 0 : i32
    %dma_start3A_946 = tpu.memref_slice %arg5[%dma_start3A_941, %dma_start3A_945] : memref<80x128xi32, #tpu.memory_space<vmem>> -> memref<1x128xi32, #tpu.memory_space<vmem>>
    %dma_start3A_947 = tpu.memref_squeeze %dma_start3A_946 : memref<1x128xi32, #tpu.memory_space<vmem>> -> memref<128xi32, #tpu.memory_space<vmem>>
    %dma_start3A_948 = arith.constant 0 : i32
    %dma_start3A_949 = arith.constant 0 : i32
    %dma_start3A_950 = tpu.memref_slice %arg2[%dma_start3A_948, %dma_start3A_949] : memref<1000000x32xf32, #tpu.memory_space<hbm>> -> memref<1000000x32xf32, #tpu.memory_space<hbm>>
    tpu.enqueue_indirect_dma source(%dma_start3A_950 : memref<1000000x32xf32, #tpu.memory_space<hbm>>) target(%dma_start3A_944 : memref<128x32xf32, #tpu.memory_space<vmem>>) offsets(%dma_start3A_947 : memref<128xi32, #tpu.memory_space<vmem>>) semaphore(%arg8 : memref<!tpu.dma_semaphore, #tpu.memory_space<semaphore_mem>>)
    %dma_start3A_951 = arith.constant 50 : i32
    %dma_start3A_952 = arith.constant 256 : i32
    %dma_start3A_953 = arith.constant 0 : i32
    %dma_start3A_954 = tpu.memref_slice %arg6[%dma_start3A_952, %dma_start3A_953] : memref<1024x32xf32, #tpu.memory_space<vmem>> -> memref<128x32xf32, #tpu.memory_space<vmem>>
    %dma_start3A_955 = arith.constant 0 : i32
    %dma_start3A_956 = tpu.memref_slice %arg5[%dma_start3A_951, %dma_start3A_955] : memref<80x128xi32, #tpu.memory_space<vmem>> -> memref<1x128xi32, #tpu.memory_space<vmem>>
    %dma_start3A_957 = tpu.memref_squeeze %dma_start3A_956 : memref<1x128xi32, #tpu.memory_space<vmem>> -> memref<128xi32, #tpu.memory_space<vmem>>
    %dma_start3A_958 = arith.constant 0 : i32
    %dma_start3A_959 = arith.constant 0 : i32
    %dma_start3A_960 = tpu.memref_slice %arg2[%dma_start3A_958, %dma_start3A_959] : memref<1000000x32xf32, #tpu.memory_space<hbm>> -> memref<1000000x32xf32, #tpu.memory_space<hbm>>
    tpu.enqueue_indirect_dma source(%dma_start3A_960 : memref<1000000x32xf32, #tpu.memory_space<hbm>>) target(%dma_start3A_954 : memref<128x32xf32, #tpu.memory_space<vmem>>) offsets(%dma_start3A_957 : memref<128xi32, #tpu.memory_space<vmem>>) semaphore(%arg8 : memref<!tpu.dma_semaphore, #tpu.memory_space<semaphore_mem>>)
    %dma_start3A_961 = arith.constant 51 : i32
    %dma_start3A_962 = arith.constant 384 : i32
    %dma_start3A_963 = arith.constant 0 : i32
    %dma_start3A_964 = tpu.memref_slice %arg6[%dma_start3A_962, %dma_start3A_963] : memref<1024x32xf32, #tpu.memory_space<vmem>> -> memref<128x32xf32, #tpu.memory_space<vmem>>
    %dma_start3A_965 = arith.constant 0 : i32
    %dma_start3A_966 = tpu.memref_slice %arg5[%dma_start3A_961, %dma_start3A_965] : memref<80x128xi32, #tpu.memory_space<vmem>> -> memref<1x128xi32, #tpu.memory_space<vmem>>
    %dma_start3A_967 = tpu.memref_squeeze %dma_start3A_966 : memref<1x128xi32, #tpu.memory_space<vmem>> -> memref<128xi32, #tpu.memory_space<vmem>>
    %dma_start3A_968 = arith.constant 0 : i32
    %dma_start3A_969 = arith.constant 0 : i32
    %dma_start3A_970 = tpu.memref_slice %arg2[%dma_start3A_968, %dma_start3A_969] : memref<1000000x32xf32, #tpu.memory_space<hbm>> -> memref<1000000x32xf32, #tpu.memory_space<hbm>>
    tpu.enqueue_indirect_dma source(%dma_start3A_970 : memref<1000000x32xf32, #tpu.memory_space<hbm>>) target(%dma_start3A_964 : memref<128x32xf32, #tpu.memory_space<vmem>>) offsets(%dma_start3A_967 : memref<128xi32, #tpu.memory_space<vmem>>) semaphore(%arg8 : memref<!tpu.dma_semaphore, #tpu.memory_space<semaphore_mem>>)
    %dma_start3A_971 = arith.constant 52 : i32
    %dma_start3A_972 = arith.constant 512 : i32
    %dma_start3A_973 = arith.constant 0 : i32
    %dma_start3A_974 = tpu.memref_slice %arg6[%dma_start3A_972, %dma_start3A_973] : memref<1024x32xf32, #tpu.memory_space<vmem>> -> memref<128x32xf32, #tpu.memory_space<vmem>>
    %dma_start3A_975 = arith.constant 0 : i32
    %dma_start3A_976 = tpu.memref_slice %arg5[%dma_start3A_971, %dma_start3A_975] : memref<80x128xi32, #tpu.memory_space<vmem>> -> memref<1x128xi32, #tpu.memory_space<vmem>>
    %dma_start3A_977 = tpu.memref_squeeze %dma_start3A_976 : memref<1x128xi32, #tpu.memory_space<vmem>> -> memref<128xi32, #tpu.memory_space<vmem>>
    %dma_start3A_978 = arith.constant 0 : i32
    %dma_start3A_979 = arith.constant 0 : i32
    %dma_start3A_980 = tpu.memref_slice %arg2[%dma_start3A_978, %dma_start3A_979] : memref<1000000x32xf32, #tpu.memory_space<hbm>> -> memref<1000000x32xf32, #tpu.memory_space<hbm>>
    tpu.enqueue_indirect_dma source(%dma_start3A_980 : memref<1000000x32xf32, #tpu.memory_space<hbm>>) target(%dma_start3A_974 : memref<128x32xf32, #tpu.memory_space<vmem>>) offsets(%dma_start3A_977 : memref<128xi32, #tpu.memory_space<vmem>>) semaphore(%arg8 : memref<!tpu.dma_semaphore, #tpu.memory_space<semaphore_mem>>)
    %dma_start3A_981 = arith.constant 53 : i32
    %dma_start3A_982 = arith.constant 640 : i32
    %dma_start3A_983 = arith.constant 0 : i32
    %dma_start3A_984 = tpu.memref_slice %arg6[%dma_start3A_982, %dma_start3A_983] : memref<1024x32xf32, #tpu.memory_space<vmem>> -> memref<128x32xf32, #tpu.memory_space<vmem>>
    %dma_start3A_985 = arith.constant 0 : i32
    %dma_start3A_986 = tpu.memref_slice %arg5[%dma_start3A_981, %dma_start3A_985] : memref<80x128xi32, #tpu.memory_space<vmem>> -> memref<1x128xi32, #tpu.memory_space<vmem>>
    %dma_start3A_987 = tpu.memref_squeeze %dma_start3A_986 : memref<1x128xi32, #tpu.memory_space<vmem>> -> memref<128xi32, #tpu.memory_space<vmem>>
    %dma_start3A_988 = arith.constant 0 : i32
    %dma_start3A_989 = arith.constant 0 : i32
    %dma_start3A_990 = tpu.memref_slice %arg2[%dma_start3A_988, %dma_start3A_989] : memref<1000000x32xf32, #tpu.memory_space<hbm>> -> memref<1000000x32xf32, #tpu.memory_space<hbm>>
    tpu.enqueue_indirect_dma source(%dma_start3A_990 : memref<1000000x32xf32, #tpu.memory_space<hbm>>) target(%dma_start3A_984 : memref<128x32xf32, #tpu.memory_space<vmem>>) offsets(%dma_start3A_987 : memref<128xi32, #tpu.memory_space<vmem>>) semaphore(%arg8 : memref<!tpu.dma_semaphore, #tpu.memory_space<semaphore_mem>>)
    %dma_start3A_991 = arith.constant 54 : i32
    %dma_start3A_992 = arith.constant 768 : i32
    %dma_start3A_993 = arith.constant 0 : i32
    %dma_start3A_994 = tpu.memref_slice %arg6[%dma_start3A_992, %dma_start3A_993] : memref<1024x32xf32, #tpu.memory_space<vmem>> -> memref<128x32xf32, #tpu.memory_space<vmem>>
    %dma_start3A_995 = arith.constant 0 : i32
    %dma_start3A_996 = tpu.memref_slice %arg5[%dma_start3A_991, %dma_start3A_995] : memref<80x128xi32, #tpu.memory_space<vmem>> -> memref<1x128xi32, #tpu.memory_space<vmem>>
    %dma_start3A_997 = tpu.memref_squeeze %dma_start3A_996 : memref<1x128xi32, #tpu.memory_space<vmem>> -> memref<128xi32, #tpu.memory_space<vmem>>
    %dma_start3A_998 = arith.constant 0 : i32
    %dma_start3A_999 = arith.constant 0 : i32
    %dma_start3A_1000 = tpu.memref_slice %arg2[%dma_start3A_998, %dma_start3A_999] : memref<1000000x32xf32, #tpu.memory_space<hbm>> -> memref<1000000x32xf32, #tpu.memory_space<hbm>>
    tpu.enqueue_indirect_dma source(%dma_start3A_1000 : memref<1000000x32xf32, #tpu.memory_space<hbm>>) target(%dma_start3A_994 : memref<128x32xf32, #tpu.memory_space<vmem>>) offsets(%dma_start3A_997 : memref<128xi32, #tpu.memory_space<vmem>>) semaphore(%arg8 : memref<!tpu.dma_semaphore, #tpu.memory_space<semaphore_mem>>)
    %dma_start3A_1001 = arith.constant 55 : i32
    %dma_start3A_1002 = arith.constant 896 : i32
    %dma_start3A_1003 = arith.constant 0 : i32
    %dma_start3A_1004 = tpu.memref_slice %arg6[%dma_start3A_1002, %dma_start3A_1003] : memref<1024x32xf32, #tpu.memory_space<vmem>> -> memref<128x32xf32, #tpu.memory_space<vmem>>
    %dma_start3A_1005 = arith.constant 0 : i32
    %dma_start3A_1006 = tpu.memref_slice %arg5[%dma_start3A_1001, %dma_start3A_1005] : memref<80x128xi32, #tpu.memory_space<vmem>> -> memref<1x128xi32, #tpu.memory_space<vmem>>
    %dma_start3A_1007 = tpu.memref_squeeze %dma_start3A_1006 : memref<1x128xi32, #tpu.memory_space<vmem>> -> memref<128xi32, #tpu.memory_space<vmem>>
    %dma_start3A_1008 = arith.constant 0 : i32
    %dma_start3A_1009 = arith.constant 0 : i32
    %dma_start3A_1010 = tpu.memref_slice %arg2[%dma_start3A_1008, %dma_start3A_1009] : memref<1000000x32xf32, #tpu.memory_space<hbm>> -> memref<1000000x32xf32, #tpu.memory_space<hbm>>
    tpu.enqueue_indirect_dma source(%dma_start3A_1010 : memref<1000000x32xf32, #tpu.memory_space<hbm>>) target(%dma_start3A_1004 : memref<128x32xf32, #tpu.memory_space<vmem>>) offsets(%dma_start3A_1007 : memref<128xi32, #tpu.memory_space<vmem>>) semaphore(%arg8 : memref<!tpu.dma_semaphore, #tpu.memory_space<semaphore_mem>>)
    %dma_wait3A_1011 = arith.constant 40 : i32
    %dma_wait3A_1012 = arith.constant 0 : i32
    %dma_wait3A_1013 = arith.constant 0 : i32
    %dma_wait3A_1014 = tpu.memref_slice %arg7[%dma_wait3A_1012, %dma_wait3A_1013] : memref<1024x32xf32, #tpu.memory_space<vmem>> -> memref<128x32xf32, #tpu.memory_space<vmem>>
    %dma_wait3A_1015 = arith.constant 0 : i32
    %dma_wait3A_1016 = tpu.memref_slice %arg5[%dma_wait3A_1011, %dma_wait3A_1015] : memref<80x128xi32, #tpu.memory_space<vmem>> -> memref<1x128xi32, #tpu.memory_space<vmem>>
    %dma_wait3A_1017 = tpu.memref_squeeze %dma_wait3A_1016 : memref<1x128xi32, #tpu.memory_space<vmem>> -> memref<128xi32, #tpu.memory_space<vmem>>
    %dma_wait3A_1018 = arith.constant 0 : i32
    %dma_wait3A_1019 = arith.constant 0 : i32
    %dma_wait3A_1020 = tpu.memref_slice %arg2[%dma_wait3A_1018, %dma_wait3A_1019] : memref<1000000x32xf32, #tpu.memory_space<hbm>> -> memref<1000000x32xf32, #tpu.memory_space<hbm>>
    tpu.wait_indirect_dma semaphore(%arg9 : memref<!tpu.dma_semaphore, #tpu.memory_space<semaphore_mem>>) src(%dma_wait3A_1020 : memref<1000000x32xf32, #tpu.memory_space<hbm>>) dst(%dma_wait3A_1014 : memref<128x32xf32, #tpu.memory_space<vmem>>)
    %dma_wait3A_1021 = arith.constant 41 : i32
    %dma_wait3A_1022 = arith.constant 128 : i32
    %dma_wait3A_1023 = arith.constant 0 : i32
    %dma_wait3A_1024 = tpu.memref_slice %arg7[%dma_wait3A_1022, %dma_wait3A_1023] : memref<1024x32xf32, #tpu.memory_space<vmem>> -> memref<128x32xf32, #tpu.memory_space<vmem>>
    %dma_wait3A_1025 = arith.constant 0 : i32
    %dma_wait3A_1026 = tpu.memref_slice %arg5[%dma_wait3A_1021, %dma_wait3A_1025] : memref<80x128xi32, #tpu.memory_space<vmem>> -> memref<1x128xi32, #tpu.memory_space<vmem>>
    %dma_wait3A_1027 = tpu.memref_squeeze %dma_wait3A_1026 : memref<1x128xi32, #tpu.memory_space<vmem>> -> memref<128xi32, #tpu.memory_space<vmem>>
    %dma_wait3A_1028 = arith.constant 0 : i32
    %dma_wait3A_1029 = arith.constant 0 : i32
    %dma_wait3A_1030 = tpu.memref_slice %arg2[%dma_wait3A_1028, %dma_wait3A_1029] : memref<1000000x32xf32, #tpu.memory_space<hbm>> -> memref<1000000x32xf32, #tpu.memory_space<hbm>>
    tpu.wait_indirect_dma semaphore(%arg9 : memref<!tpu.dma_semaphore, #tpu.memory_space<semaphore_mem>>) src(%dma_wait3A_1030 : memref<1000000x32xf32, #tpu.memory_space<hbm>>) dst(%dma_wait3A_1024 : memref<128x32xf32, #tpu.memory_space<vmem>>)
    %dma_wait3A_1031 = arith.constant 42 : i32
    %dma_wait3A_1032 = arith.constant 256 : i32
    %dma_wait3A_1033 = arith.constant 0 : i32
    %dma_wait3A_1034 = tpu.memref_slice %arg7[%dma_wait3A_1032, %dma_wait3A_1033] : memref<1024x32xf32, #tpu.memory_space<vmem>> -> memref<128x32xf32, #tpu.memory_space<vmem>>
    %dma_wait3A_1035 = arith.constant 0 : i32
    %dma_wait3A_1036 = tpu.memref_slice %arg5[%dma_wait3A_1031, %dma_wait3A_1035] : memref<80x128xi32, #tpu.memory_space<vmem>> -> memref<1x128xi32, #tpu.memory_space<vmem>>
    %dma_wait3A_1037 = tpu.memref_squeeze %dma_wait3A_1036 : memref<1x128xi32, #tpu.memory_space<vmem>> -> memref<128xi32, #tpu.memory_space<vmem>>
    %dma_wait3A_1038 = arith.constant 0 : i32
    %dma_wait3A_1039 = arith.constant 0 : i32
    %dma_wait3A_1040 = tpu.memref_slice %arg2[%dma_wait3A_1038, %dma_wait3A_1039] : memref<1000000x32xf32, #tpu.memory_space<hbm>> -> memref<1000000x32xf32, #tpu.memory_space<hbm>>
    tpu.wait_indirect_dma semaphore(%arg9 : memref<!tpu.dma_semaphore, #tpu.memory_space<semaphore_mem>>) src(%dma_wait3A_1040 : memref<1000000x32xf32, #tpu.memory_space<hbm>>) dst(%dma_wait3A_1034 : memref<128x32xf32, #tpu.memory_space<vmem>>)
    %dma_wait3A_1041 = arith.constant 43 : i32
    %dma_wait3A_1042 = arith.constant 384 : i32
    %dma_wait3A_1043 = arith.constant 0 : i32
    %dma_wait3A_1044 = tpu.memref_slice %arg7[%dma_wait3A_1042, %dma_wait3A_1043] : memref<1024x32xf32, #tpu.memory_space<vmem>> -> memref<128x32xf32, #tpu.memory_space<vmem>>
    %dma_wait3A_1045 = arith.constant 0 : i32
    %dma_wait3A_1046 = tpu.memref_slice %arg5[%dma_wait3A_1041, %dma_wait3A_1045] : memref<80x128xi32, #tpu.memory_space<vmem>> -> memref<1x128xi32, #tpu.memory_space<vmem>>
    %dma_wait3A_1047 = tpu.memref_squeeze %dma_wait3A_1046 : memref<1x128xi32, #tpu.memory_space<vmem>> -> memref<128xi32, #tpu.memory_space<vmem>>
    %dma_wait3A_1048 = arith.constant 0 : i32
    %dma_wait3A_1049 = arith.constant 0 : i32
    %dma_wait3A_1050 = tpu.memref_slice %arg2[%dma_wait3A_1048, %dma_wait3A_1049] : memref<1000000x32xf32, #tpu.memory_space<hbm>> -> memref<1000000x32xf32, #tpu.memory_space<hbm>>
    tpu.wait_indirect_dma semaphore(%arg9 : memref<!tpu.dma_semaphore, #tpu.memory_space<semaphore_mem>>) src(%dma_wait3A_1050 : memref<1000000x32xf32, #tpu.memory_space<hbm>>) dst(%dma_wait3A_1044 : memref<128x32xf32, #tpu.memory_space<vmem>>)
    %dma_wait3A_1051 = arith.constant 44 : i32
    %dma_wait3A_1052 = arith.constant 512 : i32
    %dma_wait3A_1053 = arith.constant 0 : i32
    %dma_wait3A_1054 = tpu.memref_slice %arg7[%dma_wait3A_1052, %dma_wait3A_1053] : memref<1024x32xf32, #tpu.memory_space<vmem>> -> memref<128x32xf32, #tpu.memory_space<vmem>>
    %dma_wait3A_1055 = arith.constant 0 : i32
    %dma_wait3A_1056 = tpu.memref_slice %arg5[%dma_wait3A_1051, %dma_wait3A_1055] : memref<80x128xi32, #tpu.memory_space<vmem>> -> memref<1x128xi32, #tpu.memory_space<vmem>>
    %dma_wait3A_1057 = tpu.memref_squeeze %dma_wait3A_1056 : memref<1x128xi32, #tpu.memory_space<vmem>> -> memref<128xi32, #tpu.memory_space<vmem>>
    %dma_wait3A_1058 = arith.constant 0 : i32
    %dma_wait3A_1059 = arith.constant 0 : i32
    %dma_wait3A_1060 = tpu.memref_slice %arg2[%dma_wait3A_1058, %dma_wait3A_1059] : memref<1000000x32xf32, #tpu.memory_space<hbm>> -> memref<1000000x32xf32, #tpu.memory_space<hbm>>
    tpu.wait_indirect_dma semaphore(%arg9 : memref<!tpu.dma_semaphore, #tpu.memory_space<semaphore_mem>>) src(%dma_wait3A_1060 : memref<1000000x32xf32, #tpu.memory_space<hbm>>) dst(%dma_wait3A_1054 : memref<128x32xf32, #tpu.memory_space<vmem>>)
    %dma_wait3A_1061 = arith.constant 45 : i32
    %dma_wait3A_1062 = arith.constant 640 : i32
    %dma_wait3A_1063 = arith.constant 0 : i32
    %dma_wait3A_1064 = tpu.memref_slice %arg7[%dma_wait3A_1062, %dma_wait3A_1063] : memref<1024x32xf32, #tpu.memory_space<vmem>> -> memref<128x32xf32, #tpu.memory_space<vmem>>
    %dma_wait3A_1065 = arith.constant 0 : i32
    %dma_wait3A_1066 = tpu.memref_slice %arg5[%dma_wait3A_1061, %dma_wait3A_1065] : memref<80x128xi32, #tpu.memory_space<vmem>> -> memref<1x128xi32, #tpu.memory_space<vmem>>
    %dma_wait3A_1067 = tpu.memref_squeeze %dma_wait3A_1066 : memref<1x128xi32, #tpu.memory_space<vmem>> -> memref<128xi32, #tpu.memory_space<vmem>>
    %dma_wait3A_1068 = arith.constant 0 : i32
    %dma_wait3A_1069 = arith.constant 0 : i32
    %dma_wait3A_1070 = tpu.memref_slice %arg2[%dma_wait3A_1068, %dma_wait3A_1069] : memref<1000000x32xf32, #tpu.memory_space<hbm>> -> memref<1000000x32xf32, #tpu.memory_space<hbm>>
    tpu.wait_indirect_dma semaphore(%arg9 : memref<!tpu.dma_semaphore, #tpu.memory_space<semaphore_mem>>) src(%dma_wait3A_1070 : memref<1000000x32xf32, #tpu.memory_space<hbm>>) dst(%dma_wait3A_1064 : memref<128x32xf32, #tpu.memory_space<vmem>>)
    %dma_wait3A_1071 = arith.constant 46 : i32
    %dma_wait3A_1072 = arith.constant 768 : i32
    %dma_wait3A_1073 = arith.constant 0 : i32
    %dma_wait3A_1074 = tpu.memref_slice %arg7[%dma_wait3A_1072, %dma_wait3A_1073] : memref<1024x32xf32, #tpu.memory_space<vmem>> -> memref<128x32xf32, #tpu.memory_space<vmem>>
    %dma_wait3A_1075 = arith.constant 0 : i32
    %dma_wait3A_1076 = tpu.memref_slice %arg5[%dma_wait3A_1071, %dma_wait3A_1075] : memref<80x128xi32, #tpu.memory_space<vmem>> -> memref<1x128xi32, #tpu.memory_space<vmem>>
    %dma_wait3A_1077 = tpu.memref_squeeze %dma_wait3A_1076 : memref<1x128xi32, #tpu.memory_space<vmem>> -> memref<128xi32, #tpu.memory_space<vmem>>
    %dma_wait3A_1078 = arith.constant 0 : i32
    %dma_wait3A_1079 = arith.constant 0 : i32
    %dma_wait3A_1080 = tpu.memref_slice %arg2[%dma_wait3A_1078, %dma_wait3A_1079] : memref<1000000x32xf32, #tpu.memory_space<hbm>> -> memref<1000000x32xf32, #tpu.memory_space<hbm>>
    tpu.wait_indirect_dma semaphore(%arg9 : memref<!tpu.dma_semaphore, #tpu.memory_space<semaphore_mem>>) src(%dma_wait3A_1080 : memref<1000000x32xf32, #tpu.memory_space<hbm>>) dst(%dma_wait3A_1074 : memref<128x32xf32, #tpu.memory_space<vmem>>)
    %dma_wait3A_1081 = arith.constant 47 : i32
    %dma_wait3A_1082 = arith.constant 896 : i32
    %dma_wait3A_1083 = arith.constant 0 : i32
    %dma_wait3A_1084 = tpu.memref_slice %arg7[%dma_wait3A_1082, %dma_wait3A_1083] : memref<1024x32xf32, #tpu.memory_space<vmem>> -> memref<128x32xf32, #tpu.memory_space<vmem>>
    %dma_wait3A_1085 = arith.constant 0 : i32
    %dma_wait3A_1086 = tpu.memref_slice %arg5[%dma_wait3A_1081, %dma_wait3A_1085] : memref<80x128xi32, #tpu.memory_space<vmem>> -> memref<1x128xi32, #tpu.memory_space<vmem>>
    %dma_wait3A_1087 = tpu.memref_squeeze %dma_wait3A_1086 : memref<1x128xi32, #tpu.memory_space<vmem>> -> memref<128xi32, #tpu.memory_space<vmem>>
    %dma_wait3A_1088 = arith.constant 0 : i32
    %dma_wait3A_1089 = arith.constant 0 : i32
    %dma_wait3A_1090 = tpu.memref_slice %arg2[%dma_wait3A_1088, %dma_wait3A_1089] : memref<1000000x32xf32, #tpu.memory_space<hbm>> -> memref<1000000x32xf32, #tpu.memory_space<hbm>>
    tpu.wait_indirect_dma semaphore(%arg9 : memref<!tpu.dma_semaphore, #tpu.memory_space<semaphore_mem>>) src(%dma_wait3A_1090 : memref<1000000x32xf32, #tpu.memory_space<hbm>>) dst(%dma_wait3A_1084 : memref<128x32xf32, #tpu.memory_space<vmem>>)
    %add3A_1091 = arith.constant 5120 : i32
    %add3A_1092 = arith.addi %mul3A_2, %add3A_1091 : i32
    %dma_start3A_1093 = arith.constant 0 : i32
    %dma_start3A_1094 = tpu.memref_slice %arg4[%add3A_1092, %dma_start3A_1093] : memref<327680x32xf32, #tpu.memory_space<hbm>> -> memref<1024x32xf32, #tpu.memory_space<hbm>>
    %dma_start3A_1095 = arith.constant 0 : i32
    %dma_start3A_1096 = tpu.memref_slice %arg4[%add3A_1092, %dma_start3A_1095] : memref<327680x32xf32, #tpu.memory_space<hbm>> -> memref<1024x32xf32, #tpu.memory_space<hbm>>
    tpu.enqueue_dma source(%arg7 : memref<1024x32xf32, #tpu.memory_space<vmem>>) target(%dma_start3A_1096 : memref<1024x32xf32, #tpu.memory_space<hbm>>) target_semaphore(%arg11 : memref<!tpu.dma_semaphore, #tpu.memory_space<semaphore_mem>>)
    %dma_wait3A_1097 = arith.constant 0 : i32
    %dma_wait3A_1098 = tpu.memref_slice %arg4[%add3A_1092, %dma_wait3A_1097] : memref<327680x32xf32, #tpu.memory_space<hbm>> -> memref<1024x32xf32, #tpu.memory_space<hbm>>
    %dma_wait3A_1099 = arith.constant 0 : i32
    %dma_wait3A_1100 = tpu.memref_slice %arg4[%add3A_1092, %dma_wait3A_1099] : memref<327680x32xf32, #tpu.memory_space<hbm>> -> memref<1024x32xf32, #tpu.memory_space<hbm>>
    tpu.wait_dma2 semaphore(%arg11 : memref<!tpu.dma_semaphore, #tpu.memory_space<semaphore_mem>>) src(%arg7 : memref<1024x32xf32, #tpu.memory_space<vmem>>) dst(%dma_wait3A_1100 : memref<1024x32xf32, #tpu.memory_space<hbm>>)
    %dma_start3A_1101 = arith.constant 56 : i32
    %dma_start3A_1102 = arith.constant 0 : i32
    %dma_start3A_1103 = arith.constant 0 : i32
    %dma_start3A_1104 = tpu.memref_slice %arg7[%dma_start3A_1102, %dma_start3A_1103] : memref<1024x32xf32, #tpu.memory_space<vmem>> -> memref<128x32xf32, #tpu.memory_space<vmem>>
    %dma_start3A_1105 = arith.constant 0 : i32
    %dma_start3A_1106 = tpu.memref_slice %arg5[%dma_start3A_1101, %dma_start3A_1105] : memref<80x128xi32, #tpu.memory_space<vmem>> -> memref<1x128xi32, #tpu.memory_space<vmem>>
    %dma_start3A_1107 = tpu.memref_squeeze %dma_start3A_1106 : memref<1x128xi32, #tpu.memory_space<vmem>> -> memref<128xi32, #tpu.memory_space<vmem>>
    %dma_start3A_1108 = arith.constant 0 : i32
    %dma_start3A_1109 = arith.constant 0 : i32
    %dma_start3A_1110 = tpu.memref_slice %arg2[%dma_start3A_1108, %dma_start3A_1109] : memref<1000000x32xf32, #tpu.memory_space<hbm>> -> memref<1000000x32xf32, #tpu.memory_space<hbm>>
    tpu.enqueue_indirect_dma source(%dma_start3A_1110 : memref<1000000x32xf32, #tpu.memory_space<hbm>>) target(%dma_start3A_1104 : memref<128x32xf32, #tpu.memory_space<vmem>>) offsets(%dma_start3A_1107 : memref<128xi32, #tpu.memory_space<vmem>>) semaphore(%arg9 : memref<!tpu.dma_semaphore, #tpu.memory_space<semaphore_mem>>)
    %dma_start3A_1111 = arith.constant 57 : i32
    %dma_start3A_1112 = arith.constant 128 : i32
    %dma_start3A_1113 = arith.constant 0 : i32
    %dma_start3A_1114 = tpu.memref_slice %arg7[%dma_start3A_1112, %dma_start3A_1113] : memref<1024x32xf32, #tpu.memory_space<vmem>> -> memref<128x32xf32, #tpu.memory_space<vmem>>
    %dma_start3A_1115 = arith.constant 0 : i32
    %dma_start3A_1116 = tpu.memref_slice %arg5[%dma_start3A_1111, %dma_start3A_1115] : memref<80x128xi32, #tpu.memory_space<vmem>> -> memref<1x128xi32, #tpu.memory_space<vmem>>
    %dma_start3A_1117 = tpu.memref_squeeze %dma_start3A_1116 : memref<1x128xi32, #tpu.memory_space<vmem>> -> memref<128xi32, #tpu.memory_space<vmem>>
    %dma_start3A_1118 = arith.constant 0 : i32
    %dma_start3A_1119 = arith.constant 0 : i32
    %dma_start3A_1120 = tpu.memref_slice %arg2[%dma_start3A_1118, %dma_start3A_1119] : memref<1000000x32xf32, #tpu.memory_space<hbm>> -> memref<1000000x32xf32, #tpu.memory_space<hbm>>
    tpu.enqueue_indirect_dma source(%dma_start3A_1120 : memref<1000000x32xf32, #tpu.memory_space<hbm>>) target(%dma_start3A_1114 : memref<128x32xf32, #tpu.memory_space<vmem>>) offsets(%dma_start3A_1117 : memref<128xi32, #tpu.memory_space<vmem>>) semaphore(%arg9 : memref<!tpu.dma_semaphore, #tpu.memory_space<semaphore_mem>>)
    %dma_start3A_1121 = arith.constant 58 : i32
    %dma_start3A_1122 = arith.constant 256 : i32
    %dma_start3A_1123 = arith.constant 0 : i32
    %dma_start3A_1124 = tpu.memref_slice %arg7[%dma_start3A_1122, %dma_start3A_1123] : memref<1024x32xf32, #tpu.memory_space<vmem>> -> memref<128x32xf32, #tpu.memory_space<vmem>>
    %dma_start3A_1125 = arith.constant 0 : i32
    %dma_start3A_1126 = tpu.memref_slice %arg5[%dma_start3A_1121, %dma_start3A_1125] : memref<80x128xi32, #tpu.memory_space<vmem>> -> memref<1x128xi32, #tpu.memory_space<vmem>>
    %dma_start3A_1127 = tpu.memref_squeeze %dma_start3A_1126 : memref<1x128xi32, #tpu.memory_space<vmem>> -> memref<128xi32, #tpu.memory_space<vmem>>
    %dma_start3A_1128 = arith.constant 0 : i32
    %dma_start3A_1129 = arith.constant 0 : i32
    %dma_start3A_1130 = tpu.memref_slice %arg2[%dma_start3A_1128, %dma_start3A_1129] : memref<1000000x32xf32, #tpu.memory_space<hbm>> -> memref<1000000x32xf32, #tpu.memory_space<hbm>>
    tpu.enqueue_indirect_dma source(%dma_start3A_1130 : memref<1000000x32xf32, #tpu.memory_space<hbm>>) target(%dma_start3A_1124 : memref<128x32xf32, #tpu.memory_space<vmem>>) offsets(%dma_start3A_1127 : memref<128xi32, #tpu.memory_space<vmem>>) semaphore(%arg9 : memref<!tpu.dma_semaphore, #tpu.memory_space<semaphore_mem>>)
    %dma_start3A_1131 = arith.constant 59 : i32
    %dma_start3A_1132 = arith.constant 384 : i32
    %dma_start3A_1133 = arith.constant 0 : i32
    %dma_start3A_1134 = tpu.memref_slice %arg7[%dma_start3A_1132, %dma_start3A_1133] : memref<1024x32xf32, #tpu.memory_space<vmem>> -> memref<128x32xf32, #tpu.memory_space<vmem>>
    %dma_start3A_1135 = arith.constant 0 : i32
    %dma_start3A_1136 = tpu.memref_slice %arg5[%dma_start3A_1131, %dma_start3A_1135] : memref<80x128xi32, #tpu.memory_space<vmem>> -> memref<1x128xi32, #tpu.memory_space<vmem>>
    %dma_start3A_1137 = tpu.memref_squeeze %dma_start3A_1136 : memref<1x128xi32, #tpu.memory_space<vmem>> -> memref<128xi32, #tpu.memory_space<vmem>>
    %dma_start3A_1138 = arith.constant 0 : i32
    %dma_start3A_1139 = arith.constant 0 : i32
    %dma_start3A_1140 = tpu.memref_slice %arg2[%dma_start3A_1138, %dma_start3A_1139] : memref<1000000x32xf32, #tpu.memory_space<hbm>> -> memref<1000000x32xf32, #tpu.memory_space<hbm>>
    tpu.enqueue_indirect_dma source(%dma_start3A_1140 : memref<1000000x32xf32, #tpu.memory_space<hbm>>) target(%dma_start3A_1134 : memref<128x32xf32, #tpu.memory_space<vmem>>) offsets(%dma_start3A_1137 : memref<128xi32, #tpu.memory_space<vmem>>) semaphore(%arg9 : memref<!tpu.dma_semaphore, #tpu.memory_space<semaphore_mem>>)
    %dma_start3A_1141 = arith.constant 60 : i32
    %dma_start3A_1142 = arith.constant 512 : i32
    %dma_start3A_1143 = arith.constant 0 : i32
    %dma_start3A_1144 = tpu.memref_slice %arg7[%dma_start3A_1142, %dma_start3A_1143] : memref<1024x32xf32, #tpu.memory_space<vmem>> -> memref<128x32xf32, #tpu.memory_space<vmem>>
    %dma_start3A_1145 = arith.constant 0 : i32
    %dma_start3A_1146 = tpu.memref_slice %arg5[%dma_start3A_1141, %dma_start3A_1145] : memref<80x128xi32, #tpu.memory_space<vmem>> -> memref<1x128xi32, #tpu.memory_space<vmem>>
    %dma_start3A_1147 = tpu.memref_squeeze %dma_start3A_1146 : memref<1x128xi32, #tpu.memory_space<vmem>> -> memref<128xi32, #tpu.memory_space<vmem>>
    %dma_start3A_1148 = arith.constant 0 : i32
    %dma_start3A_1149 = arith.constant 0 : i32
    %dma_start3A_1150 = tpu.memref_slice %arg2[%dma_start3A_1148, %dma_start3A_1149] : memref<1000000x32xf32, #tpu.memory_space<hbm>> -> memref<1000000x32xf32, #tpu.memory_space<hbm>>
    tpu.enqueue_indirect_dma source(%dma_start3A_1150 : memref<1000000x32xf32, #tpu.memory_space<hbm>>) target(%dma_start3A_1144 : memref<128x32xf32, #tpu.memory_space<vmem>>) offsets(%dma_start3A_1147 : memref<128xi32, #tpu.memory_space<vmem>>) semaphore(%arg9 : memref<!tpu.dma_semaphore, #tpu.memory_space<semaphore_mem>>)
    %dma_start3A_1151 = arith.constant 61 : i32
    %dma_start3A_1152 = arith.constant 640 : i32
    %dma_start3A_1153 = arith.constant 0 : i32
    %dma_start3A_1154 = tpu.memref_slice %arg7[%dma_start3A_1152, %dma_start3A_1153] : memref<1024x32xf32, #tpu.memory_space<vmem>> -> memref<128x32xf32, #tpu.memory_space<vmem>>
    %dma_start3A_1155 = arith.constant 0 : i32
    %dma_start3A_1156 = tpu.memref_slice %arg5[%dma_start3A_1151, %dma_start3A_1155] : memref<80x128xi32, #tpu.memory_space<vmem>> -> memref<1x128xi32, #tpu.memory_space<vmem>>
    %dma_start3A_1157 = tpu.memref_squeeze %dma_start3A_1156 : memref<1x128xi32, #tpu.memory_space<vmem>> -> memref<128xi32, #tpu.memory_space<vmem>>
    %dma_start3A_1158 = arith.constant 0 : i32
    %dma_start3A_1159 = arith.constant 0 : i32
    %dma_start3A_1160 = tpu.memref_slice %arg2[%dma_start3A_1158, %dma_start3A_1159] : memref<1000000x32xf32, #tpu.memory_space<hbm>> -> memref<1000000x32xf32, #tpu.memory_space<hbm>>
    tpu.enqueue_indirect_dma source(%dma_start3A_1160 : memref<1000000x32xf32, #tpu.memory_space<hbm>>) target(%dma_start3A_1154 : memref<128x32xf32, #tpu.memory_space<vmem>>) offsets(%dma_start3A_1157 : memref<128xi32, #tpu.memory_space<vmem>>) semaphore(%arg9 : memref<!tpu.dma_semaphore, #tpu.memory_space<semaphore_mem>>)
    %dma_start3A_1161 = arith.constant 62 : i32
    %dma_start3A_1162 = arith.constant 768 : i32
    %dma_start3A_1163 = arith.constant 0 : i32
    %dma_start3A_1164 = tpu.memref_slice %arg7[%dma_start3A_1162, %dma_start3A_1163] : memref<1024x32xf32, #tpu.memory_space<vmem>> -> memref<128x32xf32, #tpu.memory_space<vmem>>
    %dma_start3A_1165 = arith.constant 0 : i32
    %dma_start3A_1166 = tpu.memref_slice %arg5[%dma_start3A_1161, %dma_start3A_1165] : memref<80x128xi32, #tpu.memory_space<vmem>> -> memref<1x128xi32, #tpu.memory_space<vmem>>
    %dma_start3A_1167 = tpu.memref_squeeze %dma_start3A_1166 : memref<1x128xi32, #tpu.memory_space<vmem>> -> memref<128xi32, #tpu.memory_space<vmem>>
    %dma_start3A_1168 = arith.constant 0 : i32
    %dma_start3A_1169 = arith.constant 0 : i32
    %dma_start3A_1170 = tpu.memref_slice %arg2[%dma_start3A_1168, %dma_start3A_1169] : memref<1000000x32xf32, #tpu.memory_space<hbm>> -> memref<1000000x32xf32, #tpu.memory_space<hbm>>
    tpu.enqueue_indirect_dma source(%dma_start3A_1170 : memref<1000000x32xf32, #tpu.memory_space<hbm>>) target(%dma_start3A_1164 : memref<128x32xf32, #tpu.memory_space<vmem>>) offsets(%dma_start3A_1167 : memref<128xi32, #tpu.memory_space<vmem>>) semaphore(%arg9 : memref<!tpu.dma_semaphore, #tpu.memory_space<semaphore_mem>>)
    %dma_start3A_1171 = arith.constant 63 : i32
    %dma_start3A_1172 = arith.constant 896 : i32
    %dma_start3A_1173 = arith.constant 0 : i32
    %dma_start3A_1174 = tpu.memref_slice %arg7[%dma_start3A_1172, %dma_start3A_1173] : memref<1024x32xf32, #tpu.memory_space<vmem>> -> memref<128x32xf32, #tpu.memory_space<vmem>>
    %dma_start3A_1175 = arith.constant 0 : i32
    %dma_start3A_1176 = tpu.memref_slice %arg5[%dma_start3A_1171, %dma_start3A_1175] : memref<80x128xi32, #tpu.memory_space<vmem>> -> memref<1x128xi32, #tpu.memory_space<vmem>>
    %dma_start3A_1177 = tpu.memref_squeeze %dma_start3A_1176 : memref<1x128xi32, #tpu.memory_space<vmem>> -> memref<128xi32, #tpu.memory_space<vmem>>
    %dma_start3A_1178 = arith.constant 0 : i32
    %dma_start3A_1179 = arith.constant 0 : i32
    %dma_start3A_1180 = tpu.memref_slice %arg2[%dma_start3A_1178, %dma_start3A_1179] : memref<1000000x32xf32, #tpu.memory_space<hbm>> -> memref<1000000x32xf32, #tpu.memory_space<hbm>>
    tpu.enqueue_indirect_dma source(%dma_start3A_1180 : memref<1000000x32xf32, #tpu.memory_space<hbm>>) target(%dma_start3A_1174 : memref<128x32xf32, #tpu.memory_space<vmem>>) offsets(%dma_start3A_1177 : memref<128xi32, #tpu.memory_space<vmem>>) semaphore(%arg9 : memref<!tpu.dma_semaphore, #tpu.memory_space<semaphore_mem>>)
    %dma_wait3A_1181 = arith.constant 48 : i32
    %dma_wait3A_1182 = arith.constant 0 : i32
    %dma_wait3A_1183 = arith.constant 0 : i32
    %dma_wait3A_1184 = tpu.memref_slice %arg6[%dma_wait3A_1182, %dma_wait3A_1183] : memref<1024x32xf32, #tpu.memory_space<vmem>> -> memref<128x32xf32, #tpu.memory_space<vmem>>
    %dma_wait3A_1185 = arith.constant 0 : i32
    %dma_wait3A_1186 = tpu.memref_slice %arg5[%dma_wait3A_1181, %dma_wait3A_1185] : memref<80x128xi32, #tpu.memory_space<vmem>> -> memref<1x128xi32, #tpu.memory_space<vmem>>
    %dma_wait3A_1187 = tpu.memref_squeeze %dma_wait3A_1186 : memref<1x128xi32, #tpu.memory_space<vmem>> -> memref<128xi32, #tpu.memory_space<vmem>>
    %dma_wait3A_1188 = arith.constant 0 : i32
    %dma_wait3A_1189 = arith.constant 0 : i32
    %dma_wait3A_1190 = tpu.memref_slice %arg2[%dma_wait3A_1188, %dma_wait3A_1189] : memref<1000000x32xf32, #tpu.memory_space<hbm>> -> memref<1000000x32xf32, #tpu.memory_space<hbm>>
    tpu.wait_indirect_dma semaphore(%arg8 : memref<!tpu.dma_semaphore, #tpu.memory_space<semaphore_mem>>) src(%dma_wait3A_1190 : memref<1000000x32xf32, #tpu.memory_space<hbm>>) dst(%dma_wait3A_1184 : memref<128x32xf32, #tpu.memory_space<vmem>>)
    %dma_wait3A_1191 = arith.constant 49 : i32
    %dma_wait3A_1192 = arith.constant 128 : i32
    %dma_wait3A_1193 = arith.constant 0 : i32
    %dma_wait3A_1194 = tpu.memref_slice %arg6[%dma_wait3A_1192, %dma_wait3A_1193] : memref<1024x32xf32, #tpu.memory_space<vmem>> -> memref<128x32xf32, #tpu.memory_space<vmem>>
    %dma_wait3A_1195 = arith.constant 0 : i32
    %dma_wait3A_1196 = tpu.memref_slice %arg5[%dma_wait3A_1191, %dma_wait3A_1195] : memref<80x128xi32, #tpu.memory_space<vmem>> -> memref<1x128xi32, #tpu.memory_space<vmem>>
    %dma_wait3A_1197 = tpu.memref_squeeze %dma_wait3A_1196 : memref<1x128xi32, #tpu.memory_space<vmem>> -> memref<128xi32, #tpu.memory_space<vmem>>
    %dma_wait3A_1198 = arith.constant 0 : i32
    %dma_wait3A_1199 = arith.constant 0 : i32
    %dma_wait3A_1200 = tpu.memref_slice %arg2[%dma_wait3A_1198, %dma_wait3A_1199] : memref<1000000x32xf32, #tpu.memory_space<hbm>> -> memref<1000000x32xf32, #tpu.memory_space<hbm>>
    tpu.wait_indirect_dma semaphore(%arg8 : memref<!tpu.dma_semaphore, #tpu.memory_space<semaphore_mem>>) src(%dma_wait3A_1200 : memref<1000000x32xf32, #tpu.memory_space<hbm>>) dst(%dma_wait3A_1194 : memref<128x32xf32, #tpu.memory_space<vmem>>)
    %dma_wait3A_1201 = arith.constant 50 : i32
    %dma_wait3A_1202 = arith.constant 256 : i32
    %dma_wait3A_1203 = arith.constant 0 : i32
    %dma_wait3A_1204 = tpu.memref_slice %arg6[%dma_wait3A_1202, %dma_wait3A_1203] : memref<1024x32xf32, #tpu.memory_space<vmem>> -> memref<128x32xf32, #tpu.memory_space<vmem>>
    %dma_wait3A_1205 = arith.constant 0 : i32
    %dma_wait3A_1206 = tpu.memref_slice %arg5[%dma_wait3A_1201, %dma_wait3A_1205] : memref<80x128xi32, #tpu.memory_space<vmem>> -> memref<1x128xi32, #tpu.memory_space<vmem>>
    %dma_wait3A_1207 = tpu.memref_squeeze %dma_wait3A_1206 : memref<1x128xi32, #tpu.memory_space<vmem>> -> memref<128xi32, #tpu.memory_space<vmem>>
    %dma_wait3A_1208 = arith.constant 0 : i32
    %dma_wait3A_1209 = arith.constant 0 : i32
    %dma_wait3A_1210 = tpu.memref_slice %arg2[%dma_wait3A_1208, %dma_wait3A_1209] : memref<1000000x32xf32, #tpu.memory_space<hbm>> -> memref<1000000x32xf32, #tpu.memory_space<hbm>>
    tpu.wait_indirect_dma semaphore(%arg8 : memref<!tpu.dma_semaphore, #tpu.memory_space<semaphore_mem>>) src(%dma_wait3A_1210 : memref<1000000x32xf32, #tpu.memory_space<hbm>>) dst(%dma_wait3A_1204 : memref<128x32xf32, #tpu.memory_space<vmem>>)
    %dma_wait3A_1211 = arith.constant 51 : i32
    %dma_wait3A_1212 = arith.constant 384 : i32
    %dma_wait3A_1213 = arith.constant 0 : i32
    %dma_wait3A_1214 = tpu.memref_slice %arg6[%dma_wait3A_1212, %dma_wait3A_1213] : memref<1024x32xf32, #tpu.memory_space<vmem>> -> memref<128x32xf32, #tpu.memory_space<vmem>>
    %dma_wait3A_1215 = arith.constant 0 : i32
    %dma_wait3A_1216 = tpu.memref_slice %arg5[%dma_wait3A_1211, %dma_wait3A_1215] : memref<80x128xi32, #tpu.memory_space<vmem>> -> memref<1x128xi32, #tpu.memory_space<vmem>>
    %dma_wait3A_1217 = tpu.memref_squeeze %dma_wait3A_1216 : memref<1x128xi32, #tpu.memory_space<vmem>> -> memref<128xi32, #tpu.memory_space<vmem>>
    %dma_wait3A_1218 = arith.constant 0 : i32
    %dma_wait3A_1219 = arith.constant 0 : i32
    %dma_wait3A_1220 = tpu.memref_slice %arg2[%dma_wait3A_1218, %dma_wait3A_1219] : memref<1000000x32xf32, #tpu.memory_space<hbm>> -> memref<1000000x32xf32, #tpu.memory_space<hbm>>
    tpu.wait_indirect_dma semaphore(%arg8 : memref<!tpu.dma_semaphore, #tpu.memory_space<semaphore_mem>>) src(%dma_wait3A_1220 : memref<1000000x32xf32, #tpu.memory_space<hbm>>) dst(%dma_wait3A_1214 : memref<128x32xf32, #tpu.memory_space<vmem>>)
    %dma_wait3A_1221 = arith.constant 52 : i32
    %dma_wait3A_1222 = arith.constant 512 : i32
    %dma_wait3A_1223 = arith.constant 0 : i32
    %dma_wait3A_1224 = tpu.memref_slice %arg6[%dma_wait3A_1222, %dma_wait3A_1223] : memref<1024x32xf32, #tpu.memory_space<vmem>> -> memref<128x32xf32, #tpu.memory_space<vmem>>
    %dma_wait3A_1225 = arith.constant 0 : i32
    %dma_wait3A_1226 = tpu.memref_slice %arg5[%dma_wait3A_1221, %dma_wait3A_1225] : memref<80x128xi32, #tpu.memory_space<vmem>> -> memref<1x128xi32, #tpu.memory_space<vmem>>
    %dma_wait3A_1227 = tpu.memref_squeeze %dma_wait3A_1226 : memref<1x128xi32, #tpu.memory_space<vmem>> -> memref<128xi32, #tpu.memory_space<vmem>>
    %dma_wait3A_1228 = arith.constant 0 : i32
    %dma_wait3A_1229 = arith.constant 0 : i32
    %dma_wait3A_1230 = tpu.memref_slice %arg2[%dma_wait3A_1228, %dma_wait3A_1229] : memref<1000000x32xf32, #tpu.memory_space<hbm>> -> memref<1000000x32xf32, #tpu.memory_space<hbm>>
    tpu.wait_indirect_dma semaphore(%arg8 : memref<!tpu.dma_semaphore, #tpu.memory_space<semaphore_mem>>) src(%dma_wait3A_1230 : memref<1000000x32xf32, #tpu.memory_space<hbm>>) dst(%dma_wait3A_1224 : memref<128x32xf32, #tpu.memory_space<vmem>>)
    %dma_wait3A_1231 = arith.constant 53 : i32
    %dma_wait3A_1232 = arith.constant 640 : i32
    %dma_wait3A_1233 = arith.constant 0 : i32
    %dma_wait3A_1234 = tpu.memref_slice %arg6[%dma_wait3A_1232, %dma_wait3A_1233] : memref<1024x32xf32, #tpu.memory_space<vmem>> -> memref<128x32xf32, #tpu.memory_space<vmem>>
    %dma_wait3A_1235 = arith.constant 0 : i32
    %dma_wait3A_1236 = tpu.memref_slice %arg5[%dma_wait3A_1231, %dma_wait3A_1235] : memref<80x128xi32, #tpu.memory_space<vmem>> -> memref<1x128xi32, #tpu.memory_space<vmem>>
    %dma_wait3A_1237 = tpu.memref_squeeze %dma_wait3A_1236 : memref<1x128xi32, #tpu.memory_space<vmem>> -> memref<128xi32, #tpu.memory_space<vmem>>
    %dma_wait3A_1238 = arith.constant 0 : i32
    %dma_wait3A_1239 = arith.constant 0 : i32
    %dma_wait3A_1240 = tpu.memref_slice %arg2[%dma_wait3A_1238, %dma_wait3A_1239] : memref<1000000x32xf32, #tpu.memory_space<hbm>> -> memref<1000000x32xf32, #tpu.memory_space<hbm>>
    tpu.wait_indirect_dma semaphore(%arg8 : memref<!tpu.dma_semaphore, #tpu.memory_space<semaphore_mem>>) src(%dma_wait3A_1240 : memref<1000000x32xf32, #tpu.memory_space<hbm>>) dst(%dma_wait3A_1234 : memref<128x32xf32, #tpu.memory_space<vmem>>)
    %dma_wait3A_1241 = arith.constant 54 : i32
    %dma_wait3A_1242 = arith.constant 768 : i32
    %dma_wait3A_1243 = arith.constant 0 : i32
    %dma_wait3A_1244 = tpu.memref_slice %arg6[%dma_wait3A_1242, %dma_wait3A_1243] : memref<1024x32xf32, #tpu.memory_space<vmem>> -> memref<128x32xf32, #tpu.memory_space<vmem>>
    %dma_wait3A_1245 = arith.constant 0 : i32
    %dma_wait3A_1246 = tpu.memref_slice %arg5[%dma_wait3A_1241, %dma_wait3A_1245] : memref<80x128xi32, #tpu.memory_space<vmem>> -> memref<1x128xi32, #tpu.memory_space<vmem>>
    %dma_wait3A_1247 = tpu.memref_squeeze %dma_wait3A_1246 : memref<1x128xi32, #tpu.memory_space<vmem>> -> memref<128xi32, #tpu.memory_space<vmem>>
    %dma_wait3A_1248 = arith.constant 0 : i32
    %dma_wait3A_1249 = arith.constant 0 : i32
    %dma_wait3A_1250 = tpu.memref_slice %arg2[%dma_wait3A_1248, %dma_wait3A_1249] : memref<1000000x32xf32, #tpu.memory_space<hbm>> -> memref<1000000x32xf32, #tpu.memory_space<hbm>>
    tpu.wait_indirect_dma semaphore(%arg8 : memref<!tpu.dma_semaphore, #tpu.memory_space<semaphore_mem>>) src(%dma_wait3A_1250 : memref<1000000x32xf32, #tpu.memory_space<hbm>>) dst(%dma_wait3A_1244 : memref<128x32xf32, #tpu.memory_space<vmem>>)
    %dma_wait3A_1251 = arith.constant 55 : i32
    %dma_wait3A_1252 = arith.constant 896 : i32
    %dma_wait3A_1253 = arith.constant 0 : i32
    %dma_wait3A_1254 = tpu.memref_slice %arg6[%dma_wait3A_1252, %dma_wait3A_1253] : memref<1024x32xf32, #tpu.memory_space<vmem>> -> memref<128x32xf32, #tpu.memory_space<vmem>>
    %dma_wait3A_1255 = arith.constant 0 : i32
    %dma_wait3A_1256 = tpu.memref_slice %arg5[%dma_wait3A_1251, %dma_wait3A_1255] : memref<80x128xi32, #tpu.memory_space<vmem>> -> memref<1x128xi32, #tpu.memory_space<vmem>>
    %dma_wait3A_1257 = tpu.memref_squeeze %dma_wait3A_1256 : memref<1x128xi32, #tpu.memory_space<vmem>> -> memref<128xi32, #tpu.memory_space<vmem>>
    %dma_wait3A_1258 = arith.constant 0 : i32
    %dma_wait3A_1259 = arith.constant 0 : i32
    %dma_wait3A_1260 = tpu.memref_slice %arg2[%dma_wait3A_1258, %dma_wait3A_1259] : memref<1000000x32xf32, #tpu.memory_space<hbm>> -> memref<1000000x32xf32, #tpu.memory_space<hbm>>
    tpu.wait_indirect_dma semaphore(%arg8 : memref<!tpu.dma_semaphore, #tpu.memory_space<semaphore_mem>>) src(%dma_wait3A_1260 : memref<1000000x32xf32, #tpu.memory_space<hbm>>) dst(%dma_wait3A_1254 : memref<128x32xf32, #tpu.memory_space<vmem>>)
    %add3A_1261 = arith.constant 6144 : i32
    %add3A_1262 = arith.addi %mul3A_2, %add3A_1261 : i32
    %dma_start3A_1263 = arith.constant 0 : i32
    %dma_start3A_1264 = tpu.memref_slice %arg4[%add3A_1262, %dma_start3A_1263] : memref<327680x32xf32, #tpu.memory_space<hbm>> -> memref<1024x32xf32, #tpu.memory_space<hbm>>
    %dma_start3A_1265 = arith.constant 0 : i32
    %dma_start3A_1266 = tpu.memref_slice %arg4[%add3A_1262, %dma_start3A_1265] : memref<327680x32xf32, #tpu.memory_space<hbm>> -> memref<1024x32xf32, #tpu.memory_space<hbm>>
    tpu.enqueue_dma source(%arg6 : memref<1024x32xf32, #tpu.memory_space<vmem>>) target(%dma_start3A_1266 : memref<1024x32xf32, #tpu.memory_space<hbm>>) target_semaphore(%arg10 : memref<!tpu.dma_semaphore, #tpu.memory_space<semaphore_mem>>)
    %dma_wait3A_1267 = arith.constant 0 : i32
    %dma_wait3A_1268 = tpu.memref_slice %arg4[%add3A_1262, %dma_wait3A_1267] : memref<327680x32xf32, #tpu.memory_space<hbm>> -> memref<1024x32xf32, #tpu.memory_space<hbm>>
    %dma_wait3A_1269 = arith.constant 0 : i32
    %dma_wait3A_1270 = tpu.memref_slice %arg4[%add3A_1262, %dma_wait3A_1269] : memref<327680x32xf32, #tpu.memory_space<hbm>> -> memref<1024x32xf32, #tpu.memory_space<hbm>>
    tpu.wait_dma2 semaphore(%arg10 : memref<!tpu.dma_semaphore, #tpu.memory_space<semaphore_mem>>) src(%arg6 : memref<1024x32xf32, #tpu.memory_space<vmem>>) dst(%dma_wait3A_1270 : memref<1024x32xf32, #tpu.memory_space<hbm>>)
    %dma_start3A_1271 = arith.constant 64 : i32
    %dma_start3A_1272 = arith.constant 0 : i32
    %dma_start3A_1273 = arith.constant 0 : i32
    %dma_start3A_1274 = tpu.memref_slice %arg6[%dma_start3A_1272, %dma_start3A_1273] : memref<1024x32xf32, #tpu.memory_space<vmem>> -> memref<128x32xf32, #tpu.memory_space<vmem>>
    %dma_start3A_1275 = arith.constant 0 : i32
    %dma_start3A_1276 = tpu.memref_slice %arg5[%dma_start3A_1271, %dma_start3A_1275] : memref<80x128xi32, #tpu.memory_space<vmem>> -> memref<1x128xi32, #tpu.memory_space<vmem>>
    %dma_start3A_1277 = tpu.memref_squeeze %dma_start3A_1276 : memref<1x128xi32, #tpu.memory_space<vmem>> -> memref<128xi32, #tpu.memory_space<vmem>>
    %dma_start3A_1278 = arith.constant 0 : i32
    %dma_start3A_1279 = arith.constant 0 : i32
    %dma_start3A_1280 = tpu.memref_slice %arg2[%dma_start3A_1278, %dma_start3A_1279] : memref<1000000x32xf32, #tpu.memory_space<hbm>> -> memref<1000000x32xf32, #tpu.memory_space<hbm>>
    tpu.enqueue_indirect_dma source(%dma_start3A_1280 : memref<1000000x32xf32, #tpu.memory_space<hbm>>) target(%dma_start3A_1274 : memref<128x32xf32, #tpu.memory_space<vmem>>) offsets(%dma_start3A_1277 : memref<128xi32, #tpu.memory_space<vmem>>) semaphore(%arg8 : memref<!tpu.dma_semaphore, #tpu.memory_space<semaphore_mem>>)
    %dma_start3A_1281 = arith.constant 65 : i32
    %dma_start3A_1282 = arith.constant 128 : i32
    %dma_start3A_1283 = arith.constant 0 : i32
    %dma_start3A_1284 = tpu.memref_slice %arg6[%dma_start3A_1282, %dma_start3A_1283] : memref<1024x32xf32, #tpu.memory_space<vmem>> -> memref<128x32xf32, #tpu.memory_space<vmem>>
    %dma_start3A_1285 = arith.constant 0 : i32
    %dma_start3A_1286 = tpu.memref_slice %arg5[%dma_start3A_1281, %dma_start3A_1285] : memref<80x128xi32, #tpu.memory_space<vmem>> -> memref<1x128xi32, #tpu.memory_space<vmem>>
    %dma_start3A_1287 = tpu.memref_squeeze %dma_start3A_1286 : memref<1x128xi32, #tpu.memory_space<vmem>> -> memref<128xi32, #tpu.memory_space<vmem>>
    %dma_start3A_1288 = arith.constant 0 : i32
    %dma_start3A_1289 = arith.constant 0 : i32
    %dma_start3A_1290 = tpu.memref_slice %arg2[%dma_start3A_1288, %dma_start3A_1289] : memref<1000000x32xf32, #tpu.memory_space<hbm>> -> memref<1000000x32xf32, #tpu.memory_space<hbm>>
    tpu.enqueue_indirect_dma source(%dma_start3A_1290 : memref<1000000x32xf32, #tpu.memory_space<hbm>>) target(%dma_start3A_1284 : memref<128x32xf32, #tpu.memory_space<vmem>>) offsets(%dma_start3A_1287 : memref<128xi32, #tpu.memory_space<vmem>>) semaphore(%arg8 : memref<!tpu.dma_semaphore, #tpu.memory_space<semaphore_mem>>)
    %dma_start3A_1291 = arith.constant 66 : i32
    %dma_start3A_1292 = arith.constant 256 : i32
    %dma_start3A_1293 = arith.constant 0 : i32
    %dma_start3A_1294 = tpu.memref_slice %arg6[%dma_start3A_1292, %dma_start3A_1293] : memref<1024x32xf32, #tpu.memory_space<vmem>> -> memref<128x32xf32, #tpu.memory_space<vmem>>
    %dma_start3A_1295 = arith.constant 0 : i32
    %dma_start3A_1296 = tpu.memref_slice %arg5[%dma_start3A_1291, %dma_start3A_1295] : memref<80x128xi32, #tpu.memory_space<vmem>> -> memref<1x128xi32, #tpu.memory_space<vmem>>
    %dma_start3A_1297 = tpu.memref_squeeze %dma_start3A_1296 : memref<1x128xi32, #tpu.memory_space<vmem>> -> memref<128xi32, #tpu.memory_space<vmem>>
    %dma_start3A_1298 = arith.constant 0 : i32
    %dma_start3A_1299 = arith.constant 0 : i32
    %dma_start3A_1300 = tpu.memref_slice %arg2[%dma_start3A_1298, %dma_start3A_1299] : memref<1000000x32xf32, #tpu.memory_space<hbm>> -> memref<1000000x32xf32, #tpu.memory_space<hbm>>
    tpu.enqueue_indirect_dma source(%dma_start3A_1300 : memref<1000000x32xf32, #tpu.memory_space<hbm>>) target(%dma_start3A_1294 : memref<128x32xf32, #tpu.memory_space<vmem>>) offsets(%dma_start3A_1297 : memref<128xi32, #tpu.memory_space<vmem>>) semaphore(%arg8 : memref<!tpu.dma_semaphore, #tpu.memory_space<semaphore_mem>>)
    %dma_start3A_1301 = arith.constant 67 : i32
    %dma_start3A_1302 = arith.constant 384 : i32
    %dma_start3A_1303 = arith.constant 0 : i32
    %dma_start3A_1304 = tpu.memref_slice %arg6[%dma_start3A_1302, %dma_start3A_1303] : memref<1024x32xf32, #tpu.memory_space<vmem>> -> memref<128x32xf32, #tpu.memory_space<vmem>>
    %dma_start3A_1305 = arith.constant 0 : i32
    %dma_start3A_1306 = tpu.memref_slice %arg5[%dma_start3A_1301, %dma_start3A_1305] : memref<80x128xi32, #tpu.memory_space<vmem>> -> memref<1x128xi32, #tpu.memory_space<vmem>>
    %dma_start3A_1307 = tpu.memref_squeeze %dma_start3A_1306 : memref<1x128xi32, #tpu.memory_space<vmem>> -> memref<128xi32, #tpu.memory_space<vmem>>
    %dma_start3A_1308 = arith.constant 0 : i32
    %dma_start3A_1309 = arith.constant 0 : i32
    %dma_start3A_1310 = tpu.memref_slice %arg2[%dma_start3A_1308, %dma_start3A_1309] : memref<1000000x32xf32, #tpu.memory_space<hbm>> -> memref<1000000x32xf32, #tpu.memory_space<hbm>>
    tpu.enqueue_indirect_dma source(%dma_start3A_1310 : memref<1000000x32xf32, #tpu.memory_space<hbm>>) target(%dma_start3A_1304 : memref<128x32xf32, #tpu.memory_space<vmem>>) offsets(%dma_start3A_1307 : memref<128xi32, #tpu.memory_space<vmem>>) semaphore(%arg8 : memref<!tpu.dma_semaphore, #tpu.memory_space<semaphore_mem>>)
    %dma_start3A_1311 = arith.constant 68 : i32
    %dma_start3A_1312 = arith.constant 512 : i32
    %dma_start3A_1313 = arith.constant 0 : i32
    %dma_start3A_1314 = tpu.memref_slice %arg6[%dma_start3A_1312, %dma_start3A_1313] : memref<1024x32xf32, #tpu.memory_space<vmem>> -> memref<128x32xf32, #tpu.memory_space<vmem>>
    %dma_start3A_1315 = arith.constant 0 : i32
    %dma_start3A_1316 = tpu.memref_slice %arg5[%dma_start3A_1311, %dma_start3A_1315] : memref<80x128xi32, #tpu.memory_space<vmem>> -> memref<1x128xi32, #tpu.memory_space<vmem>>
    %dma_start3A_1317 = tpu.memref_squeeze %dma_start3A_1316 : memref<1x128xi32, #tpu.memory_space<vmem>> -> memref<128xi32, #tpu.memory_space<vmem>>
    %dma_start3A_1318 = arith.constant 0 : i32
    %dma_start3A_1319 = arith.constant 0 : i32
    %dma_start3A_1320 = tpu.memref_slice %arg2[%dma_start3A_1318, %dma_start3A_1319] : memref<1000000x32xf32, #tpu.memory_space<hbm>> -> memref<1000000x32xf32, #tpu.memory_space<hbm>>
    tpu.enqueue_indirect_dma source(%dma_start3A_1320 : memref<1000000x32xf32, #tpu.memory_space<hbm>>) target(%dma_start3A_1314 : memref<128x32xf32, #tpu.memory_space<vmem>>) offsets(%dma_start3A_1317 : memref<128xi32, #tpu.memory_space<vmem>>) semaphore(%arg8 : memref<!tpu.dma_semaphore, #tpu.memory_space<semaphore_mem>>)
    %dma_start3A_1321 = arith.constant 69 : i32
    %dma_start3A_1322 = arith.constant 640 : i32
    %dma_start3A_1323 = arith.constant 0 : i32
    %dma_start3A_1324 = tpu.memref_slice %arg6[%dma_start3A_1322, %dma_start3A_1323] : memref<1024x32xf32, #tpu.memory_space<vmem>> -> memref<128x32xf32, #tpu.memory_space<vmem>>
    %dma_start3A_1325 = arith.constant 0 : i32
    %dma_start3A_1326 = tpu.memref_slice %arg5[%dma_start3A_1321, %dma_start3A_1325] : memref<80x128xi32, #tpu.memory_space<vmem>> -> memref<1x128xi32, #tpu.memory_space<vmem>>
    %dma_start3A_1327 = tpu.memref_squeeze %dma_start3A_1326 : memref<1x128xi32, #tpu.memory_space<vmem>> -> memref<128xi32, #tpu.memory_space<vmem>>
    %dma_start3A_1328 = arith.constant 0 : i32
    %dma_start3A_1329 = arith.constant 0 : i32
    %dma_start3A_1330 = tpu.memref_slice %arg2[%dma_start3A_1328, %dma_start3A_1329] : memref<1000000x32xf32, #tpu.memory_space<hbm>> -> memref<1000000x32xf32, #tpu.memory_space<hbm>>
    tpu.enqueue_indirect_dma source(%dma_start3A_1330 : memref<1000000x32xf32, #tpu.memory_space<hbm>>) target(%dma_start3A_1324 : memref<128x32xf32, #tpu.memory_space<vmem>>) offsets(%dma_start3A_1327 : memref<128xi32, #tpu.memory_space<vmem>>) semaphore(%arg8 : memref<!tpu.dma_semaphore, #tpu.memory_space<semaphore_mem>>)
    %dma_start3A_1331 = arith.constant 70 : i32
    %dma_start3A_1332 = arith.constant 768 : i32
    %dma_start3A_1333 = arith.constant 0 : i32
    %dma_start3A_1334 = tpu.memref_slice %arg6[%dma_start3A_1332, %dma_start3A_1333] : memref<1024x32xf32, #tpu.memory_space<vmem>> -> memref<128x32xf32, #tpu.memory_space<vmem>>
    %dma_start3A_1335 = arith.constant 0 : i32
    %dma_start3A_1336 = tpu.memref_slice %arg5[%dma_start3A_1331, %dma_start3A_1335] : memref<80x128xi32, #tpu.memory_space<vmem>> -> memref<1x128xi32, #tpu.memory_space<vmem>>
    %dma_start3A_1337 = tpu.memref_squeeze %dma_start3A_1336 : memref<1x128xi32, #tpu.memory_space<vmem>> -> memref<128xi32, #tpu.memory_space<vmem>>
    %dma_start3A_1338 = arith.constant 0 : i32
    %dma_start3A_1339 = arith.constant 0 : i32
    %dma_start3A_1340 = tpu.memref_slice %arg2[%dma_start3A_1338, %dma_start3A_1339] : memref<1000000x32xf32, #tpu.memory_space<hbm>> -> memref<1000000x32xf32, #tpu.memory_space<hbm>>
    tpu.enqueue_indirect_dma source(%dma_start3A_1340 : memref<1000000x32xf32, #tpu.memory_space<hbm>>) target(%dma_start3A_1334 : memref<128x32xf32, #tpu.memory_space<vmem>>) offsets(%dma_start3A_1337 : memref<128xi32, #tpu.memory_space<vmem>>) semaphore(%arg8 : memref<!tpu.dma_semaphore, #tpu.memory_space<semaphore_mem>>)
    %dma_start3A_1341 = arith.constant 71 : i32
    %dma_start3A_1342 = arith.constant 896 : i32
    %dma_start3A_1343 = arith.constant 0 : i32
    %dma_start3A_1344 = tpu.memref_slice %arg6[%dma_start3A_1342, %dma_start3A_1343] : memref<1024x32xf32, #tpu.memory_space<vmem>> -> memref<128x32xf32, #tpu.memory_space<vmem>>
    %dma_start3A_1345 = arith.constant 0 : i32
    %dma_start3A_1346 = tpu.memref_slice %arg5[%dma_start3A_1341, %dma_start3A_1345] : memref<80x128xi32, #tpu.memory_space<vmem>> -> memref<1x128xi32, #tpu.memory_space<vmem>>
    %dma_start3A_1347 = tpu.memref_squeeze %dma_start3A_1346 : memref<1x128xi32, #tpu.memory_space<vmem>> -> memref<128xi32, #tpu.memory_space<vmem>>
    %dma_start3A_1348 = arith.constant 0 : i32
    %dma_start3A_1349 = arith.constant 0 : i32
    %dma_start3A_1350 = tpu.memref_slice %arg2[%dma_start3A_1348, %dma_start3A_1349] : memref<1000000x32xf32, #tpu.memory_space<hbm>> -> memref<1000000x32xf32, #tpu.memory_space<hbm>>
    tpu.enqueue_indirect_dma source(%dma_start3A_1350 : memref<1000000x32xf32, #tpu.memory_space<hbm>>) target(%dma_start3A_1344 : memref<128x32xf32, #tpu.memory_space<vmem>>) offsets(%dma_start3A_1347 : memref<128xi32, #tpu.memory_space<vmem>>) semaphore(%arg8 : memref<!tpu.dma_semaphore, #tpu.memory_space<semaphore_mem>>)
    %dma_wait3A_1351 = arith.constant 56 : i32
    %dma_wait3A_1352 = arith.constant 0 : i32
    %dma_wait3A_1353 = arith.constant 0 : i32
    %dma_wait3A_1354 = tpu.memref_slice %arg7[%dma_wait3A_1352, %dma_wait3A_1353] : memref<1024x32xf32, #tpu.memory_space<vmem>> -> memref<128x32xf32, #tpu.memory_space<vmem>>
    %dma_wait3A_1355 = arith.constant 0 : i32
    %dma_wait3A_1356 = tpu.memref_slice %arg5[%dma_wait3A_1351, %dma_wait3A_1355] : memref<80x128xi32, #tpu.memory_space<vmem>> -> memref<1x128xi32, #tpu.memory_space<vmem>>
    %dma_wait3A_1357 = tpu.memref_squeeze %dma_wait3A_1356 : memref<1x128xi32, #tpu.memory_space<vmem>> -> memref<128xi32, #tpu.memory_space<vmem>>
    %dma_wait3A_1358 = arith.constant 0 : i32
    %dma_wait3A_1359 = arith.constant 0 : i32
    %dma_wait3A_1360 = tpu.memref_slice %arg2[%dma_wait3A_1358, %dma_wait3A_1359] : memref<1000000x32xf32, #tpu.memory_space<hbm>> -> memref<1000000x32xf32, #tpu.memory_space<hbm>>
    tpu.wait_indirect_dma semaphore(%arg9 : memref<!tpu.dma_semaphore, #tpu.memory_space<semaphore_mem>>) src(%dma_wait3A_1360 : memref<1000000x32xf32, #tpu.memory_space<hbm>>) dst(%dma_wait3A_1354 : memref<128x32xf32, #tpu.memory_space<vmem>>)
    %dma_wait3A_1361 = arith.constant 57 : i32
    %dma_wait3A_1362 = arith.constant 128 : i32
    %dma_wait3A_1363 = arith.constant 0 : i32
    %dma_wait3A_1364 = tpu.memref_slice %arg7[%dma_wait3A_1362, %dma_wait3A_1363] : memref<1024x32xf32, #tpu.memory_space<vmem>> -> memref<128x32xf32, #tpu.memory_space<vmem>>
    %dma_wait3A_1365 = arith.constant 0 : i32
    %dma_wait3A_1366 = tpu.memref_slice %arg5[%dma_wait3A_1361, %dma_wait3A_1365] : memref<80x128xi32, #tpu.memory_space<vmem>> -> memref<1x128xi32, #tpu.memory_space<vmem>>
    %dma_wait3A_1367 = tpu.memref_squeeze %dma_wait3A_1366 : memref<1x128xi32, #tpu.memory_space<vmem>> -> memref<128xi32, #tpu.memory_space<vmem>>
    %dma_wait3A_1368 = arith.constant 0 : i32
    %dma_wait3A_1369 = arith.constant 0 : i32
    %dma_wait3A_1370 = tpu.memref_slice %arg2[%dma_wait3A_1368, %dma_wait3A_1369] : memref<1000000x32xf32, #tpu.memory_space<hbm>> -> memref<1000000x32xf32, #tpu.memory_space<hbm>>
    tpu.wait_indirect_dma semaphore(%arg9 : memref<!tpu.dma_semaphore, #tpu.memory_space<semaphore_mem>>) src(%dma_wait3A_1370 : memref<1000000x32xf32, #tpu.memory_space<hbm>>) dst(%dma_wait3A_1364 : memref<128x32xf32, #tpu.memory_space<vmem>>)
    %dma_wait3A_1371 = arith.constant 58 : i32
    %dma_wait3A_1372 = arith.constant 256 : i32
    %dma_wait3A_1373 = arith.constant 0 : i32
    %dma_wait3A_1374 = tpu.memref_slice %arg7[%dma_wait3A_1372, %dma_wait3A_1373] : memref<1024x32xf32, #tpu.memory_space<vmem>> -> memref<128x32xf32, #tpu.memory_space<vmem>>
    %dma_wait3A_1375 = arith.constant 0 : i32
    %dma_wait3A_1376 = tpu.memref_slice %arg5[%dma_wait3A_1371, %dma_wait3A_1375] : memref<80x128xi32, #tpu.memory_space<vmem>> -> memref<1x128xi32, #tpu.memory_space<vmem>>
    %dma_wait3A_1377 = tpu.memref_squeeze %dma_wait3A_1376 : memref<1x128xi32, #tpu.memory_space<vmem>> -> memref<128xi32, #tpu.memory_space<vmem>>
    %dma_wait3A_1378 = arith.constant 0 : i32
    %dma_wait3A_1379 = arith.constant 0 : i32
    %dma_wait3A_1380 = tpu.memref_slice %arg2[%dma_wait3A_1378, %dma_wait3A_1379] : memref<1000000x32xf32, #tpu.memory_space<hbm>> -> memref<1000000x32xf32, #tpu.memory_space<hbm>>
    tpu.wait_indirect_dma semaphore(%arg9 : memref<!tpu.dma_semaphore, #tpu.memory_space<semaphore_mem>>) src(%dma_wait3A_1380 : memref<1000000x32xf32, #tpu.memory_space<hbm>>) dst(%dma_wait3A_1374 : memref<128x32xf32, #tpu.memory_space<vmem>>)
    %dma_wait3A_1381 = arith.constant 59 : i32
    %dma_wait3A_1382 = arith.constant 384 : i32
    %dma_wait3A_1383 = arith.constant 0 : i32
    %dma_wait3A_1384 = tpu.memref_slice %arg7[%dma_wait3A_1382, %dma_wait3A_1383] : memref<1024x32xf32, #tpu.memory_space<vmem>> -> memref<128x32xf32, #tpu.memory_space<vmem>>
    %dma_wait3A_1385 = arith.constant 0 : i32
    %dma_wait3A_1386 = tpu.memref_slice %arg5[%dma_wait3A_1381, %dma_wait3A_1385] : memref<80x128xi32, #tpu.memory_space<vmem>> -> memref<1x128xi32, #tpu.memory_space<vmem>>
    %dma_wait3A_1387 = tpu.memref_squeeze %dma_wait3A_1386 : memref<1x128xi32, #tpu.memory_space<vmem>> -> memref<128xi32, #tpu.memory_space<vmem>>
    %dma_wait3A_1388 = arith.constant 0 : i32
    %dma_wait3A_1389 = arith.constant 0 : i32
    %dma_wait3A_1390 = tpu.memref_slice %arg2[%dma_wait3A_1388, %dma_wait3A_1389] : memref<1000000x32xf32, #tpu.memory_space<hbm>> -> memref<1000000x32xf32, #tpu.memory_space<hbm>>
    tpu.wait_indirect_dma semaphore(%arg9 : memref<!tpu.dma_semaphore, #tpu.memory_space<semaphore_mem>>) src(%dma_wait3A_1390 : memref<1000000x32xf32, #tpu.memory_space<hbm>>) dst(%dma_wait3A_1384 : memref<128x32xf32, #tpu.memory_space<vmem>>)
    %dma_wait3A_1391 = arith.constant 60 : i32
    %dma_wait3A_1392 = arith.constant 512 : i32
    %dma_wait3A_1393 = arith.constant 0 : i32
    %dma_wait3A_1394 = tpu.memref_slice %arg7[%dma_wait3A_1392, %dma_wait3A_1393] : memref<1024x32xf32, #tpu.memory_space<vmem>> -> memref<128x32xf32, #tpu.memory_space<vmem>>
    %dma_wait3A_1395 = arith.constant 0 : i32
    %dma_wait3A_1396 = tpu.memref_slice %arg5[%dma_wait3A_1391, %dma_wait3A_1395] : memref<80x128xi32, #tpu.memory_space<vmem>> -> memref<1x128xi32, #tpu.memory_space<vmem>>
    %dma_wait3A_1397 = tpu.memref_squeeze %dma_wait3A_1396 : memref<1x128xi32, #tpu.memory_space<vmem>> -> memref<128xi32, #tpu.memory_space<vmem>>
    %dma_wait3A_1398 = arith.constant 0 : i32
    %dma_wait3A_1399 = arith.constant 0 : i32
    %dma_wait3A_1400 = tpu.memref_slice %arg2[%dma_wait3A_1398, %dma_wait3A_1399] : memref<1000000x32xf32, #tpu.memory_space<hbm>> -> memref<1000000x32xf32, #tpu.memory_space<hbm>>
    tpu.wait_indirect_dma semaphore(%arg9 : memref<!tpu.dma_semaphore, #tpu.memory_space<semaphore_mem>>) src(%dma_wait3A_1400 : memref<1000000x32xf32, #tpu.memory_space<hbm>>) dst(%dma_wait3A_1394 : memref<128x32xf32, #tpu.memory_space<vmem>>)
    %dma_wait3A_1401 = arith.constant 61 : i32
    %dma_wait3A_1402 = arith.constant 640 : i32
    %dma_wait3A_1403 = arith.constant 0 : i32
    %dma_wait3A_1404 = tpu.memref_slice %arg7[%dma_wait3A_1402, %dma_wait3A_1403] : memref<1024x32xf32, #tpu.memory_space<vmem>> -> memref<128x32xf32, #tpu.memory_space<vmem>>
    %dma_wait3A_1405 = arith.constant 0 : i32
    %dma_wait3A_1406 = tpu.memref_slice %arg5[%dma_wait3A_1401, %dma_wait3A_1405] : memref<80x128xi32, #tpu.memory_space<vmem>> -> memref<1x128xi32, #tpu.memory_space<vmem>>
    %dma_wait3A_1407 = tpu.memref_squeeze %dma_wait3A_1406 : memref<1x128xi32, #tpu.memory_space<vmem>> -> memref<128xi32, #tpu.memory_space<vmem>>
    %dma_wait3A_1408 = arith.constant 0 : i32
    %dma_wait3A_1409 = arith.constant 0 : i32
    %dma_wait3A_1410 = tpu.memref_slice %arg2[%dma_wait3A_1408, %dma_wait3A_1409] : memref<1000000x32xf32, #tpu.memory_space<hbm>> -> memref<1000000x32xf32, #tpu.memory_space<hbm>>
    tpu.wait_indirect_dma semaphore(%arg9 : memref<!tpu.dma_semaphore, #tpu.memory_space<semaphore_mem>>) src(%dma_wait3A_1410 : memref<1000000x32xf32, #tpu.memory_space<hbm>>) dst(%dma_wait3A_1404 : memref<128x32xf32, #tpu.memory_space<vmem>>)
    %dma_wait3A_1411 = arith.constant 62 : i32
    %dma_wait3A_1412 = arith.constant 768 : i32
    %dma_wait3A_1413 = arith.constant 0 : i32
    %dma_wait3A_1414 = tpu.memref_slice %arg7[%dma_wait3A_1412, %dma_wait3A_1413] : memref<1024x32xf32, #tpu.memory_space<vmem>> -> memref<128x32xf32, #tpu.memory_space<vmem>>
    %dma_wait3A_1415 = arith.constant 0 : i32
    %dma_wait3A_1416 = tpu.memref_slice %arg5[%dma_wait3A_1411, %dma_wait3A_1415] : memref<80x128xi32, #tpu.memory_space<vmem>> -> memref<1x128xi32, #tpu.memory_space<vmem>>
    %dma_wait3A_1417 = tpu.memref_squeeze %dma_wait3A_1416 : memref<1x128xi32, #tpu.memory_space<vmem>> -> memref<128xi32, #tpu.memory_space<vmem>>
    %dma_wait3A_1418 = arith.constant 0 : i32
    %dma_wait3A_1419 = arith.constant 0 : i32
    %dma_wait3A_1420 = tpu.memref_slice %arg2[%dma_wait3A_1418, %dma_wait3A_1419] : memref<1000000x32xf32, #tpu.memory_space<hbm>> -> memref<1000000x32xf32, #tpu.memory_space<hbm>>
    tpu.wait_indirect_dma semaphore(%arg9 : memref<!tpu.dma_semaphore, #tpu.memory_space<semaphore_mem>>) src(%dma_wait3A_1420 : memref<1000000x32xf32, #tpu.memory_space<hbm>>) dst(%dma_wait3A_1414 : memref<128x32xf32, #tpu.memory_space<vmem>>)
    %dma_wait3A_1421 = arith.constant 63 : i32
    %dma_wait3A_1422 = arith.constant 896 : i32
    %dma_wait3A_1423 = arith.constant 0 : i32
    %dma_wait3A_1424 = tpu.memref_slice %arg7[%dma_wait3A_1422, %dma_wait3A_1423] : memref<1024x32xf32, #tpu.memory_space<vmem>> -> memref<128x32xf32, #tpu.memory_space<vmem>>
    %dma_wait3A_1425 = arith.constant 0 : i32
    %dma_wait3A_1426 = tpu.memref_slice %arg5[%dma_wait3A_1421, %dma_wait3A_1425] : memref<80x128xi32, #tpu.memory_space<vmem>> -> memref<1x128xi32, #tpu.memory_space<vmem>>
    %dma_wait3A_1427 = tpu.memref_squeeze %dma_wait3A_1426 : memref<1x128xi32, #tpu.memory_space<vmem>> -> memref<128xi32, #tpu.memory_space<vmem>>
    %dma_wait3A_1428 = arith.constant 0 : i32
    %dma_wait3A_1429 = arith.constant 0 : i32
    %dma_wait3A_1430 = tpu.memref_slice %arg2[%dma_wait3A_1428, %dma_wait3A_1429] : memref<1000000x32xf32, #tpu.memory_space<hbm>> -> memref<1000000x32xf32, #tpu.memory_space<hbm>>
    tpu.wait_indirect_dma semaphore(%arg9 : memref<!tpu.dma_semaphore, #tpu.memory_space<semaphore_mem>>) src(%dma_wait3A_1430 : memref<1000000x32xf32, #tpu.memory_space<hbm>>) dst(%dma_wait3A_1424 : memref<128x32xf32, #tpu.memory_space<vmem>>)
    %add3A_1431 = arith.constant 7168 : i32
    %add3A_1432 = arith.addi %mul3A_2, %add3A_1431 : i32
    %dma_start3A_1433 = arith.constant 0 : i32
    %dma_start3A_1434 = tpu.memref_slice %arg4[%add3A_1432, %dma_start3A_1433] : memref<327680x32xf32, #tpu.memory_space<hbm>> -> memref<1024x32xf32, #tpu.memory_space<hbm>>
    %dma_start3A_1435 = arith.constant 0 : i32
    %dma_start3A_1436 = tpu.memref_slice %arg4[%add3A_1432, %dma_start3A_1435] : memref<327680x32xf32, #tpu.memory_space<hbm>> -> memref<1024x32xf32, #tpu.memory_space<hbm>>
    tpu.enqueue_dma source(%arg7 : memref<1024x32xf32, #tpu.memory_space<vmem>>) target(%dma_start3A_1436 : memref<1024x32xf32, #tpu.memory_space<hbm>>) target_semaphore(%arg11 : memref<!tpu.dma_semaphore, #tpu.memory_space<semaphore_mem>>)
    %dma_wait3A_1437 = arith.constant 0 : i32
    %dma_wait3A_1438 = tpu.memref_slice %arg4[%add3A_1432, %dma_wait3A_1437] : memref<327680x32xf32, #tpu.memory_space<hbm>> -> memref<1024x32xf32, #tpu.memory_space<hbm>>
    %dma_wait3A_1439 = arith.constant 0 : i32
    %dma_wait3A_1440 = tpu.memref_slice %arg4[%add3A_1432, %dma_wait3A_1439] : memref<327680x32xf32, #tpu.memory_space<hbm>> -> memref<1024x32xf32, #tpu.memory_space<hbm>>
    tpu.wait_dma2 semaphore(%arg11 : memref<!tpu.dma_semaphore, #tpu.memory_space<semaphore_mem>>) src(%arg7 : memref<1024x32xf32, #tpu.memory_space<vmem>>) dst(%dma_wait3A_1440 : memref<1024x32xf32, #tpu.memory_space<hbm>>)
    %dma_start3A_1441 = arith.constant 72 : i32
    %dma_start3A_1442 = arith.constant 0 : i32
    %dma_start3A_1443 = arith.constant 0 : i32
    %dma_start3A_1444 = tpu.memref_slice %arg7[%dma_start3A_1442, %dma_start3A_1443] : memref<1024x32xf32, #tpu.memory_space<vmem>> -> memref<128x32xf32, #tpu.memory_space<vmem>>
    %dma_start3A_1445 = arith.constant 0 : i32
    %dma_start3A_1446 = tpu.memref_slice %arg5[%dma_start3A_1441, %dma_start3A_1445] : memref<80x128xi32, #tpu.memory_space<vmem>> -> memref<1x128xi32, #tpu.memory_space<vmem>>
    %dma_start3A_1447 = tpu.memref_squeeze %dma_start3A_1446 : memref<1x128xi32, #tpu.memory_space<vmem>> -> memref<128xi32, #tpu.memory_space<vmem>>
    %dma_start3A_1448 = arith.constant 0 : i32
    %dma_start3A_1449 = arith.constant 0 : i32
    %dma_start3A_1450 = tpu.memref_slice %arg2[%dma_start3A_1448, %dma_start3A_1449] : memref<1000000x32xf32, #tpu.memory_space<hbm>> -> memref<1000000x32xf32, #tpu.memory_space<hbm>>
    tpu.enqueue_indirect_dma source(%dma_start3A_1450 : memref<1000000x32xf32, #tpu.memory_space<hbm>>) target(%dma_start3A_1444 : memref<128x32xf32, #tpu.memory_space<vmem>>) offsets(%dma_start3A_1447 : memref<128xi32, #tpu.memory_space<vmem>>) semaphore(%arg9 : memref<!tpu.dma_semaphore, #tpu.memory_space<semaphore_mem>>)
    %dma_start3A_1451 = arith.constant 73 : i32
    %dma_start3A_1452 = arith.constant 128 : i32
    %dma_start3A_1453 = arith.constant 0 : i32
    %dma_start3A_1454 = tpu.memref_slice %arg7[%dma_start3A_1452, %dma_start3A_1453] : memref<1024x32xf32, #tpu.memory_space<vmem>> -> memref<128x32xf32, #tpu.memory_space<vmem>>
    %dma_start3A_1455 = arith.constant 0 : i32
    %dma_start3A_1456 = tpu.memref_slice %arg5[%dma_start3A_1451, %dma_start3A_1455] : memref<80x128xi32, #tpu.memory_space<vmem>> -> memref<1x128xi32, #tpu.memory_space<vmem>>
    %dma_start3A_1457 = tpu.memref_squeeze %dma_start3A_1456 : memref<1x128xi32, #tpu.memory_space<vmem>> -> memref<128xi32, #tpu.memory_space<vmem>>
    %dma_start3A_1458 = arith.constant 0 : i32
    %dma_start3A_1459 = arith.constant 0 : i32
    %dma_start3A_1460 = tpu.memref_slice %arg2[%dma_start3A_1458, %dma_start3A_1459] : memref<1000000x32xf32, #tpu.memory_space<hbm>> -> memref<1000000x32xf32, #tpu.memory_space<hbm>>
    tpu.enqueue_indirect_dma source(%dma_start3A_1460 : memref<1000000x32xf32, #tpu.memory_space<hbm>>) target(%dma_start3A_1454 : memref<128x32xf32, #tpu.memory_space<vmem>>) offsets(%dma_start3A_1457 : memref<128xi32, #tpu.memory_space<vmem>>) semaphore(%arg9 : memref<!tpu.dma_semaphore, #tpu.memory_space<semaphore_mem>>)
    %dma_start3A_1461 = arith.constant 74 : i32
    %dma_start3A_1462 = arith.constant 256 : i32
    %dma_start3A_1463 = arith.constant 0 : i32
    %dma_start3A_1464 = tpu.memref_slice %arg7[%dma_start3A_1462, %dma_start3A_1463] : memref<1024x32xf32, #tpu.memory_space<vmem>> -> memref<128x32xf32, #tpu.memory_space<vmem>>
    %dma_start3A_1465 = arith.constant 0 : i32
    %dma_start3A_1466 = tpu.memref_slice %arg5[%dma_start3A_1461, %dma_start3A_1465] : memref<80x128xi32, #tpu.memory_space<vmem>> -> memref<1x128xi32, #tpu.memory_space<vmem>>
    %dma_start3A_1467 = tpu.memref_squeeze %dma_start3A_1466 : memref<1x128xi32, #tpu.memory_space<vmem>> -> memref<128xi32, #tpu.memory_space<vmem>>
    %dma_start3A_1468 = arith.constant 0 : i32
    %dma_start3A_1469 = arith.constant 0 : i32
    %dma_start3A_1470 = tpu.memref_slice %arg2[%dma_start3A_1468, %dma_start3A_1469] : memref<1000000x32xf32, #tpu.memory_space<hbm>> -> memref<1000000x32xf32, #tpu.memory_space<hbm>>
    tpu.enqueue_indirect_dma source(%dma_start3A_1470 : memref<1000000x32xf32, #tpu.memory_space<hbm>>) target(%dma_start3A_1464 : memref<128x32xf32, #tpu.memory_space<vmem>>) offsets(%dma_start3A_1467 : memref<128xi32, #tpu.memory_space<vmem>>) semaphore(%arg9 : memref<!tpu.dma_semaphore, #tpu.memory_space<semaphore_mem>>)
    %dma_start3A_1471 = arith.constant 75 : i32
    %dma_start3A_1472 = arith.constant 384 : i32
    %dma_start3A_1473 = arith.constant 0 : i32
    %dma_start3A_1474 = tpu.memref_slice %arg7[%dma_start3A_1472, %dma_start3A_1473] : memref<1024x32xf32, #tpu.memory_space<vmem>> -> memref<128x32xf32, #tpu.memory_space<vmem>>
    %dma_start3A_1475 = arith.constant 0 : i32
    %dma_start3A_1476 = tpu.memref_slice %arg5[%dma_start3A_1471, %dma_start3A_1475] : memref<80x128xi32, #tpu.memory_space<vmem>> -> memref<1x128xi32, #tpu.memory_space<vmem>>
    %dma_start3A_1477 = tpu.memref_squeeze %dma_start3A_1476 : memref<1x128xi32, #tpu.memory_space<vmem>> -> memref<128xi32, #tpu.memory_space<vmem>>
    %dma_start3A_1478 = arith.constant 0 : i32
    %dma_start3A_1479 = arith.constant 0 : i32
    %dma_start3A_1480 = tpu.memref_slice %arg2[%dma_start3A_1478, %dma_start3A_1479] : memref<1000000x32xf32, #tpu.memory_space<hbm>> -> memref<1000000x32xf32, #tpu.memory_space<hbm>>
    tpu.enqueue_indirect_dma source(%dma_start3A_1480 : memref<1000000x32xf32, #tpu.memory_space<hbm>>) target(%dma_start3A_1474 : memref<128x32xf32, #tpu.memory_space<vmem>>) offsets(%dma_start3A_1477 : memref<128xi32, #tpu.memory_space<vmem>>) semaphore(%arg9 : memref<!tpu.dma_semaphore, #tpu.memory_space<semaphore_mem>>)
    %dma_start3A_1481 = arith.constant 76 : i32
    %dma_start3A_1482 = arith.constant 512 : i32
    %dma_start3A_1483 = arith.constant 0 : i32
    %dma_start3A_1484 = tpu.memref_slice %arg7[%dma_start3A_1482, %dma_start3A_1483] : memref<1024x32xf32, #tpu.memory_space<vmem>> -> memref<128x32xf32, #tpu.memory_space<vmem>>
    %dma_start3A_1485 = arith.constant 0 : i32
    %dma_start3A_1486 = tpu.memref_slice %arg5[%dma_start3A_1481, %dma_start3A_1485] : memref<80x128xi32, #tpu.memory_space<vmem>> -> memref<1x128xi32, #tpu.memory_space<vmem>>
    %dma_start3A_1487 = tpu.memref_squeeze %dma_start3A_1486 : memref<1x128xi32, #tpu.memory_space<vmem>> -> memref<128xi32, #tpu.memory_space<vmem>>
    %dma_start3A_1488 = arith.constant 0 : i32
    %dma_start3A_1489 = arith.constant 0 : i32
    %dma_start3A_1490 = tpu.memref_slice %arg2[%dma_start3A_1488, %dma_start3A_1489] : memref<1000000x32xf32, #tpu.memory_space<hbm>> -> memref<1000000x32xf32, #tpu.memory_space<hbm>>
    tpu.enqueue_indirect_dma source(%dma_start3A_1490 : memref<1000000x32xf32, #tpu.memory_space<hbm>>) target(%dma_start3A_1484 : memref<128x32xf32, #tpu.memory_space<vmem>>) offsets(%dma_start3A_1487 : memref<128xi32, #tpu.memory_space<vmem>>) semaphore(%arg9 : memref<!tpu.dma_semaphore, #tpu.memory_space<semaphore_mem>>)
    %dma_start3A_1491 = arith.constant 77 : i32
    %dma_start3A_1492 = arith.constant 640 : i32
    %dma_start3A_1493 = arith.constant 0 : i32
    %dma_start3A_1494 = tpu.memref_slice %arg7[%dma_start3A_1492, %dma_start3A_1493] : memref<1024x32xf32, #tpu.memory_space<vmem>> -> memref<128x32xf32, #tpu.memory_space<vmem>>
    %dma_start3A_1495 = arith.constant 0 : i32
    %dma_start3A_1496 = tpu.memref_slice %arg5[%dma_start3A_1491, %dma_start3A_1495] : memref<80x128xi32, #tpu.memory_space<vmem>> -> memref<1x128xi32, #tpu.memory_space<vmem>>
    %dma_start3A_1497 = tpu.memref_squeeze %dma_start3A_1496 : memref<1x128xi32, #tpu.memory_space<vmem>> -> memref<128xi32, #tpu.memory_space<vmem>>
    %dma_start3A_1498 = arith.constant 0 : i32
    %dma_start3A_1499 = arith.constant 0 : i32
    %dma_start3A_1500 = tpu.memref_slice %arg2[%dma_start3A_1498, %dma_start3A_1499] : memref<1000000x32xf32, #tpu.memory_space<hbm>> -> memref<1000000x32xf32, #tpu.memory_space<hbm>>
    tpu.enqueue_indirect_dma source(%dma_start3A_1500 : memref<1000000x32xf32, #tpu.memory_space<hbm>>) target(%dma_start3A_1494 : memref<128x32xf32, #tpu.memory_space<vmem>>) offsets(%dma_start3A_1497 : memref<128xi32, #tpu.memory_space<vmem>>) semaphore(%arg9 : memref<!tpu.dma_semaphore, #tpu.memory_space<semaphore_mem>>)
    %dma_start3A_1501 = arith.constant 78 : i32
    %dma_start3A_1502 = arith.constant 768 : i32
    %dma_start3A_1503 = arith.constant 0 : i32
    %dma_start3A_1504 = tpu.memref_slice %arg7[%dma_start3A_1502, %dma_start3A_1503] : memref<1024x32xf32, #tpu.memory_space<vmem>> -> memref<128x32xf32, #tpu.memory_space<vmem>>
    %dma_start3A_1505 = arith.constant 0 : i32
    %dma_start3A_1506 = tpu.memref_slice %arg5[%dma_start3A_1501, %dma_start3A_1505] : memref<80x128xi32, #tpu.memory_space<vmem>> -> memref<1x128xi32, #tpu.memory_space<vmem>>
    %dma_start3A_1507 = tpu.memref_squeeze %dma_start3A_1506 : memref<1x128xi32, #tpu.memory_space<vmem>> -> memref<128xi32, #tpu.memory_space<vmem>>
    %dma_start3A_1508 = arith.constant 0 : i32
    %dma_start3A_1509 = arith.constant 0 : i32
    %dma_start3A_1510 = tpu.memref_slice %arg2[%dma_start3A_1508, %dma_start3A_1509] : memref<1000000x32xf32, #tpu.memory_space<hbm>> -> memref<1000000x32xf32, #tpu.memory_space<hbm>>
    tpu.enqueue_indirect_dma source(%dma_start3A_1510 : memref<1000000x32xf32, #tpu.memory_space<hbm>>) target(%dma_start3A_1504 : memref<128x32xf32, #tpu.memory_space<vmem>>) offsets(%dma_start3A_1507 : memref<128xi32, #tpu.memory_space<vmem>>) semaphore(%arg9 : memref<!tpu.dma_semaphore, #tpu.memory_space<semaphore_mem>>)
    %dma_start3A_1511 = arith.constant 79 : i32
    %dma_start3A_1512 = arith.constant 896 : i32
    %dma_start3A_1513 = arith.constant 0 : i32
    %dma_start3A_1514 = tpu.memref_slice %arg7[%dma_start3A_1512, %dma_start3A_1513] : memref<1024x32xf32, #tpu.memory_space<vmem>> -> memref<128x32xf32, #tpu.memory_space<vmem>>
    %dma_start3A_1515 = arith.constant 0 : i32
    %dma_start3A_1516 = tpu.memref_slice %arg5[%dma_start3A_1511, %dma_start3A_1515] : memref<80x128xi32, #tpu.memory_space<vmem>> -> memref<1x128xi32, #tpu.memory_space<vmem>>
    %dma_start3A_1517 = tpu.memref_squeeze %dma_start3A_1516 : memref<1x128xi32, #tpu.memory_space<vmem>> -> memref<128xi32, #tpu.memory_space<vmem>>
    %dma_start3A_1518 = arith.constant 0 : i32
    %dma_start3A_1519 = arith.constant 0 : i32
    %dma_start3A_1520 = tpu.memref_slice %arg2[%dma_start3A_1518, %dma_start3A_1519] : memref<1000000x32xf32, #tpu.memory_space<hbm>> -> memref<1000000x32xf32, #tpu.memory_space<hbm>>
    tpu.enqueue_indirect_dma source(%dma_start3A_1520 : memref<1000000x32xf32, #tpu.memory_space<hbm>>) target(%dma_start3A_1514 : memref<128x32xf32, #tpu.memory_space<vmem>>) offsets(%dma_start3A_1517 : memref<128xi32, #tpu.memory_space<vmem>>) semaphore(%arg9 : memref<!tpu.dma_semaphore, #tpu.memory_space<semaphore_mem>>)
    %dma_wait3A_1521 = arith.constant 64 : i32
    %dma_wait3A_1522 = arith.constant 0 : i32
    %dma_wait3A_1523 = arith.constant 0 : i32
    %dma_wait3A_1524 = tpu.memref_slice %arg6[%dma_wait3A_1522, %dma_wait3A_1523] : memref<1024x32xf32, #tpu.memory_space<vmem>> -> memref<128x32xf32, #tpu.memory_space<vmem>>
    %dma_wait3A_1525 = arith.constant 0 : i32
    %dma_wait3A_1526 = tpu.memref_slice %arg5[%dma_wait3A_1521, %dma_wait3A_1525] : memref<80x128xi32, #tpu.memory_space<vmem>> -> memref<1x128xi32, #tpu.memory_space<vmem>>
    %dma_wait3A_1527 = tpu.memref_squeeze %dma_wait3A_1526 : memref<1x128xi32, #tpu.memory_space<vmem>> -> memref<128xi32, #tpu.memory_space<vmem>>
    %dma_wait3A_1528 = arith.constant 0 : i32
    %dma_wait3A_1529 = arith.constant 0 : i32
    %dma_wait3A_1530 = tpu.memref_slice %arg2[%dma_wait3A_1528, %dma_wait3A_1529] : memref<1000000x32xf32, #tpu.memory_space<hbm>> -> memref<1000000x32xf32, #tpu.memory_space<hbm>>
    tpu.wait_indirect_dma semaphore(%arg8 : memref<!tpu.dma_semaphore, #tpu.memory_space<semaphore_mem>>) src(%dma_wait3A_1530 : memref<1000000x32xf32, #tpu.memory_space<hbm>>) dst(%dma_wait3A_1524 : memref<128x32xf32, #tpu.memory_space<vmem>>)
    %dma_wait3A_1531 = arith.constant 65 : i32
    %dma_wait3A_1532 = arith.constant 128 : i32
    %dma_wait3A_1533 = arith.constant 0 : i32
    %dma_wait3A_1534 = tpu.memref_slice %arg6[%dma_wait3A_1532, %dma_wait3A_1533] : memref<1024x32xf32, #tpu.memory_space<vmem>> -> memref<128x32xf32, #tpu.memory_space<vmem>>
    %dma_wait3A_1535 = arith.constant 0 : i32
    %dma_wait3A_1536 = tpu.memref_slice %arg5[%dma_wait3A_1531, %dma_wait3A_1535] : memref<80x128xi32, #tpu.memory_space<vmem>> -> memref<1x128xi32, #tpu.memory_space<vmem>>
    %dma_wait3A_1537 = tpu.memref_squeeze %dma_wait3A_1536 : memref<1x128xi32, #tpu.memory_space<vmem>> -> memref<128xi32, #tpu.memory_space<vmem>>
    %dma_wait3A_1538 = arith.constant 0 : i32
    %dma_wait3A_1539 = arith.constant 0 : i32
    %dma_wait3A_1540 = tpu.memref_slice %arg2[%dma_wait3A_1538, %dma_wait3A_1539] : memref<1000000x32xf32, #tpu.memory_space<hbm>> -> memref<1000000x32xf32, #tpu.memory_space<hbm>>
    tpu.wait_indirect_dma semaphore(%arg8 : memref<!tpu.dma_semaphore, #tpu.memory_space<semaphore_mem>>) src(%dma_wait3A_1540 : memref<1000000x32xf32, #tpu.memory_space<hbm>>) dst(%dma_wait3A_1534 : memref<128x32xf32, #tpu.memory_space<vmem>>)
    %dma_wait3A_1541 = arith.constant 66 : i32
    %dma_wait3A_1542 = arith.constant 256 : i32
    %dma_wait3A_1543 = arith.constant 0 : i32
    %dma_wait3A_1544 = tpu.memref_slice %arg6[%dma_wait3A_1542, %dma_wait3A_1543] : memref<1024x32xf32, #tpu.memory_space<vmem>> -> memref<128x32xf32, #tpu.memory_space<vmem>>
    %dma_wait3A_1545 = arith.constant 0 : i32
    %dma_wait3A_1546 = tpu.memref_slice %arg5[%dma_wait3A_1541, %dma_wait3A_1545] : memref<80x128xi32, #tpu.memory_space<vmem>> -> memref<1x128xi32, #tpu.memory_space<vmem>>
    %dma_wait3A_1547 = tpu.memref_squeeze %dma_wait3A_1546 : memref<1x128xi32, #tpu.memory_space<vmem>> -> memref<128xi32, #tpu.memory_space<vmem>>
    %dma_wait3A_1548 = arith.constant 0 : i32
    %dma_wait3A_1549 = arith.constant 0 : i32
    %dma_wait3A_1550 = tpu.memref_slice %arg2[%dma_wait3A_1548, %dma_wait3A_1549] : memref<1000000x32xf32, #tpu.memory_space<hbm>> -> memref<1000000x32xf32, #tpu.memory_space<hbm>>
    tpu.wait_indirect_dma semaphore(%arg8 : memref<!tpu.dma_semaphore, #tpu.memory_space<semaphore_mem>>) src(%dma_wait3A_1550 : memref<1000000x32xf32, #tpu.memory_space<hbm>>) dst(%dma_wait3A_1544 : memref<128x32xf32, #tpu.memory_space<vmem>>)
    %dma_wait3A_1551 = arith.constant 67 : i32
    %dma_wait3A_1552 = arith.constant 384 : i32
    %dma_wait3A_1553 = arith.constant 0 : i32
    %dma_wait3A_1554 = tpu.memref_slice %arg6[%dma_wait3A_1552, %dma_wait3A_1553] : memref<1024x32xf32, #tpu.memory_space<vmem>> -> memref<128x32xf32, #tpu.memory_space<vmem>>
    %dma_wait3A_1555 = arith.constant 0 : i32
    %dma_wait3A_1556 = tpu.memref_slice %arg5[%dma_wait3A_1551, %dma_wait3A_1555] : memref<80x128xi32, #tpu.memory_space<vmem>> -> memref<1x128xi32, #tpu.memory_space<vmem>>
    %dma_wait3A_1557 = tpu.memref_squeeze %dma_wait3A_1556 : memref<1x128xi32, #tpu.memory_space<vmem>> -> memref<128xi32, #tpu.memory_space<vmem>>
    %dma_wait3A_1558 = arith.constant 0 : i32
    %dma_wait3A_1559 = arith.constant 0 : i32
    %dma_wait3A_1560 = tpu.memref_slice %arg2[%dma_wait3A_1558, %dma_wait3A_1559] : memref<1000000x32xf32, #tpu.memory_space<hbm>> -> memref<1000000x32xf32, #tpu.memory_space<hbm>>
    tpu.wait_indirect_dma semaphore(%arg8 : memref<!tpu.dma_semaphore, #tpu.memory_space<semaphore_mem>>) src(%dma_wait3A_1560 : memref<1000000x32xf32, #tpu.memory_space<hbm>>) dst(%dma_wait3A_1554 : memref<128x32xf32, #tpu.memory_space<vmem>>)
    %dma_wait3A_1561 = arith.constant 68 : i32
    %dma_wait3A_1562 = arith.constant 512 : i32
    %dma_wait3A_1563 = arith.constant 0 : i32
    %dma_wait3A_1564 = tpu.memref_slice %arg6[%dma_wait3A_1562, %dma_wait3A_1563] : memref<1024x32xf32, #tpu.memory_space<vmem>> -> memref<128x32xf32, #tpu.memory_space<vmem>>
    %dma_wait3A_1565 = arith.constant 0 : i32
    %dma_wait3A_1566 = tpu.memref_slice %arg5[%dma_wait3A_1561, %dma_wait3A_1565] : memref<80x128xi32, #tpu.memory_space<vmem>> -> memref<1x128xi32, #tpu.memory_space<vmem>>
    %dma_wait3A_1567 = tpu.memref_squeeze %dma_wait3A_1566 : memref<1x128xi32, #tpu.memory_space<vmem>> -> memref<128xi32, #tpu.memory_space<vmem>>
    %dma_wait3A_1568 = arith.constant 0 : i32
    %dma_wait3A_1569 = arith.constant 0 : i32
    %dma_wait3A_1570 = tpu.memref_slice %arg2[%dma_wait3A_1568, %dma_wait3A_1569] : memref<1000000x32xf32, #tpu.memory_space<hbm>> -> memref<1000000x32xf32, #tpu.memory_space<hbm>>
    tpu.wait_indirect_dma semaphore(%arg8 : memref<!tpu.dma_semaphore, #tpu.memory_space<semaphore_mem>>) src(%dma_wait3A_1570 : memref<1000000x32xf32, #tpu.memory_space<hbm>>) dst(%dma_wait3A_1564 : memref<128x32xf32, #tpu.memory_space<vmem>>)
    %dma_wait3A_1571 = arith.constant 69 : i32
    %dma_wait3A_1572 = arith.constant 640 : i32
    %dma_wait3A_1573 = arith.constant 0 : i32
    %dma_wait3A_1574 = tpu.memref_slice %arg6[%dma_wait3A_1572, %dma_wait3A_1573] : memref<1024x32xf32, #tpu.memory_space<vmem>> -> memref<128x32xf32, #tpu.memory_space<vmem>>
    %dma_wait3A_1575 = arith.constant 0 : i32
    %dma_wait3A_1576 = tpu.memref_slice %arg5[%dma_wait3A_1571, %dma_wait3A_1575] : memref<80x128xi32, #tpu.memory_space<vmem>> -> memref<1x128xi32, #tpu.memory_space<vmem>>
    %dma_wait3A_1577 = tpu.memref_squeeze %dma_wait3A_1576 : memref<1x128xi32, #tpu.memory_space<vmem>> -> memref<128xi32, #tpu.memory_space<vmem>>
    %dma_wait3A_1578 = arith.constant 0 : i32
    %dma_wait3A_1579 = arith.constant 0 : i32
    %dma_wait3A_1580 = tpu.memref_slice %arg2[%dma_wait3A_1578, %dma_wait3A_1579] : memref<1000000x32xf32, #tpu.memory_space<hbm>> -> memref<1000000x32xf32, #tpu.memory_space<hbm>>
    tpu.wait_indirect_dma semaphore(%arg8 : memref<!tpu.dma_semaphore, #tpu.memory_space<semaphore_mem>>) src(%dma_wait3A_1580 : memref<1000000x32xf32, #tpu.memory_space<hbm>>) dst(%dma_wait3A_1574 : memref<128x32xf32, #tpu.memory_space<vmem>>)
    %dma_wait3A_1581 = arith.constant 70 : i32
    %dma_wait3A_1582 = arith.constant 768 : i32
    %dma_wait3A_1583 = arith.constant 0 : i32
    %dma_wait3A_1584 = tpu.memref_slice %arg6[%dma_wait3A_1582, %dma_wait3A_1583] : memref<1024x32xf32, #tpu.memory_space<vmem>> -> memref<128x32xf32, #tpu.memory_space<vmem>>
    %dma_wait3A_1585 = arith.constant 0 : i32
    %dma_wait3A_1586 = tpu.memref_slice %arg5[%dma_wait3A_1581, %dma_wait3A_1585] : memref<80x128xi32, #tpu.memory_space<vmem>> -> memref<1x128xi32, #tpu.memory_space<vmem>>
    %dma_wait3A_1587 = tpu.memref_squeeze %dma_wait3A_1586 : memref<1x128xi32, #tpu.memory_space<vmem>> -> memref<128xi32, #tpu.memory_space<vmem>>
    %dma_wait3A_1588 = arith.constant 0 : i32
    %dma_wait3A_1589 = arith.constant 0 : i32
    %dma_wait3A_1590 = tpu.memref_slice %arg2[%dma_wait3A_1588, %dma_wait3A_1589] : memref<1000000x32xf32, #tpu.memory_space<hbm>> -> memref<1000000x32xf32, #tpu.memory_space<hbm>>
    tpu.wait_indirect_dma semaphore(%arg8 : memref<!tpu.dma_semaphore, #tpu.memory_space<semaphore_mem>>) src(%dma_wait3A_1590 : memref<1000000x32xf32, #tpu.memory_space<hbm>>) dst(%dma_wait3A_1584 : memref<128x32xf32, #tpu.memory_space<vmem>>)
    %dma_wait3A_1591 = arith.constant 71 : i32
    %dma_wait3A_1592 = arith.constant 896 : i32
    %dma_wait3A_1593 = arith.constant 0 : i32
    %dma_wait3A_1594 = tpu.memref_slice %arg6[%dma_wait3A_1592, %dma_wait3A_1593] : memref<1024x32xf32, #tpu.memory_space<vmem>> -> memref<128x32xf32, #tpu.memory_space<vmem>>
    %dma_wait3A_1595 = arith.constant 0 : i32
    %dma_wait3A_1596 = tpu.memref_slice %arg5[%dma_wait3A_1591, %dma_wait3A_1595] : memref<80x128xi32, #tpu.memory_space<vmem>> -> memref<1x128xi32, #tpu.memory_space<vmem>>
    %dma_wait3A_1597 = tpu.memref_squeeze %dma_wait3A_1596 : memref<1x128xi32, #tpu.memory_space<vmem>> -> memref<128xi32, #tpu.memory_space<vmem>>
    %dma_wait3A_1598 = arith.constant 0 : i32
    %dma_wait3A_1599 = arith.constant 0 : i32
    %dma_wait3A_1600 = tpu.memref_slice %arg2[%dma_wait3A_1598, %dma_wait3A_1599] : memref<1000000x32xf32, #tpu.memory_space<hbm>> -> memref<1000000x32xf32, #tpu.memory_space<hbm>>
    tpu.wait_indirect_dma semaphore(%arg8 : memref<!tpu.dma_semaphore, #tpu.memory_space<semaphore_mem>>) src(%dma_wait3A_1600 : memref<1000000x32xf32, #tpu.memory_space<hbm>>) dst(%dma_wait3A_1594 : memref<128x32xf32, #tpu.memory_space<vmem>>)
    %add3A_1601 = arith.constant 8192 : i32
    %add3A_1602 = arith.addi %mul3A_2, %add3A_1601 : i32
    %dma_start3A_1603 = arith.constant 0 : i32
    %dma_start3A_1604 = tpu.memref_slice %arg4[%add3A_1602, %dma_start3A_1603] : memref<327680x32xf32, #tpu.memory_space<hbm>> -> memref<1024x32xf32, #tpu.memory_space<hbm>>
    %dma_start3A_1605 = arith.constant 0 : i32
    %dma_start3A_1606 = tpu.memref_slice %arg4[%add3A_1602, %dma_start3A_1605] : memref<327680x32xf32, #tpu.memory_space<hbm>> -> memref<1024x32xf32, #tpu.memory_space<hbm>>
    tpu.enqueue_dma source(%arg6 : memref<1024x32xf32, #tpu.memory_space<vmem>>) target(%dma_start3A_1606 : memref<1024x32xf32, #tpu.memory_space<hbm>>) target_semaphore(%arg10 : memref<!tpu.dma_semaphore, #tpu.memory_space<semaphore_mem>>)
    %dma_wait3A_1607 = arith.constant 72 : i32
    %dma_wait3A_1608 = arith.constant 0 : i32
    %dma_wait3A_1609 = arith.constant 0 : i32
    %dma_wait3A_1610 = tpu.memref_slice %arg7[%dma_wait3A_1608, %dma_wait3A_1609] : memref<1024x32xf32, #tpu.memory_space<vmem>> -> memref<128x32xf32, #tpu.memory_space<vmem>>
    %dma_wait3A_1611 = arith.constant 0 : i32
    %dma_wait3A_1612 = tpu.memref_slice %arg5[%dma_wait3A_1607, %dma_wait3A_1611] : memref<80x128xi32, #tpu.memory_space<vmem>> -> memref<1x128xi32, #tpu.memory_space<vmem>>
    %dma_wait3A_1613 = tpu.memref_squeeze %dma_wait3A_1612 : memref<1x128xi32, #tpu.memory_space<vmem>> -> memref<128xi32, #tpu.memory_space<vmem>>
    %dma_wait3A_1614 = arith.constant 0 : i32
    %dma_wait3A_1615 = arith.constant 0 : i32
    %dma_wait3A_1616 = tpu.memref_slice %arg2[%dma_wait3A_1614, %dma_wait3A_1615] : memref<1000000x32xf32, #tpu.memory_space<hbm>> -> memref<1000000x32xf32, #tpu.memory_space<hbm>>
    tpu.wait_indirect_dma semaphore(%arg9 : memref<!tpu.dma_semaphore, #tpu.memory_space<semaphore_mem>>) src(%dma_wait3A_1616 : memref<1000000x32xf32, #tpu.memory_space<hbm>>) dst(%dma_wait3A_1610 : memref<128x32xf32, #tpu.memory_space<vmem>>)
    %dma_wait3A_1617 = arith.constant 73 : i32
    %dma_wait3A_1618 = arith.constant 128 : i32
    %dma_wait3A_1619 = arith.constant 0 : i32
    %dma_wait3A_1620 = tpu.memref_slice %arg7[%dma_wait3A_1618, %dma_wait3A_1619] : memref<1024x32xf32, #tpu.memory_space<vmem>> -> memref<128x32xf32, #tpu.memory_space<vmem>>
    %dma_wait3A_1621 = arith.constant 0 : i32
    %dma_wait3A_1622 = tpu.memref_slice %arg5[%dma_wait3A_1617, %dma_wait3A_1621] : memref<80x128xi32, #tpu.memory_space<vmem>> -> memref<1x128xi32, #tpu.memory_space<vmem>>
    %dma_wait3A_1623 = tpu.memref_squeeze %dma_wait3A_1622 : memref<1x128xi32, #tpu.memory_space<vmem>> -> memref<128xi32, #tpu.memory_space<vmem>>
    %dma_wait3A_1624 = arith.constant 0 : i32
    %dma_wait3A_1625 = arith.constant 0 : i32
    %dma_wait3A_1626 = tpu.memref_slice %arg2[%dma_wait3A_1624, %dma_wait3A_1625] : memref<1000000x32xf32, #tpu.memory_space<hbm>> -> memref<1000000x32xf32, #tpu.memory_space<hbm>>
    tpu.wait_indirect_dma semaphore(%arg9 : memref<!tpu.dma_semaphore, #tpu.memory_space<semaphore_mem>>) src(%dma_wait3A_1626 : memref<1000000x32xf32, #tpu.memory_space<hbm>>) dst(%dma_wait3A_1620 : memref<128x32xf32, #tpu.memory_space<vmem>>)
    %dma_wait3A_1627 = arith.constant 74 : i32
    %dma_wait3A_1628 = arith.constant 256 : i32
    %dma_wait3A_1629 = arith.constant 0 : i32
    %dma_wait3A_1630 = tpu.memref_slice %arg7[%dma_wait3A_1628, %dma_wait3A_1629] : memref<1024x32xf32, #tpu.memory_space<vmem>> -> memref<128x32xf32, #tpu.memory_space<vmem>>
    %dma_wait3A_1631 = arith.constant 0 : i32
    %dma_wait3A_1632 = tpu.memref_slice %arg5[%dma_wait3A_1627, %dma_wait3A_1631] : memref<80x128xi32, #tpu.memory_space<vmem>> -> memref<1x128xi32, #tpu.memory_space<vmem>>
    %dma_wait3A_1633 = tpu.memref_squeeze %dma_wait3A_1632 : memref<1x128xi32, #tpu.memory_space<vmem>> -> memref<128xi32, #tpu.memory_space<vmem>>
    %dma_wait3A_1634 = arith.constant 0 : i32
    %dma_wait3A_1635 = arith.constant 0 : i32
    %dma_wait3A_1636 = tpu.memref_slice %arg2[%dma_wait3A_1634, %dma_wait3A_1635] : memref<1000000x32xf32, #tpu.memory_space<hbm>> -> memref<1000000x32xf32, #tpu.memory_space<hbm>>
    tpu.wait_indirect_dma semaphore(%arg9 : memref<!tpu.dma_semaphore, #tpu.memory_space<semaphore_mem>>) src(%dma_wait3A_1636 : memref<1000000x32xf32, #tpu.memory_space<hbm>>) dst(%dma_wait3A_1630 : memref<128x32xf32, #tpu.memory_space<vmem>>)
    %dma_wait3A_1637 = arith.constant 75 : i32
    %dma_wait3A_1638 = arith.constant 384 : i32
    %dma_wait3A_1639 = arith.constant 0 : i32
    %dma_wait3A_1640 = tpu.memref_slice %arg7[%dma_wait3A_1638, %dma_wait3A_1639] : memref<1024x32xf32, #tpu.memory_space<vmem>> -> memref<128x32xf32, #tpu.memory_space<vmem>>
    %dma_wait3A_1641 = arith.constant 0 : i32
    %dma_wait3A_1642 = tpu.memref_slice %arg5[%dma_wait3A_1637, %dma_wait3A_1641] : memref<80x128xi32, #tpu.memory_space<vmem>> -> memref<1x128xi32, #tpu.memory_space<vmem>>
    %dma_wait3A_1643 = tpu.memref_squeeze %dma_wait3A_1642 : memref<1x128xi32, #tpu.memory_space<vmem>> -> memref<128xi32, #tpu.memory_space<vmem>>
    %dma_wait3A_1644 = arith.constant 0 : i32
    %dma_wait3A_1645 = arith.constant 0 : i32
    %dma_wait3A_1646 = tpu.memref_slice %arg2[%dma_wait3A_1644, %dma_wait3A_1645] : memref<1000000x32xf32, #tpu.memory_space<hbm>> -> memref<1000000x32xf32, #tpu.memory_space<hbm>>
    tpu.wait_indirect_dma semaphore(%arg9 : memref<!tpu.dma_semaphore, #tpu.memory_space<semaphore_mem>>) src(%dma_wait3A_1646 : memref<1000000x32xf32, #tpu.memory_space<hbm>>) dst(%dma_wait3A_1640 : memref<128x32xf32, #tpu.memory_space<vmem>>)
    %dma_wait3A_1647 = arith.constant 76 : i32
    %dma_wait3A_1648 = arith.constant 512 : i32
    %dma_wait3A_1649 = arith.constant 0 : i32
    %dma_wait3A_1650 = tpu.memref_slice %arg7[%dma_wait3A_1648, %dma_wait3A_1649] : memref<1024x32xf32, #tpu.memory_space<vmem>> -> memref<128x32xf32, #tpu.memory_space<vmem>>
    %dma_wait3A_1651 = arith.constant 0 : i32
    %dma_wait3A_1652 = tpu.memref_slice %arg5[%dma_wait3A_1647, %dma_wait3A_1651] : memref<80x128xi32, #tpu.memory_space<vmem>> -> memref<1x128xi32, #tpu.memory_space<vmem>>
    %dma_wait3A_1653 = tpu.memref_squeeze %dma_wait3A_1652 : memref<1x128xi32, #tpu.memory_space<vmem>> -> memref<128xi32, #tpu.memory_space<vmem>>
    %dma_wait3A_1654 = arith.constant 0 : i32
    %dma_wait3A_1655 = arith.constant 0 : i32
    %dma_wait3A_1656 = tpu.memref_slice %arg2[%dma_wait3A_1654, %dma_wait3A_1655] : memref<1000000x32xf32, #tpu.memory_space<hbm>> -> memref<1000000x32xf32, #tpu.memory_space<hbm>>
    tpu.wait_indirect_dma semaphore(%arg9 : memref<!tpu.dma_semaphore, #tpu.memory_space<semaphore_mem>>) src(%dma_wait3A_1656 : memref<1000000x32xf32, #tpu.memory_space<hbm>>) dst(%dma_wait3A_1650 : memref<128x32xf32, #tpu.memory_space<vmem>>)
    %dma_wait3A_1657 = arith.constant 77 : i32
    %dma_wait3A_1658 = arith.constant 640 : i32
    %dma_wait3A_1659 = arith.constant 0 : i32
    %dma_wait3A_1660 = tpu.memref_slice %arg7[%dma_wait3A_1658, %dma_wait3A_1659] : memref<1024x32xf32, #tpu.memory_space<vmem>> -> memref<128x32xf32, #tpu.memory_space<vmem>>
    %dma_wait3A_1661 = arith.constant 0 : i32
    %dma_wait3A_1662 = tpu.memref_slice %arg5[%dma_wait3A_1657, %dma_wait3A_1661] : memref<80x128xi32, #tpu.memory_space<vmem>> -> memref<1x128xi32, #tpu.memory_space<vmem>>
    %dma_wait3A_1663 = tpu.memref_squeeze %dma_wait3A_1662 : memref<1x128xi32, #tpu.memory_space<vmem>> -> memref<128xi32, #tpu.memory_space<vmem>>
    %dma_wait3A_1664 = arith.constant 0 : i32
    %dma_wait3A_1665 = arith.constant 0 : i32
    %dma_wait3A_1666 = tpu.memref_slice %arg2[%dma_wait3A_1664, %dma_wait3A_1665] : memref<1000000x32xf32, #tpu.memory_space<hbm>> -> memref<1000000x32xf32, #tpu.memory_space<hbm>>
    tpu.wait_indirect_dma semaphore(%arg9 : memref<!tpu.dma_semaphore, #tpu.memory_space<semaphore_mem>>) src(%dma_wait3A_1666 : memref<1000000x32xf32, #tpu.memory_space<hbm>>) dst(%dma_wait3A_1660 : memref<128x32xf32, #tpu.memory_space<vmem>>)
    %dma_wait3A_1667 = arith.constant 78 : i32
    %dma_wait3A_1668 = arith.constant 768 : i32
    %dma_wait3A_1669 = arith.constant 0 : i32
    %dma_wait3A_1670 = tpu.memref_slice %arg7[%dma_wait3A_1668, %dma_wait3A_1669] : memref<1024x32xf32, #tpu.memory_space<vmem>> -> memref<128x32xf32, #tpu.memory_space<vmem>>
    %dma_wait3A_1671 = arith.constant 0 : i32
    %dma_wait3A_1672 = tpu.memref_slice %arg5[%dma_wait3A_1667, %dma_wait3A_1671] : memref<80x128xi32, #tpu.memory_space<vmem>> -> memref<1x128xi32, #tpu.memory_space<vmem>>
    %dma_wait3A_1673 = tpu.memref_squeeze %dma_wait3A_1672 : memref<1x128xi32, #tpu.memory_space<vmem>> -> memref<128xi32, #tpu.memory_space<vmem>>
    %dma_wait3A_1674 = arith.constant 0 : i32
    %dma_wait3A_1675 = arith.constant 0 : i32
    %dma_wait3A_1676 = tpu.memref_slice %arg2[%dma_wait3A_1674, %dma_wait3A_1675] : memref<1000000x32xf32, #tpu.memory_space<hbm>> -> memref<1000000x32xf32, #tpu.memory_space<hbm>>
    tpu.wait_indirect_dma semaphore(%arg9 : memref<!tpu.dma_semaphore, #tpu.memory_space<semaphore_mem>>) src(%dma_wait3A_1676 : memref<1000000x32xf32, #tpu.memory_space<hbm>>) dst(%dma_wait3A_1670 : memref<128x32xf32, #tpu.memory_space<vmem>>)
    %dma_wait3A_1677 = arith.constant 79 : i32
    %dma_wait3A_1678 = arith.constant 896 : i32
    %dma_wait3A_1679 = arith.constant 0 : i32
    %dma_wait3A_1680 = tpu.memref_slice %arg7[%dma_wait3A_1678, %dma_wait3A_1679] : memref<1024x32xf32, #tpu.memory_space<vmem>> -> memref<128x32xf32, #tpu.memory_space<vmem>>
    %dma_wait3A_1681 = arith.constant 0 : i32
    %dma_wait3A_1682 = tpu.memref_slice %arg5[%dma_wait3A_1677, %dma_wait3A_1681] : memref<80x128xi32, #tpu.memory_space<vmem>> -> memref<1x128xi32, #tpu.memory_space<vmem>>
    %dma_wait3A_1683 = tpu.memref_squeeze %dma_wait3A_1682 : memref<1x128xi32, #tpu.memory_space<vmem>> -> memref<128xi32, #tpu.memory_space<vmem>>
    %dma_wait3A_1684 = arith.constant 0 : i32
    %dma_wait3A_1685 = arith.constant 0 : i32
    %dma_wait3A_1686 = tpu.memref_slice %arg2[%dma_wait3A_1684, %dma_wait3A_1685] : memref<1000000x32xf32, #tpu.memory_space<hbm>> -> memref<1000000x32xf32, #tpu.memory_space<hbm>>
    tpu.wait_indirect_dma semaphore(%arg9 : memref<!tpu.dma_semaphore, #tpu.memory_space<semaphore_mem>>) src(%dma_wait3A_1686 : memref<1000000x32xf32, #tpu.memory_space<hbm>>) dst(%dma_wait3A_1680 : memref<128x32xf32, #tpu.memory_space<vmem>>)
    %add3A_1687 = arith.constant 9216 : i32
    %add3A_1688 = arith.addi %mul3A_2, %add3A_1687 : i32
    %dma_start3A_1689 = arith.constant 0 : i32
    %dma_start3A_1690 = tpu.memref_slice %arg4[%add3A_1688, %dma_start3A_1689] : memref<327680x32xf32, #tpu.memory_space<hbm>> -> memref<1024x32xf32, #tpu.memory_space<hbm>>
    %dma_start3A_1691 = arith.constant 0 : i32
    %dma_start3A_1692 = tpu.memref_slice %arg4[%add3A_1688, %dma_start3A_1691] : memref<327680x32xf32, #tpu.memory_space<hbm>> -> memref<1024x32xf32, #tpu.memory_space<hbm>>
    tpu.enqueue_dma source(%arg7 : memref<1024x32xf32, #tpu.memory_space<vmem>>) target(%dma_start3A_1692 : memref<1024x32xf32, #tpu.memory_space<hbm>>) target_semaphore(%arg11 : memref<!tpu.dma_semaphore, #tpu.memory_space<semaphore_mem>>)
    %dma_wait3A_1693 = arith.constant 0 : i32
    %dma_wait3A_1694 = tpu.memref_slice %arg4[%add3A_1602, %dma_wait3A_1693] : memref<327680x32xf32, #tpu.memory_space<hbm>> -> memref<1024x32xf32, #tpu.memory_space<hbm>>
    %dma_wait3A_1695 = arith.constant 0 : i32
    %dma_wait3A_1696 = tpu.memref_slice %arg4[%add3A_1602, %dma_wait3A_1695] : memref<327680x32xf32, #tpu.memory_space<hbm>> -> memref<1024x32xf32, #tpu.memory_space<hbm>>
    tpu.wait_dma2 semaphore(%arg10 : memref<!tpu.dma_semaphore, #tpu.memory_space<semaphore_mem>>) src(%arg6 : memref<1024x32xf32, #tpu.memory_space<vmem>>) dst(%dma_wait3A_1696 : memref<1024x32xf32, #tpu.memory_space<hbm>>)
    %dma_wait3A_1697 = arith.constant 0 : i32
    %dma_wait3A_1698 = tpu.memref_slice %arg4[%add3A_1688, %dma_wait3A_1697] : memref<327680x32xf32, #tpu.memory_space<hbm>> -> memref<1024x32xf32, #tpu.memory_space<hbm>>
    %dma_wait3A_1699 = arith.constant 0 : i32
    %dma_wait3A_1700 = tpu.memref_slice %arg4[%add3A_1688, %dma_wait3A_1699] : memref<327680x32xf32, #tpu.memory_space<hbm>> -> memref<1024x32xf32, #tpu.memory_space<hbm>>
    tpu.wait_dma2 semaphore(%arg11 : memref<!tpu.dma_semaphore, #tpu.memory_space<semaphore_mem>>) src(%arg7 : memref<1024x32xf32, #tpu.memory_space<vmem>>) dst(%dma_wait3A_1700 : memref<1024x32xf32, #tpu.memory_space<hbm>>)
    return
  }
}

</mosaic_0001>

<sc_bundles>
// kernel: kernel.3.cloned.1.call-start
scs
__scs_entry_jumppad:
0x0: {  	(pc) =	sbr.rel $0x88, $3  }
0x1: {  	(tag) =	ssettag $0x0;
	lr =	simm.s32 $0x1  }
0x2: {  	[smem:$0x3F9F] =	sst lr;
	_ =	strace $0xD0000000  }
0x3: {  	_ = 	snop  }
0x4: {  	_ = 	snop  }
0x5: {  	_ = 	snop  }
0x6: {  	_ = 	snop  }
0x7: {  	_ = 	snop  }
__scs_overlays_trampoline_lowered:
0x8: {  	[smem:$0x3FAE] =	sst s0  }
0x9: {  	[smem:$0x3FAF] =	sst s1  }
0xa: {  	[smem:$0x3FB0] =	sst s2  }
0xb: {  	[smem:$0x3FB1] =	sst s3  }
0xc: {  	[smem:$0x3FB2] =	sst s4  }
0xd: {  	[smem:$0x3FB3] =	sst s5  }
0xe: {  	[smem:$0x3FB4] =	sst s6  }
0xf: {  	[smem:$0x3FB5] =	sst s7  }
0x10: {  	[smem:$0x3FB6] =	sst s8  }
0x11: {  	[smem:$0x3FB7] =	sst s9;
	s0 =	simm.s32 @!p0 $0x0  }
0x12: {  	s1 =	sld [smem:$0x3F9D];
	s0 =	simm.s32 @p0 $0x1  }
0x13: {  	[smem:$0x3FB8] =	sst s0;
	s0 =	simm.s32 @!p1 $0x0  }
0x14: {  	s2 =	sld [smem:$0x3F9C];
	s0 =	simm.s32 @p1 $0x1  }
0x15: {  	[smem:$0x3FB9] =	sst s0;
	s0 =	simm.s32 @!p2 $0x0  }
0x16: {  	s3 =	sld [smem:$0x3FDB];
	s0 =	simm.s32 @p2 $0x1  }
0x17: {  	s4 =	simm.s32 $0x1BF5;
	[smem:$0x3FBB] =	sst s0  }
0x18: {  	s0 =	sld [smem:$0x3F9E];
	_ =	swait.ge [sflag:s4], $0x0  }
0x19: {  	s7 =	sld [smem:$0x3F9F]  }
0x1a: {  	s8 =	sadd.s32 $0xFFFFE003, lr  }
0x1b: {  	s9 =	sadd.s32 $0xFFFFFEF7, lr;
	s5 =	simm.s32 $0xFFFFFFFF;
	p2 =	slt.u32 s8, $0xFFFFF086  }
0x1c: {  	p1 =	slt.u32 s9, $0xF7A;
	s5 =	simm.s32 @!p2 $0x0  }
0x1d: {  	s5 =	simm.s32 @p1 $0x1;
	p0 =	seq.s32 s7, s2  }
0x1e: {  	s7 =	smul.u32 @!p0 $0xF7A, s2;
	p2 =	seq.s32 @!p0 s5, $0x0  }
0x1f: {  	s9 =	smul.u32 $0xF7A, s1;
	s8 =	simm.s32 @!p0 $0x1BF5;
	p2 =	por !p2, p0  }
0x20: {  	[sflag:s8] =	ssyncset.s32 @!p0 $0xFFFFF086;
	s6 =	sadd.s32 @!p0 s3, s7;
	s7 =	simm.s32 @!p0 $0x108  }
0x21: {  	s3 =	sadd.s32 s3, s9;
	s6 =	sadd.s32 @!p0 $0x88, s6;
	s7 =	simm.s32 @p2 $0x1082  }
0x22: {  	[simem:s7], [sflag:s8] =	dma.local @!p0 [hbm:s6], $0xF7A  }
0x23: {  	s9 =	sor.u32 $0xD0000000, s2;
	s6 =	simm.s32 $0x108;
	_ =	swait.ge @!p0 [sflag:s8], $0x0  }
0x24: {  	s3 =	sadd.s32 $0x88, s3;
	s6 =	simm.s32 @!p1 $0x1082;
	[sflag:s4] =	ssyncset.s32 $0xFFFFF086  }
0x25: {  	[simem:s6], [sflag:s4] =	dma.local [hbm:s3], $0xF7A  }
0x26: {  	[smem:$0x3F9F] =	sst s1;
	(tag) =	ssettag s2;
	_ =	strace s9  }
0x27: {  	s1 =	sld [smem:$0x3FAF]  }
0x28: {  	s2 =	sld [smem:$0x3FB0]  }
0x29: {  	s4 =	sld [smem:$0x3FB2]  }
0x2a: {  	p0 =	seq.s32 s5, $0x0;
	s5 =	sld [smem:$0x3FB3]  }
0x2b: {  	s6 =	sld [smem:$0x3FB4]  }
0x2c: {  	s7 =	sld [smem:$0x3FB5]  }
0x2d: {  	s3 =	simm.s32 $0x108;
	s8 =	sld [smem:$0x3FB6]  }
0x2e: {  	s3 =	simm.s32 @!p0 $0x1082;
	s9 =	sld [smem:$0x3FB7]  }
0x2f: {  	lr =	sadd.s32 s0, s3;
	s0 =	sld [smem:$0x3FAE]  }
0x30: {  	s3 =	sld [smem:$0x3FB1]  }
0x31: {  	[smem:$0x3FBA] =	sst s10  }
0x32: {  	s10 =	sld [smem:$0x3FB8];
	_ =	sdelay $0x3  }
0x33: {  	p0 =	seq.s32 s10, $0x1;
	s10 =	sld [smem:$0x3FBA];
	_ =	sdelay $0x3  }
0x34: {  	[smem:$0x3FBA] =	sst s10  }
0x35: {  	s10 =	sld [smem:$0x3FB9];
	_ =	sdelay $0x3  }
0x36: {  	p1 =	seq.s32 s10, $0x1;
	s10 =	sld [smem:$0x3FBA];
	_ =	sdelay $0x3  }
0x37: {  	[smem:$0x3FBA] =	sst s10  }
0x38: {  	s10 =	sld [smem:$0x3FBB]  }
0x39: {  	_ = 	snop;
	(pc) =	sbr.ind lr, $3  }
0x3a: {  	_ = 	snop  }
0x3b: {  	_ = 	snop  }
0x3c: {  	p2 =	seq.s32 s10, $0x1;
	s10 =	sld [smem:$0x3FBA]  }
0x3d: {  	_ =	shalt  }
0x3e: {  	_ =	shalt  }
0x3f: {  	_ =	shalt  }
0x40: {  	_ =	shalt  }
0x41: {  	_ =	shalt  }
0x42: {  	_ =	shalt  }
0x43: {  	_ =	shalt  }
0x44: {  	_ =	shalt  }
0x45: {  	_ =	shalt  }
0x46: {  	_ =	shalt  }
0x47: {  	_ =	shalt  }
0x48: {  	_ =	shalt  }
0x49: {  	_ =	shalt  }
0x4a: {  	_ =	shalt  }
0x4b: {  	_ =	shalt  }
0x4c: {  	_ =	shalt  }
0x4d: {  	_ =	shalt  }
0x4e: {  	_ =	shalt  }
0x4f: {  	_ =	shalt  }
0x50: {  	_ =	shalt  }
0x51: {  	_ =	shalt  }
0x52: {  	_ =	shalt  }
0x53: {  	_ =	shalt  }
0x54: {  	_ =	shalt  }
0x55: {  	_ =	shalt  }
0x56: {  	_ =	shalt  }
0x57: {  	_ =	shalt  }
0x58: {  	_ =	shalt  }
0x59: {  	_ =	shalt  }
0x5a: {  	_ =	shalt  }
0x5b: {  	_ =	shalt  }
0x5c: {  	_ =	shalt  }
0x5d: {  	_ =	shalt  }
0x5e: {  	_ =	shalt  }
0x5f: {  	_ =	shalt  }
0x60: {  	_ =	shalt  }
0x61: {  	_ =	shalt  }
0x62: {  	_ =	shalt  }
0x63: {  	_ =	shalt  }
0x64: {  	_ =	shalt  }
0x65: {  	_ =	shalt  }
0x66: {  	_ =	shalt  }
0x67: {  	_ =	shalt  }
0x68: {  	_ =	shalt  }
0x69: {  	_ =	shalt  }
0x6a: {  	_ =	shalt  }
0x6b: {  	_ =	shalt  }
0x6c: {  	_ =	shalt  }
0x6d: {  	_ =	shalt  }
0x6e: {  	_ =	shalt  }
0x6f: {  	_ =	shalt  }
0x70: {  	_ =	shalt  }
0x71: {  	_ =	shalt  }
0x72: {  	_ =	shalt  }
0x73: {  	_ =	shalt  }
0x74: {  	_ =	shalt  }
0x75: {  	_ =	shalt  }
0x76: {  	_ =	shalt  }
0x77: {  	_ =	shalt  }
0x78: {  	_ =	shalt  }
0x79: {  	_ =	shalt  }
0x7a: {  	_ =	shalt  }
0x7b: {  	_ =	shalt  }
0x7c: {  	_ =	shalt  }
0x7d: {  	_ =	shalt  }
0x7e: {  	_ =	shalt  }
0x7f: {  	_ =	shalt  }
0x80: {  	_ =	shalt  }
0x81: {  	_ =	shalt  }
0x82: {  	_ =	shalt  }
0x83: {  	_ =	shalt  }
0x84: {  	_ =	shalt  }
0x85: {  	_ =	shalt  }
0x86: {  	_ =	shalt  }
0x87: {  	_ =	shalt  }
.Lfunc_end0:
.L_simem_size_0:
called_computation.1_lowered:
.L_overlay_start_0:
0x88: {  	s2 =	sld [smem:$0x3FD9]  }
0x89: {  	s3 =	sld [smem:$0x3FFE];
	_ =	sdelay $0x1  }
0x8a: {  	s1 =	srdreg.scid  }
0x8b: {  	s0 =	sand.u32 $0x1, s1  }
0x8c: {  	s17 =	sshll.u32 s0, $0xA;
	s2 =	sadd.s32 s3, s2  }
0x8d: {  	s2 =	sadd.s32 s2, s17  }
0x8e: {  	[smem:$0x3FC6] =	sst s2  }
0x8f: {  	_ = 	snop  }
0x90: {  	s2 =	sld [smem:$0x3FD0];
	(tm) =	ssettm $0x1  }
0x91: {  	s18 =	sld [smem:$0x3FFB];
	_ =	sdelay $0x3  }
0x92: {  	_ =	strace s18  }
0x93: {  	s3 =	sld [smem:$0x3FFC];
	_ =	sdelay $0x3  }
0x94: {  	_ =	strace s3  }
0x95: {  	s3 =	sld [smem:$0x3FFD];
	_ =	sdelay $0x3  }
0x96: {  	_ =	strace s3  }
0x97: {  	_ =	strace $0x8FFFFFFF  }
0x98: {  	s19 =	sld [smem:$0x3FDB];
	_ =	sdelay $0x1  }
0x99: {  	s4 =	simm.s32 $_scs_section_size  }
0x9a: {  	s5 =	simm.s32 $_size__tile_overlayer_lowered;
	s6 =	simm.s32 $_tile_overlayer_lowered  }
0x9b: {  	s22 =	simm.s32 $0x1BFF;
	s21 =	sshll.u32 s6, $0x1;
	s3 =	sadd.s32 s4, s19  }
0x9c: {  	s7 =	simm.s32 $0x0;
	s20 =	sshll.u32 s5, $0x1;
	s5 =	sadd.s32 s21, s3  }
0x9d: {  	[timem:s7], [sflag:s22] =	dma.local [hbm:s5], s20  }
0x9e: {  	_ =	swait.ge [sflag:s22], s20  }
0x9f: {  	s4 =	ssub.s32 $0x0, s20;
	[sflag:s22] =	ssyncset.done $0x0  }
0xa0: {  	[sflag:s22] =	ssyncadd.s32 s4;
	_ =	sdelay $0x1  }
0xa1: {  	s23 =	simm.s32 $0x1B8B  }
0xa2: {  	_ =	swait.ge [sflag:s23], $0x1  }
0xa3: {  	[sflag:s23] =	ssyncset.done $0x0  }
0xa4: {  	s25 =	simm.s32 $0x1B8E;
	s24 =	sld [smem:$0x3FFE];
	[sflag:s23] =	ssyncadd.s32 $0xFFFFFFFF  }
0xa5: {  	s26 =	simm.s32 $execute0_lowered;
	[smem:$0x3FD2] =	sst s25  }
0xa6: {  	s5 =	sshll.u32 s26, $0x1;
	_ =	strace $0x80000046;
	[dreg:$0x1] =	wrdreg $0xFFFFFFFF  }
0xa7: {  	s28 =	simm.s32 $_size_execute0_lowered;
	s3 =	sadd.s32 s3, s5;
	[dreg:$0x0] =	wrdreg $0x0  }
0xa8: {  	s5 =	sshll.u32 s28, $0x1;
	[dreg:$0x2] =	wrdreg s3  }
0xa9: {  	[dreg:$0x3] =	wrdreg s5  }
0xaa: {  	[dreg:$0x4] =	wrdreg $0xC0  }
0xab: {  	_ =	task [dreg:s7], $0x5FFFF  }
0xac: {  	[dreg:$0x1] =	wrdreg $0xFFFFFFFF  }
0xad: {  	[dreg:$0x0] =	wrdreg $0x60  }
0xae: {  	[dreg:$0x2] =	wrdreg s24  }
0xaf: {  	[dreg:$0x3] =	wrdreg s2  }
0xb0: {  	[dreg:$0x4] =	wrdreg $0x9  }
0xb1: {  	_ =	task.clear_ibuf [dreg:s7], $0x5FFFF;
	_ =	strace $0x90000046  }
0xb2: {  	s29 =	simm.s32 $0x9;
	_ =	strace $0x80000048  }
0xb3: {  	_ =	swait.ge [sflag:s29], $0x1  }
0xb4: {  	[sflag:s29] =	ssyncadd.s32 $0xFFFFFFFF  }
0xb5: {  	_ =	strace $0x90000048  }
0xb6: {  	_ =	sfence  }
0xb7: {  	s30 =	sld [smem:$0x0];
	_ =	sdelay $0x2  }
0xb8: {  	s31 =	sshll.u32 s1, $0xD;
	s1 =	sshrl.u32 s1, $0x2  }
0xb9: {  	s3 =	sand.u32 $0x4000, s31;
	s1 =	sadd.s32 s1, s30  }
0xba: {  	s0 =	sor.u32 s3, s0;
	s1 =	sshll.u32 s1, $0x11  }
0xbb: {  	s0 =	sor.u32 s1, s0  }
0xbc: {  	s0 =	sadd.s32 $0x8F2B, s0  }
0xbd: {  	[sflag:s0] =	ssyncadd.remote.s32 $0x1  }
0xbe: {  	_ =	sfence.sel $0xFFFF  }
0xbf: {  	[dreg:$0x0] =	wrdreg $0xFFFFFFFF;
	(pc) =	sbr.abs _section_cstart, $3  }
0xc0: {  	[dreg:$0x1] =	wrdreg $0xFFFFFFFF  }
0xc1: {  	_ =	task.clear_ibuf [dreg:s7], $0x2FFFF;
	_ =	strace $0x9FFFFFFF  }
0xc2: {  	(tm) =	ssettm $0x7FFFFFFF  }
0xc3: {  	_ =	shalt  }
tec
execute0_lowered:
.L_overlay_start_1:
0x0: {  	(tag) =	ssettag $0x1  }
0x1: {  	s3 =	rddreg [dreg:$0x0]  }
0x2: {  	s4 =	rddreg [dreg:$0x1];
	s2 =	simm.s32 $0x0  }
0x3: {  	s16 =	simm.s32 $0x100;
	[smem:$0x7FF] =	sst s2  }
0x4: {  	s17 =	simm.s32 $0x180;
	_ =	strace $0x80000047;
	[dreg:$0xd] =	wrdreg s16  }
0x5: {  	s18 =	simm.s32 $0x200;
	[dreg:$0xe] =	wrdreg s17  }
0x6: {  	s19 =	simm.s32 $0x280;
	[dreg:$0xf] =	wrdreg s18  }
0x7: {  	s20 =	simm.s32 $0x300;
	[dreg:$0x10] =	wrdreg s19  }
0x8: {  	s21 =	simm.s32 $0x380;
	[dreg:$0x11] =	wrdreg s20  }
0x9: {  	s22 =	simm.s32 $0x400;
	[dreg:$0x12] =	wrdreg s21  }
0xa: {  	s0 =	srdreg.scid;
	s23 =	simm.s32 $0x480;
	[dreg:$0x13] =	wrdreg s22  }
0xb: {  	s24 =	stileid.u32;
	s25 =	simm.s32 $0x500;
	[dreg:$0x14] =	wrdreg s23  }
0xc: {  	s26 =	simm.s32 $0x580;
	s7 =	simm.s32 $0x780;
	[dreg:$0x15] =	wrdreg s25  }
0xd: {  	s1 =	sand.u32 $0x1, s0;
	s8 =	sshll.u32 s24, $0x1;
	[dreg:$0x16] =	wrdreg s26  }
0xe: {  	s0 =	sor.u32 s1, s8;
	[dreg:$0x1a] =	wrdreg s7;
	s8 =	simm.s32 $0x800  }
0xf: {  	s16 =	simm.s32 $0xC00;
	[dreg:$0x1b] =	wrdreg s8  }
0x10: {  	s17 =	simm.s32 $0xC80;
	[smem:$0x7CA] =	sst s16  }
0x11: {  	s18 =	simm.s32 $0xD00;
	[smem:$0x7CB] =	sst s17  }
0x12: {  	s19 =	simm.s32 $0xD80;
	[smem:$0x7CC] =	sst s18  }
0x13: {  	s20 =	simm.s32 $0xE00;
	[smem:$0x7CD] =	sst s19  }
0x14: {  	s21 =	simm.s32 $0xE80;
	[smem:$0x7CE] =	sst s20  }
0x15: {  	s22 =	simm.s32 $0xF00;
	[smem:$0x7CF] =	sst s21  }
0x16: {  	s23 =	simm.s32 $0xF80;
	[smem:$0x7D0] =	sst s22  }
0x17: {  	s25 =	simm.s32 $0x1000;
	[smem:$0x7D1] =	sst s23  }
0x18: {  	s26 =	simm.s32 $0x1080;
	[smem:$0x7D2] =	sst s25  }
0x19: {  	s7 =	simm.s32 $0x1280;
	[smem:$0x7D3] =	sst s26  }
0x1a: {  	[smem:$0x7D7] =	sst s7;
	s8 =	simm.s32 $0x1300  }
0x1b: {  	s16 =	simm.s32 $0x1700;
	[smem:$0x7D8] =	sst s8  }
0x1c: {  	s17 =	simm.s32 $0x1780;
	[smem:$0x7E0] =	sst s16  }
0x1d: {  	s18 =	simm.s32 $0x1800;
	[smem:$0x7E1] =	sst s17  }
0x1e: {  	s19 =	simm.s32 $0x1880;
	[smem:$0x7E2] =	sst s18  }
0x1f: {  	s20 =	simm.s32 $0x1900;
	[smem:$0x7E3] =	sst s19  }
0x20: {  	s21 =	simm.s32 $0x1980;
	[smem:$0x7E4] =	sst s20  }
0x21: {  	s22 =	simm.s32 $0x1A00;
	[smem:$0x7E5] =	sst s21  }
0x22: {  	s23 =	simm.s32 $0x1A80;
	[smem:$0x7E6] =	sst s22  }
0x23: {  	s26 =	simm.s32 $0x1B00;
	[smem:$0x7E7] =	sst s23  }
0x24: {  	s7 =	simm.s32 $0x1C80;
	[smem:$0x7E8] =	sst s26  }
0x25: {  	[smem:$0x7EB] =	sst s7;
	s8 =	simm.s32 $0x1D00  }
0x26: {  	s1 =	ssub.s32 $0x2, s1;
	s16 =	simm.s32 $0x2100;
	[smem:$0x7EC] =	sst s8  }
0x27: {  	s25 =	sshrl.u32 s1, $0x1;
	s17 =	simm.s32 $0x2180;
	[smem:$0x7F4] =	sst s16  }
0x28: {  	s1 =	ssub.s32 s1, s25;
	s25 =	simm.s32 $0x2200;
	[smem:$0x7F5] =	sst s17  }
0x29: {  	s6 =	smul.u32 $0xA000, s0;
	s26 =	simm.s32 $0x2280;
	[smem:$0x7F6] =	sst s25  }
0x2a: {  	s7 =	simm.s32 $0x2300;
	[smem:$0x7F7] =	sst s26  }
0x2b: {  	s30 =	sadd.s32 s4, s6;
	s6 =	simm.s32 $0x700;
	[smem:$0x7F8] =	sst s7  }
0x2c: {  	s5 =	smul.u32 $0x500, s0;
	s8 =	simm.s32 $0x2380;
	[dreg:$0x19] =	wrdreg s6  }
0x2d: {  	s0 =	smul.u32 $0x50000, s0;
	s25 =	simm.s32 $0x2500;
	[smem:$0x7F9] =	sst s8  }
0x2e: {  	s5 =	sadd.s32 s5, s3;
	s26 =	simm.s32 $0x2580;
	[smem:$0x7FC] =	sst s25  }
0x2f: {  	s5 =	sadd.s32 $0xA00, s5;
	[smem:$0x7FD] =	sst s26  }
0x30: {  	s0 =	sshrl.u32 s0, $0x3;
	s9 =	sadd.s32 $0x1000, s30;
	[dreg:$0x3] =	wrdreg s5  }
0x31: {  	s0 =	sadd.s32 s4, s0;
	s6 =	simm.s32 $0x1200;
	[dreg:$0x4] =	wrdreg s9  }
0x32: {  	s4 =	sadd.s32 $0x2000, s0;
	[smem:$0x7D6] =	sst s6  }
0x33: {  	s10 =	sadd.s32 $0x3000, s0;
	[dreg:$0x5] =	wrdreg s4  }
0x34: {  	s11 =	sadd.s32 $0x4000, s0;
	[dreg:$0x6] =	wrdreg s10  }
0x35: {  	s12 =	sadd.s32 $0x5000, s0;
	[dreg:$0x7] =	wrdreg s11  }
0x36: {  	s13 =	sadd.s32 $0x6000, s0;
	[dreg:$0x8] =	wrdreg s12  }
0x37: {  	s14 =	sadd.s32 $0x7000, s0;
	[dreg:$0x9] =	wrdreg s13  }
0x38: {  	s15 =	sadd.s32 $0x8000, s0;
	[dreg:$0xa] =	wrdreg s14  }
0x39: {  	s0 =	sadd.s32 $0x9000, s0;
	[dreg:$0xb] =	wrdreg s15  }
0x3a: {  	s5 =	simm.s32 $0x680;
	[dreg:$0xc] =	wrdreg s0  }
0x3b: {  	s9 =	simm.s32 $0x880;
	[dreg:$0x18] =	wrdreg s5  }
0x3c: {  	s6 =	simm.s32 $0x1C00;
	[dreg:$0x1c] =	wrdreg s9  }
0x3d: {  	[smem:$0x7EA] =	sst s6  }
0x3e: {  	s31 =	simm.s32 $0x5;
	s4 =	simm.s32 $0x600;
	s0 =	rddreg [dreg:$0x3]  }
0x3f: {  	s29 =	simm.s32 $0x9800;
	s10 =	simm.s32 $0x900;
	[dreg:$0x17] =	wrdreg s4  }
0x40: {  	p0 =	por $0x0, $0x0;
	s11 =	simm.s32 $0x980;
	[dreg:$0x1d] =	wrdreg s10  }
0x41: {  	s28 =	simm.s32 $0x2700;
	s12 =	simm.s32 $0xA00;
	[dreg:$0x1e] =	wrdreg s11  }
0x42: {  	s18 =	simm.s32 $0x3800;
	s13 =	simm.s32 $0xA80;
	[dreg:$0x1f] =	wrdreg s12  }
0x43: {  	s19 =	simm.s32 $0x4800;
	s14 =	simm.s32 $0xB00;
	[smem:$0x7C7] =	sst s13  }
0x44: {  	s20 =	simm.s32 $0x5800;
	s15 =	simm.s32 $0xB80;
	[smem:$0x7C8] =	sst s14  }
0x45: {  	s21 =	simm.s32 $0x6800;
	s5 =	simm.s32 $0x1180;
	[smem:$0x7C9] =	sst s15  }
0x46: {  	s22 =	simm.s32 $0x7800;
	s9 =	simm.s32 $0x1380;
	[smem:$0x7D5] =	sst s5  }
0x47: {  	s23 =	simm.s32 $0x8800;
	s4 =	simm.s32 $0x1100;
	[smem:$0x7D9] =	sst s9  }
0x48: {  	s1 =	smax.u32 s1, $0x1;
	s10 =	simm.s32 $0x1400;
	[smem:$0x7D4] =	sst s4  }
0x49: {  	s16 =	simm.s32 $0x10800;
	s11 =	simm.s32 $0x1480;
	[smem:$0x7DA] =	sst s10  }
0x4a: {  	s17 =	simm.s32 $0x11800;
	s12 =	simm.s32 $0x1500;
	[smem:$0x7DB] =	sst s11  }
0x4b: {  	s7 =	simm.s32 $0x3;
	s13 =	simm.s32 $0x1580;
	[smem:$0x7DC] =	sst s12  }
0x4c: {  	p1 =	sne.s32 s1, $0x1;
	s14 =	simm.s32 $0x1600;
	[smem:$0x7DD] =	sst s13  }
0x4d: {  	s1 =	sadd.s32 $0xFFFFFFFF, s1;
	s15 =	simm.s32 $0x1680;
	[smem:$0x7DE] =	sst s14  }
0x4e: {  	s8 =	simm.s32 $0x4;
	s9 =	simm.s32 $0x1D80;
	[smem:$0x7DF] =	sst s15  }
0x4f: {  	s26 =	simm.s32 $0x2680;
	s4 =	simm.s32 $0x1B80;
	[smem:$0x7ED] =	sst s9  }
0x50: {  	s25 =	simm.s32 $0x2780;
	s10 =	simm.s32 $0x1E00;
	[smem:$0x7E9] =	sst s4  }
0x51: {  	s6 =	simm.s32 $0x80;
	s11 =	simm.s32 $0x1E80;
	[smem:$0x7EE] =	sst s10  }
0x52: {  	s5 =	sadd.s32 $0xF42E00, s3;
	s12 =	simm.s32 $0x1F00;
	[smem:$0x7EF] =	sst s11  }
0x53: {  	s3 =	simm.s32 $0xA800;
	s13 =	simm.s32 $0x1F80;
	[smem:$0x7F0] =	sst s12  }
0x54: {  	s14 =	simm.s32 $0x2000;
	s15 =	simm.s32 $0x2080;
	[smem:$0x7F1] =	sst s13  }
.Ltmp0:
0x55: {  	s9 =	simm.s32 $0x2400;
	[smem:$0x7F2] =	sst s14;
	(pc) =	sbr.rel @!p1 .LBB2_1-.Ltmp0, $4  }
0x56: {  	s4 =	simm.s32 $0x2800;
	[smem:$0x7F3] =	sst s15;
	s11 =	simm.s32 $0xB800  }
0x57: {  	s12 =	simm.s32 $0xC800;
	s13 =	simm.s32 $0xD800;
	s14 =	simm.s32 $0xE800  }
0x58: {  	s15 =	simm.s32 $0xF800;
	[smem:$0x7FA] =	sst s9;
	s10 =	simm.s32 $0x2480  }
0x59: {  	s9 =	simm.s32 $0x2;
	[smem:$0x7FB] =	sst s10;
	s10 =	simm.s32 $0x1  }
0x5a: {  	[tilespmem:s2], [sflag:$0x5] =	stream.linear.gather [hbm4b:s0+s2], $0x2800, $0x38;
	[tilespmem:$0x12800] =	vst v63  }
0x5b: {  	_ =	swait.ge [sflag:s31], $0x2800  }
0x5c: {  	[sflag:s31] =	ssyncset.done $0x0  }
0x5d: {  	[sflag:s31] =	ssyncadd.s32 $0xFFFFD800  }
0x5e: {  	[tilespmem:s4], [sflag:$0x1] =	stream.indirect.gather [hbm4b:s5+s6], $0x20, s2, s6, $0xb8;
	[tilespmem:$0x12800] =	vst v63  }
0x5f: {  	_ = 	snop  }
0x60: {  	[tilespmem:s18], [sflag:$0x1] =	stream.indirect.gather [hbm4b:s5+s6], $0x20, s6, s6, $0xb8;
	[tilespmem:$0x12800] =	vst v63  }
0x61: {  	s0 =	rddreg [dreg:$0xd]  }
0x62: {  	[tilespmem:s19], [sflag:$0x1] =	stream.indirect.gather [hbm4b:s5+s6], $0x20, s0, s6, $0xb8;
	[tilespmem:$0x12800] =	vst v63  }
0x63: {  	s24 =	smov.u32 s1;
	s1 =	rddreg [dreg:$0xe]  }
0x64: {  	[tilespmem:s20], [sflag:$0x1] =	stream.indirect.gather [hbm4b:s5+s6], $0x20, s1, s6, $0xb8;
	[tilespmem:$0x12800] =	vst v63  }
0x65: {  	s0 =	rddreg [dreg:$0xf]  }
0x66: {  	[tilespmem:s21], [sflag:$0x1] =	stream.indirect.gather [hbm4b:s5+s6], $0x20, s0, s6, $0xb8;
	[tilespmem:$0x12800] =	vst v63  }
0x67: {  	s1 =	rddreg [dreg:$0x10]  }
0x68: {  	[tilespmem:s22], [sflag:$0x1] =	stream.indirect.gather [hbm4b:s5+s6], $0x20, s1, s6, $0xb8;
	[tilespmem:$0x12800] =	vst v63  }
0x69: {  	s0 =	rddreg [dreg:$0x11]  }
0x6a: {  	[tilespmem:s23], [sflag:$0x1] =	stream.indirect.gather [hbm4b:s5+s6], $0x20, s0, s6, $0xb8;
	[tilespmem:$0x12800] =	vst v63  }
0x6b: {  	s1 =	rddreg [dreg:$0x12]  }
0x6c: {  	[tilespmem:s29], [sflag:$0x1] =	stream.indirect.gather [hbm4b:s5+s6], $0x20, s1, s6, $0xb8;
	[tilespmem:$0x12800] =	vst v63  }
0x6d: {  	s0 =	rddreg [dreg:$0x13]  }
0x6e: {  	[tilespmem:s3], [sflag:$0x2] =	stream.indirect.gather [hbm4b:s5+s6], $0x20, s0, s6, $0xb8;
	[tilespmem:$0x12800] =	vst v63  }
0x6f: {  	s1 =	rddreg [dreg:$0x14]  }
0x70: {  	[tilespmem:s11], [sflag:$0x2] =	stream.indirect.gather [hbm4b:s5+s6], $0x20, s1, s6, $0xb8;
	[tilespmem:$0x12800] =	vst v63  }
0x71: {  	s0 =	rddreg [dreg:$0x15]  }
0x72: {  	[tilespmem:s12], [sflag:$0x2] =	stream.indirect.gather [hbm4b:s5+s6], $0x20, s0, s6, $0xb8;
	[tilespmem:$0x12800] =	vst v63  }
0x73: {  	s1 =	rddreg [dreg:$0x16]  }
0x74: {  	[tilespmem:s13], [sflag:$0x2] =	stream.indirect.gather [hbm4b:s5+s6], $0x20, s1, s6, $0xb8;
	[tilespmem:$0x12800] =	vst v63  }
0x75: {  	s0 =	rddreg [dreg:$0x17]  }
0x76: {  	[tilespmem:s14], [sflag:$0x2] =	stream.indirect.gather [hbm4b:s5+s6], $0x20, s0, s6, $0xb8;
	[tilespmem:$0x12800] =	vst v63  }
0x77: {  	s1 =	rddreg [dreg:$0x18]  }
0x78: {  	[tilespmem:s15], [sflag:$0x2] =	stream.indirect.gather [hbm4b:s5+s6], $0x20, s1, s6, $0xb8;
	[tilespmem:$0x12800] =	vst v63  }
0x79: {  	s0 =	rddreg [dreg:$0x19]  }
0x7a: {  	[tilespmem:s16], [sflag:$0x2] =	stream.indirect.gather [hbm4b:s5+s6], $0x20, s0, s6, $0xb8;
	[tilespmem:$0x12800] =	vst v63  }
0x7b: {  	s1 =	rddreg [dreg:$0x1a]  }
0x7c: {  	[tilespmem:s17], [sflag:$0x2] =	stream.indirect.gather [hbm4b:s5+s6], $0x20, s1, s6, $0xb8;
	[tilespmem:$0x12800] =	vst v63  }
0x7d: {  	_ =	swait.ge [sflag:s10], $0x1000  }
0x7e: {  	[sflag:s10] =	ssyncset.done $0x0  }
0x7f: {  	[sflag:s10] =	ssyncadd.s32 $0xFFFFF000  }
0x80: {  	_ =	swait.ge [sflag:s10], $0x1000  }
0x81: {  	[sflag:s10] =	ssyncset.done $0x0  }
0x82: {  	[sflag:s10] =	ssyncadd.s32 $0xFFFFF000  }
0x83: {  	_ =	swait.ge [sflag:s10], $0x1000  }
0x84: {  	[sflag:s10] =	ssyncset.done $0x0  }
0x85: {  	[sflag:s10] =	ssyncadd.s32 $0xFFFFF000  }
0x86: {  	_ =	swait.ge [sflag:s10], $0x1000  }
0x87: {  	[sflag:s10] =	ssyncset.done $0x0  }
0x88: {  	[sflag:s10] =	ssyncadd.s32 $0xFFFFF000  }
0x89: {  	_ =	swait.ge [sflag:s10], $0x1000  }
0x8a: {  	[sflag:s10] =	ssyncset.done $0x0  }
0x8b: {  	[sflag:s10] =	ssyncadd.s32 $0xFFFFF000  }
0x8c: {  	_ =	swait.ge [sflag:s10], $0x1000  }
0x8d: {  	[sflag:s10] =	ssyncset.done $0x0  }
0x8e: {  	[sflag:s10] =	ssyncadd.s32 $0xFFFFF000  }
0x8f: {  	_ =	swait.ge [sflag:s10], $0x1000  }
0x90: {  	[sflag:s10] =	ssyncset.done $0x0  }
0x91: {  	[sflag:s10] =	ssyncadd.s32 $0xFFFFF000  }
0x92: {  	_ =	swait.ge [sflag:s10], $0x1000  }
0x93: {  	[sflag:s10] =	ssyncset.done $0x0  }
0x94: {  	[sflag:s10] =	ssyncadd.s32 $0xFFFFF000  }
0x95: {  	[hbm4b:s30+s2] =	stream.linear.scatter [tilespmem:s4], [sflag:$0x3], $0x8000, $0x38;
	[tilespmem:$0x12800] =	vst v63  }
0x96: {  	_ =	swait.ge [sflag:s7], $0x8000  }
0x97: {  	s0 =	rddreg [dreg:$0x1b];
	[sflag:s7] =	ssyncset.done $0x0  }
0x98: {  	s1 =	rddreg [dreg:$0x1c];
	[sflag:s7] =	ssyncadd.s32 $0xFFFF8000  }
0x99: {  	[tilespmem:s4], [sflag:$0x1] =	stream.indirect.gather [hbm4b:s5+s6], $0x20, s0, s6, $0xb8;
	[tilespmem:$0x12800] =	vst v63  }
0x9a: {  	s0 =	rddreg [dreg:$0x1d]  }
0x9b: {  	[tilespmem:s18], [sflag:$0x1] =	stream.indirect.gather [hbm4b:s5+s6], $0x20, s1, s6, $0xb8;
	[tilespmem:$0x12800] =	vst v63  }
0x9c: {  	s1 =	rddreg [dreg:$0x1e]  }
0x9d: {  	[tilespmem:s19], [sflag:$0x1] =	stream.indirect.gather [hbm4b:s5+s6], $0x20, s0, s6, $0xb8;
	[tilespmem:$0x12800] =	vst v63  }
0x9e: {  	s0 =	rddreg [dreg:$0x1f]  }
0x9f: {  	[tilespmem:s20], [sflag:$0x1] =	stream.indirect.gather [hbm4b:s5+s6], $0x20, s1, s6, $0xb8;
	[tilespmem:$0x12800] =	vst v63  }
0xa0: {  	s1 =	sld [smem:$0x7C7]  }
0xa1: {  	[tilespmem:s21], [sflag:$0x1] =	stream.indirect.gather [hbm4b:s5+s6], $0x20, s0, s6, $0xb8;
	[tilespmem:$0x12800] =	vst v63  }
0xa2: {  	s0 =	sld [smem:$0x7C8]  }
0xa3: {  	[tilespmem:s22], [sflag:$0x1] =	stream.indirect.gather [hbm4b:s5+s6], $0x20, s1, s6, $0xb8;
	[tilespmem:$0x12800] =	vst v63  }
0xa4: {  	s1 =	sld [smem:$0x7C9]  }
0xa5: {  	[tilespmem:s23], [sflag:$0x1] =	stream.indirect.gather [hbm4b:s5+s6], $0x20, s0, s6, $0xb8;
	[tilespmem:$0x12800] =	vst v63  }
0xa6: {  	_ = 	snop  }
0xa7: {  	[tilespmem:s29], [sflag:$0x1] =	stream.indirect.gather [hbm4b:s5+s6], $0x20, s1, s6, $0xb8;
	[tilespmem:$0x12800] =	vst v63  }
0xa8: {  	_ =	swait.ge [sflag:s9], $0x1000  }
0xa9: {  	[sflag:s9] =	ssyncset.done $0x0  }
0xaa: {  	[sflag:s9] =	ssyncadd.s32 $0xFFFFF000  }
0xab: {  	_ =	swait.ge [sflag:s9], $0x1000  }
0xac: {  	[sflag:s9] =	ssyncset.done $0x0  }
0xad: {  	[sflag:s9] =	ssyncadd.s32 $0xFFFFF000  }
0xae: {  	_ =	swait.ge [sflag:s9], $0x1000  }
0xaf: {  	[sflag:s9] =	ssyncset.done $0x0  }
0xb0: {  	[sflag:s9] =	ssyncadd.s32 $0xFFFFF000  }
0xb1: {  	_ =	swait.ge [sflag:s9], $0x1000  }
0xb2: {  	[sflag:s9] =	ssyncset.done $0x0  }
0xb3: {  	[sflag:s9] =	ssyncadd.s32 $0xFFFFF000  }
0xb4: {  	_ =	swait.ge [sflag:s9], $0x1000  }
0xb5: {  	[sflag:s9] =	ssyncset.done $0x0  }
0xb6: {  	[sflag:s9] =	ssyncadd.s32 $0xFFFFF000  }
0xb7: {  	_ =	swait.ge [sflag:s9], $0x1000  }
0xb8: {  	[sflag:s9] =	ssyncset.done $0x0  }
0xb9: {  	[sflag:s9] =	ssyncadd.s32 $0xFFFFF000  }
0xba: {  	_ =	swait.ge [sflag:s9], $0x1000  }
0xbb: {  	[sflag:s9] =	ssyncset.done $0x0  }
0xbc: {  	[sflag:s9] =	ssyncadd.s32 $0xFFFFF000  }
0xbd: {  	_ =	swait.ge [sflag:s9], $0x1000  }
0xbe: {  	[sflag:s9] =	ssyncset.done $0x0  }
0xbf: {  	s1 =	rddreg [dreg:$0x4];
	[sflag:s9] =	ssyncadd.s32 $0xFFFFF000  }
0xc0: {  	[hbm4b:s1+s2] =	stream.linear.scatter [tilespmem:s3], [sflag:$0x4], $0x8000, $0x38;
	[tilespmem:$0x12800] =	vst v63  }
0xc1: {  	_ =	swait.ge [sflag:s8], $0x8000  }
0xc2: {  	s0 =	sld [smem:$0x7CA]  }
0xc3: {  	[sflag:s8] =	ssyncset.done $0x0  }
0xc4: {  	s1 =	sld [smem:$0x7CB];
	[sflag:s8] =	ssyncadd.s32 $0xFFFF8000  }
0xc5: {  	[tilespmem:s3], [sflag:$0x2] =	stream.indirect.gather [hbm4b:s5+s6], $0x20, s0, s6, $0xb8;
	[tilespmem:$0x12800] =	vst v63  }
0xc6: {  	s0 =	sld [smem:$0x7CC]  }
0xc7: {  	[tilespmem:s11], [sflag:$0x2] =	stream.indirect.gather [hbm4b:s5+s6], $0x20, s1, s6, $0xb8;
	[tilespmem:$0x12800] =	vst v63  }
0xc8: {  	s1 =	sld [smem:$0x7CD]  }
0xc9: {  	[tilespmem:s12], [sflag:$0x2] =	stream.indirect.gather [hbm4b:s5+s6], $0x20, s0, s6, $0xb8;
	[tilespmem:$0x12800] =	vst v63  }
0xca: {  	s0 =	sld [smem:$0x7CE]  }
0xcb: {  	[tilespmem:s13], [sflag:$0x2] =	stream.indirect.gather [hbm4b:s5+s6], $0x20, s1, s6, $0xb8;
	[tilespmem:$0x12800] =	vst v63  }
0xcc: {  	s1 =	sld [smem:$0x7CF]  }
0xcd: {  	[tilespmem:s14], [sflag:$0x2] =	stream.indirect.gather [hbm4b:s5+s6], $0x20, s0, s6, $0xb8;
	[tilespmem:$0x12800] =	vst v63  }
0xce: {  	s0 =	sld [smem:$0x7D0]  }
0xcf: {  	[tilespmem:s15], [sflag:$0x2] =	stream.indirect.gather [hbm4b:s5+s6], $0x20, s1, s6, $0xb8;
	[tilespmem:$0x12800] =	vst v63  }
0xd0: {  	s1 =	sld [smem:$0x7D1]  }
0xd1: {  	[tilespmem:s16], [sflag:$0x2] =	stream.indirect.gather [hbm4b:s5+s6], $0x20, s0, s6, $0xb8;
	[tilespmem:$0x12800] =	vst v63  }
0xd2: {  	_ = 	snop  }
0xd3: {  	[tilespmem:s17], [sflag:$0x2] =	stream.indirect.gather [hbm4b:s5+s6], $0x20, s1, s6, $0xb8;
	[tilespmem:$0x12800] =	vst v63  }
0xd4: {  	_ =	swait.ge [sflag:s10], $0x1000  }
0xd5: {  	[sflag:s10] =	ssyncset.done $0x0  }
0xd6: {  	[sflag:s10] =	ssyncadd.s32 $0xFFFFF000  }
0xd7: {  	_ =	swait.ge [sflag:s10], $0x1000  }
0xd8: {  	[sflag:s10] =	ssyncset.done $0x0  }
0xd9: {  	[sflag:s10] =	ssyncadd.s32 $0xFFFFF000  }
0xda: {  	_ =	swait.ge [sflag:s10], $0x1000  }
0xdb: {  	[sflag:s10] =	ssyncset.done $0x0  }
0xdc: {  	[sflag:s10] =	ssyncadd.s32 $0xFFFFF000  }
0xdd: {  	_ =	swait.ge [sflag:s10], $0x1000  }
0xde: {  	[sflag:s10] =	ssyncset.done $0x0  }
0xdf: {  	[sflag:s10] =	ssyncadd.s32 $0xFFFFF000  }
0xe0: {  	_ =	swait.ge [sflag:s10], $0x1000  }
0xe1: {  	[sflag:s10] =	ssyncset.done $0x0  }
0xe2: {  	[sflag:s10] =	ssyncadd.s32 $0xFFFFF000  }
0xe3: {  	_ =	swait.ge [sflag:s10], $0x1000  }
0xe4: {  	[sflag:s10] =	ssyncset.done $0x0  }
0xe5: {  	[sflag:s10] =	ssyncadd.s32 $0xFFFFF000  }
0xe6: {  	_ =	swait.ge [sflag:s10], $0x1000  }
0xe7: {  	[sflag:s10] =	ssyncset.done $0x0  }
0xe8: {  	[sflag:s10] =	ssyncadd.s32 $0xFFFFF000  }
0xe9: {  	_ =	swait.ge [sflag:s10], $0x1000  }
0xea: {  	[sflag:s10] =	ssyncset.done $0x0  }
0xeb: {  	s1 =	rddreg [dreg:$0x5];
	[sflag:s10] =	ssyncadd.s32 $0xFFFFF000  }
0xec: {  	[hbm4b:s1+s2] =	stream.linear.scatter [tilespmem:s4], [sflag:$0x3], $0x8000, $0x38;
	[tilespmem:$0x12800] =	vst v63  }
0xed: {  	_ =	swait.ge [sflag:s7], $0x8000  }
0xee: {  	s0 =	sld [smem:$0x7D2]  }
0xef: {  	[sflag:s7] =	ssyncset.done $0x0  }
0xf0: {  	s1 =	sld [smem:$0x7D3];
	[sflag:s7] =	ssyncadd.s32 $0xFFFF8000  }
0xf1: {  	[tilespmem:s4], [sflag:$0x1] =	stream.indirect.gather [hbm4b:s5+s6], $0x20, s0, s6, $0xb8;
	[tilespmem:$0x12800] =	vst v63  }
0xf2: {  	s0 =	sld [smem:$0x7D4]  }
0xf3: {  	[tilespmem:s18], [sflag:$0x1] =	stream.indirect.gather [hbm4b:s5+s6], $0x20, s1, s6, $0xb8;
	[tilespmem:$0x12800] =	vst v63  }
0xf4: {  	s1 =	sld [smem:$0x7D5]  }
0xf5: {  	[tilespmem:s19], [sflag:$0x1] =	stream.indirect.gather [hbm4b:s5+s6], $0x20, s0, s6, $0xb8;
	[tilespmem:$0x12800] =	vst v63  }
0xf6: {  	s0 =	sld [smem:$0x7D6]  }
0xf7: {  	[tilespmem:s20], [sflag:$0x1] =	stream.indirect.gather [hbm4b:s5+s6], $0x20, s1, s6, $0xb8;
	[tilespmem:$0x12800] =	vst v63  }
0xf8: {  	s1 =	sld [smem:$0x7D7]  }
0xf9: {  	[tilespmem:s21], [sflag:$0x1] =	stream.indirect.gather [hbm4b:s5+s6], $0x20, s0, s6, $0xb8;
	[tilespmem:$0x12800] =	vst v63  }
0xfa: {  	s0 =	sld [smem:$0x7D8]  }
0xfb: {  	[tilespmem:s22], [sflag:$0x1] =	stream.indirect.gather [hbm4b:s5+s6], $0x20, s1, s6, $0xb8;
	[tilespmem:$0x12800] =	vst v63  }
0xfc: {  	s1 =	sld [smem:$0x7D9]  }
0xfd: {  	[tilespmem:s23], [sflag:$0x1] =	stream.indirect.gather [hbm4b:s5+s6], $0x20, s0, s6, $0xb8;
	[tilespmem:$0x12800] =	vst v63  }
0xfe: {  	_ = 	snop  }
0xff: {  	[tilespmem:s29], [sflag:$0x1] =	stream.indirect.gather [hbm4b:s5+s6], $0x20, s1, s6, $0xb8;
	[tilespmem:$0x12800] =	vst v63  }
0x100: {  	_ =	swait.ge [sflag:s9], $0x1000  }
0x101: {  	[sflag:s9] =	ssyncset.done $0x0  }
0x102: {  	[sflag:s9] =	ssyncadd.s32 $0xFFFFF000  }
0x103: {  	_ =	swait.ge [sflag:s9], $0x1000  }
0x104: {  	[sflag:s9] =	ssyncset.done $0x0  }
0x105: {  	[sflag:s9] =	ssyncadd.s32 $0xFFFFF000  }
0x106: {  	_ =	swait.ge [sflag:s9], $0x1000  }
0x107: {  	[sflag:s9] =	ssyncset.done $0x0  }
0x108: {  	[sflag:s9] =	ssyncadd.s32 $0xFFFFF000  }
0x109: {  	_ =	swait.ge [sflag:s9], $0x1000  }
0x10a: {  	[sflag:s9] =	ssyncset.done $0x0  }
0x10b: {  	[sflag:s9] =	ssyncadd.s32 $0xFFFFF000  }
0x10c: {  	_ =	swait.ge [sflag:s9], $0x1000  }
0x10d: {  	[sflag:s9] =	ssyncset.done $0x0  }
0x10e: {  	[sflag:s9] =	ssyncadd.s32 $0xFFFFF000  }
0x10f: {  	_ =	swait.ge [sflag:s9], $0x1000  }
0x110: {  	[sflag:s9] =	ssyncset.done $0x0  }
0x111: {  	[sflag:s9] =	ssyncadd.s32 $0xFFFFF000  }
0x112: {  	_ =	swait.ge [sflag:s9], $0x1000  }
0x113: {  	[sflag:s9] =	ssyncset.done $0x0  }
0x114: {  	[sflag:s9] =	ssyncadd.s32 $0xFFFFF000  }
0x115: {  	_ =	swait.ge [sflag:s9], $0x1000  }
0x116: {  	[sflag:s9] =	ssyncset.done $0x0  }
0x117: {  	s1 =	rddreg [dreg:$0x6];
	[sflag:s9] =	ssyncadd.s32 $0xFFFFF000  }
0x118: {  	[hbm4b:s1+s2] =	stream.linear.scatter [tilespmem:s3], [sflag:$0x4], $0x8000, $0x38;
	[tilespmem:$0x12800] =	vst v63  }
0x119: {  	_ =	swait.ge [sflag:s8], $0x8000  }
0x11a: {  	s0 =	sld [smem:$0x7DA]  }
0x11b: {  	[sflag:s8] =	ssyncset.done $0x0  }
0x11c: {  	s1 =	sld [smem:$0x7DB];
	[sflag:s8] =	ssyncadd.s32 $0xFFFF8000  }
0x11d: {  	[tilespmem:s3], [sflag:$0x2] =	stream.indirect.gather [hbm4b:s5+s6], $0x20, s0, s6, $0xb8;
	[tilespmem:$0x12800] =	vst v63  }
0x11e: {  	s0 =	sld [smem:$0x7DC]  }
0x11f: {  	[tilespmem:s11], [sflag:$0x2] =	stream.indirect.gather [hbm4b:s5+s6], $0x20, s1, s6, $0xb8;
	[tilespmem:$0x12800] =	vst v63  }
0x120: {  	s1 =	sld [smem:$0x7DD]  }
0x121: {  	[tilespmem:s12], [sflag:$0x2] =	stream.indirect.gather [hbm4b:s5+s6], $0x20, s0, s6, $0xb8;
	[tilespmem:$0x12800] =	vst v63  }
0x122: {  	s0 =	sld [smem:$0x7DE]  }
0x123: {  	[tilespmem:s13], [sflag:$0x2] =	stream.indirect.gather [hbm4b:s5+s6], $0x20, s1, s6, $0xb8;
	[tilespmem:$0x12800] =	vst v63  }
0x124: {  	s1 =	sld [smem:$0x7DF]  }
0x125: {  	[tilespmem:s14], [sflag:$0x2] =	stream.indirect.gather [hbm4b:s5+s6], $0x20, s0, s6, $0xb8;
	[tilespmem:$0x12800] =	vst v63  }
0x126: {  	s0 =	sld [smem:$0x7E0]  }
0x127: {  	[tilespmem:s15], [sflag:$0x2] =	stream.indirect.gather [hbm4b:s5+s6], $0x20, s1, s6, $0xb8;
	[tilespmem:$0x12800] =	vst v63  }
0x128: {  	s1 =	sld [smem:$0x7E1]  }
0x129: {  	[tilespmem:s16], [sflag:$0x2] =	stream.indirect.gather [hbm4b:s5+s6], $0x20, s0, s6, $0xb8;
	[tilespmem:$0x12800] =	vst v63  }
0x12a: {  	_ = 	snop  }
0x12b: {  	[tilespmem:s17], [sflag:$0x2] =	stream.indirect.gather [hbm4b:s5+s6], $0x20, s1, s6, $0xb8;
	[tilespmem:$0x12800] =	vst v63  }
0x12c: {  	_ =	swait.ge [sflag:s10], $0x1000  }
0x12d: {  	[sflag:s10] =	ssyncset.done $0x0  }
0x12e: {  	[sflag:s10] =	ssyncadd.s32 $0xFFFFF000  }
0x12f: {  	_ =	swait.ge [sflag:s10], $0x1000  }
0x130: {  	[sflag:s10] =	ssyncset.done $0x0  }
0x131: {  	[sflag:s10] =	ssyncadd.s32 $0xFFFFF000  }
0x132: {  	_ =	swait.ge [sflag:s10], $0x1000  }
0x133: {  	[sflag:s10] =	ssyncset.done $0x0  }
0x134: {  	[sflag:s10] =	ssyncadd.s32 $0xFFFFF000  }
0x135: {  	_ =	swait.ge [sflag:s10], $0x1000  }
0x136: {  	[sflag:s10] =	ssyncset.done $0x0  }
0x137: {  	[sflag:s10] =	ssyncadd.s32 $0xFFFFF000  }
0x138: {  	_ =	swait.ge [sflag:s10], $0x1000  }
0x139: {  	[sflag:s10] =	ssyncset.done $0x0  }
0x13a: {  	[sflag:s10] =	ssyncadd.s32 $0xFFFFF000  }
0x13b: {  	_ =	swait.ge [sflag:s10], $0x1000  }
0x13c: {  	[sflag:s10] =	ssyncset.done $0x0  }
0x13d: {  	[sflag:s10] =	ssyncadd.s32 $0xFFFFF000  }
0x13e: {  	_ =	swait.ge [sflag:s10], $0x1000  }
0x13f: {  	[sflag:s10] =	ssyncset.done $0x0  }
0x140: {  	[sflag:s10] =	ssyncadd.s32 $0xFFFFF000  }
0x141: {  	_ =	swait.ge [sflag:s10], $0x1000  }
0x142: {  	[sflag:s10] =	ssyncset.done $0x0  }
0x143: {  	s1 =	rddreg [dreg:$0x7];
	[sflag:s10] =	ssyncadd.s32 $0xFFFFF000  }
0x144: {  	[hbm4b:s1+s2] =	stream.linear.scatter [tilespmem:s4], [sflag:$0x3], $0x8000, $0x38;
	[tilespmem:$0x12800] =	vst v63  }
0x145: {  	_ =	swait.ge [sflag:s7], $0x8000  }
0x146: {  	s0 =	sld [smem:$0x7E2]  }
0x147: {  	[sflag:s7] =	ssyncset.done $0x0  }
0x148: {  	s1 =	sld [smem:$0x7E3];
	[sflag:s7] =	ssyncadd.s32 $0xFFFF8000  }
0x149: {  	[tilespmem:s4], [sflag:$0x1] =	stream.indirect.gather [hbm4b:s5+s6], $0x20, s0, s6, $0xb8;
	[tilespmem:$0x12800] =	vst v63  }
0x14a: {  	s0 =	sld [smem:$0x7E4]  }
0x14b: {  	[tilespmem:s18], [sflag:$0x1] =	stream.indirect.gather [hbm4b:s5+s6], $0x20, s1, s6, $0xb8;
	[tilespmem:$0x12800] =	vst v63  }
0x14c: {  	s1 =	sld [smem:$0x7E5]  }
0x14d: {  	[tilespmem:s19], [sflag:$0x1] =	stream.indirect.gather [hbm4b:s5+s6], $0x20, s0, s6, $0xb8;
	[tilespmem:$0x12800] =	vst v63  }
0x14e: {  	s0 =	sld [smem:$0x7E6]  }
0x14f: {  	[tilespmem:s20], [sflag:$0x1] =	stream.indirect.gather [hbm4b:s5+s6], $0x20, s1, s6, $0xb8;
	[tilespmem:$0x12800] =	vst v63  }
0x150: {  	s1 =	sld [smem:$0x7E7]  }
0x151: {  	[tilespmem:s21], [sflag:$0x1] =	stream.indirect.gather [hbm4b:s5+s6], $0x20, s0, s6, $0xb8;
	[tilespmem:$0x12800] =	vst v63  }
0x152: {  	s0 =	sld [smem:$0x7E8]  }
0x153: {  	[tilespmem:s22], [sflag:$0x1] =	stream.indirect.gather [hbm4b:s5+s6], $0x20, s1, s6, $0xb8;
	[tilespmem:$0x12800] =	vst v63  }
0x154: {  	s1 =	sld [smem:$0x7E9]  }
0x155: {  	[tilespmem:s23], [sflag:$0x1] =	stream.indirect.gather [hbm4b:s5+s6], $0x20, s0, s6, $0xb8;
	[tilespmem:$0x12800] =	vst v63  }
0x156: {  	_ = 	snop  }
0x157: {  	[tilespmem:s29], [sflag:$0x1] =	stream.indirect.gather [hbm4b:s5+s6], $0x20, s1, s6, $0xb8;
	[tilespmem:$0x12800] =	vst v63  }
0x158: {  	_ =	swait.ge [sflag:s9], $0x1000  }
0x159: {  	[sflag:s9] =	ssyncset.done $0x0  }
0x15a: {  	[sflag:s9] =	ssyncadd.s32 $0xFFFFF000  }
0x15b: {  	_ =	swait.ge [sflag:s9], $0x1000  }
0x15c: {  	[sflag:s9] =	ssyncset.done $0x0  }
0x15d: {  	[sflag:s9] =	ssyncadd.s32 $0xFFFFF000  }
0x15e: {  	_ =	swait.ge [sflag:s9], $0x1000  }
0x15f: {  	[sflag:s9] =	ssyncset.done $0x0  }
0x160: {  	[sflag:s9] =	ssyncadd.s32 $0xFFFFF000  }
0x161: {  	_ =	swait.ge [sflag:s9], $0x1000  }
0x162: {  	[sflag:s9] =	ssyncset.done $0x0  }
0x163: {  	[sflag:s9] =	ssyncadd.s32 $0xFFFFF000  }
0x164: {  	_ =	swait.ge [sflag:s9], $0x1000  }
0x165: {  	[sflag:s9] =	ssyncset.done $0x0  }
0x166: {  	[sflag:s9] =	ssyncadd.s32 $0xFFFFF000  }
0x167: {  	_ =	swait.ge [sflag:s9], $0x1000  }
0x168: {  	[sflag:s9] =	ssyncset.done $0x0  }
0x169: {  	[sflag:s9] =	ssyncadd.s32 $0xFFFFF000  }
0x16a: {  	_ =	swait.ge [sflag:s9], $0x1000  }
0x16b: {  	[sflag:s9] =	ssyncset.done $0x0  }
0x16c: {  	[sflag:s9] =	ssyncadd.s32 $0xFFFFF000  }
0x16d: {  	_ =	swait.ge [sflag:s9], $0x1000  }
0x16e: {  	[sflag:s9] =	ssyncset.done $0x0  }
0x16f: {  	s1 =	rddreg [dreg:$0x8];
	[sflag:s9] =	ssyncadd.s32 $0xFFFFF000  }
0x170: {  	[hbm4b:s1+s2] =	stream.linear.scatter [tilespmem:s3], [sflag:$0x4], $0x8000, $0x38;
	[tilespmem:$0x12800] =	vst v63  }
0x171: {  	_ =	swait.ge [sflag:s8], $0x8000  }
0x172: {  	s0 =	sld [smem:$0x7EA]  }
0x173: {  	[sflag:s8] =	ssyncset.done $0x0  }
0x174: {  	s1 =	sld [smem:$0x7EB];
	[sflag:s8] =	ssyncadd.s32 $0xFFFF8000  }
0x175: {  	[tilespmem:s3], [sflag:$0x2] =	stream.indirect.gather [hbm4b:s5+s6], $0x20, s0, s6, $0xb8;
	[tilespmem:$0x12800] =	vst v63  }
0x176: {  	s0 =	sld [smem:$0x7EC]  }
0x177: {  	[tilespmem:s11], [sflag:$0x2] =	stream.indirect.gather [hbm4b:s5+s6], $0x20, s1, s6, $0xb8;
	[tilespmem:$0x12800] =	vst v63  }
0x178: {  	s1 =	sld [smem:$0x7ED]  }
0x179: {  	[tilespmem:s12], [sflag:$0x2] =	stream.indirect.gather [hbm4b:s5+s6], $0x20, s0, s6, $0xb8;
	[tilespmem:$0x12800] =	vst v63  }
0x17a: {  	s0 =	sld [smem:$0x7EE]  }
0x17b: {  	[tilespmem:s13], [sflag:$0x2] =	stream.indirect.gather [hbm4b:s5+s6], $0x20, s1, s6, $0xb8;
	[tilespmem:$0x12800] =	vst v63  }
0x17c: {  	s1 =	sld [smem:$0x7EF]  }
0x17d: {  	[tilespmem:s14], [sflag:$0x2] =	stream.indirect.gather [hbm4b:s5+s6], $0x20, s0, s6, $0xb8;
	[tilespmem:$0x12800] =	vst v63  }
0x17e: {  	s0 =	sld [smem:$0x7F0]  }
0x17f: {  	[tilespmem:s15], [sflag:$0x2] =	stream.indirect.gather [hbm4b:s5+s6], $0x20, s1, s6, $0xb8;
	[tilespmem:$0x12800] =	vst v63  }
0x180: {  	s1 =	sld [smem:$0x7F1]  }
0x181: {  	[tilespmem:s16], [sflag:$0x2] =	stream.indirect.gather [hbm4b:s5+s6], $0x20, s0, s6, $0xb8;
	[tilespmem:$0x12800] =	vst v63  }
0x182: {  	_ = 	snop  }
0x183: {  	[tilespmem:s17], [sflag:$0x2] =	stream.indirect.gather [hbm4b:s5+s6], $0x20, s1, s6, $0xb8;
	[tilespmem:$0x12800] =	vst v63  }
0x184: {  	_ =	swait.ge [sflag:s10], $0x1000  }
0x185: {  	[sflag:s10] =	ssyncset.done $0x0  }
0x186: {  	[sflag:s10] =	ssyncadd.s32 $0xFFFFF000  }
0x187: {  	_ =	swait.ge [sflag:s10], $0x1000  }
0x188: {  	[sflag:s10] =	ssyncset.done $0x0  }
0x189: {  	[sflag:s10] =	ssyncadd.s32 $0xFFFFF000  }
0x18a: {  	_ =	swait.ge [sflag:s10], $0x1000  }
0x18b: {  	[sflag:s10] =	ssyncset.done $0x0  }
0x18c: {  	[sflag:s10] =	ssyncadd.s32 $0xFFFFF000  }
0x18d: {  	_ =	swait.ge [sflag:s10], $0x1000  }
0x18e: {  	[sflag:s10] =	ssyncset.done $0x0  }
0x18f: {  	[sflag:s10] =	ssyncadd.s32 $0xFFFFF000  }
0x190: {  	_ =	swait.ge [sflag:s10], $0x1000  }
0x191: {  	[sflag:s10] =	ssyncset.done $0x0  }
0x192: {  	[sflag:s10] =	ssyncadd.s32 $0xFFFFF000  }
0x193: {  	_ =	swait.ge [sflag:s10], $0x1000  }
0x194: {  	[sflag:s10] =	ssyncset.done $0x0  }
0x195: {  	[sflag:s10] =	ssyncadd.s32 $0xFFFFF000  }
0x196: {  	_ =	swait.ge [sflag:s10], $0x1000  }
0x197: {  	[sflag:s10] =	ssyncset.done $0x0  }
0x198: {  	[sflag:s10] =	ssyncadd.s32 $0xFFFFF000  }
0x199: {  	_ =	swait.ge [sflag:s10], $0x1000  }
0x19a: {  	[sflag:s10] =	ssyncset.done $0x0  }
0x19b: {  	s1 =	rddreg [dreg:$0x9];
	[sflag:s10] =	ssyncadd.s32 $0xFFFFF000  }
0x19c: {  	[hbm4b:s1+s2] =	stream.linear.scatter [tilespmem:s4], [sflag:$0x3], $0x8000, $0x38;
	[tilespmem:$0x12800] =	vst v63  }
0x19d: {  	_ =	swait.ge [sflag:s7], $0x8000  }
0x19e: {  	s0 =	sld [smem:$0x7F2]  }
0x19f: {  	[sflag:s7] =	ssyncset.done $0x0  }
0x1a0: {  	s1 =	sld [smem:$0x7F3];
	[sflag:s7] =	ssyncadd.s32 $0xFFFF8000  }
0x1a1: {  	[tilespmem:s4], [sflag:$0x1] =	stream.indirect.gather [hbm4b:s5+s6], $0x20, s0, s6, $0xb8;
	[tilespmem:$0x12800] =	vst v63  }
0x1a2: {  	s0 =	sld [smem:$0x7F4]  }
0x1a3: {  	[tilespmem:s18], [sflag:$0x1] =	stream.indirect.gather [hbm4b:s5+s6], $0x20, s1, s6, $0xb8;
	[tilespmem:$0x12800] =	vst v63  }
0x1a4: {  	s1 =	sld [smem:$0x7F5]  }
0x1a5: {  	[tilespmem:s19], [sflag:$0x1] =	stream.indirect.gather [hbm4b:s5+s6], $0x20, s0, s6, $0xb8;
	[tilespmem:$0x12800] =	vst v63  }
0x1a6: {  	s0 =	sld [smem:$0x7F6]  }
0x1a7: {  	[tilespmem:s20], [sflag:$0x1] =	stream.indirect.gather [hbm4b:s5+s6], $0x20, s1, s6, $0xb8;
	[tilespmem:$0x12800] =	vst v63  }
0x1a8: {  	s1 =	sld [smem:$0x7F7]  }
0x1a9: {  	[tilespmem:s21], [sflag:$0x1] =	stream.indirect.gather [hbm4b:s5+s6], $0x20, s0, s6, $0xb8;
	[tilespmem:$0x12800] =	vst v63  }
0x1aa: {  	s0 =	sld [smem:$0x7F8]  }
0x1ab: {  	[tilespmem:s22], [sflag:$0x1] =	stream.indirect.gather [hbm4b:s5+s6], $0x20, s1, s6, $0xb8;
	[tilespmem:$0x12800] =	vst v63  }
0x1ac: {  	s1 =	sld [smem:$0x7F9]  }
0x1ad: {  	[tilespmem:s23], [sflag:$0x1] =	stream.indirect.gather [hbm4b:s5+s6], $0x20, s0, s6, $0xb8;
	[tilespmem:$0x12800] =	vst v63  }
0x1ae: {  	_ = 	snop  }
0x1af: {  	[tilespmem:s29], [sflag:$0x1] =	stream.indirect.gather [hbm4b:s5+s6], $0x20, s1, s6, $0xb8;
	[tilespmem:$0x12800] =	vst v63  }
0x1b0: {  	_ =	swait.ge [sflag:s9], $0x1000  }
0x1b1: {  	[sflag:s9] =	ssyncset.done $0x0  }
0x1b2: {  	[sflag:s9] =	ssyncadd.s32 $0xFFFFF000  }
0x1b3: {  	_ =	swait.ge [sflag:s9], $0x1000  }
0x1b4: {  	[sflag:s9] =	ssyncset.done $0x0  }
0x1b5: {  	[sflag:s9] =	ssyncadd.s32 $0xFFFFF000  }
0x1b6: {  	_ =	swait.ge [sflag:s9], $0x1000  }
0x1b7: {  	[sflag:s9] =	ssyncset.done $0x0  }
0x1b8: {  	[sflag:s9] =	ssyncadd.s32 $0xFFFFF000  }
0x1b9: {  	_ =	swait.ge [sflag:s9], $0x1000  }
0x1ba: {  	[sflag:s9] =	ssyncset.done $0x0  }
0x1bb: {  	[sflag:s9] =	ssyncadd.s32 $0xFFFFF000  }
0x1bc: {  	_ =	swait.ge [sflag:s9], $0x1000  }
0x1bd: {  	[sflag:s9] =	ssyncset.done $0x0  }
0x1be: {  	[sflag:s9] =	ssyncadd.s32 $0xFFFFF000  }
0x1bf: {  	_ =	swait.ge [sflag:s9], $0x1000  }
0x1c0: {  	[sflag:s9] =	ssyncset.done $0x0  }
0x1c1: {  	[sflag:s9] =	ssyncadd.s32 $0xFFFFF000  }
0x1c2: {  	_ =	swait.ge [sflag:s9], $0x1000  }
0x1c3: {  	[sflag:s9] =	ssyncset.done $0x0  }
0x1c4: {  	[sflag:s9] =	ssyncadd.s32 $0xFFFFF000  }
0x1c5: {  	_ =	swait.ge [sflag:s9], $0x1000  }
0x1c6: {  	[sflag:s9] =	ssyncset.done $0x0  }
0x1c7: {  	s1 =	rddreg [dreg:$0xa];
	[sflag:s9] =	ssyncadd.s32 $0xFFFFF000  }
0x1c8: {  	[hbm4b:s1+s2] =	stream.linear.scatter [tilespmem:s3], [sflag:$0x4], $0x8000, $0x38;
	[tilespmem:$0x12800] =	vst v63  }
0x1c9: {  	_ =	swait.ge [sflag:s8], $0x8000  }
0x1ca: {  	s0 =	sld [smem:$0x7FA]  }
0x1cb: {  	[sflag:s8] =	ssyncset.done $0x0  }
0x1cc: {  	s1 =	sld [smem:$0x7FB];
	[sflag:s8] =	ssyncadd.s32 $0xFFFF8000  }
0x1cd: {  	[tilespmem:s3], [sflag:$0x2] =	stream.indirect.gather [hbm4b:s5+s6], $0x20, s0, s6, $0xb8;
	[tilespmem:$0x12800] =	vst v63  }
0x1ce: {  	s0 =	sld [smem:$0x7FC]  }
0x1cf: {  	[tilespmem:s11], [sflag:$0x2] =	stream.indirect.gather [hbm4b:s5+s6], $0x20, s1, s6, $0xb8;
	[tilespmem:$0x12800] =	vst v63  }
0x1d0: {  	s1 =	sld [smem:$0x7FD]  }
0x1d1: {  	[tilespmem:s12], [sflag:$0x2] =	stream.indirect.gather [hbm4b:s5+s6], $0x20, s0, s6, $0xb8;
	[tilespmem:$0x12800] =	vst v63  }
0x1d2: {  	_ = 	snop  }
0x1d3: {  	[tilespmem:s13], [sflag:$0x2] =	stream.indirect.gather [hbm4b:s5+s6], $0x20, s1, s6, $0xb8;
	[tilespmem:$0x12800] =	vst v63  }
0x1d4: {  	s1 =	simm.s32 $0x2600  }
0x1d5: {  	[tilespmem:s14], [sflag:$0x2] =	stream.indirect.gather [hbm4b:s5+s6], $0x20, s1, s6, $0xb8;
	[tilespmem:$0x12800] =	vst v63  }
0x1d6: {  	_ = 	snop  }
0x1d7: {  	[tilespmem:s15], [sflag:$0x2] =	stream.indirect.gather [hbm4b:s5+s6], $0x20, s26, s6, $0xb8;
	[tilespmem:$0x12800] =	vst v63  }
0x1d8: {  	_ = 	snop  }
0x1d9: {  	[tilespmem:s16], [sflag:$0x2] =	stream.indirect.gather [hbm4b:s5+s6], $0x20, s28, s6, $0xb8;
	[tilespmem:$0x12800] =	vst v63  }
0x1da: {  	_ = 	snop  }
0x1db: {  	[tilespmem:s17], [sflag:$0x2] =	stream.indirect.gather [hbm4b:s5+s6], $0x20, s25, s6, $0xb8;
	[tilespmem:$0x12800] =	vst v63  }
0x1dc: {  	_ =	swait.ge [sflag:s10], $0x1000  }
0x1dd: {  	[sflag:s10] =	ssyncset.done $0x0  }
0x1de: {  	[sflag:s10] =	ssyncadd.s32 $0xFFFFF000  }
0x1df: {  	_ =	swait.ge [sflag:s10], $0x1000  }
0x1e0: {  	[sflag:s10] =	ssyncset.done $0x0  }
0x1e1: {  	[sflag:s10] =	ssyncadd.s32 $0xFFFFF000  }
0x1e2: {  	_ =	swait.ge [sflag:s10], $0x1000  }
0x1e3: {  	[sflag:s10] =	ssyncset.done $0x0  }
0x1e4: {  	[sflag:s10] =	ssyncadd.s32 $0xFFFFF000  }
0x1e5: {  	_ =	swait.ge [sflag:s10], $0x1000  }
0x1e6: {  	[sflag:s10] =	ssyncset.done $0x0  }
0x1e7: {  	[sflag:s10] =	ssyncadd.s32 $0xFFFFF000  }
0x1e8: {  	_ =	swait.ge [sflag:s10], $0x1000  }
0x1e9: {  	[sflag:s10] =	ssyncset.done $0x0  }
0x1ea: {  	[sflag:s10] =	ssyncadd.s32 $0xFFFFF000  }
0x1eb: {  	_ =	swait.ge [sflag:s10], $0x1000  }
0x1ec: {  	[sflag:s10] =	ssyncset.done $0x0  }
0x1ed: {  	[sflag:s10] =	ssyncadd.s32 $0xFFFFF000  }
0x1ee: {  	_ =	swait.ge [sflag:s10], $0x1000  }
0x1ef: {  	[sflag:s10] =	ssyncset.done $0x0  }
0x1f0: {  	[sflag:s10] =	ssyncadd.s32 $0xFFFFF000  }
0x1f1: {  	_ =	swait.ge [sflag:s10], $0x1000  }
0x1f2: {  	[sflag:s10] =	ssyncset.done $0x0  }
0x1f3: {  	s1 =	rddreg [dreg:$0xb];
	[sflag:s10] =	ssyncadd.s32 $0xFFFFF000  }
0x1f4: {  	[hbm4b:s1+s2] =	stream.linear.scatter [tilespmem:s4], [sflag:$0x3], $0x8000, $0x38;
	[tilespmem:$0x12800] =	vst v63  }
0x1f5: {  	_ =	swait.ge [sflag:s9], $0x1000  }
0x1f6: {  	[sflag:s9] =	ssyncset.done $0x0  }
0x1f7: {  	[sflag:s9] =	ssyncadd.s32 $0xFFFFF000  }
0x1f8: {  	_ =	swait.ge [sflag:s9], $0x1000  }
0x1f9: {  	[sflag:s9] =	ssyncset.done $0x0  }
0x1fa: {  	[sflag:s9] =	ssyncadd.s32 $0xFFFFF000  }
0x1fb: {  	_ =	swait.ge [sflag:s9], $0x1000  }
0x1fc: {  	[sflag:s9] =	ssyncset.done $0x0  }
0x1fd: {  	[sflag:s9] =	ssyncadd.s32 $0xFFFFF000  }
0x1fe: {  	_ =	swait.ge [sflag:s9], $0x1000  }
0x1ff: {  	[sflag:s9] =	ssyncset.done $0x0  }
0x200: {  	[sflag:s9] =	ssyncadd.s32 $0xFFFFF000  }
0x201: {  	_ =	swait.ge [sflag:s9], $0x1000  }
0x202: {  	[sflag:s9] =	ssyncset.done $0x0  }
0x203: {  	[sflag:s9] =	ssyncadd.s32 $0xFFFFF000  }
0x204: {  	_ =	swait.ge [sflag:s9], $0x1000  }
0x205: {  	[sflag:s9] =	ssyncset.done $0x0  }
0x206: {  	[sflag:s9] =	ssyncadd.s32 $0xFFFFF000  }
0x207: {  	_ =	swait.ge [sflag:s9], $0x1000  }
0x208: {  	[sflag:s9] =	ssyncset.done $0x0  }
0x209: {  	[sflag:s9] =	ssyncadd.s32 $0xFFFFF000  }
0x20a: {  	_ =	swait.ge [sflag:s9], $0x1000  }
0x20b: {  	[sflag:s9] =	ssyncset.done $0x0  }
0x20c: {  	p1 =	sne.s32 s24, $0x1;
	s1 =	rddreg [dreg:$0xc];
	[sflag:s9] =	ssyncadd.s32 $0xFFFFF000  }
0x20d: {  	[hbm4b:s1+s2] =	stream.linear.scatter [tilespmem:s3], [sflag:$0x4], $0x8000, $0x38;
	[tilespmem:$0x12800] =	vst v63  }
.Ltmp1:
0x20e: {  	_ =	swait.ge [sflag:s7], $0x8000;
	(pc) =	sbr.rel @!p1 .LBB2_3-.Ltmp1, $4  }
0x20f: {  	[sflag:s7] =	ssyncset.done $0x0  }
0x210: {  	[sflag:s7] =	ssyncadd.s32 $0xFFFF8000  }
0x211: {  	p0 =	por $0x1, $0x1;
	_ =	swait.ge [sflag:s8], $0x8000  }
0x212: {  	s1 =	sadd.s32 $0xFFFFFFFF, s24;
	s0 =	rddreg [dreg:$0x3];
	[sflag:s8] =	ssyncset.done $0x0  }
.LBB2_4:
0x213: {  	[sflag:s8] =	ssyncadd.s32 $0xFFFF8000  }
0x214: {  	[tilespmem:s2], [sflag:$0x5] =	stream.linear.gather [hbm4b:s0+s2], $0x2800, $0x38;
	[tilespmem:$0x12800] =	vst v63  }
0x215: {  	_ =	swait.ge [sflag:s31], $0x2800  }
0x216: {  	[sflag:s31] =	ssyncset.done $0x0  }
0x217: {  	[sflag:s31] =	ssyncadd.s32 $0xFFFFD800  }
0x218: {  	[tilespmem:s4], [sflag:$0x1] =	stream.indirect.gather [hbm4b:s5+s6], $0x20, s2, s6, $0xb8;
	[tilespmem:$0x12800] =	vst v63  }
0x219: {  	_ = 	snop  }
0x21a: {  	[tilespmem:s18], [sflag:$0x1] =	stream.indirect.gather [hbm4b:s5+s6], $0x20, s6, s6, $0xb8;
	[tilespmem:$0x12800] =	vst v63  }
0x21b: {  	s0 =	rddreg [dreg:$0xd]  }
0x21c: {  	[tilespmem:s19], [sflag:$0x1] =	stream.indirect.gather [hbm4b:s5+s6], $0x20, s0, s6, $0xb8;
	[tilespmem:$0x12800] =	vst v63  }
0x21d: {  	s24 =	rddreg [dreg:$0xe]  }
0x21e: {  	[tilespmem:s20], [sflag:$0x1] =	stream.indirect.gather [hbm4b:s5+s6], $0x20, s24, s6, $0xb8;
	[tilespmem:$0x12800] =	vst v63  }
0x21f: {  	s0 =	rddreg [dreg:$0xf]  }
0x220: {  	[tilespmem:s21], [sflag:$0x1] =	stream.indirect.gather [hbm4b:s5+s6], $0x20, s0, s6, $0xb8;
	[tilespmem:$0x12800] =	vst v63  }
0x221: {  	s24 =	rddreg [dreg:$0x10]  }
0x222: {  	[tilespmem:s22], [sflag:$0x1] =	stream.indirect.gather [hbm4b:s5+s6], $0x20, s24, s6, $0xb8;
	[tilespmem:$0x12800] =	vst v63  }
0x223: {  	s0 =	rddreg [dreg:$0x11]  }
0x224: {  	[tilespmem:s23], [sflag:$0x1] =	stream.indirect.gather [hbm4b:s5+s6], $0x20, s0, s6, $0xb8;
	[tilespmem:$0x12800] =	vst v63  }
0x225: {  	s24 =	rddreg [dreg:$0x12]  }
0x226: {  	[tilespmem:s29], [sflag:$0x1] =	stream.indirect.gather [hbm4b:s5+s6], $0x20, s24, s6, $0xb8;
	[tilespmem:$0x12800] =	vst v63  }
0x227: {  	s0 =	rddreg [dreg:$0x13]  }
0x228: {  	[tilespmem:s3], [sflag:$0x2] =	stream.indirect.gather [hbm4b:s5+s6], $0x20, s0, s6, $0xb8;
	[tilespmem:$0x12800] =	vst v63  }
0x229: {  	s24 =	rddreg [dreg:$0x14]  }
0x22a: {  	[tilespmem:s11], [sflag:$0x2] =	stream.indirect.gather [hbm4b:s5+s6], $0x20, s24, s6, $0xb8;
	[tilespmem:$0x12800] =	vst v63  }
0x22b: {  	s0 =	rddreg [dreg:$0x15]  }
0x22c: {  	[tilespmem:s12], [sflag:$0x2] =	stream.indirect.gather [hbm4b:s5+s6], $0x20, s0, s6, $0xb8;
	[tilespmem:$0x12800] =	vst v63  }
0x22d: {  	s24 =	rddreg [dreg:$0x16]  }
0x22e: {  	[tilespmem:s13], [sflag:$0x2] =	stream.indirect.gather [hbm4b:s5+s6], $0x20, s24, s6, $0xb8;
	[tilespmem:$0x12800] =	vst v63  }
0x22f: {  	s0 =	rddreg [dreg:$0x17]  }
0x230: {  	[tilespmem:s14], [sflag:$0x2] =	stream.indirect.gather [hbm4b:s5+s6], $0x20, s0, s6, $0xb8;
	[tilespmem:$0x12800] =	vst v63  }
0x231: {  	s24 =	rddreg [dreg:$0x18]  }
0x232: {  	[tilespmem:s15], [sflag:$0x2] =	stream.indirect.gather [hbm4b:s5+s6], $0x20, s24, s6, $0xb8;
	[tilespmem:$0x12800] =	vst v63  }
0x233: {  	s0 =	rddreg [dreg:$0x19]  }
0x234: {  	[tilespmem:s16], [sflag:$0x2] =	stream.indirect.gather [hbm4b:s5+s6], $0x20, s0, s6, $0xb8;
	[tilespmem:$0x12800] =	vst v63  }
0x235: {  	s24 =	rddreg [dreg:$0x1a]  }
0x236: {  	[tilespmem:s17], [sflag:$0x2] =	stream.indirect.gather [hbm4b:s5+s6], $0x20, s24, s6, $0xb8;
	[tilespmem:$0x12800] =	vst v63  }
0x237: {  	_ =	swait.ge [sflag:s10], $0x1000  }
0x238: {  	[sflag:s10] =	ssyncset.done $0x0  }
0x239: {  	[sflag:s10] =	ssyncadd.s32 $0xFFFFF000  }
0x23a: {  	_ =	swait.ge [sflag:s10], $0x1000  }
0x23b: {  	[sflag:s10] =	ssyncset.done $0x0  }
0x23c: {  	[sflag:s10] =	ssyncadd.s32 $0xFFFFF000  }
0x23d: {  	_ =	swait.ge [sflag:s10], $0x1000  }
0x23e: {  	[sflag:s10] =	ssyncset.done $0x0  }
0x23f: {  	[sflag:s10] =	ssyncadd.s32 $0xFFFFF000  }
0x240: {  	_ =	swait.ge [sflag:s10], $0x1000  }
0x241: {  	[sflag:s10] =	ssyncset.done $0x0  }
0x242: {  	[sflag:s10] =	ssyncadd.s32 $0xFFFFF000  }
0x243: {  	_ =	swait.ge [sflag:s10], $0x1000  }
0x244: {  	[sflag:s10] =	ssyncset.done $0x0  }
0x245: {  	[sflag:s10] =	ssyncadd.s32 $0xFFFFF000  }
0x246: {  	_ =	swait.ge [sflag:s10], $0x1000  }
0x247: {  	[sflag:s10] =	ssyncset.done $0x0  }
0x248: {  	[sflag:s10] =	ssyncadd.s32 $0xFFFFF000  }
0x249: {  	_ =	swait.ge [sflag:s10], $0x1000  }
0x24a: {  	[sflag:s10] =	ssyncset.done $0x0  }
0x24b: {  	[sflag:s10] =	ssyncadd.s32 $0xFFFFF000  }
0x24c: {  	_ =	swait.ge [sflag:s10], $0x1000  }
0x24d: {  	[sflag:s10] =	ssyncset.done $0x0  }
0x24e: {  	[sflag:s10] =	ssyncadd.s32 $0xFFFFF000  }
0x24f: {  	[hbm4b:s30+s2] =	stream.linear.scatter [tilespmem:s4], [sflag:$0x3], $0x8000, $0x38;
	[tilespmem:$0x12800] =	vst v63  }
0x250: {  	_ =	swait.ge [sflag:s7], $0x8000  }
0x251: {  	s0 =	rddreg [dreg:$0x1b];
	[sflag:s7] =	ssyncset.done $0x0  }
0x252: {  	s24 =	rddreg [dreg:$0x1c];
	[sflag:s7] =	ssyncadd.s32 $0xFFFF8000  }
0x253: {  	[tilespmem:s4], [sflag:$0x1] =	stream.indirect.gather [hbm4b:s5+s6], $0x20, s0, s6, $0xb8;
	[tilespmem:$0x12800] =	vst v63  }
0x254: {  	s0 =	rddreg [dreg:$0x1d]  }
0x255: {  	[tilespmem:s18], [sflag:$0x1] =	stream.indirect.gather [hbm4b:s5+s6], $0x20, s24, s6, $0xb8;
	[tilespmem:$0x12800] =	vst v63  }
0x256: {  	s24 =	rddreg [dreg:$0x1e]  }
0x257: {  	[tilespmem:s19], [sflag:$0x1] =	stream.indirect.gather [hbm4b:s5+s6], $0x20, s0, s6, $0xb8;
	[tilespmem:$0x12800] =	vst v63  }
0x258: {  	s0 =	rddreg [dreg:$0x1f]  }
0x259: {  	[tilespmem:s20], [sflag:$0x1] =	stream.indirect.gather [hbm4b:s5+s6], $0x20, s24, s6, $0xb8;
	[tilespmem:$0x12800] =	vst v63  }
0x25a: {  	s24 =	sld [smem:$0x7C7]  }
0x25b: {  	[tilespmem:s21], [sflag:$0x1] =	stream.indirect.gather [hbm4b:s5+s6], $0x20, s0, s6, $0xb8;
	[tilespmem:$0x12800] =	vst v63  }
0x25c: {  	s0 =	sld [smem:$0x7C8]  }
0x25d: {  	[tilespmem:s22], [sflag:$0x1] =	stream.indirect.gather [hbm4b:s5+s6], $0x20, s24, s6, $0xb8;
	[tilespmem:$0x12800] =	vst v63  }
0x25e: {  	s24 =	sld [smem:$0x7C9]  }
0x25f: {  	[tilespmem:s23], [sflag:$0x1] =	stream.indirect.gather [hbm4b:s5+s6], $0x20, s0, s6, $0xb8;
	[tilespmem:$0x12800] =	vst v63  }
0x260: {  	_ = 	snop  }
0x261: {  	[tilespmem:s29], [sflag:$0x1] =	stream.indirect.gather [hbm4b:s5+s6], $0x20, s24, s6, $0xb8;
	[tilespmem:$0x12800] =	vst v63  }
0x262: {  	_ =	swait.ge [sflag:s9], $0x1000  }
0x263: {  	[sflag:s9] =	ssyncset.done $0x0  }
0x264: {  	[sflag:s9] =	ssyncadd.s32 $0xFFFFF000  }
0x265: {  	_ =	swait.ge [sflag:s9], $0x1000  }
0x266: {  	[sflag:s9] =	ssyncset.done $0x0  }
0x267: {  	[sflag:s9] =	ssyncadd.s32 $0xFFFFF000  }
0x268: {  	_ =	swait.ge [sflag:s9], $0x1000  }
0x269: {  	[sflag:s9] =	ssyncset.done $0x0  }
0x26a: {  	[sflag:s9] =	ssyncadd.s32 $0xFFFFF000  }
0x26b: {  	_ =	swait.ge [sflag:s9], $0x1000  }
0x26c: {  	[sflag:s9] =	ssyncset.done $0x0  }
0x26d: {  	[sflag:s9] =	ssyncadd.s32 $0xFFFFF000  }
0x26e: {  	_ =	swait.ge [sflag:s9], $0x1000  }
0x26f: {  	[sflag:s9] =	ssyncset.done $0x0  }
0x270: {  	[sflag:s9] =	ssyncadd.s32 $0xFFFFF000  }
0x271: {  	_ =	swait.ge [sflag:s9], $0x1000  }
0x272: {  	[sflag:s9] =	ssyncset.done $0x0  }
0x273: {  	[sflag:s9] =	ssyncadd.s32 $0xFFFFF000  }
0x274: {  	_ =	swait.ge [sflag:s9], $0x1000  }
0x275: {  	[sflag:s9] =	ssyncset.done $0x0  }
0x276: {  	[sflag:s9] =	ssyncadd.s32 $0xFFFFF000  }
0x277: {  	_ =	swait.ge [sflag:s9], $0x1000  }
0x278: {  	[sflag:s9] =	ssyncset.done $0x0  }
0x279: {  	s24 =	rddreg [dreg:$0x4];
	[sflag:s9] =	ssyncadd.s32 $0xFFFFF000  }
0x27a: {  	[hbm4b:s24+s2] =	stream.linear.scatter [tilespmem:s3], [sflag:$0x4], $0x8000, $0x38;
	[tilespmem:$0x12800] =	vst v63  }
0x27b: {  	_ =	swait.ge [sflag:s8], $0x8000  }
0x27c: {  	s0 =	sld [smem:$0x7CA]  }
0x27d: {  	[sflag:s8] =	ssyncset.done $0x0  }
0x27e: {  	s24 =	sld [smem:$0x7CB];
	[sflag:s8] =	ssyncadd.s32 $0xFFFF8000  }
0x27f: {  	[tilespmem:s3], [sflag:$0x2] =	stream.indirect.gather [hbm4b:s5+s6], $0x20, s0, s6, $0xb8;
	[tilespmem:$0x12800] =	vst v63  }
0x280: {  	s0 =	sld [smem:$0x7CC]  }
0x281: {  	[tilespmem:s11], [sflag:$0x2] =	stream.indirect.gather [hbm4b:s5+s6], $0x20, s24, s6, $0xb8;
	[tilespmem:$0x12800] =	vst v63  }
0x282: {  	s24 =	sld [smem:$0x7CD]  }
0x283: {  	[tilespmem:s12], [sflag:$0x2] =	stream.indirect.gather [hbm4b:s5+s6], $0x20, s0, s6, $0xb8;
	[tilespmem:$0x12800] =	vst v63  }
0x284: {  	s0 =	sld [smem:$0x7CE]  }
0x285: {  	[tilespmem:s13], [sflag:$0x2] =	stream.indirect.gather [hbm4b:s5+s6], $0x20, s24, s6, $0xb8;
	[tilespmem:$0x12800] =	vst v63  }
0x286: {  	s24 =	sld [smem:$0x7CF]  }
0x287: {  	[tilespmem:s14], [sflag:$0x2] =	stream.indirect.gather [hbm4b:s5+s6], $0x20, s0, s6, $0xb8;
	[tilespmem:$0x12800] =	vst v63  }
0x288: {  	s0 =	sld [smem:$0x7D0]  }
0x289: {  	[tilespmem:s15], [sflag:$0x2] =	stream.indirect.gather [hbm4b:s5+s6], $0x20, s24, s6, $0xb8;
	[tilespmem:$0x12800] =	vst v63  }
0x28a: {  	s24 =	sld [smem:$0x7D1]  }
0x28b: {  	[tilespmem:s16], [sflag:$0x2] =	stream.indirect.gather [hbm4b:s5+s6], $0x20, s0, s6, $0xb8;
	[tilespmem:$0x12800] =	vst v63  }
0x28c: {  	_ = 	snop  }
0x28d: {  	[tilespmem:s17], [sflag:$0x2] =	stream.indirect.gather [hbm4b:s5+s6], $0x20, s24, s6, $0xb8;
	[tilespmem:$0x12800] =	vst v63  }
0x28e: {  	_ =	swait.ge [sflag:s10], $0x1000  }
0x28f: {  	[sflag:s10] =	ssyncset.done $0x0  }
0x290: {  	[sflag:s10] =	ssyncadd.s32 $0xFFFFF000  }
0x291: {  	_ =	swait.ge [sflag:s10], $0x1000  }
0x292: {  	[sflag:s10] =	ssyncset.done $0x0  }
0x293: {  	[sflag:s10] =	ssyncadd.s32 $0xFFFFF000  }
0x294: {  	_ =	swait.ge [sflag:s10], $0x1000  }
0x295: {  	[sflag:s10] =	ssyncset.done $0x0  }
0x296: {  	[sflag:s10] =	ssyncadd.s32 $0xFFFFF000  }
0x297: {  	_ =	swait.ge [sflag:s10], $0x1000  }
0x298: {  	[sflag:s10] =	ssyncset.done $0x0  }
0x299: {  	[sflag:s10] =	ssyncadd.s32 $0xFFFFF000  }
0x29a: {  	_ =	swait.ge [sflag:s10], $0x1000  }
0x29b: {  	[sflag:s10] =	ssyncset.done $0x0  }
0x29c: {  	[sflag:s10] =	ssyncadd.s32 $0xFFFFF000  }
0x29d: {  	_ =	swait.ge [sflag:s10], $0x1000  }
0x29e: {  	[sflag:s10] =	ssyncset.done $0x0  }
0x29f: {  	[sflag:s10] =	ssyncadd.s32 $0xFFFFF000  }
0x2a0: {  	_ =	swait.ge [sflag:s10], $0x1000  }
0x2a1: {  	[sflag:s10] =	ssyncset.done $0x0  }
0x2a2: {  	[sflag:s10] =	ssyncadd.s32 $0xFFFFF000  }
0x2a3: {  	_ =	swait.ge [sflag:s10], $0x1000  }
0x2a4: {  	[sflag:s10] =	ssyncset.done $0x0  }
0x2a5: {  	s24 =	rddreg [dreg:$0x5];
	[sflag:s10] =	ssyncadd.s32 $0xFFFFF000  }
0x2a6: {  	[hbm4b:s24+s2] =	stream.linear.scatter [tilespmem:s4], [sflag:$0x3], $0x8000, $0x38;
	[tilespmem:$0x12800] =	vst v63  }
0x2a7: {  	_ =	swait.ge [sflag:s7], $0x8000  }
0x2a8: {  	s0 =	sld [smem:$0x7D2]  }
0x2a9: {  	[sflag:s7] =	ssyncset.done $0x0  }
0x2aa: {  	s24 =	sld [smem:$0x7D3];
	[sflag:s7] =	ssyncadd.s32 $0xFFFF8000  }
0x2ab: {  	[tilespmem:s4], [sflag:$0x1] =	stream.indirect.gather [hbm4b:s5+s6], $0x20, s0, s6, $0xb8;
	[tilespmem:$0x12800] =	vst v63  }
0x2ac: {  	s0 =	sld [smem:$0x7D4]  }
0x2ad: {  	[tilespmem:s18], [sflag:$0x1] =	stream.indirect.gather [hbm4b:s5+s6], $0x20, s24, s6, $0xb8;
	[tilespmem:$0x12800] =	vst v63  }
0x2ae: {  	s24 =	sld [smem:$0x7D5]  }
0x2af: {  	[tilespmem:s19], [sflag:$0x1] =	stream.indirect.gather [hbm4b:s5+s6], $0x20, s0, s6, $0xb8;
	[tilespmem:$0x12800] =	vst v63  }
0x2b0: {  	s0 =	sld [smem:$0x7D6]  }
0x2b1: {  	[tilespmem:s20], [sflag:$0x1] =	stream.indirect.gather [hbm4b:s5+s6], $0x20, s24, s6, $0xb8;
	[tilespmem:$0x12800] =	vst v63  }
0x2b2: {  	s24 =	sld [smem:$0x7D7]  }
0x2b3: {  	[tilespmem:s21], [sflag:$0x1] =	stream.indirect.gather [hbm4b:s5+s6], $0x20, s0, s6, $0xb8;
	[tilespmem:$0x12800] =	vst v63  }
0x2b4: {  	s0 =	sld [smem:$0x7D8]  }
0x2b5: {  	[tilespmem:s22], [sflag:$0x1] =	stream.indirect.gather [hbm4b:s5+s6], $0x20, s24, s6, $0xb8;
	[tilespmem:$0x12800] =	vst v63  }
0x2b6: {  	s24 =	sld [smem:$0x7D9]  }
0x2b7: {  	[tilespmem:s23], [sflag:$0x1] =	stream.indirect.gather [hbm4b:s5+s6], $0x20, s0, s6, $0xb8;
	[tilespmem:$0x12800] =	vst v63  }
0x2b8: {  	_ = 	snop  }
0x2b9: {  	[tilespmem:s29], [sflag:$0x1] =	stream.indirect.gather [hbm4b:s5+s6], $0x20, s24, s6, $0xb8;
	[tilespmem:$0x12800] =	vst v63  }
0x2ba: {  	_ =	swait.ge [sflag:s9], $0x1000  }
0x2bb: {  	[sflag:s9] =	ssyncset.done $0x0  }
0x2bc: {  	[sflag:s9] =	ssyncadd.s32 $0xFFFFF000  }
0x2bd: {  	_ =	swait.ge [sflag:s9], $0x1000  }
0x2be: {  	[sflag:s9] =	ssyncset.done $0x0  }
0x2bf: {  	[sflag:s9] =	ssyncadd.s32 $0xFFFFF000  }
0x2c0: {  	_ =	swait.ge [sflag:s9], $0x1000  }
0x2c1: {  	[sflag:s9] =	ssyncset.done $0x0  }
0x2c2: {  	[sflag:s9] =	ssyncadd.s32 $0xFFFFF000  }
0x2c3: {  	_ =	swait.ge [sflag:s9], $0x1000  }
0x2c4: {  	[sflag:s9] =	ssyncset.done $0x0  }
0x2c5: {  	[sflag:s9] =	ssyncadd.s32 $0xFFFFF000  }
0x2c6: {  	_ =	swait.ge [sflag:s9], $0x1000  }
0x2c7: {  	[sflag:s9] =	ssyncset.done $0x0  }
0x2c8: {  	[sflag:s9] =	ssyncadd.s32 $0xFFFFF000  }
0x2c9: {  	_ =	swait.ge [sflag:s9], $0x1000  }
0x2ca: {  	[sflag:s9] =	ssyncset.done $0x0  }
0x2cb: {  	[sflag:s9] =	ssyncadd.s32 $0xFFFFF000  }
0x2cc: {  	_ =	swait.ge [sflag:s9], $0x1000  }
0x2cd: {  	[sflag:s9] =	ssyncset.done $0x0  }
0x2ce: {  	[sflag:s9] =	ssyncadd.s32 $0xFFFFF000  }
0x2cf: {  	_ =	swait.ge [sflag:s9], $0x1000  }
0x2d0: {  	[sflag:s9] =	ssyncset.done $0x0  }
0x2d1: {  	s24 =	rddreg [dreg:$0x6];
	[sflag:s9] =	ssyncadd.s32 $0xFFFFF000  }
0x2d2: {  	[hbm4b:s24+s2] =	stream.linear.scatter [tilespmem:s3], [sflag:$0x4], $0x8000, $0x38;
	[tilespmem:$0x12800] =	vst v63  }
0x2d3: {  	_ =	swait.ge [sflag:s8], $0x8000  }
0x2d4: {  	s0 =	sld [smem:$0x7DA]  }
0x2d5: {  	[sflag:s8] =	ssyncset.done $0x0  }
0x2d6: {  	s24 =	sld [smem:$0x7DB];
	[sflag:s8] =	ssyncadd.s32 $0xFFFF8000  }
0x2d7: {  	[tilespmem:s3], [sflag:$0x2] =	stream.indirect.gather [hbm4b:s5+s6], $0x20, s0, s6, $0xb8;
	[tilespmem:$0x12800] =	vst v63  }
0x2d8: {  	s0 =	sld [smem:$0x7DC]  }
0x2d9: {  	[tilespmem:s11], [sflag:$0x2] =	stream.indirect.gather [hbm4b:s5+s6], $0x20, s24, s6, $0xb8;
	[tilespmem:$0x12800] =	vst v63  }
0x2da: {  	s24 =	sld [smem:$0x7DD]  }
0x2db: {  	[tilespmem:s12], [sflag:$0x2] =	stream.indirect.gather [hbm4b:s5+s6], $0x20, s0, s6, $0xb8;
	[tilespmem:$0x12800] =	vst v63  }
0x2dc: {  	s0 =	sld [smem:$0x7DE]  }
0x2dd: {  	[tilespmem:s13], [sflag:$0x2] =	stream.indirect.gather [hbm4b:s5+s6], $0x20, s24, s6, $0xb8;
	[tilespmem:$0x12800] =	vst v63  }
0x2de: {  	s24 =	sld [smem:$0x7DF]  }
0x2df: {  	[tilespmem:s14], [sflag:$0x2] =	stream.indirect.gather [hbm4b:s5+s6], $0x20, s0, s6, $0xb8;
	[tilespmem:$0x12800] =	vst v63  }
0x2e0: {  	s0 =	sld [smem:$0x7E0]  }
0x2e1: {  	[tilespmem:s15], [sflag:$0x2] =	stream.indirect.gather [hbm4b:s5+s6], $0x20, s24, s6, $0xb8;
	[tilespmem:$0x12800] =	vst v63  }
0x2e2: {  	s24 =	sld [smem:$0x7E1]  }
0x2e3: {  	[tilespmem:s16], [sflag:$0x2] =	stream.indirect.gather [hbm4b:s5+s6], $0x20, s0, s6, $0xb8;
	[tilespmem:$0x12800] =	vst v63  }
0x2e4: {  	_ = 	snop  }
0x2e5: {  	[tilespmem:s17], [sflag:$0x2] =	stream.indirect.gather [hbm4b:s5+s6], $0x20, s24, s6, $0xb8;
	[tilespmem:$0x12800] =	vst v63  }
0x2e6: {  	_ =	swait.ge [sflag:s10], $0x1000  }
0x2e7: {  	[sflag:s10] =	ssyncset.done $0x0  }
0x2e8: {  	[sflag:s10] =	ssyncadd.s32 $0xFFFFF000  }
0x2e9: {  	_ =	swait.ge [sflag:s10], $0x1000  }
0x2ea: {  	[sflag:s10] =	ssyncset.done $0x0  }
0x2eb: {  	[sflag:s10] =	ssyncadd.s32 $0xFFFFF000  }
0x2ec: {  	_ =	swait.ge [sflag:s10], $0x1000  }
0x2ed: {  	[sflag:s10] =	ssyncset.done $0x0  }
0x2ee: {  	[sflag:s10] =	ssyncadd.s32 $0xFFFFF000  }
0x2ef: {  	_ =	swait.ge [sflag:s10], $0x1000  }
0x2f0: {  	[sflag:s10] =	ssyncset.done $0x0  }
0x2f1: {  	[sflag:s10] =	ssyncadd.s32 $0xFFFFF000  }
0x2f2: {  	_ =	swait.ge [sflag:s10], $0x1000  }
0x2f3: {  	[sflag:s10] =	ssyncset.done $0x0  }
0x2f4: {  	[sflag:s10] =	ssyncadd.s32 $0xFFFFF000  }
0x2f5: {  	_ =	swait.ge [sflag:s10], $0x1000  }
0x2f6: {  	[sflag:s10] =	ssyncset.done $0x0  }
0x2f7: {  	[sflag:s10] =	ssyncadd.s32 $0xFFFFF000  }
0x2f8: {  	_ =	swait.ge [sflag:s10], $0x1000  }
0x2f9: {  	[sflag:s10] =	ssyncset.done $0x0  }
0x2fa: {  	[sflag:s10] =	ssyncadd.s32 $0xFFFFF000  }
0x2fb: {  	_ =	swait.ge [sflag:s10], $0x1000  }
0x2fc: {  	[sflag:s10] =	ssyncset.done $0x0  }
0x2fd: {  	s24 =	rddreg [dreg:$0x7];
	[sflag:s10] =	ssyncadd.s32 $0xFFFFF000  }
0x2fe: {  	[hbm4b:s24+s2] =	stream.linear.scatter [tilespmem:s4], [sflag:$0x3], $0x8000, $0x38;
	[tilespmem:$0x12800] =	vst v63  }
0x2ff: {  	_ =	swait.ge [sflag:s7], $0x8000  }
0x300: {  	s0 =	sld [smem:$0x7E2]  }
0x301: {  	[sflag:s7] =	ssyncset.done $0x0  }
0x302: {  	s24 =	sld [smem:$0x7E3];
	[sflag:s7] =	ssyncadd.s32 $0xFFFF8000  }
0x303: {  	[tilespmem:s4], [sflag:$0x1] =	stream.indirect.gather [hbm4b:s5+s6], $0x20, s0, s6, $0xb8;
	[tilespmem:$0x12800] =	vst v63  }
0x304: {  	s0 =	sld [smem:$0x7E4]  }
0x305: {  	[tilespmem:s18], [sflag:$0x1] =	stream.indirect.gather [hbm4b:s5+s6], $0x20, s24, s6, $0xb8;
	[tilespmem:$0x12800] =	vst v63  }
0x306: {  	s24 =	sld [smem:$0x7E5]  }
0x307: {  	[tilespmem:s19], [sflag:$0x1] =	stream.indirect.gather [hbm4b:s5+s6], $0x20, s0, s6, $0xb8;
	[tilespmem:$0x12800] =	vst v63  }
0x308: {  	s0 =	sld [smem:$0x7E6]  }
0x309: {  	[tilespmem:s20], [sflag:$0x1] =	stream.indirect.gather [hbm4b:s5+s6], $0x20, s24, s6, $0xb8;
	[tilespmem:$0x12800] =	vst v63  }
0x30a: {  	s24 =	sld [smem:$0x7E7]  }
0x30b: {  	[tilespmem:s21], [sflag:$0x1] =	stream.indirect.gather [hbm4b:s5+s6], $0x20, s0, s6, $0xb8;
	[tilespmem:$0x12800] =	vst v63  }
0x30c: {  	s0 =	sld [smem:$0x7E8]  }
0x30d: {  	[tilespmem:s22], [sflag:$0x1] =	stream.indirect.gather [hbm4b:s5+s6], $0x20, s24, s6, $0xb8;
	[tilespmem:$0x12800] =	vst v63  }
0x30e: {  	s24 =	sld [smem:$0x7E9]  }
0x30f: {  	[tilespmem:s23], [sflag:$0x1] =	stream.indirect.gather [hbm4b:s5+s6], $0x20, s0, s6, $0xb8;
	[tilespmem:$0x12800] =	vst v63  }
0x310: {  	_ = 	snop  }
0x311: {  	[tilespmem:s29], [sflag:$0x1] =	stream.indirect.gather [hbm4b:s5+s6], $0x20, s24, s6, $0xb8;
	[tilespmem:$0x12800] =	vst v63  }
0x312: {  	_ =	swait.ge [sflag:s9], $0x1000  }
0x313: {  	[sflag:s9] =	ssyncset.done $0x0  }
0x314: {  	[sflag:s9] =	ssyncadd.s32 $0xFFFFF000  }
0x315: {  	_ =	swait.ge [sflag:s9], $0x1000  }
0x316: {  	[sflag:s9] =	ssyncset.done $0x0  }
0x317: {  	[sflag:s9] =	ssyncadd.s32 $0xFFFFF000  }
0x318: {  	_ =	swait.ge [sflag:s9], $0x1000  }
0x319: {  	[sflag:s9] =	ssyncset.done $0x0  }
0x31a: {  	[sflag:s9] =	ssyncadd.s32 $0xFFFFF000  }
0x31b: {  	_ =	swait.ge [sflag:s9], $0x1000  }
0x31c: {  	[sflag:s9] =	ssyncset.done $0x0  }
0x31d: {  	[sflag:s9] =	ssyncadd.s32 $0xFFFFF000  }
0x31e: {  	_ =	swait.ge [sflag:s9], $0x1000  }
0x31f: {  	[sflag:s9] =	ssyncset.done $0x0  }
0x320: {  	[sflag:s9] =	ssyncadd.s32 $0xFFFFF000  }
0x321: {  	_ =	swait.ge [sflag:s9], $0x1000  }
0x322: {  	[sflag:s9] =	ssyncset.done $0x0  }
0x323: {  	[sflag:s9] =	ssyncadd.s32 $0xFFFFF000  }
0x324: {  	_ =	swait.ge [sflag:s9], $0x1000  }
0x325: {  	[sflag:s9] =	ssyncset.done $0x0  }
0x326: {  	[sflag:s9] =	ssyncadd.s32 $0xFFFFF000  }
0x327: {  	_ =	swait.ge [sflag:s9], $0x1000  }
0x328: {  	[sflag:s9] =	ssyncset.done $0x0  }
0x329: {  	s24 =	rddreg [dreg:$0x8];
	[sflag:s9] =	ssyncadd.s32 $0xFFFFF000  }
0x32a: {  	[hbm4b:s24+s2] =	stream.linear.scatter [tilespmem:s3], [sflag:$0x4], $0x8000, $0x38;
	[tilespmem:$0x12800] =	vst v63  }
0x32b: {  	_ =	swait.ge [sflag:s8], $0x8000  }
0x32c: {  	s0 =	sld [smem:$0x7EA]  }
0x32d: {  	[sflag:s8] =	ssyncset.done $0x0  }
0x32e: {  	s24 =	sld [smem:$0x7EB];
	[sflag:s8] =	ssyncadd.s32 $0xFFFF8000  }
0x32f: {  	[tilespmem:s3], [sflag:$0x2] =	stream.indirect.gather [hbm4b:s5+s6], $0x20, s0, s6, $0xb8;
	[tilespmem:$0x12800] =	vst v63  }
0x330: {  	s0 =	sld [smem:$0x7EC]  }
0x331: {  	[tilespmem:s11], [sflag:$0x2] =	stream.indirect.gather [hbm4b:s5+s6], $0x20, s24, s6, $0xb8;
	[tilespmem:$0x12800] =	vst v63  }
0x332: {  	s24 =	sld [smem:$0x7ED]  }
0x333: {  	[tilespmem:s12], [sflag:$0x2] =	stream.indirect.gather [hbm4b:s5+s6], $0x20, s0, s6, $0xb8;
	[tilespmem:$0x12800] =	vst v63  }
0x334: {  	s0 =	sld [smem:$0x7EE]  }
0x335: {  	[tilespmem:s13], [sflag:$0x2] =	stream.indirect.gather [hbm4b:s5+s6], $0x20, s24, s6, $0xb8;
	[tilespmem:$0x12800] =	vst v63  }
0x336: {  	s24 =	sld [smem:$0x7EF]  }
0x337: {  	[tilespmem:s14], [sflag:$0x2] =	stream.indirect.gather [hbm4b:s5+s6], $0x20, s0, s6, $0xb8;
	[tilespmem:$0x12800] =	vst v63  }
0x338: {  	s0 =	sld [smem:$0x7F0]  }
0x339: {  	[tilespmem:s15], [sflag:$0x2] =	stream.indirect.gather [hbm4b:s5+s6], $0x20, s24, s6, $0xb8;
	[tilespmem:$0x12800] =	vst v63  }
0x33a: {  	s24 =	sld [smem:$0x7F1]  }
0x33b: {  	[tilespmem:s16], [sflag:$0x2] =	stream.indirect.gather [hbm4b:s5+s6], $0x20, s0, s6, $0xb8;
	[tilespmem:$0x12800] =	vst v63  }
0x33c: {  	_ = 	snop  }
0x33d: {  	[tilespmem:s17], [sflag:$0x2] =	stream.indirect.gather [hbm4b:s5+s6], $0x20, s24, s6, $0xb8;
	[tilespmem:$0x12800] =	vst v63  }
0x33e: {  	_ =	swait.ge [sflag:s10], $0x1000  }
0x33f: {  	[sflag:s10] =	ssyncset.done $0x0  }
0x340: {  	[sflag:s10] =	ssyncadd.s32 $0xFFFFF000  }
0x341: {  	_ =	swait.ge [sflag:s10], $0x1000  }
0x342: {  	[sflag:s10] =	ssyncset.done $0x0  }
0x343: {  	[sflag:s10] =	ssyncadd.s32 $0xFFFFF000  }
0x344: {  	_ =	swait.ge [sflag:s10], $0x1000  }
0x345: {  	[sflag:s10] =	ssyncset.done $0x0  }
0x346: {  	[sflag:s10] =	ssyncadd.s32 $0xFFFFF000  }
0x347: {  	_ =	swait.ge [sflag:s10], $0x1000  }
0x348: {  	[sflag:s10] =	ssyncset.done $0x0  }
0x349: {  	[sflag:s10] =	ssyncadd.s32 $0xFFFFF000  }
0x34a: {  	_ =	swait.ge [sflag:s10], $0x1000  }
0x34b: {  	[sflag:s10] =	ssyncset.done $0x0  }
0x34c: {  	[sflag:s10] =	ssyncadd.s32 $0xFFFFF000  }
0x34d: {  	_ =	swait.ge [sflag:s10], $0x1000  }
0x34e: {  	[sflag:s10] =	ssyncset.done $0x0  }
0x34f: {  	[sflag:s10] =	ssyncadd.s32 $0xFFFFF000  }
0x350: {  	_ =	swait.ge [sflag:s10], $0x1000  }
0x351: {  	[sflag:s10] =	ssyncset.done $0x0  }
0x352: {  	[sflag:s10] =	ssyncadd.s32 $0xFFFFF000  }
0x353: {  	_ =	swait.ge [sflag:s10], $0x1000  }
0x354: {  	[sflag:s10] =	ssyncset.done $0x0  }
0x355: {  	s24 =	rddreg [dreg:$0x9];
	[sflag:s10] =	ssyncadd.s32 $0xFFFFF000  }
0x356: {  	[hbm4b:s24+s2] =	stream.linear.scatter [tilespmem:s4], [sflag:$0x3], $0x8000, $0x38;
	[tilespmem:$0x12800] =	vst v63  }
0x357: {  	_ =	swait.ge [sflag:s7], $0x8000  }
0x358: {  	s0 =	sld [smem:$0x7F2]  }
0x359: {  	[sflag:s7] =	ssyncset.done $0x0  }
0x35a: {  	s24 =	sld [smem:$0x7F3];
	[sflag:s7] =	ssyncadd.s32 $0xFFFF8000  }
0x35b: {  	[tilespmem:s4], [sflag:$0x1] =	stream.indirect.gather [hbm4b:s5+s6], $0x20, s0, s6, $0xb8;
	[tilespmem:$0x12800] =	vst v63  }
0x35c: {  	s0 =	sld [smem:$0x7F4]  }
0x35d: {  	[tilespmem:s18], [sflag:$0x1] =	stream.indirect.gather [hbm4b:s5+s6], $0x20, s24, s6, $0xb8;
	[tilespmem:$0x12800] =	vst v63  }
0x35e: {  	s24 =	sld [smem:$0x7F5]  }
0x35f: {  	[tilespmem:s19], [sflag:$0x1] =	stream.indirect.gather [hbm4b:s5+s6], $0x20, s0, s6, $0xb8;
	[tilespmem:$0x12800] =	vst v63  }
0x360: {  	s0 =	sld [smem:$0x7F6]  }
0x361: {  	[tilespmem:s20], [sflag:$0x1] =	stream.indirect.gather [hbm4b:s5+s6], $0x20, s24, s6, $0xb8;
	[tilespmem:$0x12800] =	vst v63  }
0x362: {  	s24 =	sld [smem:$0x7F7]  }
0x363: {  	[tilespmem:s21], [sflag:$0x1] =	stream.indirect.gather [hbm4b:s5+s6], $0x20, s0, s6, $0xb8;
	[tilespmem:$0x12800] =	vst v63  }
0x364: {  	s0 =	sld [smem:$0x7F8]  }
0x365: {  	[tilespmem:s22], [sflag:$0x1] =	stream.indirect.gather [hbm4b:s5+s6], $0x20, s24, s6, $0xb8;
	[tilespmem:$0x12800] =	vst v63  }
0x366: {  	s24 =	sld [smem:$0x7F9]  }
0x367: {  	[tilespmem:s23], [sflag:$0x1] =	stream.indirect.gather [hbm4b:s5+s6], $0x20, s0, s6, $0xb8;
	[tilespmem:$0x12800] =	vst v63  }
0x368: {  	_ = 	snop  }
0x369: {  	[tilespmem:s29], [sflag:$0x1] =	stream.indirect.gather [hbm4b:s5+s6], $0x20, s24, s6, $0xb8;
	[tilespmem:$0x12800] =	vst v63  }
0x36a: {  	_ =	swait.ge [sflag:s9], $0x1000  }
0x36b: {  	[sflag:s9] =	ssyncset.done $0x0  }
0x36c: {  	[sflag:s9] =	ssyncadd.s32 $0xFFFFF000  }
0x36d: {  	_ =	swait.ge [sflag:s9], $0x1000  }
0x36e: {  	[sflag:s9] =	ssyncset.done $0x0  }
0x36f: {  	[sflag:s9] =	ssyncadd.s32 $0xFFFFF000  }
0x370: {  	_ =	swait.ge [sflag:s9], $0x1000  }
0x371: {  	[sflag:s9] =	ssyncset.done $0x0  }
0x372: {  	[sflag:s9] =	ssyncadd.s32 $0xFFFFF000  }
0x373: {  	_ =	swait.ge [sflag:s9], $0x1000  }
0x374: {  	[sflag:s9] =	ssyncset.done $0x0  }
0x375: {  	[sflag:s9] =	ssyncadd.s32 $0xFFFFF000  }
0x376: {  	_ =	swait.ge [sflag:s9], $0x1000  }
0x377: {  	[sflag:s9] =	ssyncset.done $0x0  }
0x378: {  	[sflag:s9] =	ssyncadd.s32 $0xFFFFF000  }
0x379: {  	_ =	swait.ge [sflag:s9], $0x1000  }
0x37a: {  	[sflag:s9] =	ssyncset.done $0x0  }
0x37b: {  	[sflag:s9] =	ssyncadd.s32 $0xFFFFF000  }
0x37c: {  	_ =	swait.ge [sflag:s9], $0x1000  }
0x37d: {  	[sflag:s9] =	ssyncset.done $0x0  }
0x37e: {  	[sflag:s9] =	ssyncadd.s32 $0xFFFFF000  }
0x37f: {  	_ =	swait.ge [sflag:s9], $0x1000  }
0x380: {  	[sflag:s9] =	ssyncset.done $0x0  }
0x381: {  	s24 =	rddreg [dreg:$0xa];
	[sflag:s9] =	ssyncadd.s32 $0xFFFFF000  }
0x382: {  	[hbm4b:s24+s2] =	stream.linear.scatter [tilespmem:s3], [sflag:$0x4], $0x8000, $0x38;
	[tilespmem:$0x12800] =	vst v63  }
0x383: {  	_ =	swait.ge [sflag:s8], $0x8000  }
0x384: {  	s0 =	sld [smem:$0x7FA]  }
0x385: {  	[sflag:s8] =	ssyncset.done $0x0  }
0x386: {  	s24 =	sld [smem:$0x7FB];
	[sflag:s8] =	ssyncadd.s32 $0xFFFF8000  }
0x387: {  	[tilespmem:s3], [sflag:$0x2] =	stream.indirect.gather [hbm4b:s5+s6], $0x20, s0, s6, $0xb8;
	[tilespmem:$0x12800] =	vst v63  }
0x388: {  	s0 =	sld [smem:$0x7FC]  }
0x389: {  	[tilespmem:s11], [sflag:$0x2] =	stream.indirect.gather [hbm4b:s5+s6], $0x20, s24, s6, $0xb8;
	[tilespmem:$0x12800] =	vst v63  }
0x38a: {  	s24 =	sld [smem:$0x7FD]  }
0x38b: {  	[tilespmem:s12], [sflag:$0x2] =	stream.indirect.gather [hbm4b:s5+s6], $0x20, s0, s6, $0xb8;
	[tilespmem:$0x12800] =	vst v63  }
0x38c: {  	_ = 	snop  }
0x38d: {  	[tilespmem:s13], [sflag:$0x2] =	stream.indirect.gather [hbm4b:s5+s6], $0x20, s24, s6, $0xb8;
	[tilespmem:$0x12800] =	vst v63  }
0x38e: {  	s24 =	simm.s32 $0x2600  }
0x38f: {  	[tilespmem:s14], [sflag:$0x2] =	stream.indirect.gather [hbm4b:s5+s6], $0x20, s24, s6, $0xb8;
	[tilespmem:$0x12800] =	vst v63  }
0x390: {  	_ = 	snop  }
0x391: {  	[tilespmem:s15], [sflag:$0x2] =	stream.indirect.gather [hbm4b:s5+s6], $0x20, s26, s6, $0xb8;
	[tilespmem:$0x12800] =	vst v63  }
0x392: {  	_ = 	snop  }
0x393: {  	[tilespmem:s16], [sflag:$0x2] =	stream.indirect.gather [hbm4b:s5+s6], $0x20, s28, s6, $0xb8;
	[tilespmem:$0x12800] =	vst v63  }
0x394: {  	_ = 	snop  }
0x395: {  	[tilespmem:s17], [sflag:$0x2] =	stream.indirect.gather [hbm4b:s5+s6], $0x20, s25, s6, $0xb8;
	[tilespmem:$0x12800] =	vst v63  }
0x396: {  	_ =	swait.ge [sflag:s10], $0x1000  }
0x397: {  	[sflag:s10] =	ssyncset.done $0x0  }
0x398: {  	[sflag:s10] =	ssyncadd.s32 $0xFFFFF000  }
0x399: {  	_ =	swait.ge [sflag:s10], $0x1000  }
0x39a: {  	[sflag:s10] =	ssyncset.done $0x0  }
0x39b: {  	[sflag:s10] =	ssyncadd.s32 $0xFFFFF000  }
0x39c: {  	_ =	swait.ge [sflag:s10], $0x1000  }
0x39d: {  	[sflag:s10] =	ssyncset.done $0x0  }
0x39e: {  	[sflag:s10] =	ssyncadd.s32 $0xFFFFF000  }
0x39f: {  	_ =	swait.ge [sflag:s10], $0x1000  }
0x3a0: {  	[sflag:s10] =	ssyncset.done $0x0  }
0x3a1: {  	[sflag:s10] =	ssyncadd.s32 $0xFFFFF000  }
0x3a2: {  	_ =	swait.ge [sflag:s10], $0x1000  }
0x3a3: {  	[sflag:s10] =	ssyncset.done $0x0  }
0x3a4: {  	[sflag:s10] =	ssyncadd.s32 $0xFFFFF000  }
0x3a5: {  	_ =	swait.ge [sflag:s10], $0x1000  }
0x3a6: {  	[sflag:s10] =	ssyncset.done $0x0  }
0x3a7: {  	[sflag:s10] =	ssyncadd.s32 $0xFFFFF000  }
0x3a8: {  	_ =	swait.ge [sflag:s10], $0x1000  }
0x3a9: {  	[sflag:s10] =	ssyncset.done $0x0  }
0x3aa: {  	[sflag:s10] =	ssyncadd.s32 $0xFFFFF000  }
0x3ab: {  	_ =	swait.ge [sflag:s10], $0x1000  }
0x3ac: {  	[sflag:s10] =	ssyncset.done $0x0  }
0x3ad: {  	s24 =	rddreg [dreg:$0xb];
	[sflag:s10] =	ssyncadd.s32 $0xFFFFF000  }
0x3ae: {  	[hbm4b:s24+s2] =	stream.linear.scatter [tilespmem:s4], [sflag:$0x3], $0x8000, $0x38;
	[tilespmem:$0x12800] =	vst v63  }
0x3af: {  	_ =	swait.ge [sflag:s9], $0x1000  }
0x3b0: {  	[sflag:s9] =	ssyncset.done $0x0  }
0x3b1: {  	[sflag:s9] =	ssyncadd.s32 $0xFFFFF000  }
0x3b2: {  	_ =	swait.ge [sflag:s9], $0x1000  }
0x3b3: {  	[sflag:s9] =	ssyncset.done $0x0  }
0x3b4: {  	[sflag:s9] =	ssyncadd.s32 $0xFFFFF000  }
0x3b5: {  	_ =	swait.ge [sflag:s9], $0x1000  }
0x3b6: {  	[sflag:s9] =	ssyncset.done $0x0  }
0x3b7: {  	[sflag:s9] =	ssyncadd.s32 $0xFFFFF000  }
0x3b8: {  	_ =	swait.ge [sflag:s9], $0x1000  }
0x3b9: {  	[sflag:s9] =	ssyncset.done $0x0  }
0x3ba: {  	[sflag:s9] =	ssyncadd.s32 $0xFFFFF000  }
0x3bb: {  	_ =	swait.ge [sflag:s9], $0x1000  }
0x3bc: {  	[sflag:s9] =	ssyncset.done $0x0  }
0x3bd: {  	[sflag:s9] =	ssyncadd.s32 $0xFFFFF000  }
0x3be: {  	_ =	swait.ge [sflag:s9], $0x1000  }
0x3bf: {  	[sflag:s9] =	ssyncset.done $0x0  }
0x3c0: {  	[sflag:s9] =	ssyncadd.s32 $0xFFFFF000  }
0x3c1: {  	_ =	swait.ge [sflag:s9], $0x1000  }
0x3c2: {  	[sflag:s9] =	ssyncset.done $0x0  }
0x3c3: {  	[sflag:s9] =	ssyncadd.s32 $0xFFFFF000  }
0x3c4: {  	_ =	swait.ge [sflag:s9], $0x1000  }
0x3c5: {  	[sflag:s9] =	ssyncset.done $0x0  }
0x3c6: {  	p1 =	sne.s32 s1, $0x1;
	s24 =	rddreg [dreg:$0xc];
	[sflag:s9] =	ssyncadd.s32 $0xFFFFF000  }
0x3c7: {  	[hbm4b:s24+s2] =	stream.linear.scatter [tilespmem:s3], [sflag:$0x4], $0x8000, $0x38;
	[tilespmem:$0x12800] =	vst v63  }
.Ltmp2:
0x3c8: {  	_ =	swait.ge [sflag:s7], $0x8000;
	(pc) =	sbr.rel @p1 .LBB2_4-.Ltmp2, $4  }
0x3c9: {  	[sflag:s7] =	ssyncset.done $0x0  }
0x3ca: {  	[sflag:s7] =	ssyncadd.s32 $0xFFFF8000  }
0x3cb: {  	_ =	swait.ge [sflag:s8], $0x8000  }
0x3cc: {  	s1 =	sadd.s32 $0xFFFFFFFF, s1;
	s0 =	rddreg [dreg:$0x3];
	[sflag:s8] =	ssyncset.done $0x0  }
0x3cd: {  	s28 =	simm.s32 $0x2700  }
0x3ce: {  	s26 =	simm.s32 $0x2680;
	s25 =	simm.s32 $0x2600;
	s24 =	stileid.u32  }
.LBB2_6:
0x3cf: {  	[sflag:s8] =	ssyncadd.s32 @p0 $0xFFFF8000  }
0x3d0: {  	[tilespmem:s2], [sflag:$0x5] =	stream.linear.gather [hbm4b:s0+s2], $0x2800, $0x38;
	[tilespmem:$0x12800] =	vst v63  }
0x3d1: {  	_ =	swait.ge [sflag:s31], $0x2800  }
0x3d2: {  	[sflag:s31] =	ssyncset.done $0x0  }
0x3d3: {  	[sflag:s31] =	ssyncadd.s32 $0xFFFFD800  }
0x3d4: {  	[tilespmem:s4], [sflag:$0x1] =	stream.indirect.gather [hbm4b:s5+s6], $0x20, s2, s6, $0xb8;
	[tilespmem:$0x12800] =	vst v63  }
0x3d5: {  	_ = 	snop  }
0x3d6: {  	[tilespmem:s18], [sflag:$0x1] =	stream.indirect.gather [hbm4b:s5+s6], $0x20, s6, s6, $0xb8;
	[tilespmem:$0x12800] =	vst v63  }
0x3d7: {  	s31 =	rddreg [dreg:$0xd]  }
0x3d8: {  	[tilespmem:s19], [sflag:$0x1] =	stream.indirect.gather [hbm4b:s5+s6], $0x20, s31, s6, $0xb8;
	[tilespmem:$0x12800] =	vst v63  }
0x3d9: {  	s1 =	rddreg [dreg:$0xe]  }
0x3da: {  	[tilespmem:s20], [sflag:$0x1] =	stream.indirect.gather [hbm4b:s5+s6], $0x20, s1, s6, $0xb8;
	[tilespmem:$0x12800] =	vst v63  }
0x3db: {  	s0 =	rddreg [dreg:$0xf]  }
0x3dc: {  	[tilespmem:s21], [sflag:$0x1] =	stream.indirect.gather [hbm4b:s5+s6], $0x20, s0, s6, $0xb8;
	[tilespmem:$0x12800] =	vst v63  }
0x3dd: {  	s31 =	rddreg [dreg:$0x10]  }
0x3de: {  	[tilespmem:s22], [sflag:$0x1] =	stream.indirect.gather [hbm4b:s5+s6], $0x20, s31, s6, $0xb8;
	[tilespmem:$0x12800] =	vst v63  }
0x3df: {  	s0 =	rddreg [dreg:$0x11]  }
0x3e0: {  	[tilespmem:s23], [sflag:$0x1] =	stream.indirect.gather [hbm4b:s5+s6], $0x20, s0, s6, $0xb8;
	[tilespmem:$0x12800] =	vst v63  }
0x3e1: {  	s31 =	rddreg [dreg:$0x12]  }
0x3e2: {  	[tilespmem:s29], [sflag:$0x1] =	stream.indirect.gather [hbm4b:s5+s6], $0x20, s31, s6, $0xb8;
	[tilespmem:$0x12800] =	vst v63  }
0x3e3: {  	s0 =	rddreg [dreg:$0x13]  }
0x3e4: {  	[tilespmem:s3], [sflag:$0x2] =	stream.indirect.gather [hbm4b:s5+s6], $0x20, s0, s6, $0xb8;
	[tilespmem:$0x12800] =	vst v63  }
0x3e5: {  	s31 =	rddreg [dreg:$0x14]  }
0x3e6: {  	[tilespmem:s11], [sflag:$0x2] =	stream.indirect.gather [hbm4b:s5+s6], $0x20, s31, s6, $0xb8;
	[tilespmem:$0x12800] =	vst v63  }
0x3e7: {  	s0 =	rddreg [dreg:$0x15]  }
0x3e8: {  	[tilespmem:s12], [sflag:$0x2] =	stream.indirect.gather [hbm4b:s5+s6], $0x20, s0, s6, $0xb8;
	[tilespmem:$0x12800] =	vst v63  }
0x3e9: {  	s31 =	rddreg [dreg:$0x16]  }
0x3ea: {  	[tilespmem:s13], [sflag:$0x2] =	stream.indirect.gather [hbm4b:s5+s6], $0x20, s31, s6, $0xb8;
	[tilespmem:$0x12800] =	vst v63  }
0x3eb: {  	s0 =	rddreg [dreg:$0x17]  }
0x3ec: {  	[tilespmem:s14], [sflag:$0x2] =	stream.indirect.gather [hbm4b:s5+s6], $0x20, s0, s6, $0xb8;
	[tilespmem:$0x12800] =	vst v63  }
0x3ed: {  	s31 =	rddreg [dreg:$0x18]  }
0x3ee: {  	[tilespmem:s15], [sflag:$0x2] =	stream.indirect.gather [hbm4b:s5+s6], $0x20, s31, s6, $0xb8;
	[tilespmem:$0x12800] =	vst v63  }
0x3ef: {  	s0 =	rddreg [dreg:$0x19]  }
0x3f0: {  	[tilespmem:s16], [sflag:$0x2] =	stream.indirect.gather [hbm4b:s5+s6], $0x20, s0, s6, $0xb8;
	[tilespmem:$0x12800] =	vst v63  }
0x3f1: {  	s31 =	rddreg [dreg:$0x1a]  }
0x3f2: {  	[tilespmem:s17], [sflag:$0x2] =	stream.indirect.gather [hbm4b:s5+s6], $0x20, s31, s6, $0xb8;
	[tilespmem:$0x12800] =	vst v63  }
0x3f3: {  	_ =	swait.ge [sflag:s10], $0x1000  }
0x3f4: {  	[sflag:s10] =	ssyncset.done $0x0  }
0x3f5: {  	[sflag:s10] =	ssyncadd.s32 $0xFFFFF000  }
0x3f6: {  	_ =	swait.ge [sflag:s10], $0x1000  }
0x3f7: {  	[sflag:s10] =	ssyncset.done $0x0  }
0x3f8: {  	[sflag:s10] =	ssyncadd.s32 $0xFFFFF000  }
0x3f9: {  	_ =	swait.ge [sflag:s10], $0x1000  }
0x3fa: {  	[sflag:s10] =	ssyncset.done $0x0  }
0x3fb: {  	[sflag:s10] =	ssyncadd.s32 $0xFFFFF000  }
0x3fc: {  	_ =	swait.ge [sflag:s10], $0x1000  }
0x3fd: {  	[sflag:s10] =	ssyncset.done $0x0  }
0x3fe: {  	[sflag:s10] =	ssyncadd.s32 $0xFFFFF000  }
0x3ff: {  	_ =	swait.ge [sflag:s10], $0x1000  }
0x400: {  	[sflag:s10] =	ssyncset.done $0x0  }
0x401: {  	[sflag:s10] =	ssyncadd.s32 $0xFFFFF000  }
0x402: {  	_ =	swait.ge [sflag:s10], $0x1000  }
0x403: {  	[sflag:s10] =	ssyncset.done $0x0  }
0x404: {  	[sflag:s10] =	ssyncadd.s32 $0xFFFFF000  }
0x405: {  	_ =	swait.ge [sflag:s10], $0x1000  }
0x406: {  	[sflag:s10] =	ssyncset.done $0x0  }
0x407: {  	[sflag:s10] =	ssyncadd.s32 $0xFFFFF000  }
0x408: {  	_ =	swait.ge [sflag:s10], $0x1000  }
0x409: {  	[sflag:s10] =	ssyncset.done $0x0  }
0x40a: {  	[sflag:s10] =	ssyncadd.s32 $0xFFFFF000  }
0x40b: {  	[hbm4b:s30+s2] =	stream.linear.scatter [tilespmem:s4], [sflag:$0x3], $0x8000, $0x38;
	[tilespmem:$0x12800] =	vst v63  }
0x40c: {  	_ =	swait.ge [sflag:s7], $0x8000  }
0x40d: {  	s1 =	rddreg [dreg:$0x1b];
	[sflag:s7] =	ssyncset.done $0x0  }
0x40e: {  	s30 =	rddreg [dreg:$0x1c];
	[sflag:s7] =	ssyncadd.s32 $0xFFFF8000  }
0x40f: {  	[tilespmem:s4], [sflag:$0x1] =	stream.indirect.gather [hbm4b:s5+s6], $0x20, s1, s6, $0xb8;
	[tilespmem:$0x12800] =	vst v63  }
0x410: {  	s31 =	rddreg [dreg:$0x1d]  }
0x411: {  	[tilespmem:s18], [sflag:$0x1] =	stream.indirect.gather [hbm4b:s5+s6], $0x20, s30, s6, $0xb8;
	[tilespmem:$0x12800] =	vst v63  }
0x412: {  	s30 =	rddreg [dreg:$0x1e]  }
0x413: {  	[tilespmem:s19], [sflag:$0x1] =	stream.indirect.gather [hbm4b:s5+s6], $0x20, s31, s6, $0xb8;
	[tilespmem:$0x12800] =	vst v63  }
0x414: {  	s31 =	rddreg [dreg:$0x1f]  }
0x415: {  	[tilespmem:s20], [sflag:$0x1] =	stream.indirect.gather [hbm4b:s5+s6], $0x20, s30, s6, $0xb8;
	[tilespmem:$0x12800] =	vst v63  }
0x416: {  	s30 =	sld [smem:$0x7C7]  }
0x417: {  	[tilespmem:s21], [sflag:$0x1] =	stream.indirect.gather [hbm4b:s5+s6], $0x20, s31, s6, $0xb8;
	[tilespmem:$0x12800] =	vst v63  }
0x418: {  	s31 =	sld [smem:$0x7C8]  }
0x419: {  	[tilespmem:s22], [sflag:$0x1] =	stream.indirect.gather [hbm4b:s5+s6], $0x20, s30, s6, $0xb8;
	[tilespmem:$0x12800] =	vst v63  }
0x41a: {  	s30 =	sld [smem:$0x7C9]  }
0x41b: {  	[tilespmem:s23], [sflag:$0x1] =	stream.indirect.gather [hbm4b:s5+s6], $0x20, s31, s6, $0xb8;
	[tilespmem:$0x12800] =	vst v63  }
0x41c: {  	_ = 	snop  }
0x41d: {  	[tilespmem:s29], [sflag:$0x1] =	stream.indirect.gather [hbm4b:s5+s6], $0x20, s30, s6, $0xb8;
	[tilespmem:$0x12800] =	vst v63  }
0x41e: {  	_ =	swait.ge [sflag:s9], $0x1000  }
0x41f: {  	[sflag:s9] =	ssyncset.done $0x0  }
0x420: {  	[sflag:s9] =	ssyncadd.s32 $0xFFFFF000  }
0x421: {  	_ =	swait.ge [sflag:s9], $0x1000  }
0x422: {  	[sflag:s9] =	ssyncset.done $0x0  }
0x423: {  	[sflag:s9] =	ssyncadd.s32 $0xFFFFF000  }
0x424: {  	_ =	swait.ge [sflag:s9], $0x1000  }
0x425: {  	[sflag:s9] =	ssyncset.done $0x0  }
0x426: {  	[sflag:s9] =	ssyncadd.s32 $0xFFFFF000  }
0x427: {  	_ =	swait.ge [sflag:s9], $0x1000  }
0x428: {  	[sflag:s9] =	ssyncset.done $0x0  }
0x429: {  	[sflag:s9] =	ssyncadd.s32 $0xFFFFF000  }
0x42a: {  	_ =	swait.ge [sflag:s9], $0x1000  }
0x42b: {  	[sflag:s9] =	ssyncset.done $0x0  }
0x42c: {  	[sflag:s9] =	ssyncadd.s32 $0xFFFFF000  }
0x42d: {  	_ =	swait.ge [sflag:s9], $0x1000  }
0x42e: {  	[sflag:s9] =	ssyncset.done $0x0  }
0x42f: {  	[sflag:s9] =	ssyncadd.s32 $0xFFFFF000  }
0x430: {  	_ =	swait.ge [sflag:s9], $0x1000  }
0x431: {  	[sflag:s9] =	ssyncset.done $0x0  }
0x432: {  	[sflag:s9] =	ssyncadd.s32 $0xFFFFF000  }
0x433: {  	_ =	swait.ge [sflag:s9], $0x1000  }
0x434: {  	[sflag:s9] =	ssyncset.done $0x0  }
0x435: {  	s31 =	rddreg [dreg:$0x4];
	[sflag:s9] =	ssyncadd.s32 $0xFFFFF000  }
0x436: {  	[hbm4b:s31+s2] =	stream.linear.scatter [tilespmem:s3], [sflag:$0x4], $0x8000, $0x38;
	[tilespmem:$0x12800] =	vst v63  }
0x437: {  	_ =	swait.ge [sflag:s8], $0x8000  }
0x438: {  	s1 =	sld [smem:$0x7CA]  }
0x439: {  	[sflag:s8] =	ssyncset.done $0x0  }
0x43a: {  	s30 =	sld [smem:$0x7CB];
	[sflag:s8] =	ssyncadd.s32 $0xFFFF8000  }
0x43b: {  	[tilespmem:s3], [sflag:$0x2] =	stream.indirect.gather [hbm4b:s5+s6], $0x20, s1, s6, $0xb8;
	[tilespmem:$0x12800] =	vst v63  }
0x43c: {  	s31 =	sld [smem:$0x7CC]  }
0x43d: {  	[tilespmem:s11], [sflag:$0x2] =	stream.indirect.gather [hbm4b:s5+s6], $0x20, s30, s6, $0xb8;
	[tilespmem:$0x12800] =	vst v63  }
0x43e: {  	s30 =	sld [smem:$0x7CD]  }
0x43f: {  	[tilespmem:s12], [sflag:$0x2] =	stream.indirect.gather [hbm4b:s5+s6], $0x20, s31, s6, $0xb8;
	[tilespmem:$0x12800] =	vst v63  }
0x440: {  	s31 =	sld [smem:$0x7CE]  }
0x441: {  	[tilespmem:s13], [sflag:$0x2] =	stream.indirect.gather [hbm4b:s5+s6], $0x20, s30, s6, $0xb8;
	[tilespmem:$0x12800] =	vst v63  }
0x442: {  	s30 =	sld [smem:$0x7CF]  }
0x443: {  	[tilespmem:s14], [sflag:$0x2] =	stream.indirect.gather [hbm4b:s5+s6], $0x20, s31, s6, $0xb8;
	[tilespmem:$0x12800] =	vst v63  }
0x444: {  	s31 =	sld [smem:$0x7D0]  }
0x445: {  	[tilespmem:s15], [sflag:$0x2] =	stream.indirect.gather [hbm4b:s5+s6], $0x20, s30, s6, $0xb8;
	[tilespmem:$0x12800] =	vst v63  }
0x446: {  	s30 =	sld [smem:$0x7D1]  }
0x447: {  	[tilespmem:s16], [sflag:$0x2] =	stream.indirect.gather [hbm4b:s5+s6], $0x20, s31, s6, $0xb8;
	[tilespmem:$0x12800] =	vst v63  }
0x448: {  	_ = 	snop  }
0x449: {  	[tilespmem:s17], [sflag:$0x2] =	stream.indirect.gather [hbm4b:s5+s6], $0x20, s30, s6, $0xb8;
	[tilespmem:$0x12800] =	vst v63  }
0x44a: {  	_ =	swait.ge [sflag:s10], $0x1000  }
0x44b: {  	[sflag:s10] =	ssyncset.done $0x0  }
0x44c: {  	[sflag:s10] =	ssyncadd.s32 $0xFFFFF000  }
0x44d: {  	_ =	swait.ge [sflag:s10], $0x1000  }
0x44e: {  	[sflag:s10] =	ssyncset.done $0x0  }
0x44f: {  	[sflag:s10] =	ssyncadd.s32 $0xFFFFF000  }
0x450: {  	_ =	swait.ge [sflag:s10], $0x1000  }
0x451: {  	[sflag:s10] =	ssyncset.done $0x0  }
0x452: {  	[sflag:s10] =	ssyncadd.s32 $0xFFFFF000  }
0x453: {  	_ =	swait.ge [sflag:s10], $0x1000  }
0x454: {  	[sflag:s10] =	ssyncset.done $0x0  }
0x455: {  	[sflag:s10] =	ssyncadd.s32 $0xFFFFF000  }
0x456: {  	_ =	swait.ge [sflag:s10], $0x1000  }
0x457: {  	[sflag:s10] =	ssyncset.done $0x0  }
0x458: {  	[sflag:s10] =	ssyncadd.s32 $0xFFFFF000  }
0x459: {  	_ =	swait.ge [sflag:s10], $0x1000  }
0x45a: {  	[sflag:s10] =	ssyncset.done $0x0  }
0x45b: {  	[sflag:s10] =	ssyncadd.s32 $0xFFFFF000  }
0x45c: {  	_ =	swait.ge [sflag:s10], $0x1000  }
0x45d: {  	[sflag:s10] =	ssyncset.done $0x0  }
0x45e: {  	[sflag:s10] =	ssyncadd.s32 $0xFFFFF000  }
0x45f: {  	_ =	swait.ge [sflag:s10], $0x1000  }
0x460: {  	[sflag:s10] =	ssyncset.done $0x0  }
0x461: {  	s31 =	rddreg [dreg:$0x5];
	[sflag:s10] =	ssyncadd.s32 $0xFFFFF000  }
0x462: {  	[hbm4b:s31+s2] =	stream.linear.scatter [tilespmem:s4], [sflag:$0x3], $0x8000, $0x38;
	[tilespmem:$0x12800] =	vst v63  }
0x463: {  	_ =	swait.ge [sflag:s7], $0x8000  }
0x464: {  	s1 =	sld [smem:$0x7D2]  }
0x465: {  	[sflag:s7] =	ssyncset.done $0x0  }
0x466: {  	s30 =	sld [smem:$0x7D3];
	[sflag:s7] =	ssyncadd.s32 $0xFFFF8000  }
0x467: {  	[tilespmem:s4], [sflag:$0x1] =	stream.indirect.gather [hbm4b:s5+s6], $0x20, s1, s6, $0xb8;
	[tilespmem:$0x12800] =	vst v63  }
0x468: {  	s31 =	sld [smem:$0x7D4]  }
0x469: {  	[tilespmem:s18], [sflag:$0x1] =	stream.indirect.gather [hbm4b:s5+s6], $0x20, s30, s6, $0xb8;
	[tilespmem:$0x12800] =	vst v63  }
0x46a: {  	s30 =	sld [smem:$0x7D5]  }
0x46b: {  	[tilespmem:s19], [sflag:$0x1] =	stream.indirect.gather [hbm4b:s5+s6], $0x20, s31, s6, $0xb8;
	[tilespmem:$0x12800] =	vst v63  }
0x46c: {  	s31 =	sld [smem:$0x7D6]  }
0x46d: {  	[tilespmem:s20], [sflag:$0x1] =	stream.indirect.gather [hbm4b:s5+s6], $0x20, s30, s6, $0xb8;
	[tilespmem:$0x12800] =	vst v63  }
0x46e: {  	s30 =	sld [smem:$0x7D7]  }
0x46f: {  	[tilespmem:s21], [sflag:$0x1] =	stream.indirect.gather [hbm4b:s5+s6], $0x20, s31, s6, $0xb8;
	[tilespmem:$0x12800] =	vst v63  }
0x470: {  	s31 =	sld [smem:$0x7D8]  }
0x471: {  	[tilespmem:s22], [sflag:$0x1] =	stream.indirect.gather [hbm4b:s5+s6], $0x20, s30, s6, $0xb8;
	[tilespmem:$0x12800] =	vst v63  }
0x472: {  	s30 =	sld [smem:$0x7D9]  }
0x473: {  	[tilespmem:s23], [sflag:$0x1] =	stream.indirect.gather [hbm4b:s5+s6], $0x20, s31, s6, $0xb8;
	[tilespmem:$0x12800] =	vst v63  }
0x474: {  	_ = 	snop  }
0x475: {  	[tilespmem:s29], [sflag:$0x1] =	stream.indirect.gather [hbm4b:s5+s6], $0x20, s30, s6, $0xb8;
	[tilespmem:$0x12800] =	vst v63  }
0x476: {  	_ =	swait.ge [sflag:s9], $0x1000  }
0x477: {  	[sflag:s9] =	ssyncset.done $0x0  }
0x478: {  	[sflag:s9] =	ssyncadd.s32 $0xFFFFF000  }
0x479: {  	_ =	swait.ge [sflag:s9], $0x1000  }
0x47a: {  	[sflag:s9] =	ssyncset.done $0x0  }
0x47b: {  	[sflag:s9] =	ssyncadd.s32 $0xFFFFF000  }
0x47c: {  	_ =	swait.ge [sflag:s9], $0x1000  }
0x47d: {  	[sflag:s9] =	ssyncset.done $0x0  }
0x47e: {  	[sflag:s9] =	ssyncadd.s32 $0xFFFFF000  }
0x47f: {  	_ =	swait.ge [sflag:s9], $0x1000  }
0x480: {  	[sflag:s9] =	ssyncset.done $0x0  }
0x481: {  	[sflag:s9] =	ssyncadd.s32 $0xFFFFF000  }
0x482: {  	_ =	swait.ge [sflag:s9], $0x1000  }
0x483: {  	[sflag:s9] =	ssyncset.done $0x0  }
0x484: {  	[sflag:s9] =	ssyncadd.s32 $0xFFFFF000  }
0x485: {  	_ =	swait.ge [sflag:s9], $0x1000  }
0x486: {  	[sflag:s9] =	ssyncset.done $0x0  }
0x487: {  	[sflag:s9] =	ssyncadd.s32 $0xFFFFF000  }
0x488: {  	_ =	swait.ge [sflag:s9], $0x1000  }
0x489: {  	[sflag:s9] =	ssyncset.done $0x0  }
0x48a: {  	[sflag:s9] =	ssyncadd.s32 $0xFFFFF000  }
0x48b: {  	_ =	swait.ge [sflag:s9], $0x1000  }
0x48c: {  	[sflag:s9] =	ssyncset.done $0x0  }
0x48d: {  	s31 =	rddreg [dreg:$0x6];
	[sflag:s9] =	ssyncadd.s32 $0xFFFFF000  }
0x48e: {  	[hbm4b:s31+s2] =	stream.linear.scatter [tilespmem:s3], [sflag:$0x4], $0x8000, $0x38;
	[tilespmem:$0x12800] =	vst v63  }
0x48f: {  	_ =	swait.ge [sflag:s8], $0x8000  }
0x490: {  	s1 =	sld [smem:$0x7DA]  }
0x491: {  	[sflag:s8] =	ssyncset.done $0x0  }
0x492: {  	s30 =	sld [smem:$0x7DB];
	[sflag:s8] =	ssyncadd.s32 $0xFFFF8000  }
0x493: {  	[tilespmem:s3], [sflag:$0x2] =	stream.indirect.gather [hbm4b:s5+s6], $0x20, s1, s6, $0xb8;
	[tilespmem:$0x12800] =	vst v63  }
0x494: {  	s31 =	sld [smem:$0x7DC]  }
0x495: {  	[tilespmem:s11], [sflag:$0x2] =	stream.indirect.gather [hbm4b:s5+s6], $0x20, s30, s6, $0xb8;
	[tilespmem:$0x12800] =	vst v63  }
0x496: {  	s30 =	sld [smem:$0x7DD]  }
0x497: {  	[tilespmem:s12], [sflag:$0x2] =	stream.indirect.gather [hbm4b:s5+s6], $0x20, s31, s6, $0xb8;
	[tilespmem:$0x12800] =	vst v63  }
0x498: {  	s31 =	sld [smem:$0x7DE]  }
0x499: {  	[tilespmem:s13], [sflag:$0x2] =	stream.indirect.gather [hbm4b:s5+s6], $0x20, s30, s6, $0xb8;
	[tilespmem:$0x12800] =	vst v63  }
0x49a: {  	s30 =	sld [smem:$0x7DF]  }
0x49b: {  	[tilespmem:s14], [sflag:$0x2] =	stream.indirect.gather [hbm4b:s5+s6], $0x20, s31, s6, $0xb8;
	[tilespmem:$0x12800] =	vst v63  }
0x49c: {  	s31 =	sld [smem:$0x7E0]  }
0x49d: {  	[tilespmem:s15], [sflag:$0x2] =	stream.indirect.gather [hbm4b:s5+s6], $0x20, s30, s6, $0xb8;
	[tilespmem:$0x12800] =	vst v63  }
0x49e: {  	s30 =	sld [smem:$0x7E1]  }
0x49f: {  	[tilespmem:s16], [sflag:$0x2] =	stream.indirect.gather [hbm4b:s5+s6], $0x20, s31, s6, $0xb8;
	[tilespmem:$0x12800] =	vst v63  }
0x4a0: {  	_ = 	snop  }
0x4a1: {  	[tilespmem:s17], [sflag:$0x2] =	stream.indirect.gather [hbm4b:s5+s6], $0x20, s30, s6, $0xb8;
	[tilespmem:$0x12800] =	vst v63  }
0x4a2: {  	_ =	swait.ge [sflag:s10], $0x1000  }
0x4a3: {  	[sflag:s10] =	ssyncset.done $0x0  }
0x4a4: {  	[sflag:s10] =	ssyncadd.s32 $0xFFFFF000  }
0x4a5: {  	_ =	swait.ge [sflag:s10], $0x1000  }
0x4a6: {  	[sflag:s10] =	ssyncset.done $0x0  }
0x4a7: {  	[sflag:s10] =	ssyncadd.s32 $0xFFFFF000  }
0x4a8: {  	_ =	swait.ge [sflag:s10], $0x1000  }
0x4a9: {  	[sflag:s10] =	ssyncset.done $0x0  }
0x4aa: {  	[sflag:s10] =	ssyncadd.s32 $0xFFFFF000  }
0x4ab: {  	_ =	swait.ge [sflag:s10], $0x1000  }
0x4ac: {  	[sflag:s10] =	ssyncset.done $0x0  }
0x4ad: {  	[sflag:s10] =	ssyncadd.s32 $0xFFFFF000  }
0x4ae: {  	_ =	swait.ge [sflag:s10], $0x1000  }
0x4af: {  	[sflag:s10] =	ssyncset.done $0x0  }
0x4b0: {  	[sflag:s10] =	ssyncadd.s32 $0xFFFFF000  }
0x4b1: {  	_ =	swait.ge [sflag:s10], $0x1000  }
0x4b2: {  	[sflag:s10] =	ssyncset.done $0x0  }
0x4b3: {  	[sflag:s10] =	ssyncadd.s32 $0xFFFFF000  }
0x4b4: {  	_ =	swait.ge [sflag:s10], $0x1000  }
0x4b5: {  	[sflag:s10] =	ssyncset.done $0x0  }
0x4b6: {  	[sflag:s10] =	ssyncadd.s32 $0xFFFFF000  }
0x4b7: {  	_ =	swait.ge [sflag:s10], $0x1000  }
0x4b8: {  	[sflag:s10] =	ssyncset.done $0x0  }
0x4b9: {  	s31 =	rddreg [dreg:$0x7];
	[sflag:s10] =	ssyncadd.s32 $0xFFFFF000  }
0x4ba: {  	[hbm4b:s31+s2] =	stream.linear.scatter [tilespmem:s4], [sflag:$0x3], $0x8000, $0x38;
	[tilespmem:$0x12800] =	vst v63  }
0x4bb: {  	_ =	swait.ge [sflag:s7], $0x8000  }
0x4bc: {  	s1 =	sld [smem:$0x7E2]  }
0x4bd: {  	[sflag:s7] =	ssyncset.done $0x0  }
0x4be: {  	s30 =	sld [smem:$0x7E3];
	[sflag:s7] =	ssyncadd.s32 $0xFFFF8000  }
0x4bf: {  	[tilespmem:s4], [sflag:$0x1] =	stream.indirect.gather [hbm4b:s5+s6], $0x20, s1, s6, $0xb8;
	[tilespmem:$0x12800] =	vst v63  }
0x4c0: {  	s31 =	sld [smem:$0x7E4]  }
0x4c1: {  	[tilespmem:s18], [sflag:$0x1] =	stream.indirect.gather [hbm4b:s5+s6], $0x20, s30, s6, $0xb8;
	[tilespmem:$0x12800] =	vst v63  }
0x4c2: {  	s30 =	sld [smem:$0x7E5]  }
0x4c3: {  	[tilespmem:s19], [sflag:$0x1] =	stream.indirect.gather [hbm4b:s5+s6], $0x20, s31, s6, $0xb8;
	[tilespmem:$0x12800] =	vst v63  }
0x4c4: {  	s31 =	sld [smem:$0x7E6]  }
0x4c5: {  	[tilespmem:s20], [sflag:$0x1] =	stream.indirect.gather [hbm4b:s5+s6], $0x20, s30, s6, $0xb8;
	[tilespmem:$0x12800] =	vst v63  }
0x4c6: {  	s30 =	sld [smem:$0x7E7]  }
0x4c7: {  	[tilespmem:s21], [sflag:$0x1] =	stream.indirect.gather [hbm4b:s5+s6], $0x20, s31, s6, $0xb8;
	[tilespmem:$0x12800] =	vst v63  }
0x4c8: {  	s31 =	sld [smem:$0x7E8]  }
0x4c9: {  	[tilespmem:s22], [sflag:$0x1] =	stream.indirect.gather [hbm4b:s5+s6], $0x20, s30, s6, $0xb8;
	[tilespmem:$0x12800] =	vst v63  }
0x4ca: {  	s30 =	sld [smem:$0x7E9]  }
0x4cb: {  	[tilespmem:s23], [sflag:$0x1] =	stream.indirect.gather [hbm4b:s5+s6], $0x20, s31, s6, $0xb8;
	[tilespmem:$0x12800] =	vst v63  }
0x4cc: {  	_ = 	snop  }
0x4cd: {  	[tilespmem:s29], [sflag:$0x1] =	stream.indirect.gather [hbm4b:s5+s6], $0x20, s30, s6, $0xb8;
	[tilespmem:$0x12800] =	vst v63  }
0x4ce: {  	_ =	swait.ge [sflag:s9], $0x1000  }
0x4cf: {  	[sflag:s9] =	ssyncset.done $0x0  }
0x4d0: {  	[sflag:s9] =	ssyncadd.s32 $0xFFFFF000  }
0x4d1: {  	_ =	swait.ge [sflag:s9], $0x1000  }
0x4d2: {  	[sflag:s9] =	ssyncset.done $0x0  }
0x4d3: {  	[sflag:s9] =	ssyncadd.s32 $0xFFFFF000  }
0x4d4: {  	_ =	swait.ge [sflag:s9], $0x1000  }
0x4d5: {  	[sflag:s9] =	ssyncset.done $0x0  }
0x4d6: {  	[sflag:s9] =	ssyncadd.s32 $0xFFFFF000  }
0x4d7: {  	_ =	swait.ge [sflag:s9], $0x1000  }
0x4d8: {  	[sflag:s9] =	ssyncset.done $0x0  }
0x4d9: {  	[sflag:s9] =	ssyncadd.s32 $0xFFFFF000  }
0x4da: {  	_ =	swait.ge [sflag:s9], $0x1000  }
0x4db: {  	[sflag:s9] =	ssyncset.done $0x0  }
0x4dc: {  	[sflag:s9] =	ssyncadd.s32 $0xFFFFF000  }
0x4dd: {  	_ =	swait.ge [sflag:s9], $0x1000  }
0x4de: {  	[sflag:s9] =	ssyncset.done $0x0  }
0x4df: {  	[sflag:s9] =	ssyncadd.s32 $0xFFFFF000  }
0x4e0: {  	_ =	swait.ge [sflag:s9], $0x1000  }
0x4e1: {  	[sflag:s9] =	ssyncset.done $0x0  }
0x4e2: {  	[sflag:s9] =	ssyncadd.s32 $0xFFFFF000  }
0x4e3: {  	_ =	swait.ge [sflag:s9], $0x1000  }
0x4e4: {  	[sflag:s9] =	ssyncset.done $0x0  }
0x4e5: {  	s31 =	rddreg [dreg:$0x8];
	[sflag:s9] =	ssyncadd.s32 $0xFFFFF000  }
0x4e6: {  	[hbm4b:s31+s2] =	stream.linear.scatter [tilespmem:s3], [sflag:$0x4], $0x8000, $0x38;
	[tilespmem:$0x12800] =	vst v63  }
0x4e7: {  	_ =	swait.ge [sflag:s8], $0x8000  }
0x4e8: {  	s1 =	sld [smem:$0x7EA]  }
0x4e9: {  	[sflag:s8] =	ssyncset.done $0x0  }
0x4ea: {  	s30 =	sld [smem:$0x7EB];
	[sflag:s8] =	ssyncadd.s32 $0xFFFF8000  }
0x4eb: {  	[tilespmem:s3], [sflag:$0x2] =	stream.indirect.gather [hbm4b:s5+s6], $0x20, s1, s6, $0xb8;
	[tilespmem:$0x12800] =	vst v63  }
0x4ec: {  	s31 =	sld [smem:$0x7EC]  }
0x4ed: {  	[tilespmem:s11], [sflag:$0x2] =	stream.indirect.gather [hbm4b:s5+s6], $0x20, s30, s6, $0xb8;
	[tilespmem:$0x12800] =	vst v63  }
0x4ee: {  	s30 =	sld [smem:$0x7ED]  }
0x4ef: {  	[tilespmem:s12], [sflag:$0x2] =	stream.indirect.gather [hbm4b:s5+s6], $0x20, s31, s6, $0xb8;
	[tilespmem:$0x12800] =	vst v63  }
0x4f0: {  	s31 =	sld [smem:$0x7EE]  }
0x4f1: {  	[tilespmem:s13], [sflag:$0x2] =	stream.indirect.gather [hbm4b:s5+s6], $0x20, s30, s6, $0xb8;
	[tilespmem:$0x12800] =	vst v63  }
0x4f2: {  	s30 =	sld [smem:$0x7EF]  }
0x4f3: {  	[tilespmem:s14], [sflag:$0x2] =	stream.indirect.gather [hbm4b:s5+s6], $0x20, s31, s6, $0xb8;
	[tilespmem:$0x12800] =	vst v63  }
0x4f4: {  	s31 =	sld [smem:$0x7F0]  }
0x4f5: {  	[tilespmem:s15], [sflag:$0x2] =	stream.indirect.gather [hbm4b:s5+s6], $0x20, s30, s6, $0xb8;
	[tilespmem:$0x12800] =	vst v63  }
0x4f6: {  	s30 =	sld [smem:$0x7F1]  }
0x4f7: {  	[tilespmem:s16], [sflag:$0x2] =	stream.indirect.gather [hbm4b:s5+s6], $0x20, s31, s6, $0xb8;
	[tilespmem:$0x12800] =	vst v63  }
0x4f8: {  	_ = 	snop  }
0x4f9: {  	[tilespmem:s17], [sflag:$0x2] =	stream.indirect.gather [hbm4b:s5+s6], $0x20, s30, s6, $0xb8;
	[tilespmem:$0x12800] =	vst v63  }
0x4fa: {  	_ =	swait.ge [sflag:s10], $0x1000  }
0x4fb: {  	[sflag:s10] =	ssyncset.done $0x0  }
0x4fc: {  	[sflag:s10] =	ssyncadd.s32 $0xFFFFF000  }
0x4fd: {  	_ =	swait.ge [sflag:s10], $0x1000  }
0x4fe: {  	[sflag:s10] =	ssyncset.done $0x0  }
0x4ff: {  	[sflag:s10] =	ssyncadd.s32 $0xFFFFF000  }
0x500: {  	_ =	swait.ge [sflag:s10], $0x1000  }
0x501: {  	[sflag:s10] =	ssyncset.done $0x0  }
0x502: {  	[sflag:s10] =	ssyncadd.s32 $0xFFFFF000  }
0x503: {  	_ =	swait.ge [sflag:s10], $0x1000  }
0x504: {  	[sflag:s10] =	ssyncset.done $0x0  }
0x505: {  	[sflag:s10] =	ssyncadd.s32 $0xFFFFF000  }
0x506: {  	_ =	swait.ge [sflag:s10], $0x1000  }
0x507: {  	[sflag:s10] =	ssyncset.done $0x0  }
0x508: {  	[sflag:s10] =	ssyncadd.s32 $0xFFFFF000  }
0x509: {  	_ =	swait.ge [sflag:s10], $0x1000  }
0x50a: {  	[sflag:s10] =	ssyncset.done $0x0  }
0x50b: {  	[sflag:s10] =	ssyncadd.s32 $0xFFFFF000  }
0x50c: {  	_ =	swait.ge [sflag:s10], $0x1000  }
0x50d: {  	[sflag:s10] =	ssyncset.done $0x0  }
0x50e: {  	[sflag:s10] =	ssyncadd.s32 $0xFFFFF000  }
0x50f: {  	_ =	swait.ge [sflag:s10], $0x1000  }
0x510: {  	[sflag:s10] =	ssyncset.done $0x0  }
0x511: {  	s31 =	rddreg [dreg:$0x9];
	[sflag:s10] =	ssyncadd.s32 $0xFFFFF000  }
0x512: {  	[hbm4b:s31+s2] =	stream.linear.scatter [tilespmem:s4], [sflag:$0x3], $0x8000, $0x38;
	[tilespmem:$0x12800] =	vst v63  }
0x513: {  	_ =	swait.ge [sflag:s7], $0x8000  }
0x514: {  	s1 =	sld [smem:$0x7F2]  }
0x515: {  	[sflag:s7] =	ssyncset.done $0x0  }
0x516: {  	s30 =	sld [smem:$0x7F3];
	[sflag:s7] =	ssyncadd.s32 $0xFFFF8000  }
0x517: {  	[tilespmem:s4], [sflag:$0x1] =	stream.indirect.gather [hbm4b:s5+s6], $0x20, s1, s6, $0xb8;
	[tilespmem:$0x12800] =	vst v63  }
0x518: {  	s31 =	sld [smem:$0x7F4]  }
0x519: {  	[tilespmem:s18], [sflag:$0x1] =	stream.indirect.gather [hbm4b:s5+s6], $0x20, s30, s6, $0xb8;
	[tilespmem:$0x12800] =	vst v63  }
0x51a: {  	s18 =	sld [smem:$0x7F5]  }
0x51b: {  	[tilespmem:s19], [sflag:$0x1] =	stream.indirect.gather [hbm4b:s5+s6], $0x20, s31, s6, $0xb8;
	[tilespmem:$0x12800] =	vst v63  }
0x51c: {  	s19 =	sld [smem:$0x7F6]  }
0x51d: {  	[tilespmem:s20], [sflag:$0x1] =	stream.indirect.gather [hbm4b:s5+s6], $0x20, s18, s6, $0xb8;
	[tilespmem:$0x12800] =	vst v63  }
0x51e: {  	s30 =	sld [smem:$0x7F7]  }
0x51f: {  	[tilespmem:s21], [sflag:$0x1] =	stream.indirect.gather [hbm4b:s5+s6], $0x20, s19, s6, $0xb8;
	[tilespmem:$0x12800] =	vst v63  }
0x520: {  	s31 =	sld [smem:$0x7F8]  }
0x521: {  	[tilespmem:s22], [sflag:$0x1] =	stream.indirect.gather [hbm4b:s5+s6], $0x20, s30, s6, $0xb8;
	[tilespmem:$0x12800] =	vst v63  }
0x522: {  	s18 =	sld [smem:$0x7F9]  }
0x523: {  	[tilespmem:s23], [sflag:$0x1] =	stream.indirect.gather [hbm4b:s5+s6], $0x20, s31, s6, $0xb8;
	[tilespmem:$0x12800] =	vst v63  }
0x524: {  	_ = 	snop  }
0x525: {  	[tilespmem:s29], [sflag:$0x1] =	stream.indirect.gather [hbm4b:s5+s6], $0x20, s18, s6, $0xb8;
	[tilespmem:$0x12800] =	vst v63  }
0x526: {  	_ =	swait.ge [sflag:s9], $0x1000  }
0x527: {  	[sflag:s9] =	ssyncset.done $0x0  }
0x528: {  	[sflag:s9] =	ssyncadd.s32 $0xFFFFF000  }
0x529: {  	_ =	swait.ge [sflag:s9], $0x1000  }
0x52a: {  	[sflag:s9] =	ssyncset.done $0x0  }
0x52b: {  	[sflag:s9] =	ssyncadd.s32 $0xFFFFF000  }
0x52c: {  	_ =	swait.ge [sflag:s9], $0x1000  }
0x52d: {  	[sflag:s9] =	ssyncset.done $0x0  }
0x52e: {  	[sflag:s9] =	ssyncadd.s32 $0xFFFFF000  }
0x52f: {  	_ =	swait.ge [sflag:s9], $0x1000  }
0x530: {  	[sflag:s9] =	ssyncset.done $0x0  }
0x531: {  	[sflag:s9] =	ssyncadd.s32 $0xFFFFF000  }
0x532: {  	_ =	swait.ge [sflag:s9], $0x1000  }
0x533: {  	[sflag:s9] =	ssyncset.done $0x0  }
0x534: {  	[sflag:s9] =	ssyncadd.s32 $0xFFFFF000  }
0x535: {  	_ =	swait.ge [sflag:s9], $0x1000  }
0x536: {  	[sflag:s9] =	ssyncset.done $0x0  }
0x537: {  	[sflag:s9] =	ssyncadd.s32 $0xFFFFF000  }
0x538: {  	_ =	swait.ge [sflag:s9], $0x1000  }
0x539: {  	[sflag:s9] =	ssyncset.done $0x0  }
0x53a: {  	[sflag:s9] =	ssyncadd.s32 $0xFFFFF000  }
0x53b: {  	_ =	swait.ge [sflag:s9], $0x1000  }
0x53c: {  	[sflag:s9] =	ssyncset.done $0x0  }
0x53d: {  	s19 =	rddreg [dreg:$0xa];
	[sflag:s9] =	ssyncadd.s32 $0xFFFFF000  }
0x53e: {  	[hbm4b:s19+s2] =	stream.linear.scatter [tilespmem:s3], [sflag:$0x4], $0x8000, $0x38;
	[tilespmem:$0x12800] =	vst v63  }
0x53f: {  	_ =	swait.ge [sflag:s8], $0x8000  }
0x540: {  	s20 =	sld [smem:$0x7FA]  }
0x541: {  	[sflag:s8] =	ssyncset.done $0x0  }
0x542: {  	s21 =	sld [smem:$0x7FB];
	[sflag:s8] =	ssyncadd.s32 $0xFFFF8000  }
0x543: {  	[tilespmem:s3], [sflag:$0x2] =	stream.indirect.gather [hbm4b:s5+s6], $0x20, s20, s6, $0xb8;
	[tilespmem:$0x12800] =	vst v63  }
0x544: {  	s22 =	sld [smem:$0x7FC]  }
0x545: {  	[tilespmem:s11], [sflag:$0x2] =	stream.indirect.gather [hbm4b:s5+s6], $0x20, s21, s6, $0xb8;
	[tilespmem:$0x12800] =	vst v63  }
0x546: {  	s23 =	sld [smem:$0x7FD]  }
0x547: {  	[tilespmem:s12], [sflag:$0x2] =	stream.indirect.gather [hbm4b:s5+s6], $0x20, s22, s6, $0xb8;
	[tilespmem:$0x12800] =	vst v63  }
0x548: {  	_ = 	snop  }
0x549: {  	[tilespmem:s13], [sflag:$0x2] =	stream.indirect.gather [hbm4b:s5+s6], $0x20, s23, s6, $0xb8;
	[tilespmem:$0x12800] =	vst v63  }
0x54a: {  	_ = 	snop  }
0x54b: {  	[tilespmem:s14], [sflag:$0x2] =	stream.indirect.gather [hbm4b:s5+s6], $0x20, s25, s6, $0xb8;
	[tilespmem:$0x12800] =	vst v63  }
0x54c: {  	_ = 	snop  }
0x54d: {  	[tilespmem:s15], [sflag:$0x2] =	stream.indirect.gather [hbm4b:s5+s6], $0x20, s26, s6, $0xb8;
	[tilespmem:$0x12800] =	vst v63  }
0x54e: {  	_ = 	snop  }
0x54f: {  	[tilespmem:s16], [sflag:$0x2] =	stream.indirect.gather [hbm4b:s5+s6], $0x20, s28, s6, $0xb8;
	[tilespmem:$0x12800] =	vst v63  }
0x550: {  	s29 =	simm.s32 $0x2780  }
0x551: {  	[tilespmem:s17], [sflag:$0x2] =	stream.indirect.gather [hbm4b:s5+s6], $0x20, s29, s6, $0xb8;
	[tilespmem:$0x12800] =	vst v63  }
0x552: {  	_ =	swait.ge [sflag:s10], $0x1000  }
0x553: {  	[sflag:s10] =	ssyncset.done $0x0  }
0x554: {  	[sflag:s10] =	ssyncadd.s32 $0xFFFFF000  }
0x555: {  	_ =	swait.ge [sflag:s10], $0x1000  }
0x556: {  	[sflag:s10] =	ssyncset.done $0x0  }
0x557: {  	[sflag:s10] =	ssyncadd.s32 $0xFFFFF000  }
0x558: {  	_ =	swait.ge [sflag:s10], $0x1000  }
0x559: {  	[sflag:s10] =	ssyncset.done $0x0  }
0x55a: {  	[sflag:s10] =	ssyncadd.s32 $0xFFFFF000  }
0x55b: {  	_ =	swait.ge [sflag:s10], $0x1000  }
0x55c: {  	[sflag:s10] =	ssyncset.done $0x0  }
0x55d: {  	[sflag:s10] =	ssyncadd.s32 $0xFFFFF000  }
0x55e: {  	_ =	swait.ge [sflag:s10], $0x1000  }
0x55f: {  	[sflag:s10] =	ssyncset.done $0x0  }
0x560: {  	[sflag:s10] =	ssyncadd.s32 $0xFFFFF000  }
0x561: {  	_ =	swait.ge [sflag:s10], $0x1000  }
0x562: {  	[sflag:s10] =	ssyncset.done $0x0  }
0x563: {  	[sflag:s10] =	ssyncadd.s32 $0xFFFFF000  }
0x564: {  	_ =	swait.ge [sflag:s10], $0x1000  }
0x565: {  	[sflag:s10] =	ssyncset.done $0x0  }
0x566: {  	[sflag:s10] =	ssyncadd.s32 $0xFFFFF000  }
0x567: {  	_ =	swait.ge [sflag:s10], $0x1000  }
0x568: {  	[sflag:s10] =	ssyncset.done $0x0  }
0x569: {  	s30 =	rddreg [dreg:$0xb];
	[sflag:s10] =	ssyncadd.s32 $0xFFFFF000  }
0x56a: {  	[hbm4b:s30+s2] =	stream.linear.scatter [tilespmem:s4], [sflag:$0x3], $0x8000, $0x38;
	[tilespmem:$0x12800] =	vst v63  }
0x56b: {  	_ =	swait.ge [sflag:s9], $0x1000  }
0x56c: {  	[sflag:s9] =	ssyncset.done $0x0  }
0x56d: {  	[sflag:s9] =	ssyncadd.s32 $0xFFFFF000  }
0x56e: {  	_ =	swait.ge [sflag:s9], $0x1000  }
0x56f: {  	[sflag:s9] =	ssyncset.done $0x0  }
0x570: {  	[sflag:s9] =	ssyncadd.s32 $0xFFFFF000  }
0x571: {  	_ =	swait.ge [sflag:s9], $0x1000  }
0x572: {  	[sflag:s9] =	ssyncset.done $0x0  }
0x573: {  	[sflag:s9] =	ssyncadd.s32 $0xFFFFF000  }
0x574: {  	_ =	swait.ge [sflag:s9], $0x1000  }
0x575: {  	[sflag:s9] =	ssyncset.done $0x0  }
0x576: {  	[sflag:s9] =	ssyncadd.s32 $0xFFFFF000  }
0x577: {  	_ =	swait.ge [sflag:s9], $0x1000  }
0x578: {  	[sflag:s9] =	ssyncset.done $0x0  }
0x579: {  	[sflag:s9] =	ssyncadd.s32 $0xFFFFF000  }
0x57a: {  	_ =	swait.ge [sflag:s9], $0x1000  }
0x57b: {  	[sflag:s9] =	ssyncset.done $0x0  }
0x57c: {  	[sflag:s9] =	ssyncadd.s32 $0xFFFFF000  }
0x57d: {  	_ =	swait.ge [sflag:s9], $0x1000  }
0x57e: {  	[sflag:s9] =	ssyncset.done $0x0  }
0x57f: {  	[sflag:s9] =	ssyncadd.s32 $0xFFFFF000  }
0x580: {  	_ =	swait.ge [sflag:s9], $0x1000  }
0x581: {  	[sflag:s9] =	ssyncset.done $0x0  }
0x582: {  	s31 =	rddreg [dreg:$0xc];
	[sflag:s9] =	ssyncadd.s32 $0xFFFFF000  }
0x583: {  	[hbm4b:s31+s2] =	stream.linear.scatter [tilespmem:s3], [sflag:$0x4], $0x8000, $0x38;
	[tilespmem:$0x12800] =	vst v63  }
0x584: {  	_ =	swait.ge [sflag:s7], $0x8000  }
0x585: {  	[sflag:s7] =	ssyncset.done $0x0  }
0x586: {  	[sflag:s7] =	ssyncadd.s32 $0xFFFF8000  }
0x587: {  	_ =	swait.ge [sflag:s8], $0x8000  }
0x588: {  	[sflag:s8] =	ssyncset.done $0x0  }
0x589: {  	[sflag:s8] =	ssyncadd.s32 $0xFFFF8000  }
0x58a: {  	_ =	sfence.sel $0x180000  }
0x58b: {  	[bflag:$0x0] =	sbarrier.arrive $0xFFFF  }
0x58c: {  	_ =	strace $0x90000047  }
0x58d: {  	[bflag:$0x2] =	sbarrier.arrive $0xFFFF  }
0x58e: {  	p0 =	sne.s32 s24, $0x0;
	s0 =	rddreg [dreg:$0x2]  }
0x58f: {  	s0 =	sadd.s32 @!p0 $0x100000, s0  }
0x590: {  	[sflag:s0] =	ssyncadd.tile.s32 @!p0 $0x1;
	_ =	shalt  }
.LBB2_1:
.Ltmp3:
0x591: {  	(pc) =	sbr.rel .LBB2_6-.Ltmp3, $2  }
0x592: {  	_ =	sdelay $0x2  }
0x593: {  	s28 =	simm.s32 $0x2700;
	s26 =	simm.s32 $0x2680;
	s25 =	simm.s32 $0x2600  }
.LBB2_3:
.Ltmp4:
0x594: {  	(pc) =	sbr.rel .LBB2_6-.Ltmp4, $3  }
0x595: {  	_ =	sdelay $0x1  }
0x596: {  	s28 =	simm.s32 $0x2700  }
0x597: {  	s26 =	simm.s32 $0x2680;
	s25 =	simm.s32 $0x2600;
	s24 =	stileid.u32  }
.Lfunc_end2:
_tile_overlayer_lowered:
.L_overlay_start_2:
0x598: {  	(tag) =	ssettag $0x2  }
0x599: {  	s0 =	rddreg [dreg:$0x0];
	s2 =	stileid.u32  }
0x59a: {  	s1 =	rddreg [dreg:$0x1];
	p0 =	sne.s32 s2, $0x0  }
0x59b: {  	s3 =	rddreg [dreg:$0x2];
	[bflag:$0x3] =	sbarrier.arrive $0xFFFF;
	s2 =	simm.s32 @!p0 $0x1C05  }
0x59c: {  	[timem:s3], [sflag:s2] =	dma.local @!p0 [hbm:s0], s1  }
0x59d: {  	s0 =	simm.s32 @!p0 $0x5  }
0x59e: {  	_ =	swait.ge @!p0 [sflag:s0], s1  }
0x59f: {  	s1 =	ssub.s32 @!p0 $0x0, s1;
	[sflag:s0] =	ssyncset.done @!p0 $0x0  }
0x5a0: {  	[sflag:s0] =	ssyncadd.s32 @!p0 s1  }
0x5a1: {  	[bflag:$0x3] =	sbarrier.arrive $0xFFFF  }
0x5a2: {  	_ =	shalt  }

// kernel: sparse-core-data-format-call.cloned.1.call-start
scs
called_computation_lowered:
.L_overlay_start_0:
0x0: {  	s2 =	sld [smem:$0x3FD9]  }
0x1: {  	s3 =	sld [smem:$0x3FFE];
	_ =	sdelay $0x1  }
0x2: {  	s1 =	srdreg.scid  }
0x3: {  	s0 =	sand.u32 $0x1, s1  }
0x4: {  	s18 =	sshll.u32 s0, $0xA;
	s2 =	sadd.s32 s3, s2  }
0x5: {  	s2 =	sadd.s32 s2, s18  }
0x6: {  	[smem:$0x3FC6] =	sst s2  }
0x7: {  	_ = 	snop  }
0x8: {  	s2 =	sld [smem:$0x3FD0];
	(tm) =	ssettm $0x1  }
0x9: {  	s19 =	sld [smem:$0x3FFB];
	_ =	sdelay $0x3  }
0xa: {  	_ =	strace s19  }
0xb: {  	s3 =	sld [smem:$0x3FFC];
	_ =	sdelay $0x3  }
0xc: {  	_ =	strace s3  }
0xd: {  	s3 =	sld [smem:$0x3FFD];
	_ =	sdelay $0x3  }
0xe: {  	_ =	strace s3  }
0xf: {  	_ =	strace $0x8FFFFFFF  }
0x10: {  	s20 =	sld [smem:$0x3FDB];
	_ =	sdelay $0x1  }
0x11: {  	s4 =	simm.s32 $_scs_section_size  }
0x12: {  	s5 =	simm.s32 $_size__tile_overlayer_lowered;
	s6 =	simm.s32 $_tile_overlayer_lowered  }
0x13: {  	s23 =	simm.s32 $0x1BFF;
	s22 =	sshll.u32 s6, $0x1;
	s3 =	sadd.s32 s4, s20  }
0x14: {  	s7 =	simm.s32 $0x0;
	s21 =	sshll.u32 s5, $0x1;
	s5 =	sadd.s32 s22, s3  }
0x15: {  	[timem:s7], [sflag:s23] =	dma.local [hbm:s5], s21  }
0x16: {  	_ =	swait.ge [sflag:s23], s21  }
0x17: {  	s4 =	ssub.s32 $0x0, s21;
	[sflag:s23] =	ssyncset.done $0x0  }
0x18: {  	[sflag:s23] =	ssyncadd.s32 s4;
	_ =	sdelay $0x1  }
0x19: {  	s24 =	simm.s32 $0x1B8B  }
0x1a: {  	_ =	swait.ge [sflag:s24], $0x1  }
0x1b: {  	[sflag:s24] =	ssyncset.done $0x0  }
0x1c: {  	s26 =	simm.s32 $0x1B8E;
	s25 =	sld [smem:$0x3FFE];
	[sflag:s24] =	ssyncadd.s32 $0xFFFFFFFF  }
0x1d: {  	s27 =	simm.s32 $execute0_lowered;
	[smem:$0x3FD2] =	sst s26  }
0x1e: {  	s5 =	sshll.u32 s27, $0x1;
	_ =	strace $0x80000049;
	[dreg:$0x1] =	wrdreg $0xFFFFFFFF  }
0x1f: {  	s28 =	simm.s32 $_size_execute0_lowered;
	s3 =	sadd.s32 s3, s5;
	[dreg:$0x0] =	wrdreg $0x0  }
0x20: {  	s5 =	sshll.u32 s28, $0x1;
	[dreg:$0x2] =	wrdreg s3  }
0x21: {  	[dreg:$0x3] =	wrdreg s5  }
0x22: {  	[dreg:$0x4] =	wrdreg $0xC0  }
0x23: {  	_ =	task [dreg:s7], $0x5FFFF  }
0x24: {  	[dreg:$0x1] =	wrdreg $0xFFFFFFFF  }
0x25: {  	[dreg:$0x0] =	wrdreg $0x60  }
0x26: {  	[dreg:$0x2] =	wrdreg s25  }
0x27: {  	[dreg:$0x3] =	wrdreg s2  }
0x28: {  	[dreg:$0x4] =	wrdreg $0x9  }
0x29: {  	_ =	task.clear_ibuf [dreg:s7], $0x5FFFF;
	_ =	strace $0x90000049  }
0x2a: {  	s29 =	simm.s32 $0x9;
	_ =	strace $0x8000004B  }
0x2b: {  	_ =	swait.ge [sflag:s29], $0x1  }
0x2c: {  	[sflag:s29] =	ssyncadd.s32 $0xFFFFFFFF  }
0x2d: {  	_ =	strace $0x9000004B  }
0x2e: {  	_ =	sfence  }
0x2f: {  	s30 =	sld [smem:$0x0];
	_ =	sdelay $0x2  }
0x30: {  	s31 =	sshll.u32 s1, $0xD;
	s1 =	sshrl.u32 s1, $0x2  }
0x31: {  	s3 =	sand.u32 $0x4000, s31;
	s1 =	sadd.s32 s1, s30  }
0x32: {  	s0 =	sor.u32 s3, s0;
	s1 =	sshll.u32 s1, $0x11  }
0x33: {  	s0 =	sor.u32 s1, s0  }
0x34: {  	s0 =	sadd.s32 $0x8F2B, s0  }
0x35: {  	[sflag:s0] =	ssyncadd.remote.s32 $0x1  }
0x36: {  	_ =	sfence.sel $0xFFFF  }
0x37: {  	[dreg:$0x0] =	wrdreg $0xFFFFFFFF;
	(pc) =	sbr.abs _section_cstart, $3  }
0x38: {  	[dreg:$0x1] =	wrdreg $0xFFFFFFFF  }
0x39: {  	_ =	task.clear_ibuf [dreg:s7], $0x2FFFF;
	_ =	strace $0x9FFFFFFF  }
0x3a: {  	(tm) =	ssettm $0x7FFFFFFF  }
0x3b: {  	_ =	shalt  }
tec
execute0_lowered:
.L_overlay_start_1:
0x0: {  	(tag) =	ssettag $0x1  }
0x1: {  	s0 =	srdreg.scid  }
0x2: {  	s1 =	sshll.u32 s0, $0x4  }
0x3: {  	s0 =	stileid.u32;
	s1 =	sand.u32 $0x10, s1  }
0x4: {  	s1 =	sor.u32 s0, s1  }
0x5: {  	s6 =	rddreg [dreg:$0x0];
	s4 =	simm.s32 $0x1;
	s2 =	sshll.u32 s1, $0x7  }
0x6: {  	s7 =	simm.s32 $0x2;
	s12 =	simm.s32 $0x0;
	s1 =	ssub.s32 $0x4000, s2  }
0x7: {  	s8 =	simm.s32 $0x20000;
	s13 =	simm.s32 $0x0;
	s3 =	sand.u32 $0xF80, s1  }
0x8: {  	s9 =	simm.s32 $0x0;
	s5 =	sshrl.u32 s1, $0xC;
	p0 =	sne.s32 s3, $0x0  }
.Ltmp0:
0x9: {  	s1 =	rddreg [dreg:$0x2];
	s4 =	simm.s32 @!p0 $0x0;
	(pc) =	sbr.rel .LBB1_1-.Ltmp0, $4  }
0xa: {  	s11 =	simm.s32 $0x0;
	s3 =	rddreg [dreg:$0x1];
	s5 =	sadd.s32 s4, s5  }
0xb: {  	_ =	strace $0x8000004A;
	s4 =	simm.s32 $0x1;
	s5 =	smul.u32 $0x14, s5  }
0xc: {  	s6 =	sadd.s32 $0xA00, s6;
	s10 =	smov.u32 s2;
	[sflag:s4] =	ssyncpa.u1 $0x0  }
0xd: {  	p0 =	por $0x0, $0x0;
	[sflag:s7] =	ssyncpa.u1 $0x0;
	s7 =	sor.u32 $0x1, s5  }
.LBB1_4:
0xe: {  	s16 =	sshll.u32 s13, $0x3;
	s17 =	sand.u32 $0x78, s13  }
0xf: {  	s30 =	sand.u32 $0xF800, s13;
	s12 =	sshll.u32 s12, $0x10;
	s16 =	sand.u32 $0x3C00, s16  }
0x10: {  	s31 =	sand.u32 $0x7, s13;
	s16 =	sor.u32 s17, s16;
	s17 =	sadd.s32 s3, s30  }
0x11: {  	s13 =	sshll.u32 s31, $0x12;
	s16 =	sshrl.u32 s16, $0x3;
	s12 =	sadd.s32 s12, s17  }
0x12: {  	[tilespmem:s15+$0x0 ss:$0x81] =	vst.msk $0xffff, v0;
	s13 =	sor.u32 $0x400, s13;
	s12 =	sadd.s32 s16, s12  }
0x13: {  	[hbm4b:s12+s13] =	stream.strided.scatter [tilespmem:s14], [sflag:$0x2], $0x1000, s8, s13, $0x20;
	[tilespmem:$0x4040] =	vst v63  }
.LBB1_5:
0x14: {  	s14 =	sadd.s32 $0x1, s9  }
0x15: {  	s12 =	sadd.s32 $0x1000, s10;
	s16 =	smov.u32 s10;
	p2 =	sgt.s32 s14, $0x13  }
0x16: {  	s16 =	smov.u32 @p2 s12  }
0x17: {  	s14 =	simm.s32 @p2 $0x0;
	p2 =	sgt.s32 s16, $0x3FFF  }
0x18: {  	s16 =	smov.u32 @p2 s2;
	p2 =	sne.s32 s11, s7  }
.Ltmp1:
0x19: {  	p1 =	slt.u32 s11, $0x2;
	(pc) =	sbr.rel @!p2 .LBB1_6-.Ltmp1, $4  }
0x1a: {  	s15 =	simm.s32 @!p1 $0x2  }
0x1b: {  	s13 =	smov.u32 s10;
	p0 =	por !p0, !p0;
	_ =	swait.ge @!p1 [sflag:s15], $0x1000  }
0x1c: {  	s12 =	smov.u32 s9;
	[sflag:s15] =	ssyncset.done @!p1 $0x0;
	s9 =	smov.u32 s14  }
0x1d: {  	s11 =	sadd.s32 $0x1, s11;
	[sflag:s15] =	ssyncadd.s32 @!p1 $0xFFFFF000;
	s10 =	smov.u32 s16  }
.LBB1_1:
0x1e: {  	p1 =	sge.u32 s11, s5  }
0x1f: {  	s14 =	sand.u32 @!p1 $0x1FFFFFF, s9  }
0x20: {  	s15 =	smulhi.u32 @!p1 $0xAAAAAAB, s14;
	_ =	sdelay $0x1  }
0x21: {  	s15 =	smul.u32 @!p1 $0x18, s15  }
0x22: {  	s16 =	sxor.u32 @!p1 $0xFFFFFFFF, s11;
	s17 =	smul.u32 @!p1 $0x180, s10  }
0x23: {  	s31 =	sadd.s32 $0xFFFFFFFF, s11;
	s16 =	sshll.u32 @!p1 s16, $0xC;
	s14 =	ssub.s32 @!p1 s14, s15  }
0x24: {  	s15 =	sand.u32 @!p1 $0x1000, s16;
	s16 =	sadd.s32 @!p1 s6, s17;
	s14 =	sshll.u32 @!p1 s14, $0x4  }
0x25: {  	s17 =	simm.s32 @!p1 $0xC00;
	s14 =	sadd.s32 @!p1 s14, s16;
	s16 =	simm.s32 @!p1 $0x20  }
0x26: {  	[tilespmem:s15], [sflag:$0x1] =	stream.strided.gather @!p1 [hbm4b:s14+s16], $0x1000, s17, s16, $0x38;
	[tilespmem:$0x4040] =	vst v63  }
0x27: {  	p1 =	sge.u32 s31, s5  }
.Ltmp2:
0x28: {  	_ = 	snop;
	(pc) =	sbr.rel @p1 .LBB1_5-.Ltmp2, $1  }
0x29: {  	_ =	sdelay $0x3  }
0x2a: {  	s14 =	simm.s32 $0x1  }
0x2b: {  	_ =	swait.ge [sflag:s4], $0x1000;
	s14 =	simm.s32 @!p0 $0x0  }
0x2c: {  	[sflag:s4] =	ssyncset.done $0x0;
	s15 =	sshll.u32 s14, $0xC  }
0x2d: {  	[sflag:s4] =	ssyncadd.s32 $0xFFFFF000;
	s18 =	sor.u32 $0x10, s15  }
0x2e: {  	s14 =	smul.u32 $0x4080, s14;
	v1 =	vld [tilespmem:s18+$0x0]  }
0x2f: {  	s30 =	sand.u32 $0x1, s11;
	v0 =	vld [tilespmem:s18+$0xFFFFFFF0]  }
0x30: {  	s15 =	smul.u32 $0x4080, s30;
	s14 =	sshrl.u32 s14, $0x2  }
0x31: {  	s16 =	sor.u32 $0x2000, s14  }
0x32: {  	s31 =	sshrl.u32 s15, $0x2;
	s15 =	sadd.s32 $0x0, s16  }
0x33: {  	s17 =	simm.s32 $0x4;
	s18 =	sadd.s32 $0x20, s18;
	s14 =	sor.u32 $0x2000, s31;
	[tilespmem:s15+$0x810 ss:$0x81] =	vst.msk $0xffff, v1  }
.LBB1_3:
0x34: {  	v1 =	vld [tilespmem:s18+$0x0];
	p1 =	sne.s32 s17, $0x1FC;
	[tilespmem:s15+$0x0 ss:$0x81] =	vst.msk $0xffff, v0;
	s15 =	smov.u32 s17;
	s17 =	sadd.s32 $0x4, s17  }
.Ltmp3:
0x35: {  	v0 =	vld [tilespmem:s18+$0xFFFFFFF0];
	(pc) =	sbr.rel @p1 .LBB1_3-.Ltmp3, $4  }
0x36: {  	_ = 	snop  }
0x37: {  	s15 =	sshra.s32 s15, $0x2  }
0x38: {  	s15 =	sadd.s32 s15, s16  }
0x39: {  	s18 =	sadd.s32 $0x20, s18;
	[tilespmem:s15+$0x810 ss:$0x81] =	vst.msk $0xffff, v1  }
.Ltmp4:
0x3a: {  	_ = 	snop;
	(pc) =	sbr.rel .LBB1_4-.Ltmp4, $1  }
0x3b: {  	_ =	sdelay $0x3  }
.LBB1_6:
0x3c: {  	_ =	sfence.sel $0x180000  }
0x3d: {  	s2 =	simm.s32 $0x1;
	[bflag:$0x0] =	sbarrier.arrive $0xFFFF  }
0x3e: {  	s31 =	simm.s32 $0x2;
	[sflag:s2] =	ssyncpa.u1 $0x1  }
0x3f: {  	[sflag:s31] =	ssyncpa.u1 $0x1  }
0x40: {  	p0 =	sne.s32 s0, $0x0;
	_ =	strace $0x9000004A  }
0x41: {  	s0 =	sadd.s32 @!p0 $0x100000, s1;
	[bflag:$0x2] =	sbarrier.arrive $0xFFFF  }
0x42: {  	[sflag:s0] =	ssyncadd.tile.s32 @!p0 $0x1;
	_ =	shalt  }
.Lfunc_end1:
_tile_overlayer_lowered:
.L_overlay_start_2:
0x43: {  	(tag) =	ssettag $0x2  }
0x44: {  	s0 =	rddreg [dreg:$0x0];
	s2 =	stileid.u32  }
0x45: {  	s1 =	rddreg [dreg:$0x1];
	p0 =	sne.s32 s2, $0x0  }
0x46: {  	s3 =	rddreg [dreg:$0x2];
	[bflag:$0x3] =	sbarrier.arrive $0xFFFF;
	s2 =	simm.s32 @!p0 $0x1C01  }
0x47: {  	[timem:s3], [sflag:s2] =	dma.local @!p0 [hbm:s0], s1  }
0x48: {  	s0 =	simm.s32 @!p0 $0x1  }
0x49: {  	_ =	swait.ge @!p0 [sflag:s0], s1  }
0x4a: {  	s1 =	ssub.s32 @!p0 $0x0, s1;
	[sflag:s0] =	ssyncset.done @!p0 $0x0  }
0x4b: {  	[sflag:s0] =	ssyncadd.s32 @!p0 s1  }
0x4c: {  	[bflag:$0x3] =	sbarrier.arrive $0xFFFF  }
0x4d: {  	_ =	shalt  }

</sc_bundles>
